<compile_context>
chip_gen: v7x
topology: tpu7x:2x2x1
jax: 0.10.2.dev20260603
libtpu: 0.0.44.dev20260713+nightly
codegen_flags: <defaults>
</compile_context>

<pallas_src>
import functools

import jax
import jax.numpy as jnp
import numpy as np
from jax.experimental import pallas as pl
from jax.experimental.pallas import tpu as pltpu
from jax.experimental.pallas import tpu_sc as plsc

C = 128
OUT_C = 64
H = 250
W = 250
KS = 5
ST = 5
HS = H // ST
WS = W // ST
NP = HS * WS
HEADS = 8
K = 7
S = K + 1
NPAD = 2560
BN = 512
NBLK = NPAD // BN
PD = ST * ST * C
WPAD = 256

_NEG = -1e30


def _static_graph():
    ii, jj = np.meshgrid(np.arange(0, H - H % ST, ST, dtype=np.float32),
                         np.arange(0, W - W % ST, ST, dtype=np.float32),
                         indexing='ij')
    cen = np.stack([ii.reshape(-1), jj.reshape(-1)], axis=1)
    dist = np.sqrt(((cen[:, None, :] - cen[None, :, :]) ** 2).sum(-1))
    dist = dist.astype(np.float32)
    order = np.argsort(dist, axis=1, kind='stable')[:, :K].astype(np.int64)
    vals = np.take_along_axis(dist, order, axis=1)
    rows = np.arange(NP, dtype=np.int64)[:, None]
    ok = (order >= rows) & (vals != 0)
    nbr = np.zeros((NPAD, S), np.int32)
    msk = np.zeros((NPAD, S), np.float32)
    nbr[:NP, :K] = np.where(ok, order, rows)
    msk[:NP, :K] = ok.astype(np.float32)
    nbr[:NP, K] = rows[:, 0]
    msk[:NP, K] = 1.0
    return nbr, msk


_NBR2, _MSK2 = _static_graph()
_NBR2T = np.ascontiguousarray(_NBR2.T).reshape(-1)


def _sel_mats():
    sel = np.zeros((W, W), np.float32)
    selt = np.zeros((W, WPAD), np.float32)
    for b in range(ST):
        for j in range(WS):
            sel[5 * j + b, b * WS + j] = 1.0
            selt[b * WS + j, 1 + 5 * j + b] = 1.0
    return sel, selt


_SEL, _SELT = _sel_mats()


def _leaky(v):
    return jnp.where(v >= 0, v, 0.2 * v)


def _elu(v):
    return jnp.where(v > 0, v, jnp.exp(jnp.minimum(v, 0.0)) - 1.0)


def _dot(a, b):
    return jax.lax.dot_general(a, b, (((1,), (0,)), ((), ())),
                               preferred_element_type=jnp.float32)


_PR = 5
_PB = _PR * WS
_RB = _PR * ST
_EG = HS // _PR


def _emb_body(x_ref, w1c_ref, b1_ref, f2_ref, b2_ref, sel_ref, out_ref):
    xabs = [_dot(x_ref[:, 0, rr, :], sel_ref[...]) for rr in range(_RB)]
    zt = jnp.zeros((C, _PB), jnp.float32)
    for a in range(ST):
        for b in range(ST):
            xg = jnp.concatenate(
                [xabs[5 * g + a][:, b * WS:(b + 1) * WS]
                 for g in range(_PR)], axis=1)
            k = a * ST + b
            zt = zt + _dot(w1c_ref[k * C:(k + 1) * C, :], xg)
    zt = jnp.maximum(zt + b1_ref[...], 0.0)
    et = jnp.maximum(_dot(f2_ref[...], zt) + b2_ref[...], 0.0)
    out_ref[0] = et.T


def _emb_call(x4, w1c, b1c, fc2, b2c, sel):
    return pl.pallas_call(
        _emb_body,
        grid=(_EG,),
        in_specs=[
            pl.BlockSpec((C, 1, _RB, W), lambda i: (0, i, 0, 0)),
            pl.BlockSpec((ST * ST * C, C), lambda i: (0, 0)),
            pl.BlockSpec((C, 1), lambda i: (0, 0)),
            pl.BlockSpec((C, C), lambda i: (0, 0)),
            pl.BlockSpec((C, 1), lambda i: (0, 0)),
            pl.BlockSpec((W, W), lambda i: (0, 0)),
        ],
        out_specs=pl.BlockSpec((1, _PB, C), lambda i: (i, 0, 0)),
        out_shape=jax.ShapeDtypeStruct((_EG, _PB, C), jnp.float32),
    )(x4, w1c, b1c, fc2, b2c, sel)


def _topk_body(emb_ref, embt_ref, nbr_ref, msk_ref):
    pid = pl.program_id(0)
    xb = emb_ref[pl.ds(pid * BN, BN), :]
    adj = _dot(xb, embt_ref[...])
    col = jax.lax.broadcasted_iota(jnp.int32, (BN, NPAD), 1)
    rowid = pid * BN + jax.lax.broadcasted_iota(jnp.int32, (BN, 1), 0)
    work = jnp.where(col < NP, adj, _NEG)
    idxs = []
    msks = []
    for _ in range(K):
        m = jnp.max(work, axis=1, keepdims=True)
        sel = jnp.where((work == m) & (m > _NEG), col, NPAD)
        idx = jnp.min(sel, axis=1, keepdims=True)
        valid = (rowid <= idx) & (m != 0) & (idx < NPAD)
        idxs.append(jnp.where(valid, idx, rowid))
        msks.append(jnp.where(valid, 1.0, 0.0))
        work = jnp.where(col == idx, _NEG, work)
    idxs.append(rowid)
    msks.append(jnp.ones((BN, 1), jnp.float32))
    nbr_ref[...] = jnp.concatenate(idxs, axis=1)
    msk_ref[...] = jnp.concatenate(msks, axis=1)


def _topk_call(emb, embt):
    return pl.pallas_call(
        _topk_body,
        grid=(NBLK,),
        in_specs=[
            pl.BlockSpec((NPAD, C), lambda i: (0, 0)),
            pl.BlockSpec((C, NPAD), lambda i: (0, 0)),
        ],
        out_specs=[
            pl.BlockSpec((BN, S), lambda i: (i, 0)),
            pl.BlockSpec((BN, S), lambda i: (i, 0)),
        ],
        out_shape=[
            jax.ShapeDtypeStruct((NPAD, S), jnp.int32),
            jax.ShapeDtypeStruct((NPAD, S), jnp.float32),
        ],
    )(emb, embt)


def _sc_gather(table, idx):
    info = plsc.get_sparse_core_info()
    nc, ns = info.num_cores, info.num_subcores
    nw = nc * ns
    B = idx.shape[0]
    bpw = B // nw
    mesh = plsc.VectorSubcoreMesh(core_axis_name="c", subcore_axis_name="s")

    @functools.partial(
        pl.kernel, mesh=mesh,
        out_type=jax.ShapeDtypeStruct((B, C), jnp.float32),
        scratch_types=[
            pltpu.VMEM((bpw,), jnp.int32),
            pltpu.VMEM((bpw, C), jnp.float32),
            pltpu.SemaphoreType.DMA,
        ],
    )
    def k(table_hbm, idx_hbm, out_hbm, idx_v, rows_v, sem):
        wid = jax.lax.axis_index("s") * nc + jax.lax.axis_index("c")
        base = wid * bpw
        pltpu.sync_copy(idx_hbm.at[pl.ds(base, bpw)], idx_v)
        pltpu.async_copy(table_hbm.at[idx_v], rows_v, sem).wait()
        pltpu.sync_copy(rows_v, out_hbm.at[pl.ds(base, bpw)])

    return k(table, idx)


def _att_hi_math(hb, gh_ref, msk_ref, wl_ref, bl_ref, wr_ref, br_ref,
                 atta_ref, bias_ref):
    xr = _dot(hb, wr_ref[...]) + br_ref[...]
    gs = []
    logits = []
    for j in range(S):
        g = gh_ref[j]
        xl = _dot(g, wl_ref[...]) + bl_ref[...]
        e = _leaky(xl + xr)
        lg = _dot(e, atta_ref[...])
        mj = msk_ref[:, j:j + 1]
        gs.append(g)
        logits.append(jnp.where(mj > 0, lg, _NEG))
    m = logits[0]
    for j in range(1, S):
        m = jnp.maximum(m, logits[j])
    exs = [jnp.exp(lg - m) for lg in logits]
    den = exs[0]
    for j in range(1, S):
        den = den + exs[j]
    rden = 1.0 / (den + 1e-16)
    alphas = [ex * rden for ex in exs]
    asum = alphas[0]
    for j in range(1, S):
        asum = asum + alphas[j]
    outs = []
    for hh in range(HEADS):
        gh = alphas[0][:, hh:hh + 1] * gs[0]
        for j in range(1, S):
            gh = gh + alphas[j][:, hh:hh + 1] * gs[j]
        oh = _dot(gh, wl_ref[:, hh * C:(hh + 1) * C])
        oh = oh + asum[:, hh:hh + 1] * bl_ref[:, hh * C:(hh + 1) * C]
        outs.append(oh)
    out = jnp.concatenate(outs, axis=1)
    return _elu(out + bias_ref[...])


def _att_hi_body(h_ref, gh_ref, msk_ref, wl_ref, bl_ref, wr_ref,
                 br_ref, atta_ref, bias_ref, out_ref):
    out_ref[...] = _att_hi_math(h_ref[...], gh_ref, msk_ref, wl_ref,
                                bl_ref, wr_ref, br_ref, atta_ref,
                                bias_ref)


def _att_hi_call(h, gh, msk, w):
    D = HEADS * C
    return pl.pallas_call(
        _att_hi_body,
        grid=(NBLK,),
        in_specs=[
            pl.BlockSpec((BN, C), lambda i: (i, 0)),
            pl.BlockSpec((S, BN, C), lambda i: (0, i, 0)),
            pl.BlockSpec((BN, S), lambda i: (i, 0)),
            pl.BlockSpec((C, D), lambda i: (0, 0)),
            pl.BlockSpec((1, D), lambda i: (0, 0)),
            pl.BlockSpec((C, D), lambda i: (0, 0)),
            pl.BlockSpec((1, D), lambda i: (0, 0)),
            pl.BlockSpec((D, HEADS), lambda i: (0, 0)),
            pl.BlockSpec((1, D), lambda i: (0, 0)),
        ],
        out_specs=pl.BlockSpec((BN, D), lambda i: (i, 0)),
        out_shape=jax.ShapeDtypeStruct((NPAD, D), jnp.float32),
    )(h, gh, msk, *w)


def _xlr_body(h_ref, wl_ref, bl_ref, wr_ref, br_ref, xl_ref, xr_ref):
    hb = h_ref[...]
    xl_ref[...] = _dot(hb, wl_ref[...]) + bl_ref[...]
    xr_ref[...] = _dot(hb, wr_ref[...]) + br_ref[...]


def _xlr_call(h, w):
    D = h.shape[1]
    ospec = pl.BlockSpec((BN, C), lambda i: (i, 0))
    return pl.pallas_call(
        _xlr_body,
        grid=(NBLK,),
        in_specs=[
            pl.BlockSpec((BN, D), lambda i: (i, 0)),
            pl.BlockSpec((D, C), lambda i: (0, 0)),
            pl.BlockSpec((1, C), lambda i: (0, 0)),
            pl.BlockSpec((D, C), lambda i: (0, 0)),
            pl.BlockSpec((1, C), lambda i: (0, 0)),
        ],
        out_specs=[ospec] * 2,
        out_shape=[jax.ShapeDtypeStruct((NPAD, C), jnp.float32)] * 2,
    )(h, *w)


def _att_lo_math(gl_ref, xr_ref, msk_ref, att_ref, bias_ref):
    xr = xr_ref[...]
    gs = []
    logits = []
    for j in range(S):
        g = gl_ref[j]
        e = _leaky(g + xr)
        lg = jnp.sum(e * att_ref[...], axis=1, keepdims=True)
        mj = msk_ref[:, j:j + 1]
        gs.append(g)
        logits.append(jnp.where(mj > 0, lg, _NEG))
    m = logits[0]
    for j in range(1, S):
        m = jnp.maximum(m, logits[j])
    exs = [jnp.exp(lg - m) for lg in logits]
    den = exs[0]
    for j in range(1, S):
        den = den + exs[j]
    rden = 1.0 / (den + 1e-16)
    out = (exs[0] * rden) * gs[0]
    for j in range(1, S):
        out = out + (exs[j] * rden) * gs[j]
    return _elu(out + bias_ref[...])


def _att_lo_body(gl_ref, xr_ref, msk_ref, att_ref, bias_ref, out_ref):
    out_ref[...] = _att_lo_math(gl_ref, xr_ref, msk_ref, att_ref,
                                bias_ref)


def _att_lo_call(gl, xr, msk, att, bias):
    return pl.pallas_call(
        _att_lo_body,
        grid=(NBLK,),
        in_specs=[
            pl.BlockSpec((S, BN, C), lambda i: (0, i, 0)),
            pl.BlockSpec((BN, C), lambda i: (i, 0)),
            pl.BlockSpec((BN, S), lambda i: (i, 0)),
            pl.BlockSpec((1, C), lambda i: (0, 0)),
            pl.BlockSpec((1, C), lambda i: (0, 0)),
        ],
        out_specs=pl.BlockSpec((BN, C), lambda i: (i, 0)),
        out_shape=jax.ShapeDtypeStruct((NPAD, C), jnp.float32),
    )(gl, xr, msk, att, bias)


def _up_body(h_ref, h2_ref, fa_ref, fb_ref, fbias_ref, x_ref, ctwt_ref,
             ctb_ref, wint_ref, inb_ref, sel_ref, selt_ref, out_ref):
    p = pl.program_id(0)
    valid = (p >= 1) & (p <= _EG)

    @pl.when(valid)
    def _():
        h2 = h2_ref[0]
        hc = _dot(h_ref[0], fa_ref[...]) + _dot(h2, fb_ref[...]) \
            + fbias_ref[...]
        hout = jnp.maximum(hc, 0.0) + h2
        hbt = hout.T
        up = _dot(ctwt_ref[...], hbt)
        for rr in range(_RB):
            g, a = rr // ST, rr % ST
            xab = _dot(x_ref[:, 0, rr, :], sel_ref[...])
            upt = jnp.concatenate(
                [up[(a * ST + b) * C:(a * ST + b + 1) * C,
                    g * WS:(g + 1) * WS] for b in range(ST)], axis=1)
            feat = jnp.maximum(xab + upt + ctb_ref[...], 0.0)
            it = _dot(wint_ref[...], feat) + inb_ref[...]
            out_ref[:, 0, rr, :] = _dot(it, selt_ref[...])

    @pl.when(jnp.logical_not(valid))
    def _():
        out_ref[...] = jnp.zeros((OUT_C, 1, _RB, WPAD), jnp.float32)


def _up_call(h3, h23, fa, fb, fbias, x4, ctwt, ctb, wint, inb, sel, selt):
    def _pm(p):
        return jnp.minimum(jnp.maximum(p - 1, 0), _EG - 1)
    return pl.pallas_call(
        _up_body,
        grid=(_EG + 2,),
        in_specs=[
            pl.BlockSpec((1, _PB, C), lambda p: (_pm(p), 0, 0)),
            pl.BlockSpec((1, _PB, C), lambda p: (_pm(p), 0, 0)),
            pl.BlockSpec((C, C), lambda p: (0, 0)),
            pl.BlockSpec((C, C), lambda p: (0, 0)),
            pl.BlockSpec((1, C), lambda p: (0, 0)),
            pl.BlockSpec((C, 1, _RB, W), lambda p: (0, _pm(p), 0, 0)),
            pl.BlockSpec((ST * ST * C, C), lambda p: (0, 0)),
            pl.BlockSpec((C, 1), lambda p: (0, 0)),
            pl.BlockSpec((OUT_C, C), lambda p: (0, 0)),
            pl.BlockSpec((OUT_C, 1), lambda p: (0, 0)),
            pl.BlockSpec((W, W), lambda p: (0, 0)),
            pl.BlockSpec((W, WPAD), lambda p: (0, 0)),
        ],
        out_specs=pl.BlockSpec((OUT_C, 1, _RB, WPAD),
                               lambda p: (0, p, 0, 0)),
        out_shape=jax.ShapeDtypeStruct((OUT_C, _EG + 2, _RB, WPAD),
                                       jnp.float32),
    )(h3, h23, fa, fb, fbias, x4, ctwt, ctb, wint, inb, sel, selt)


_CONV_BL = 6400
_CONV_NB = H * WPAD // _CONV_BL
_CONV_WIN = _CONV_BL + 128


def _conv3_body(flat_ref, w_ref, lyb_ref, out_ref):
    pid = pl.program_id(0)
    wins = [flat_ref[:, pl.ds((25 * pid + _RB - 1 + di) * WPAD, _CONV_WIN)]
            for di in range(3)]
    acc = None
    for dj in range(3):
        p = _dot(w_ref[pl.ds(dj * OUT_C, OUT_C), :], wins[0])
        for di in (1, 2):
            p = p + _dot(w_ref[pl.ds((di * 3 + dj) * OUT_C, OUT_C), :],
                         wins[di])
        sl = pltpu.roll(p, _CONV_WIN - dj, 1)[:, :_CONV_BL] if dj \
            else p[:, :_CONV_BL]
        acc = sl if acc is None else acc + sl
    out_ref[...] = acc + lyb_ref[...]


def _conv3_call(flat, wflat, lyb):
    return pl.pallas_call(
        _conv3_body,
        grid=(_CONV_NB,),
        in_specs=[
            pl.BlockSpec((OUT_C, (_EG + 2) * _RB * WPAD), lambda i: (0, 0)),
            pl.BlockSpec((9 * OUT_C, OUT_C), lambda i: (0, 0)),
            pl.BlockSpec((OUT_C, 1), lambda i: (0, 0)),
        ],
        out_specs=pl.BlockSpec((OUT_C, _CONV_BL), lambda i: (0, i)),
        out_shape=jax.ShapeDtypeStruct((OUT_C, H * WPAD), jnp.float32),
    )(flat, wflat, lyb)


def kernel(x, conv1_w, conv1_b, fc2_w, fc2_b, fc3_w, fc3_b,
           g1_wl, g1_bl, g1_wr, g1_br, g1_att, g1_bias,
           g2_wl, g2_bl, g2_wr, g2_br, g2_att, g2_bias,
           g3_wl, g3_bl, g3_wr, g3_br, g3_att, g3_bias,
           g4_wl, g4_bl, g4_wr, g4_br, g4_att, g4_bias,
           ct_w, ct_b, in_w, in_b, ly_w, ly_b):
    f32 = jnp.float32
    x4 = x.reshape(C, _EG, _RB, W)
    sel = jnp.asarray(_SEL)
    selt = jnp.asarray(_SELT)

    w1c = conv1_w.transpose(2, 3, 0, 1).reshape(PD, C)
    emb3 = _emb_call(x4, w1c, conv1_b[:, None], fc2_w, fc2_b[:, None], sel)
    emb = jnp.concatenate([emb3.reshape(NP, C),
                           jnp.zeros((NPAD - NP, C), f32)], axis=0)

    nbr1, msk1 = _topk_call(emb, emb.T)
    nbr1t = nbr1.T.reshape(-1)
    nbr2t = jnp.asarray(_NBR2T)
    msk2 = jnp.asarray(_MSK2)

    lane = jnp.arange(HEADS * C)
    atta1 = jnp.zeros((HEADS * C, HEADS), f32).at[lane, lane // C].set(
        g1_att.reshape(-1))
    atta3 = jnp.zeros((HEADS * C, HEADS), f32).at[lane, lane // C].set(
        g3_att.reshape(-1))

    gh1 = _sc_gather(emb, nbr1t).reshape(S, NPAD, C)
    gh3 = _sc_gather(emb, nbr2t).reshape(S, NPAD, C)

    w1set = (g1_wl, g1_bl[None], g1_wr, g1_br[None], atta1, g1_bias[None])
    w3set = (g3_wl, g3_bl[None], g3_wr, g3_br[None], atta3, g3_bias[None])
    h1 = _att_hi_call(emb, gh1, msk1, w1set)
    xl2, xr2 = _xlr_call(h1, (g2_wl, g2_bl[None], g2_wr, g2_br[None]))
    gl2 = _sc_gather(xl2, nbr1t).reshape(S, NPAD, C)
    h = _att_lo_call(gl2, xr2, msk1, g2_att, g2_bias[None])

    h2a = _att_hi_call(emb, gh3, msk2, w3set)
    xl4, xr4 = _xlr_call(h2a, (g4_wl, g4_bl[None], g4_wr, g4_br[None]))
    gl4 = _sc_gather(xl4, nbr2t).reshape(S, NPAD, C)
    h2 = _att_lo_call(gl4, xr4, msk2, g4_att, g4_bias[None])

    h3 = h[:NP].reshape(_EG, _PB, C)
    h23 = h2[:NP].reshape(_EG, _PB, C)
    ctwt = ct_w.transpose(2, 3, 1, 0).reshape(PD, C)
    wint = in_w.reshape(OUT_C, C)
    buf = _up_call(h3, h23, fc3_w[:, :C].T, fc3_w[:, C:].T, fc3_b[None],
                   x4, ctwt, ct_b[:, None], wint, in_b[:, None], sel, selt)
    flat = buf.reshape(OUT_C, (_EG + 2) * _RB * WPAD)

    wflat = ly_w.transpose(2, 3, 0, 1).reshape(9 * OUT_C, OUT_C)
    acc = _conv3_call(flat, wflat, ly_b[:, None])
    out = acc.reshape(OUT_C, H, WPAD)[:, :, :W]
    return out[None]

# --- scband reference (transcript-rebuilt; emitter-appended) ---
"""Pipeline reference for scband-glsgrfeature-pyramid-network-24910810316993 (READ-ONLY COPY).

The authoritative reference and input builder live on the scoring server;
editing this copy changes nothing except your own understanding.
"""

import jax, jax.numpy as jnp
import numpy as np

C = 128
OUT_C = 64
H = 250
W = 250
KS = 5
ST = 5
HS = H // ST
WS = W // ST
NP_ = HS * WS
REP = C
HEADS = 8
K = 7


def setup_inputs(seed: int = 0):
    key = jax.random.key(seed)
    ks = jax.random.split(key, 24)
    def rn(i, shape, s=0.05):
        return jax.random.normal(ks[i], shape, dtype=jnp.float32) * s
    inp = {}
    inp["x"] = jax.random.normal(ks[0], (1, C, H, W), dtype=jnp.float32)
    inp["conv1_w"] = rn(1, (C, C, KS, KS), 0.02)
    inp["conv1_b"] = jnp.zeros((C,), jnp.float32)
    inp["fc2_w"] = rn(2, (REP, REP))
    inp["fc2_b"] = jnp.zeros((REP,), jnp.float32)
    inp["fc3_w"] = rn(3, (REP, 2 * REP))
    inp["fc3_b"] = jnp.zeros((REP,), jnp.float32)
    inp["g1_wl"] = rn(4, (REP, HEADS * REP)); inp["g1_bl"] = jnp.zeros((HEADS * REP,), jnp.float32)
    inp["g1_wr"] = rn(5, (REP, HEADS * REP)); inp["g1_br"] = jnp.zeros((HEADS * REP,), jnp.float32)
    inp["g1_att"] = rn(6, (HEADS, REP), 0.1); inp["g1_bias"] = jnp.zeros((HEADS * REP,), jnp.float32)
    inp["g2_wl"] = rn(7, (HEADS * REP, REP)); inp["g2_bl"] = jnp.zeros((REP,), jnp.float32)
    inp["g2_wr"] = rn(8, (HEADS * REP, REP)); inp["g2_br"] = jnp.zeros((REP,), jnp.float32)
    inp["g2_att"] = rn(9, (1, REP), 0.1); inp["g2_bias"] = jnp.zeros((REP,), jnp.float32)
    inp["g3_wl"] = rn(10, (REP, HEADS * REP)); inp["g3_bl"] = jnp.zeros((HEADS * REP,), jnp.float32)
    inp["g3_wr"] = rn(11, (REP, HEADS * REP)); inp["g3_br"] = jnp.zeros((HEADS * REP,), jnp.float32)
    inp["g3_att"] = rn(12, (HEADS, REP), 0.1); inp["g3_bias"] = jnp.zeros((HEADS * REP,), jnp.float32)
    inp["g4_wl"] = rn(13, (HEADS * REP, REP)); inp["g4_bl"] = jnp.zeros((REP,), jnp.float32)
    inp["g4_wr"] = rn(14, (HEADS * REP, REP)); inp["g4_br"] = jnp.zeros((REP,), jnp.float32)
    inp["g4_att"] = rn(15, (1, REP), 0.1); inp["g4_bias"] = jnp.zeros((REP,), jnp.float32)
    inp["ct_w"] = rn(16, (C, C, KS, KS), 0.02)
    inp["ct_b"] = jnp.zeros((C,), jnp.float32)
    inp["in_w"] = rn(17, (OUT_C, C, 1, 1), 0.05); inp["in_b"] = jnp.zeros((OUT_C,), jnp.float32)
    inp["ly_w"] = rn(18, (OUT_C, OUT_C, 3, 3), 0.05); inp["ly_b"] = jnp.zeros((OUT_C,), jnp.float32)
    return inp


def _gatv2(xin, ei, wl, bl, wr, br, att, bias, heads, outc, concat):
    n = xin.shape[0]
    src, dst = ei[0], ei[1]
    xl = (xin @ wl + bl).reshape(n, heads, outc)
    xr = (xin @ wr + br).reshape(n, heads, outc)
    e = jax.nn.leaky_relu(xl[src] + xr[dst], 0.2)
    logit = jnp.einsum('ehc,hc->eh', e, att)
    m = jax.ops.segment_max(logit, dst, num_segments=n)
    m = jnp.where(jnp.isfinite(m), m, 0.0)
    ex = jnp.exp(logit - m[dst])
    den = jax.ops.segment_sum(ex, dst, num_segments=n)
    alpha = ex / (den[dst] + 1e-16)
    out = jax.ops.segment_sum(alpha[:, :, None] * xl[src], dst, num_segments=n)
    out = out.reshape(n, heads * outc) if concat else out.mean(axis=1)
    return out + bias


def _add_self_loops(ei, n):
    loop = jnp.arange(n, dtype=ei.dtype)
    return jnp.concatenate([ei, jnp.stack([loop, loop])], axis=1)


def _embeddings(x, p):
    xb = x.reshape(1, C, HS, ST, WS, ST).transpose(0, 2, 4, 1, 3, 5).reshape(NP_, C, ST, ST)
    z = jax.lax.conv_general_dilated(xb, p["conv1_w"], (1, 1), 'VALID',
                                     dimension_numbers=('NCHW', 'OIHW', 'NCHW'))
    z = jax.nn.relu(z + p["conv1_b"][None, :, None, None]).reshape(NP_, C)
    return jax.nn.relu(z @ p["fc2_w"].T + p["fc2_b"])


def _edges_from_adj(adj, k, largest):
    n = adj.shape[0]
    if largest:
        vals, idx = jax.lax.top_k(adj, k)
    else:
        vals, idx = jax.lax.top_k(-adj, k)
        vals = -vals
    rows = jnp.broadcast_to(jnp.arange(n)[:, None], (n, k)).reshape(-1)
    cols = idx.reshape(-1)
    v = vals.reshape(-1)
    valid = (rows <= cols) & (v != 0)
    order = jnp.argsort(jnp.where(valid, rows * n + cols, n * n))
    rows = rows[order]
    cols = cols[order]
    valid = valid[order]
    src = jnp.where(valid, cols, 0)
    dst = jnp.where(valid, rows, n)
    return jnp.stack([src, dst]).astype(jnp.int32)


def _region_centers():
    ii, jj = jnp.meshgrid(jnp.arange(0, H - H % ST, ST, dtype=jnp.float32),
                          jnp.arange(0, W - W % ST, ST, dtype=jnp.float32), indexing='ij')
    return jnp.stack([ii.reshape(-1), jj.reshape(-1)], axis=1)


def _forward(p, ei1, ei2):
    x = p["x"]
    emb = _embeddings(x, p)
    h = jax.nn.elu(_gatv2(emb, ei1, p["g1_wl"], p["g1_bl"], p["g1_wr"], p["g1_br"], p["g1_att"], p["g1_bias"], HEADS, REP, True))
    h = jax.nn.elu(_gatv2(h, ei1, p["g2_wl"], p["g2_bl"], p["g2_wr"], p["g2_br"], p["g2_att"], p["g2_bias"], 1, REP, True))
    h2 = jax.nn.elu(_gatv2(emb, ei2, p["g3_wl"], p["g3_bl"], p["g3_wr"], p["g3_br"], p["g3_att"], p["g3_bias"], HEADS, REP, True))
    h2 = jax.nn.elu(_gatv2(h2, ei2, p["g4_wl"], p["g4_bl"], p["g4_wr"], p["g4_br"], p["g4_att"], p["g4_bias"], 1, REP, True))
    hc = jnp.concatenate([h, h2], axis=1)
    hc = jax.nn.relu(hc @ p["fc3_w"].T + p["fc3_b"])
    hout = hc + h2
    grid = hout.reshape(HS, WS, C).transpose(2, 0, 1)[None]
    up = jnp.einsum('ncij,coab->noiajb', grid, p["ct_w"]).reshape(1, C, H, W) + p["ct_b"][None, :, None, None]
    feat = jax.nn.relu(x + up)
    inner = jax.lax.conv_general_dilated(feat, p["in_w"], (1, 1), 'VALID',
                                         dimension_numbers=('NCHW', 'OIHW', 'NCHW')) + p["in_b"][None, :, None, None]
    out = jax.lax.conv_general_dilated(inner, p["ly_w"], (1, 1), ((1, 1), (1, 1)),
                                       dimension_numbers=('NCHW', 'OIHW', 'NCHW')) + p["ly_b"][None, :, None, None]
    return out


def reference(x, conv1_w, conv1_b, fc2_w, fc2_b, fc3_w, fc3_b,
              g1_wl, g1_bl, g1_wr, g1_br, g1_att, g1_bias,
              g2_wl, g2_bl, g2_wr, g2_br, g2_att, g2_bias,
              g3_wl, g3_bl, g3_wr, g3_br, g3_att, g3_bias,
              g4_wl, g4_bl, g4_wr, g4_br, g4_att, g4_bias,
              ct_w, ct_b, in_w, in_b, ly_w, ly_b):
    inp = dict(locals())
    emb = _embeddings(inp["x"], inp)
    adj = emb @ emb.T
    ei1 = _add_self_loops(_edges_from_adj(adj, K, True), NP_)
    cen = _region_centers()
    dist = jnp.sqrt(jnp.sum((cen[:, None, :] - cen[None, :, :]) ** 2, axis=-1))
    ei2 = _add_self_loops(_edges_from_adj(dist, K, False), NP_)
    return _forward(inp, ei1, ei2)

if __name__ == "__main__":
    import jax
    _d = setup_inputs()
    print(jax.jit(kernel)(*tuple(_d.values())))

</pallas_src>

<mosaic_0001>
#map = affine_map<(d0, d1) -> (0, 0)>
#map1 = affine_map<(d0, d1) -> (0)>
module attributes {stable_mosaic.version = 14 : i64} {
  func.func @k(%arg0: i32, %arg1: i32, %arg2: memref<2560x128xf32, #tpu.memory_space<hbm>>, %arg3: memref<20480xi32, #tpu.memory_space<hbm>>, %arg4: memref<20480x128xf32, #tpu.memory_space<hbm>>, %arg5: memref<640xi32, #tpu.memory_space<vmem>>, %arg6: memref<640x128xf32, #tpu.memory_space<vmem>>, %arg7: memref<!tpu.dma_semaphore, #tpu.memory_space<semaphore_mem>>) attributes {dimension_semantics = [#tpu.dimension_semantics<core_parallel>, #tpu.dimension_semantics<subcore_parallel>], iteration_bounds = array<i64: 2, 16>, scalar_prefetch = 0 : i64, scratch_operands = 3 : i64, tpu.core_type = #tpu.core_type<sc_vector_subcore>, window_params = [{transform_indices = #map}, {transform_indices = #map1}, {transform_indices = #map}]} {
    %mul3A = arith.constant 2 : i32
    %mul3A_0 = arith.muli %arg1, %mul3A : i32
    %add3A = arith.addi %mul3A_0, %arg0 : i32
    %mul3A_1 = arith.constant 640 : i32
    %mul3A_2 = arith.muli %add3A, %mul3A_1 : i32
    "tpu.region"() ({
      %run_scoped3A = tpu.sem_alloc : memref<!tpu.dma_semaphore, #tpu.memory_space<semaphore_mem>>
      %dma_start3A_7 = tpu.memref_slice %arg3[%mul3A_2] : memref<20480xi32, #tpu.memory_space<hbm>> -> memref<640xi32, #tpu.memory_space<hbm>>
      %dma_start3A_8 = tpu.memref_slice %arg3[%mul3A_2] : memref<20480xi32, #tpu.memory_space<hbm>> -> memref<640xi32, #tpu.memory_space<hbm>>
      tpu.enqueue_dma source(%dma_start3A_8 : memref<640xi32, #tpu.memory_space<hbm>>) target(%arg5 : memref<640xi32, #tpu.memory_space<vmem>>) target_semaphore(%run_scoped3A : memref<!tpu.dma_semaphore, #tpu.memory_space<semaphore_mem>>)
      %dma_wait3A_9 = tpu.memref_slice %arg3[%mul3A_2] : memref<20480xi32, #tpu.memory_space<hbm>> -> memref<640xi32, #tpu.memory_space<hbm>>
      %dma_wait3A_10 = tpu.memref_slice %arg3[%mul3A_2] : memref<20480xi32, #tpu.memory_space<hbm>> -> memref<640xi32, #tpu.memory_space<hbm>>
      tpu.wait_dma2 semaphore(%run_scoped3A : memref<!tpu.dma_semaphore, #tpu.memory_space<semaphore_mem>>) src(%dma_wait3A_10 : memref<640xi32, #tpu.memory_space<hbm>>) dst(%arg5 : memref<640xi32, #tpu.memory_space<vmem>>)
      tpu.yield
    }) : () -> ()
    %dma_start3A = arith.constant 0 : i32
    %dma_start3A_3 = arith.constant 0 : i32
    %dma_start3A_4 = tpu.memref_slice %arg2[%dma_start3A, %dma_start3A_3] : memref<2560x128xf32, #tpu.memory_space<hbm>> -> memref<2560x128xf32, #tpu.memory_space<hbm>>
    tpu.enqueue_indirect_dma source(%dma_start3A_4 : memref<2560x128xf32, #tpu.memory_space<hbm>>) target(%arg6 : memref<640x128xf32, #tpu.memory_space<vmem>>) offsets(%arg5 : memref<640xi32, #tpu.memory_space<vmem>>) semaphore(%arg7 : memref<!tpu.dma_semaphore, #tpu.memory_space<semaphore_mem>>)
    %dma_wait3A = arith.constant 0 : i32
    %dma_wait3A_5 = arith.constant 0 : i32
    %dma_wait3A_6 = tpu.memref_slice %arg2[%dma_wait3A, %dma_wait3A_5] : memref<2560x128xf32, #tpu.memory_space<hbm>> -> memref<2560x128xf32, #tpu.memory_space<hbm>>
    tpu.wait_indirect_dma semaphore(%arg7 : memref<!tpu.dma_semaphore, #tpu.memory_space<semaphore_mem>>) src(%dma_wait3A_6 : memref<2560x128xf32, #tpu.memory_space<hbm>>) dst(%arg6 : memref<640x128xf32, #tpu.memory_space<vmem>>)
    "tpu.region"() ({
      %run_scoped3A = tpu.sem_alloc : memref<!tpu.dma_semaphore, #tpu.memory_space<semaphore_mem>>
      %dma_start3A_7 = arith.constant 0 : i32
      %dma_start3A_8 = tpu.memref_slice %arg4[%mul3A_2, %dma_start3A_7] : memref<20480x128xf32, #tpu.memory_space<hbm>> -> memref<640x128xf32, #tpu.memory_space<hbm>>
      %dma_start3A_9 = arith.constant 0 : i32
      %dma_start3A_10 = tpu.memref_slice %arg4[%mul3A_2, %dma_start3A_9] : memref<20480x128xf32, #tpu.memory_space<hbm>> -> memref<640x128xf32, #tpu.memory_space<hbm>>
      tpu.enqueue_dma source(%arg6 : memref<640x128xf32, #tpu.memory_space<vmem>>) target(%dma_start3A_10 : memref<640x128xf32, #tpu.memory_space<hbm>>) target_semaphore(%run_scoped3A : memref<!tpu.dma_semaphore, #tpu.memory_space<semaphore_mem>>)
      %dma_wait3A_11 = arith.constant 0 : i32
      %dma_wait3A_12 = tpu.memref_slice %arg4[%mul3A_2, %dma_wait3A_11] : memref<20480x128xf32, #tpu.memory_space<hbm>> -> memref<640x128xf32, #tpu.memory_space<hbm>>
      %dma_wait3A_13 = arith.constant 0 : i32
      %dma_wait3A_14 = tpu.memref_slice %arg4[%mul3A_2, %dma_wait3A_13] : memref<20480x128xf32, #tpu.memory_space<hbm>> -> memref<640x128xf32, #tpu.memory_space<hbm>>
      tpu.wait_dma2 semaphore(%run_scoped3A : memref<!tpu.dma_semaphore, #tpu.memory_space<semaphore_mem>>) src(%arg6 : memref<640x128xf32, #tpu.memory_space<vmem>>) dst(%dma_wait3A_14 : memref<640x128xf32, #tpu.memory_space<hbm>>)
      tpu.yield
    }) : () -> ()
    return
  }
}

#map = affine_map<(d0, d1) -> (0, 0)>
#map1 = affine_map<(d0, d1) -> (0)>
module attributes {stable_mosaic.version = 14 : i64} {
  func.func @k(%arg0: i32, %arg1: i32, %arg2: memref<2560x128xf32, #tpu.memory_space<hbm>>, %arg3: memref<20480xi32, #tpu.memory_space<hbm>>, %arg4: memref<20480x128xf32, #tpu.memory_space<hbm>>, %arg5: memref<640xi32, #tpu.memory_space<vmem>>, %arg6: memref<640x128xf32, #tpu.memory_space<vmem>>, %arg7: memref<!tpu.dma_semaphore, #tpu.memory_space<semaphore_mem>>) attributes {dimension_semantics = [#tpu.dimension_semantics<core_parallel>, #tpu.dimension_semantics<subcore_parallel>], iteration_bounds = array<i64: 2, 16>, scalar_prefetch = 0 : i64, scratch_operands = 3 : i64, tpu.core_type = #tpu.core_type<sc_vector_subcore>, window_params = [{transform_indices = #map}, {transform_indices = #map1}, {transform_indices = #map}]} {
    %mul3A = arith.constant 2 : i32
    %mul3A_0 = arith.muli %arg1, %mul3A : i32
    %add3A = arith.addi %mul3A_0, %arg0 : i32
    %mul3A_1 = arith.constant 640 : i32
    %mul3A_2 = arith.muli %add3A, %mul3A_1 : i32
    "tpu.region"() ({
      %run_scoped3A = tpu.sem_alloc : memref<!tpu.dma_semaphore, #tpu.memory_space<semaphore_mem>>
      %dma_start3A_7 = tpu.memref_slice %arg3[%mul3A_2] : memref<20480xi32, #tpu.memory_space<hbm>> -> memref<640xi32, #tpu.memory_space<hbm>>
      %dma_start3A_8 = tpu.memref_slice %arg3[%mul3A_2] : memref<20480xi32, #tpu.memory_space<hbm>> -> memref<640xi32, #tpu.memory_space<hbm>>
      tpu.enqueue_dma source(%dma_start3A_8 : memref<640xi32, #tpu.memory_space<hbm>>) target(%arg5 : memref<640xi32, #tpu.memory_space<vmem>>) target_semaphore(%run_scoped3A : memref<!tpu.dma_semaphore, #tpu.memory_space<semaphore_mem>>)
      %dma_wait3A_9 = tpu.memref_slice %arg3[%mul3A_2] : memref<20480xi32, #tpu.memory_space<hbm>> -> memref<640xi32, #tpu.memory_space<hbm>>
      %dma_wait3A_10 = tpu.memref_slice %arg3[%mul3A_2] : memref<20480xi32, #tpu.memory_space<hbm>> -> memref<640xi32, #tpu.memory_space<hbm>>
      tpu.wait_dma2 semaphore(%run_scoped3A : memref<!tpu.dma_semaphore, #tpu.memory_space<semaphore_mem>>) src(%dma_wait3A_10 : memref<640xi32, #tpu.memory_space<hbm>>) dst(%arg5 : memref<640xi32, #tpu.memory_space<vmem>>)
      tpu.yield
    }) : () -> ()
    %dma_start3A = arith.constant 0 : i32
    %dma_start3A_3 = arith.constant 0 : i32
    %dma_start3A_4 = tpu.memref_slice %arg2[%dma_start3A, %dma_start3A_3] : memref<2560x128xf32, #tpu.memory_space<hbm>> -> memref<2560x128xf32, #tpu.memory_space<hbm>>
    tpu.enqueue_indirect_dma source(%dma_start3A_4 : memref<2560x128xf32, #tpu.memory_space<hbm>>) target(%arg6 : memref<640x128xf32, #tpu.memory_space<vmem>>) offsets(%arg5 : memref<640xi32, #tpu.memory_space<vmem>>) semaphore(%arg7 : memref<!tpu.dma_semaphore, #tpu.memory_space<semaphore_mem>>)
    %dma_wait3A = arith.constant 0 : i32
    %dma_wait3A_5 = arith.constant 0 : i32
    %dma_wait3A_6 = tpu.memref_slice %arg2[%dma_wait3A, %dma_wait3A_5] : memref<2560x128xf32, #tpu.memory_space<hbm>> -> memref<2560x128xf32, #tpu.memory_space<hbm>>
    tpu.wait_indirect_dma semaphore(%arg7 : memref<!tpu.dma_semaphore, #tpu.memory_space<semaphore_mem>>) src(%dma_wait3A_6 : memref<2560x128xf32, #tpu.memory_space<hbm>>) dst(%arg6 : memref<640x128xf32, #tpu.memory_space<vmem>>)
    "tpu.region"() ({
      %run_scoped3A = tpu.sem_alloc : memref<!tpu.dma_semaphore, #tpu.memory_space<semaphore_mem>>
      %dma_start3A_7 = arith.constant 0 : i32
      %dma_start3A_8 = tpu.memref_slice %arg4[%mul3A_2, %dma_start3A_7] : memref<20480x128xf32, #tpu.memory_space<hbm>> -> memref<640x128xf32, #tpu.memory_space<hbm>>
      %dma_start3A_9 = arith.constant 0 : i32
      %dma_start3A_10 = tpu.memref_slice %arg4[%mul3A_2, %dma_start3A_9] : memref<20480x128xf32, #tpu.memory_space<hbm>> -> memref<640x128xf32, #tpu.memory_space<hbm>>
      tpu.enqueue_dma source(%arg6 : memref<640x128xf32, #tpu.memory_space<vmem>>) target(%dma_start3A_10 : memref<640x128xf32, #tpu.memory_space<hbm>>) target_semaphore(%run_scoped3A : memref<!tpu.dma_semaphore, #tpu.memory_space<semaphore_mem>>)
      %dma_wait3A_11 = arith.constant 0 : i32
      %dma_wait3A_12 = tpu.memref_slice %arg4[%mul3A_2, %dma_wait3A_11] : memref<20480x128xf32, #tpu.memory_space<hbm>> -> memref<640x128xf32, #tpu.memory_space<hbm>>
      %dma_wait3A_13 = arith.constant 0 : i32
      %dma_wait3A_14 = tpu.memref_slice %arg4[%mul3A_2, %dma_wait3A_13] : memref<20480x128xf32, #tpu.memory_space<hbm>> -> memref<640x128xf32, #tpu.memory_space<hbm>>
      tpu.wait_dma2 semaphore(%run_scoped3A : memref<!tpu.dma_semaphore, #tpu.memory_space<semaphore_mem>>) src(%arg6 : memref<640x128xf32, #tpu.memory_space<vmem>>) dst(%dma_wait3A_14 : memref<640x128xf32, #tpu.memory_space<hbm>>)
      tpu.yield
    }) : () -> ()
    return
  }
}

#map = affine_map<(d0, d1) -> (0, 0)>
#map1 = affine_map<(d0, d1) -> (0)>
module attributes {stable_mosaic.version = 14 : i64} {
  func.func @k(%arg0: i32, %arg1: i32, %arg2: memref<2560x128xf32, #tpu.memory_space<hbm>>, %arg3: memref<20480xi32, #tpu.memory_space<hbm>>, %arg4: memref<20480x128xf32, #tpu.memory_space<hbm>>, %arg5: memref<640xi32, #tpu.memory_space<vmem>>, %arg6: memref<640x128xf32, #tpu.memory_space<vmem>>, %arg7: memref<!tpu.dma_semaphore, #tpu.memory_space<semaphore_mem>>) attributes {dimension_semantics = [#tpu.dimension_semantics<core_parallel>, #tpu.dimension_semantics<subcore_parallel>], iteration_bounds = array<i64: 2, 16>, scalar_prefetch = 0 : i64, scratch_operands = 3 : i64, tpu.core_type = #tpu.core_type<sc_vector_subcore>, window_params = [{transform_indices = #map}, {transform_indices = #map1}, {transform_indices = #map}]} {
    %mul3A = arith.constant 2 : i32
    %mul3A_0 = arith.muli %arg1, %mul3A : i32
    %add3A = arith.addi %mul3A_0, %arg0 : i32
    %mul3A_1 = arith.constant 640 : i32
    %mul3A_2 = arith.muli %add3A, %mul3A_1 : i32
    "tpu.region"() ({
      %run_scoped3A = tpu.sem_alloc : memref<!tpu.dma_semaphore, #tpu.memory_space<semaphore_mem>>
      %dma_start3A_7 = tpu.memref_slice %arg3[%mul3A_2] : memref<20480xi32, #tpu.memory_space<hbm>> -> memref<640xi32, #tpu.memory_space<hbm>>
      %dma_start3A_8 = tpu.memref_slice %arg3[%mul3A_2] : memref<20480xi32, #tpu.memory_space<hbm>> -> memref<640xi32, #tpu.memory_space<hbm>>
      tpu.enqueue_dma source(%dma_start3A_8 : memref<640xi32, #tpu.memory_space<hbm>>) target(%arg5 : memref<640xi32, #tpu.memory_space<vmem>>) target_semaphore(%run_scoped3A : memref<!tpu.dma_semaphore, #tpu.memory_space<semaphore_mem>>)
      %dma_wait3A_9 = tpu.memref_slice %arg3[%mul3A_2] : memref<20480xi32, #tpu.memory_space<hbm>> -> memref<640xi32, #tpu.memory_space<hbm>>
      %dma_wait3A_10 = tpu.memref_slice %arg3[%mul3A_2] : memref<20480xi32, #tpu.memory_space<hbm>> -> memref<640xi32, #tpu.memory_space<hbm>>
      tpu.wait_dma2 semaphore(%run_scoped3A : memref<!tpu.dma_semaphore, #tpu.memory_space<semaphore_mem>>) src(%dma_wait3A_10 : memref<640xi32, #tpu.memory_space<hbm>>) dst(%arg5 : memref<640xi32, #tpu.memory_space<vmem>>)
      tpu.yield
    }) : () -> ()
    %dma_start3A = arith.constant 0 : i32
    %dma_start3A_3 = arith.constant 0 : i32
    %dma_start3A_4 = tpu.memref_slice %arg2[%dma_start3A, %dma_start3A_3] : memref<2560x128xf32, #tpu.memory_space<hbm>> -> memref<2560x128xf32, #tpu.memory_space<hbm>>
    tpu.enqueue_indirect_dma source(%dma_start3A_4 : memref<2560x128xf32, #tpu.memory_space<hbm>>) target(%arg6 : memref<640x128xf32, #tpu.memory_space<vmem>>) offsets(%arg5 : memref<640xi32, #tpu.memory_space<vmem>>) semaphore(%arg7 : memref<!tpu.dma_semaphore, #tpu.memory_space<semaphore_mem>>)
    %dma_wait3A = arith.constant 0 : i32
    %dma_wait3A_5 = arith.constant 0 : i32
    %dma_wait3A_6 = tpu.memref_slice %arg2[%dma_wait3A, %dma_wait3A_5] : memref<2560x128xf32, #tpu.memory_space<hbm>> -> memref<2560x128xf32, #tpu.memory_space<hbm>>
    tpu.wait_indirect_dma semaphore(%arg7 : memref<!tpu.dma_semaphore, #tpu.memory_space<semaphore_mem>>) src(%dma_wait3A_6 : memref<2560x128xf32, #tpu.memory_space<hbm>>) dst(%arg6 : memref<640x128xf32, #tpu.memory_space<vmem>>)
    "tpu.region"() ({
      %run_scoped3A = tpu.sem_alloc : memref<!tpu.dma_semaphore, #tpu.memory_space<semaphore_mem>>
      %dma_start3A_7 = arith.constant 0 : i32
      %dma_start3A_8 = tpu.memref_slice %arg4[%mul3A_2, %dma_start3A_7] : memref<20480x128xf32, #tpu.memory_space<hbm>> -> memref<640x128xf32, #tpu.memory_space<hbm>>
      %dma_start3A_9 = arith.constant 0 : i32
      %dma_start3A_10 = tpu.memref_slice %arg4[%mul3A_2, %dma_start3A_9] : memref<20480x128xf32, #tpu.memory_space<hbm>> -> memref<640x128xf32, #tpu.memory_space<hbm>>
      tpu.enqueue_dma source(%arg6 : memref<640x128xf32, #tpu.memory_space<vmem>>) target(%dma_start3A_10 : memref<640x128xf32, #tpu.memory_space<hbm>>) target_semaphore(%run_scoped3A : memref<!tpu.dma_semaphore, #tpu.memory_space<semaphore_mem>>)
      %dma_wait3A_11 = arith.constant 0 : i32
      %dma_wait3A_12 = tpu.memref_slice %arg4[%mul3A_2, %dma_wait3A_11] : memref<20480x128xf32, #tpu.memory_space<hbm>> -> memref<640x128xf32, #tpu.memory_space<hbm>>
      %dma_wait3A_13 = arith.constant 0 : i32
      %dma_wait3A_14 = tpu.memref_slice %arg4[%mul3A_2, %dma_wait3A_13] : memref<20480x128xf32, #tpu.memory_space<hbm>> -> memref<640x128xf32, #tpu.memory_space<hbm>>
      tpu.wait_dma2 semaphore(%run_scoped3A : memref<!tpu.dma_semaphore, #tpu.memory_space<semaphore_mem>>) src(%arg6 : memref<640x128xf32, #tpu.memory_space<vmem>>) dst(%dma_wait3A_14 : memref<640x128xf32, #tpu.memory_space<hbm>>)
      tpu.yield
    }) : () -> ()
    return
  }
}

#map = affine_map<(d0, d1) -> (0, 0)>
#map1 = affine_map<(d0, d1) -> (0)>
module attributes {stable_mosaic.version = 14 : i64} {
  func.func @k(%arg0: i32, %arg1: i32, %arg2: memref<2560x128xf32, #tpu.memory_space<hbm>>, %arg3: memref<20480xi32, #tpu.memory_space<hbm>>, %arg4: memref<20480x128xf32, #tpu.memory_space<hbm>>, %arg5: memref<640xi32, #tpu.memory_space<vmem>>, %arg6: memref<640x128xf32, #tpu.memory_space<vmem>>, %arg7: memref<!tpu.dma_semaphore, #tpu.memory_space<semaphore_mem>>) attributes {dimension_semantics = [#tpu.dimension_semantics<core_parallel>, #tpu.dimension_semantics<subcore_parallel>], iteration_bounds = array<i64: 2, 16>, scalar_prefetch = 0 : i64, scratch_operands = 3 : i64, tpu.core_type = #tpu.core_type<sc_vector_subcore>, window_params = [{transform_indices = #map}, {transform_indices = #map1}, {transform_indices = #map}]} {
    %mul3A = arith.constant 2 : i32
    %mul3A_0 = arith.muli %arg1, %mul3A : i32
    %add3A = arith.addi %mul3A_0, %arg0 : i32
    %mul3A_1 = arith.constant 640 : i32
    %mul3A_2 = arith.muli %add3A, %mul3A_1 : i32
    "tpu.region"() ({
      %run_scoped3A = tpu.sem_alloc : memref<!tpu.dma_semaphore, #tpu.memory_space<semaphore_mem>>
      %dma_start3A_7 = tpu.memref_slice %arg3[%mul3A_2] : memref<20480xi32, #tpu.memory_space<hbm>> -> memref<640xi32, #tpu.memory_space<hbm>>
      %dma_start3A_8 = tpu.memref_slice %arg3[%mul3A_2] : memref<20480xi32, #tpu.memory_space<hbm>> -> memref<640xi32, #tpu.memory_space<hbm>>
      tpu.enqueue_dma source(%dma_start3A_8 : memref<640xi32, #tpu.memory_space<hbm>>) target(%arg5 : memref<640xi32, #tpu.memory_space<vmem>>) target_semaphore(%run_scoped3A : memref<!tpu.dma_semaphore, #tpu.memory_space<semaphore_mem>>)
      %dma_wait3A_9 = tpu.memref_slice %arg3[%mul3A_2] : memref<20480xi32, #tpu.memory_space<hbm>> -> memref<640xi32, #tpu.memory_space<hbm>>
      %dma_wait3A_10 = tpu.memref_slice %arg3[%mul3A_2] : memref<20480xi32, #tpu.memory_space<hbm>> -> memref<640xi32, #tpu.memory_space<hbm>>
      tpu.wait_dma2 semaphore(%run_scoped3A : memref<!tpu.dma_semaphore, #tpu.memory_space<semaphore_mem>>) src(%dma_wait3A_10 : memref<640xi32, #tpu.memory_space<hbm>>) dst(%arg5 : memref<640xi32, #tpu.memory_space<vmem>>)
      tpu.yield
    }) : () -> ()
    %dma_start3A = arith.constant 0 : i32
    %dma_start3A_3 = arith.constant 0 : i32
    %dma_start3A_4 = tpu.memref_slice %arg2[%dma_start3A, %dma_start3A_3] : memref<2560x128xf32, #tpu.memory_space<hbm>> -> memref<2560x128xf32, #tpu.memory_space<hbm>>
    tpu.enqueue_indirect_dma source(%dma_start3A_4 : memref<2560x128xf32, #tpu.memory_space<hbm>>) target(%arg6 : memref<640x128xf32, #tpu.memory_space<vmem>>) offsets(%arg5 : memref<640xi32, #tpu.memory_space<vmem>>) semaphore(%arg7 : memref<!tpu.dma_semaphore, #tpu.memory_space<semaphore_mem>>)
    %dma_wait3A = arith.constant 0 : i32
    %dma_wait3A_5 = arith.constant 0 : i32
    %dma_wait3A_6 = tpu.memref_slice %arg2[%dma_wait3A, %dma_wait3A_5] : memref<2560x128xf32, #tpu.memory_space<hbm>> -> memref<2560x128xf32, #tpu.memory_space<hbm>>
    tpu.wait_indirect_dma semaphore(%arg7 : memref<!tpu.dma_semaphore, #tpu.memory_space<semaphore_mem>>) src(%dma_wait3A_6 : memref<2560x128xf32, #tpu.memory_space<hbm>>) dst(%arg6 : memref<640x128xf32, #tpu.memory_space<vmem>>)
    "tpu.region"() ({
      %run_scoped3A = tpu.sem_alloc : memref<!tpu.dma_semaphore, #tpu.memory_space<semaphore_mem>>
      %dma_start3A_7 = arith.constant 0 : i32
      %dma_start3A_8 = tpu.memref_slice %arg4[%mul3A_2, %dma_start3A_7] : memref<20480x128xf32, #tpu.memory_space<hbm>> -> memref<640x128xf32, #tpu.memory_space<hbm>>
      %dma_start3A_9 = arith.constant 0 : i32
      %dma_start3A_10 = tpu.memref_slice %arg4[%mul3A_2, %dma_start3A_9] : memref<20480x128xf32, #tpu.memory_space<hbm>> -> memref<640x128xf32, #tpu.memory_space<hbm>>
      tpu.enqueue_dma source(%arg6 : memref<640x128xf32, #tpu.memory_space<vmem>>) target(%dma_start3A_10 : memref<640x128xf32, #tpu.memory_space<hbm>>) target_semaphore(%run_scoped3A : memref<!tpu.dma_semaphore, #tpu.memory_space<semaphore_mem>>)
      %dma_wait3A_11 = arith.constant 0 : i32
      %dma_wait3A_12 = tpu.memref_slice %arg4[%mul3A_2, %dma_wait3A_11] : memref<20480x128xf32, #tpu.memory_space<hbm>> -> memref<640x128xf32, #tpu.memory_space<hbm>>
      %dma_wait3A_13 = arith.constant 0 : i32
      %dma_wait3A_14 = tpu.memref_slice %arg4[%mul3A_2, %dma_wait3A_13] : memref<20480x128xf32, #tpu.memory_space<hbm>> -> memref<640x128xf32, #tpu.memory_space<hbm>>
      tpu.wait_dma2 semaphore(%run_scoped3A : memref<!tpu.dma_semaphore, #tpu.memory_space<semaphore_mem>>) src(%arg6 : memref<640x128xf32, #tpu.memory_space<vmem>>) dst(%dma_wait3A_14 : memref<640x128xf32, #tpu.memory_space<hbm>>)
      tpu.yield
    }) : () -> ()
    return
  }
}

module attributes {stable_mosaic.version = 14 : i64} {
  func.func @_emb_body(%arg0: i32, %arg1: memref<128x1x25x250xf32, #tpu.memory_space<vmem>>, %arg2: memref<3200x128xf32, #tpu.memory_space<vmem>>, %arg3: memref<128x1xf32, #tpu.memory_space<vmem>>, %arg4: memref<128x128xf32, #tpu.memory_space<vmem>>, %arg5: memref<128x1xf32, #tpu.memory_space<vmem>>, %arg6: memref<250x250xf32, #tpu.memory_space<vmem>>, %arg7: memref<1x250x128xf32, #tpu.memory_space<vmem>>) attributes {dimension_semantics = [#tpu.dimension_semantics<arbitrary>], iteration_bounds = array<i64: 10>, scalar_prefetch = 0 : i64, scratch_operands = 0 : i64, tpu.core_type = #tpu.core_type<tc>, window_params = [{transform_indices = @transform_0, window_bounds = array<i64: 128, 1, 25, 250>}, {pipeline_mode = #tpu.pipeline_mode<synchronous>, transform_indices = @transform_1, window_bounds = array<i64: 3200, 128>}, {pipeline_mode = #tpu.pipeline_mode<synchronous>, transform_indices = @transform_2, window_bounds = array<i64: 128, 1>}, {pipeline_mode = #tpu.pipeline_mode<synchronous>, transform_indices = @transform_3, window_bounds = array<i64: 128, 128>}, {pipeline_mode = #tpu.pipeline_mode<synchronous>, transform_indices = @transform_4, window_bounds = array<i64: 128, 1>}, {pipeline_mode = #tpu.pipeline_mode<synchronous>, transform_indices = @transform_5, window_bounds = array<i64: 250, 250>}, {transform_indices = @transform_6, window_bounds = array<i64: 1, 250, 128>}]} {
    %get3A = arith.constant 0 : index
    %get3A_0 = arith.constant 0 : index
    %get3A_1 = arith.constant 0 : index
    %get3A_2 = arith.constant 0 : index
    %get3A_3 = vector.load %arg1[%get3A, %get3A_0, %get3A_1, %get3A_2] : memref<128x1x25x250xf32, #tpu.memory_space<vmem>>, vector<128x1x1x250xf32>
    %get3A_4 = vector.shape_cast %get3A_3 : vector<128x1x1x250xf32> to vector<128x250xf32>
    %get3A_5 = arith.constant 0 : index
    %get3A_6 = arith.constant 0 : index
    %get3A_7 = vector.load %arg6[%get3A_5, %get3A_6] : memref<250x250xf32, #tpu.memory_space<vmem>>, vector<250x250xf32>
    %dot_general3A = arith.constant dense<0.000000e+00> : vector<128x250xf32>
    %dot_general3A_8 = tpu.matmul %get3A_4, %get3A_7, %dot_general3A {dimension_numbers = #tpu.dot_dimension_numbers<[1], [0], [0], [1], [0, 0, 1, 1], [], []>, transpose_lhs_hint = false} : vector<128x250xf32>, vector<250x250xf32>, vector<128x250xf32> -> vector<128x250xf32>
    %get3A_9 = arith.constant 0 : index
    %get3A_10 = arith.constant 0 : index
    %get3A_11 = arith.constant 1 : index
    %get3A_12 = arith.constant 0 : index
    %get3A_13 = vector.load %arg1[%get3A_9, %get3A_10, %get3A_11, %get3A_12] : memref<128x1x25x250xf32, #tpu.memory_space<vmem>>, vector<128x1x1x250xf32>
    %get3A_14 = vector.shape_cast %get3A_13 : vector<128x1x1x250xf32> to vector<128x250xf32>
    %get3A_15 = arith.constant 0 : index
    %get3A_16 = arith.constant 0 : index
    %get3A_17 = vector.load %arg6[%get3A_15, %get3A_16] : memref<250x250xf32, #tpu.memory_space<vmem>>, vector<250x250xf32>
    %dot_general3A_18 = arith.constant dense<0.000000e+00> : vector<128x250xf32>
    %dot_general3A_19 = tpu.matmul %get3A_14, %get3A_17, %dot_general3A_18 {dimension_numbers = #tpu.dot_dimension_numbers<[1], [0], [0], [1], [0, 0, 1, 1], [], []>, transpose_lhs_hint = false} : vector<128x250xf32>, vector<250x250xf32>, vector<128x250xf32> -> vector<128x250xf32>
    %get3A_20 = arith.constant 0 : index
    %get3A_21 = arith.constant 0 : index
    %get3A_22 = arith.constant 2 : index
    %get3A_23 = arith.constant 0 : index
    %get3A_24 = vector.load %arg1[%get3A_20, %get3A_21, %get3A_22, %get3A_23] : memref<128x1x25x250xf32, #tpu.memory_space<vmem>>, vector<128x1x1x250xf32>
    %get3A_25 = vector.shape_cast %get3A_24 : vector<128x1x1x250xf32> to vector<128x250xf32>
    %get3A_26 = arith.constant 0 : index
    %get3A_27 = arith.constant 0 : index
    %get3A_28 = vector.load %arg6[%get3A_26, %get3A_27] : memref<250x250xf32, #tpu.memory_space<vmem>>, vector<250x250xf32>
    %dot_general3A_29 = arith.constant dense<0.000000e+00> : vector<128x250xf32>
    %dot_general3A_30 = tpu.matmul %get3A_25, %get3A_28, %dot_general3A_29 {dimension_numbers = #tpu.dot_dimension_numbers<[1], [0], [0], [1], [0, 0, 1, 1], [], []>, transpose_lhs_hint = false} : vector<128x250xf32>, vector<250x250xf32>, vector<128x250xf32> -> vector<128x250xf32>
    %get3A_31 = arith.constant 0 : index
    %get3A_32 = arith.constant 0 : index
    %get3A_33 = arith.constant 3 : index
    %get3A_34 = arith.constant 0 : index
    %get3A_35 = vector.load %arg1[%get3A_31, %get3A_32, %get3A_33, %get3A_34] : memref<128x1x25x250xf32, #tpu.memory_space<vmem>>, vector<128x1x1x250xf32>
    %get3A_36 = vector.shape_cast %get3A_35 : vector<128x1x1x250xf32> to vector<128x250xf32>
    %get3A_37 = arith.constant 0 : index
    %get3A_38 = arith.constant 0 : index
    %get3A_39 = vector.load %arg6[%get3A_37, %get3A_38] : memref<250x250xf32, #tpu.memory_space<vmem>>, vector<250x250xf32>
    %dot_general3A_40 = arith.constant dense<0.000000e+00> : vector<128x250xf32>
    %dot_general3A_41 = tpu.matmul %get3A_36, %get3A_39, %dot_general3A_40 {dimension_numbers = #tpu.dot_dimension_numbers<[1], [0], [0], [1], [0, 0, 1, 1], [], []>, transpose_lhs_hint = false} : vector<128x250xf32>, vector<250x250xf32>, vector<128x250xf32> -> vector<128x250xf32>
    %get3A_42 = arith.constant 0 : index
    %get3A_43 = arith.constant 0 : index
    %get3A_44 = arith.constant 4 : index
    %get3A_45 = arith.constant 0 : index
    %get3A_46 = vector.load %arg1[%get3A_42, %get3A_43, %get3A_44, %get3A_45] : memref<128x1x25x250xf32, #tpu.memory_space<vmem>>, vector<128x1x1x250xf32>
    %get3A_47 = vector.shape_cast %get3A_46 : vector<128x1x1x250xf32> to vector<128x250xf32>
    %get3A_48 = arith.constant 0 : index
    %get3A_49 = arith.constant 0 : index
    %get3A_50 = vector.load %arg6[%get3A_48, %get3A_49] : memref<250x250xf32, #tpu.memory_space<vmem>>, vector<250x250xf32>
    %dot_general3A_51 = arith.constant dense<0.000000e+00> : vector<128x250xf32>
    %dot_general3A_52 = tpu.matmul %get3A_47, %get3A_50, %dot_general3A_51 {dimension_numbers = #tpu.dot_dimension_numbers<[1], [0], [0], [1], [0, 0, 1, 1], [], []>, transpose_lhs_hint = false} : vector<128x250xf32>, vector<250x250xf32>, vector<128x250xf32> -> vector<128x250xf32>
    %get3A_53 = arith.constant 0 : index
    %get3A_54 = arith.constant 0 : index
    %get3A_55 = arith.constant 5 : index
    %get3A_56 = arith.constant 0 : index
    %get3A_57 = vector.load %arg1[%get3A_53, %get3A_54, %get3A_55, %get3A_56] : memref<128x1x25x250xf32, #tpu.memory_space<vmem>>, vector<128x1x1x250xf32>
    %get3A_58 = vector.shape_cast %get3A_57 : vector<128x1x1x250xf32> to vector<128x250xf32>
    %get3A_59 = arith.constant 0 : index
    %get3A_60 = arith.constant 0 : index
    %get3A_61 = vector.load %arg6[%get3A_59, %get3A_60] : memref<250x250xf32, #tpu.memory_space<vmem>>, vector<250x250xf32>
    %dot_general3A_62 = arith.constant dense<0.000000e+00> : vector<128x250xf32>
    %dot_general3A_63 = tpu.matmul %get3A_58, %get3A_61, %dot_general3A_62 {dimension_numbers = #tpu.dot_dimension_numbers<[1], [0], [0], [1], [0, 0, 1, 1], [], []>, transpose_lhs_hint = false} : vector<128x250xf32>, vector<250x250xf32>, vector<128x250xf32> -> vector<128x250xf32>
    %get3A_64 = arith.constant 0 : index
    %get3A_65 = arith.constant 0 : index
    %get3A_66 = arith.constant 6 : index
    %get3A_67 = arith.constant 0 : index
    %get3A_68 = vector.load %arg1[%get3A_64, %get3A_65, %get3A_66, %get3A_67] : memref<128x1x25x250xf32, #tpu.memory_space<vmem>>, vector<128x1x1x250xf32>
    %get3A_69 = vector.shape_cast %get3A_68 : vector<128x1x1x250xf32> to vector<128x250xf32>
    %get3A_70 = arith.constant 0 : index
    %get3A_71 = arith.constant 0 : index
    %get3A_72 = vector.load %arg6[%get3A_70, %get3A_71] : memref<250x250xf32, #tpu.memory_space<vmem>>, vector<250x250xf32>
    %dot_general3A_73 = arith.constant dense<0.000000e+00> : vector<128x250xf32>
    %dot_general3A_74 = tpu.matmul %get3A_69, %get3A_72, %dot_general3A_73 {dimension_numbers = #tpu.dot_dimension_numbers<[1], [0], [0], [1], [0, 0, 1, 1], [], []>, transpose_lhs_hint = false} : vector<128x250xf32>, vector<250x250xf32>, vector<128x250xf32> -> vector<128x250xf32>
    %get3A_75 = arith.constant 0 : index
    %get3A_76 = arith.constant 0 : index
    %get3A_77 = arith.constant 7 : index
    %get3A_78 = arith.constant 0 : index
    %get3A_79 = vector.load %arg1[%get3A_75, %get3A_76, %get3A_77, %get3A_78] : memref<128x1x25x250xf32, #tpu.memory_space<vmem>>, vector<128x1x1x250xf32>
    %get3A_80 = vector.shape_cast %get3A_79 : vector<128x1x1x250xf32> to vector<128x250xf32>
    %get3A_81 = arith.constant 0 : index
    %get3A_82 = arith.constant 0 : index
    %get3A_83 = vector.load %arg6[%get3A_81, %get3A_82] : memref<250x250xf32, #tpu.memory_space<vmem>>, vector<250x250xf32>
    %dot_general3A_84 = arith.constant dense<0.000000e+00> : vector<128x250xf32>
    %dot_general3A_85 = tpu.matmul %get3A_80, %get3A_83, %dot_general3A_84 {dimension_numbers = #tpu.dot_dimension_numbers<[1], [0], [0], [1], [0, 0, 1, 1], [], []>, transpose_lhs_hint = false} : vector<128x250xf32>, vector<250x250xf32>, vector<128x250xf32> -> vector<128x250xf32>
    %get3A_86 = arith.constant 0 : index
    %get3A_87 = arith.constant 0 : index
    %get3A_88 = arith.constant 8 : index
    %get3A_89 = arith.constant 0 : index
    %get3A_90 = vector.load %arg1[%get3A_86, %get3A_87, %get3A_88, %get3A_89] : memref<128x1x25x250xf32, #tpu.memory_space<vmem>>, vector<128x1x1x250xf32>
    %get3A_91 = vector.shape_cast %get3A_90 : vector<128x1x1x250xf32> to vector<128x250xf32>
    %get3A_92 = arith.constant 0 : index
    %get3A_93 = arith.constant 0 : index
    %get3A_94 = vector.load %arg6[%get3A_92, %get3A_93] : memref<250x250xf32, #tpu.memory_space<vmem>>, vector<250x250xf32>
    %dot_general3A_95 = arith.constant dense<0.000000e+00> : vector<128x250xf32>
    %dot_general3A_96 = tpu.matmul %get3A_91, %get3A_94, %dot_general3A_95 {dimension_numbers = #tpu.dot_dimension_numbers<[1], [0], [0], [1], [0, 0, 1, 1], [], []>, transpose_lhs_hint = false} : vector<128x250xf32>, vector<250x250xf32>, vector<128x250xf32> -> vector<128x250xf32>
    %get3A_97 = arith.constant 0 : index
    %get3A_98 = arith.constant 0 : index
    %get3A_99 = arith.constant 9 : index
    %get3A_100 = arith.constant 0 : index
    %get3A_101 = vector.load %arg1[%get3A_97, %get3A_98, %get3A_99, %get3A_100] : memref<128x1x25x250xf32, #tpu.memory_space<vmem>>, vector<128x1x1x250xf32>
    %get3A_102 = vector.shape_cast %get3A_101 : vector<128x1x1x250xf32> to vector<128x250xf32>
    %get3A_103 = arith.constant 0 : index
    %get3A_104 = arith.constant 0 : index
    %get3A_105 = vector.load %arg6[%get3A_103, %get3A_104] : memref<250x250xf32, #tpu.memory_space<vmem>>, vector<250x250xf32>
    %dot_general3A_106 = arith.constant dense<0.000000e+00> : vector<128x250xf32>
    %dot_general3A_107 = tpu.matmul %get3A_102, %get3A_105, %dot_general3A_106 {dimension_numbers = #tpu.dot_dimension_numbers<[1], [0], [0], [1], [0, 0, 1, 1], [], []>, transpose_lhs_hint = false} : vector<128x250xf32>, vector<250x250xf32>, vector<128x250xf32> -> vector<128x250xf32>
    %get3A_108 = arith.constant 0 : index
    %get3A_109 = arith.constant 0 : index
    %get3A_110 = arith.constant 10 : index
    %get3A_111 = arith.constant 0 : index
    %get3A_112 = vector.load %arg1[%get3A_108, %get3A_109, %get3A_110, %get3A_111] : memref<128x1x25x250xf32, #tpu.memory_space<vmem>>, vector<128x1x1x250xf32>
    %get3A_113 = vector.shape_cast %get3A_112 : vector<128x1x1x250xf32> to vector<128x250xf32>
    %get3A_114 = arith.constant 0 : index
    %get3A_115 = arith.constant 0 : index
    %get3A_116 = vector.load %arg6[%get3A_114, %get3A_115] : memref<250x250xf32, #tpu.memory_space<vmem>>, vector<250x250xf32>
    %dot_general3A_117 = arith.constant dense<0.000000e+00> : vector<128x250xf32>
    %dot_general3A_118 = tpu.matmul %get3A_113, %get3A_116, %dot_general3A_117 {dimension_numbers = #tpu.dot_dimension_numbers<[1], [0], [0], [1], [0, 0, 1, 1], [], []>, transpose_lhs_hint = false} : vector<128x250xf32>, vector<250x250xf32>, vector<128x250xf32> -> vector<128x250xf32>
    %get3A_119 = arith.constant 0 : index
    %get3A_120 = arith.constant 0 : index
    %get3A_121 = arith.constant 11 : index
    %get3A_122 = arith.constant 0 : index
    %get3A_123 = vector.load %arg1[%get3A_119, %get3A_120, %get3A_121, %get3A_122] : memref<128x1x25x250xf32, #tpu.memory_space<vmem>>, vector<128x1x1x250xf32>
    %get3A_124 = vector.shape_cast %get3A_123 : vector<128x1x1x250xf32> to vector<128x250xf32>
    %get3A_125 = arith.constant 0 : index
    %get3A_126 = arith.constant 0 : index
    %get3A_127 = vector.load %arg6[%get3A_125, %get3A_126] : memref<250x250xf32, #tpu.memory_space<vmem>>, vector<250x250xf32>
    %dot_general3A_128 = arith.constant dense<0.000000e+00> : vector<128x250xf32>
    %dot_general3A_129 = tpu.matmul %get3A_124, %get3A_127, %dot_general3A_128 {dimension_numbers = #tpu.dot_dimension_numbers<[1], [0], [0], [1], [0, 0, 1, 1], [], []>, transpose_lhs_hint = false} : vector<128x250xf32>, vector<250x250xf32>, vector<128x250xf32> -> vector<128x250xf32>
    %get3A_130 = arith.constant 0 : index
    %get3A_131 = arith.constant 0 : index
    %get3A_132 = arith.constant 12 : index
    %get3A_133 = arith.constant 0 : index
    %get3A_134 = vector.load %arg1[%get3A_130, %get3A_131, %get3A_132, %get3A_133] : memref<128x1x25x250xf32, #tpu.memory_space<vmem>>, vector<128x1x1x250xf32>
    %get3A_135 = vector.shape_cast %get3A_134 : vector<128x1x1x250xf32> to vector<128x250xf32>
    %get3A_136 = arith.constant 0 : index
    %get3A_137 = arith.constant 0 : index
    %get3A_138 = vector.load %arg6[%get3A_136, %get3A_137] : memref<250x250xf32, #tpu.memory_space<vmem>>, vector<250x250xf32>
    %dot_general3A_139 = arith.constant dense<0.000000e+00> : vector<128x250xf32>
    %dot_general3A_140 = tpu.matmul %get3A_135, %get3A_138, %dot_general3A_139 {dimension_numbers = #tpu.dot_dimension_numbers<[1], [0], [0], [1], [0, 0, 1, 1], [], []>, transpose_lhs_hint = false} : vector<128x250xf32>, vector<250x250xf32>, vector<128x250xf32> -> vector<128x250xf32>
    %get3A_141 = arith.constant 0 : index
    %get3A_142 = arith.constant 0 : index
    %get3A_143 = arith.constant 13 : index
    %get3A_144 = arith.constant 0 : index
    %get3A_145 = vector.load %arg1[%get3A_141, %get3A_142, %get3A_143, %get3A_144] : memref<128x1x25x250xf32, #tpu.memory_space<vmem>>, vector<128x1x1x250xf32>
    %get3A_146 = vector.shape_cast %get3A_145 : vector<128x1x1x250xf32> to vector<128x250xf32>
    %get3A_147 = arith.constant 0 : index
    %get3A_148 = arith.constant 0 : index
    %get3A_149 = vector.load %arg6[%get3A_147, %get3A_148] : memref<250x250xf32, #tpu.memory_space<vmem>>, vector<250x250xf32>
    %dot_general3A_150 = arith.constant dense<0.000000e+00> : vector<128x250xf32>
    %dot_general3A_151 = tpu.matmul %get3A_146, %get3A_149, %dot_general3A_150 {dimension_numbers = #tpu.dot_dimension_numbers<[1], [0], [0], [1], [0, 0, 1, 1], [], []>, transpose_lhs_hint = false} : vector<128x250xf32>, vector<250x250xf32>, vector<128x250xf32> -> vector<128x250xf32>
    %get3A_152 = arith.constant 0 : index
    %get3A_153 = arith.constant 0 : index
    %get3A_154 = arith.constant 14 : index
    %get3A_155 = arith.constant 0 : index
    %get3A_156 = vector.load %arg1[%get3A_152, %get3A_153, %get3A_154, %get3A_155] : memref<128x1x25x250xf32, #tpu.memory_space<vmem>>, vector<128x1x1x250xf32>
    %get3A_157 = vector.shape_cast %get3A_156 : vector<128x1x1x250xf32> to vector<128x250xf32>
    %get3A_158 = arith.constant 0 : index
    %get3A_159 = arith.constant 0 : index
    %get3A_160 = vector.load %arg6[%get3A_158, %get3A_159] : memref<250x250xf32, #tpu.memory_space<vmem>>, vector<250x250xf32>
    %dot_general3A_161 = arith.constant dense<0.000000e+00> : vector<128x250xf32>
    %dot_general3A_162 = tpu.matmul %get3A_157, %get3A_160, %dot_general3A_161 {dimension_numbers = #tpu.dot_dimension_numbers<[1], [0], [0], [1], [0, 0, 1, 1], [], []>, transpose_lhs_hint = false} : vector<128x250xf32>, vector<250x250xf32>, vector<128x250xf32> -> vector<128x250xf32>
    %get3A_163 = arith.constant 0 : index
    %get3A_164 = arith.constant 0 : index
    %get3A_165 = arith.constant 15 : index
    %get3A_166 = arith.constant 0 : index
    %get3A_167 = vector.load %arg1[%get3A_163, %get3A_164, %get3A_165, %get3A_166] : memref<128x1x25x250xf32, #tpu.memory_space<vmem>>, vector<128x1x1x250xf32>
    %get3A_168 = vector.shape_cast %get3A_167 : vector<128x1x1x250xf32> to vector<128x250xf32>
    %get3A_169 = arith.constant 0 : index
    %get3A_170 = arith.constant 0 : index
    %get3A_171 = vector.load %arg6[%get3A_169, %get3A_170] : memref<250x250xf32, #tpu.memory_space<vmem>>, vector<250x250xf32>
    %dot_general3A_172 = arith.constant dense<0.000000e+00> : vector<128x250xf32>
    %dot_general3A_173 = tpu.matmul %get3A_168, %get3A_171, %dot_general3A_172 {dimension_numbers = #tpu.dot_dimension_numbers<[1], [0], [0], [1], [0, 0, 1, 1], [], []>, transpose_lhs_hint = false} : vector<128x250xf32>, vector<250x250xf32>, vector<128x250xf32> -> vector<128x250xf32>
    %get3A_174 = arith.constant 0 : index
    %get3A_175 = arith.constant 0 : index
    %get3A_176 = arith.constant 16 : index
    %get3A_177 = arith.constant 0 : index
    %get3A_178 = vector.load %arg1[%get3A_174, %get3A_175, %get3A_176, %get3A_177] : memref<128x1x25x250xf32, #tpu.memory_space<vmem>>, vector<128x1x1x250xf32>
    %get3A_179 = vector.shape_cast %get3A_178 : vector<128x1x1x250xf32> to vector<128x250xf32>
    %get3A_180 = arith.constant 0 : index
    %get3A_181 = arith.constant 0 : index
    %get3A_182 = vector.load %arg6[%get3A_180, %get3A_181] : memref<250x250xf32, #tpu.memory_space<vmem>>, vector<250x250xf32>
    %dot_general3A_183 = arith.constant dense<0.000000e+00> : vector<128x250xf32>
    %dot_general3A_184 = tpu.matmul %get3A_179, %get3A_182, %dot_general3A_183 {dimension_numbers = #tpu.dot_dimension_numbers<[1], [0], [0], [1], [0, 0, 1, 1], [], []>, transpose_lhs_hint = false} : vector<128x250xf32>, vector<250x250xf32>, vector<128x250xf32> -> vector<128x250xf32>
    %get3A_185 = arith.constant 0 : index
    %get3A_186 = arith.constant 0 : index
    %get3A_187 = arith.constant 17 : index
    %get3A_188 = arith.constant 0 : index
    %get3A_189 = vector.load %arg1[%get3A_185, %get3A_186, %get3A_187, %get3A_188] : memref<128x1x25x250xf32, #tpu.memory_space<vmem>>, vector<128x1x1x250xf32>
    %get3A_190 = vector.shape_cast %get3A_189 : vector<128x1x1x250xf32> to vector<128x250xf32>
    %get3A_191 = arith.constant 0 : index
    %get3A_192 = arith.constant 0 : index
    %get3A_193 = vector.load %arg6[%get3A_191, %get3A_192] : memref<250x250xf32, #tpu.memory_space<vmem>>, vector<250x250xf32>
    %dot_general3A_194 = arith.constant dense<0.000000e+00> : vector<128x250xf32>
    %dot_general3A_195 = tpu.matmul %get3A_190, %get3A_193, %dot_general3A_194 {dimension_numbers = #tpu.dot_dimension_numbers<[1], [0], [0], [1], [0, 0, 1, 1], [], []>, transpose_lhs_hint = false} : vector<128x250xf32>, vector<250x250xf32>, vector<128x250xf32> -> vector<128x250xf32>
    %get3A_196 = arith.constant 0 : index
    %get3A_197 = arith.constant 0 : index
    %get3A_198 = arith.constant 18 : index
    %get3A_199 = arith.constant 0 : index
    %get3A_200 = vector.load %arg1[%get3A_196, %get3A_197, %get3A_198, %get3A_199] : memref<128x1x25x250xf32, #tpu.memory_space<vmem>>, vector<128x1x1x250xf32>
    %get3A_201 = vector.shape_cast %get3A_200 : vector<128x1x1x250xf32> to vector<128x250xf32>
    %get3A_202 = arith.constant 0 : index
    %get3A_203 = arith.constant 0 : index
    %get3A_204 = vector.load %arg6[%get3A_202, %get3A_203] : memref<250x250xf32, #tpu.memory_space<vmem>>, vector<250x250xf32>
    %dot_general3A_205 = arith.constant dense<0.000000e+00> : vector<128x250xf32>
    %dot_general3A_206 = tpu.matmul %get3A_201, %get3A_204, %dot_general3A_205 {dimension_numbers = #tpu.dot_dimension_numbers<[1], [0], [0], [1], [0, 0, 1, 1], [], []>, transpose_lhs_hint = false} : vector<128x250xf32>, vector<250x250xf32>, vector<128x250xf32> -> vector<128x250xf32>
    %get3A_207 = arith.constant 0 : index
    %get3A_208 = arith.constant 0 : index
    %get3A_209 = arith.constant 19 : index
    %get3A_210 = arith.constant 0 : index
    %get3A_211 = vector.load %arg1[%get3A_207, %get3A_208, %get3A_209, %get3A_210] : memref<128x1x25x250xf32, #tpu.memory_space<vmem>>, vector<128x1x1x250xf32>
    %get3A_212 = vector.shape_cast %get3A_211 : vector<128x1x1x250xf32> to vector<128x250xf32>
    %get3A_213 = arith.constant 0 : index
    %get3A_214 = arith.constant 0 : index
    %get3A_215 = vector.load %arg6[%get3A_213, %get3A_214] : memref<250x250xf32, #tpu.memory_space<vmem>>, vector<250x250xf32>
    %dot_general3A_216 = arith.constant dense<0.000000e+00> : vector<128x250xf32>
    %dot_general3A_217 = tpu.matmul %get3A_212, %get3A_215, %dot_general3A_216 {dimension_numbers = #tpu.dot_dimension_numbers<[1], [0], [0], [1], [0, 0, 1, 1], [], []>, transpose_lhs_hint = false} : vector<128x250xf32>, vector<250x250xf32>, vector<128x250xf32> -> vector<128x250xf32>
    %get3A_218 = arith.constant 0 : index
    %get3A_219 = arith.constant 0 : index
    %get3A_220 = arith.constant 20 : index
    %get3A_221 = arith.constant 0 : index
    %get3A_222 = vector.load %arg1[%get3A_218, %get3A_219, %get3A_220, %get3A_221] : memref<128x1x25x250xf32, #tpu.memory_space<vmem>>, vector<128x1x1x250xf32>
    %get3A_223 = vector.shape_cast %get3A_222 : vector<128x1x1x250xf32> to vector<128x250xf32>
    %get3A_224 = arith.constant 0 : index
    %get3A_225 = arith.constant 0 : index
    %get3A_226 = vector.load %arg6[%get3A_224, %get3A_225] : memref<250x250xf32, #tpu.memory_space<vmem>>, vector<250x250xf32>
    %dot_general3A_227 = arith.constant dense<0.000000e+00> : vector<128x250xf32>
    %dot_general3A_228 = tpu.matmul %get3A_223, %get3A_226, %dot_general3A_227 {dimension_numbers = #tpu.dot_dimension_numbers<[1], [0], [0], [1], [0, 0, 1, 1], [], []>, transpose_lhs_hint = false} : vector<128x250xf32>, vector<250x250xf32>, vector<128x250xf32> -> vector<128x250xf32>
    %get3A_229 = arith.constant 0 : index
    %get3A_230 = arith.constant 0 : index
    %get3A_231 = arith.constant 21 : index
    %get3A_232 = arith.constant 0 : index
    %get3A_233 = vector.load %arg1[%get3A_229, %get3A_230, %get3A_231, %get3A_232] : memref<128x1x25x250xf32, #tpu.memory_space<vmem>>, vector<128x1x1x250xf32>
    %get3A_234 = vector.shape_cast %get3A_233 : vector<128x1x1x250xf32> to vector<128x250xf32>
    %get3A_235 = arith.constant 0 : index
    %get3A_236 = arith.constant 0 : index
    %get3A_237 = vector.load %arg6[%get3A_235, %get3A_236] : memref<250x250xf32, #tpu.memory_space<vmem>>, vector<250x250xf32>
    %dot_general3A_238 = arith.constant dense<0.000000e+00> : vector<128x250xf32>
    %dot_general3A_239 = tpu.matmul %get3A_234, %get3A_237, %dot_general3A_238 {dimension_numbers = #tpu.dot_dimension_numbers<[1], [0], [0], [1], [0, 0, 1, 1], [], []>, transpose_lhs_hint = false} : vector<128x250xf32>, vector<250x250xf32>, vector<128x250xf32> -> vector<128x250xf32>
    %get3A_240 = arith.constant 0 : index
    %get3A_241 = arith.constant 0 : index
    %get3A_242 = arith.constant 22 : index
    %get3A_243 = arith.constant 0 : index
    %get3A_244 = vector.load %arg1[%get3A_240, %get3A_241, %get3A_242, %get3A_243] : memref<128x1x25x250xf32, #tpu.memory_space<vmem>>, vector<128x1x1x250xf32>
    %get3A_245 = vector.shape_cast %get3A_244 : vector<128x1x1x250xf32> to vector<128x250xf32>
    %get3A_246 = arith.constant 0 : index
    %get3A_247 = arith.constant 0 : index
    %get3A_248 = vector.load %arg6[%get3A_246, %get3A_247] : memref<250x250xf32, #tpu.memory_space<vmem>>, vector<250x250xf32>
    %dot_general3A_249 = arith.constant dense<0.000000e+00> : vector<128x250xf32>
    %dot_general3A_250 = tpu.matmul %get3A_245, %get3A_248, %dot_general3A_249 {dimension_numbers = #tpu.dot_dimension_numbers<[1], [0], [0], [1], [0, 0, 1, 1], [], []>, transpose_lhs_hint = false} : vector<128x250xf32>, vector<250x250xf32>, vector<128x250xf32> -> vector<128x250xf32>
    %get3A_251 = arith.constant 0 : index
    %get3A_252 = arith.constant 0 : index
    %get3A_253 = arith.constant 23 : index
    %get3A_254 = arith.constant 0 : index
    %get3A_255 = vector.load %arg1[%get3A_251, %get3A_252, %get3A_253, %get3A_254] : memref<128x1x25x250xf32, #tpu.memory_space<vmem>>, vector<128x1x1x250xf32>
    %get3A_256 = vector.shape_cast %get3A_255 : vector<128x1x1x250xf32> to vector<128x250xf32>
    %get3A_257 = arith.constant 0 : index
    %get3A_258 = arith.constant 0 : index
    %get3A_259 = vector.load %arg6[%get3A_257, %get3A_258] : memref<250x250xf32, #tpu.memory_space<vmem>>, vector<250x250xf32>
    %dot_general3A_260 = arith.constant dense<0.000000e+00> : vector<128x250xf32>
    %dot_general3A_261 = tpu.matmul %get3A_256, %get3A_259, %dot_general3A_260 {dimension_numbers = #tpu.dot_dimension_numbers<[1], [0], [0], [1], [0, 0, 1, 1], [], []>, transpose_lhs_hint = false} : vector<128x250xf32>, vector<250x250xf32>, vector<128x250xf32> -> vector<128x250xf32>
    %get3A_262 = arith.constant 0 : index
    %get3A_263 = arith.constant 0 : index
    %get3A_264 = arith.constant 24 : index
    %get3A_265 = arith.constant 0 : index
    %get3A_266 = vector.load %arg1[%get3A_262, %get3A_263, %get3A_264, %get3A_265] : memref<128x1x25x250xf32, #tpu.memory_space<vmem>>, vector<128x1x1x250xf32>
    %get3A_267 = vector.shape_cast %get3A_266 : vector<128x1x1x250xf32> to vector<128x250xf32>
    %get3A_268 = arith.constant 0 : index
    %get3A_269 = arith.constant 0 : index
    %get3A_270 = vector.load %arg6[%get3A_268, %get3A_269] : memref<250x250xf32, #tpu.memory_space<vmem>>, vector<250x250xf32>
    %dot_general3A_271 = arith.constant dense<0.000000e+00> : vector<128x250xf32>
    %dot_general3A_272 = tpu.matmul %get3A_267, %get3A_270, %dot_general3A_271 {dimension_numbers = #tpu.dot_dimension_numbers<[1], [0], [0], [1], [0, 0, 1, 1], [], []>, transpose_lhs_hint = false} : vector<128x250xf32>, vector<250x250xf32>, vector<128x250xf32> -> vector<128x250xf32>
    %broadcast_in_dim3A = arith.constant 0.000000e+00 : f32
    %broadcast_in_dim3A_273 = vector.broadcast %broadcast_in_dim3A : f32 to vector<128x250xf32>
    %slice3A = vector.extract_strided_slice %dot_general3A_8 {offsets = [0, 0], sizes = [128, 50], strides = [1, 1]} : vector<128x250xf32> to vector<128x50xf32>
    %slice3A_274 = vector.extract_strided_slice %dot_general3A_63 {offsets = [0, 0], sizes = [128, 50], strides = [1, 1]} : vector<128x250xf32> to vector<128x50xf32>
    %slice3A_275 = vector.extract_strided_slice %dot_general3A_118 {offsets = [0, 0], sizes = [128, 50], strides = [1, 1]} : vector<128x250xf32> to vector<128x50xf32>
    %slice3A_276 = vector.extract_strided_slice %dot_general3A_173 {offsets = [0, 0], sizes = [128, 50], strides = [1, 1]} : vector<128x250xf32> to vector<128x50xf32>
    %slice3A_277 = vector.extract_strided_slice %dot_general3A_228 {offsets = [0, 0], sizes = [128, 50], strides = [1, 1]} : vector<128x250xf32> to vector<128x50xf32>
    %concatenate3A = tpu.concatenate %slice3A, %slice3A_274, %slice3A_275, %slice3A_276, %slice3A_277 in 1 : vector<128x50xf32>, vector<128x50xf32>, vector<128x50xf32>, vector<128x50xf32>, vector<128x50xf32> -> vector<128x250xf32>
    %get3A_278 = arith.constant 0 : index
    %get3A_279 = arith.constant 0 : index
    %get3A_280 = vector.load %arg2[%get3A_278, %get3A_279] : memref<3200x128xf32, #tpu.memory_space<vmem>>, vector<128x128xf32>
    %dot_general3A_281 = arith.constant dense<0.000000e+00> : vector<128x250xf32>
    %dot_general3A_282 = tpu.matmul %get3A_280, %concatenate3A, %dot_general3A_281 {dimension_numbers = #tpu.dot_dimension_numbers<[1], [0], [0], [1], [0, 0, 1, 1], [], []>, transpose_lhs_hint = false} : vector<128x128xf32>, vector<128x250xf32>, vector<128x250xf32> -> vector<128x250xf32>
    %add3A = arith.addf %broadcast_in_dim3A_273, %dot_general3A_282 : vector<128x250xf32>
    %slice3A_283 = vector.extract_strided_slice %dot_general3A_8 {offsets = [0, 50], sizes = [128, 50], strides = [1, 1]} : vector<128x250xf32> to vector<128x50xf32>
    %slice3A_284 = vector.extract_strided_slice %dot_general3A_63 {offsets = [0, 50], sizes = [128, 50], strides = [1, 1]} : vector<128x250xf32> to vector<128x50xf32>
    %slice3A_285 = vector.extract_strided_slice %dot_general3A_118 {offsets = [0, 50], sizes = [128, 50], strides = [1, 1]} : vector<128x250xf32> to vector<128x50xf32>
    %slice3A_286 = vector.extract_strided_slice %dot_general3A_173 {offsets = [0, 50], sizes = [128, 50], strides = [1, 1]} : vector<128x250xf32> to vector<128x50xf32>
    %slice3A_287 = vector.extract_strided_slice %dot_general3A_228 {offsets = [0, 50], sizes = [128, 50], strides = [1, 1]} : vector<128x250xf32> to vector<128x50xf32>
    %concatenate3A_288 = tpu.concatenate %slice3A_283, %slice3A_284, %slice3A_285, %slice3A_286, %slice3A_287 in 1 : vector<128x50xf32>, vector<128x50xf32>, vector<128x50xf32>, vector<128x50xf32>, vector<128x50xf32> -> vector<128x250xf32>
    %get3A_289 = arith.constant 128 : index
    %get3A_290 = arith.constant 0 : index
    %get3A_291 = vector.load %arg2[%get3A_289, %get3A_290] : memref<3200x128xf32, #tpu.memory_space<vmem>>, vector<128x128xf32>
    %dot_general3A_292 = arith.constant dense<0.000000e+00> : vector<128x250xf32>
    %dot_general3A_293 = tpu.matmul %get3A_291, %concatenate3A_288, %dot_general3A_292 {dimension_numbers = #tpu.dot_dimension_numbers<[1], [0], [0], [1], [0, 0, 1, 1], [], []>, transpose_lhs_hint = false} : vector<128x128xf32>, vector<128x250xf32>, vector<128x250xf32> -> vector<128x250xf32>
    %add3A_294 = arith.addf %add3A, %dot_general3A_293 : vector<128x250xf32>
    %slice3A_295 = vector.extract_strided_slice %dot_general3A_8 {offsets = [0, 100], sizes = [128, 50], strides = [1, 1]} : vector<128x250xf32> to vector<128x50xf32>
    %slice3A_296 = vector.extract_strided_slice %dot_general3A_63 {offsets = [0, 100], sizes = [128, 50], strides = [1, 1]} : vector<128x250xf32> to vector<128x50xf32>
    %slice3A_297 = vector.extract_strided_slice %dot_general3A_118 {offsets = [0, 100], sizes = [128, 50], strides = [1, 1]} : vector<128x250xf32> to vector<128x50xf32>
    %slice3A_298 = vector.extract_strided_slice %dot_general3A_173 {offsets = [0, 100], sizes = [128, 50], strides = [1, 1]} : vector<128x250xf32> to vector<128x50xf32>
    %slice3A_299 = vector.extract_strided_slice %dot_general3A_228 {offsets = [0, 100], sizes = [128, 50], strides = [1, 1]} : vector<128x250xf32> to vector<128x50xf32>
    %concatenate3A_300 = tpu.concatenate %slice3A_295, %slice3A_296, %slice3A_297, %slice3A_298, %slice3A_299 in 1 : vector<128x50xf32>, vector<128x50xf32>, vector<128x50xf32>, vector<128x50xf32>, vector<128x50xf32> -> vector<128x250xf32>
    %get3A_301 = arith.constant 256 : index
    %get3A_302 = arith.constant 0 : index
    %get3A_303 = vector.load %arg2[%get3A_301, %get3A_302] : memref<3200x128xf32, #tpu.memory_space<vmem>>, vector<128x128xf32>
    %dot_general3A_304 = arith.constant dense<0.000000e+00> : vector<128x250xf32>
    %dot_general3A_305 = tpu.matmul %get3A_303, %concatenate3A_300, %dot_general3A_304 {dimension_numbers = #tpu.dot_dimension_numbers<[1], [0], [0], [1], [0, 0, 1, 1], [], []>, transpose_lhs_hint = false} : vector<128x128xf32>, vector<128x250xf32>, vector<128x250xf32> -> vector<128x250xf32>
    %add3A_306 = arith.addf %add3A_294, %dot_general3A_305 : vector<128x250xf32>
    %slice3A_307 = vector.extract_strided_slice %dot_general3A_8 {offsets = [0, 150], sizes = [128, 50], strides = [1, 1]} : vector<128x250xf32> to vector<128x50xf32>
    %slice3A_308 = vector.extract_strided_slice %dot_general3A_63 {offsets = [0, 150], sizes = [128, 50], strides = [1, 1]} : vector<128x250xf32> to vector<128x50xf32>
    %slice3A_309 = vector.extract_strided_slice %dot_general3A_118 {offsets = [0, 150], sizes = [128, 50], strides = [1, 1]} : vector<128x250xf32> to vector<128x50xf32>
    %slice3A_310 = vector.extract_strided_slice %dot_general3A_173 {offsets = [0, 150], sizes = [128, 50], strides = [1, 1]} : vector<128x250xf32> to vector<128x50xf32>
    %slice3A_311 = vector.extract_strided_slice %dot_general3A_228 {offsets = [0, 150], sizes = [128, 50], strides = [1, 1]} : vector<128x250xf32> to vector<128x50xf32>
    %concatenate3A_312 = tpu.concatenate %slice3A_307, %slice3A_308, %slice3A_309, %slice3A_310, %slice3A_311 in 1 : vector<128x50xf32>, vector<128x50xf32>, vector<128x50xf32>, vector<128x50xf32>, vector<128x50xf32> -> vector<128x250xf32>
    %get3A_313 = arith.constant 384 : index
    %get3A_314 = arith.constant 0 : index
    %get3A_315 = vector.load %arg2[%get3A_313, %get3A_314] : memref<3200x128xf32, #tpu.memory_space<vmem>>, vector<128x128xf32>
    %dot_general3A_316 = arith.constant dense<0.000000e+00> : vector<128x250xf32>
    %dot_general3A_317 = tpu.matmul %get3A_315, %concatenate3A_312, %dot_general3A_316 {dimension_numbers = #tpu.dot_dimension_numbers<[1], [0], [0], [1], [0, 0, 1, 1], [], []>, transpose_lhs_hint = false} : vector<128x128xf32>, vector<128x250xf32>, vector<128x250xf32> -> vector<128x250xf32>
    %add3A_318 = arith.addf %add3A_306, %dot_general3A_317 : vector<128x250xf32>
    %slice3A_319 = vector.extract_strided_slice %dot_general3A_8 {offsets = [0, 200], sizes = [128, 50], strides = [1, 1]} : vector<128x250xf32> to vector<128x50xf32>
    %slice3A_320 = vector.extract_strided_slice %dot_general3A_63 {offsets = [0, 200], sizes = [128, 50], strides = [1, 1]} : vector<128x250xf32> to vector<128x50xf32>
    %slice3A_321 = vector.extract_strided_slice %dot_general3A_118 {offsets = [0, 200], sizes = [128, 50], strides = [1, 1]} : vector<128x250xf32> to vector<128x50xf32>
    %slice3A_322 = vector.extract_strided_slice %dot_general3A_173 {offsets = [0, 200], sizes = [128, 50], strides = [1, 1]} : vector<128x250xf32> to vector<128x50xf32>
    %slice3A_323 = vector.extract_strided_slice %dot_general3A_228 {offsets = [0, 200], sizes = [128, 50], strides = [1, 1]} : vector<128x250xf32> to vector<128x50xf32>
    %concatenate3A_324 = tpu.concatenate %slice3A_319, %slice3A_320, %slice3A_321, %slice3A_322, %slice3A_323 in 1 : vector<128x50xf32>, vector<128x50xf32>, vector<128x50xf32>, vector<128x50xf32>, vector<128x50xf32> -> vector<128x250xf32>
    %get3A_325 = arith.constant 512 : index
    %get3A_326 = arith.constant 0 : index
    %get3A_327 = vector.load %arg2[%get3A_325, %get3A_326] : memref<3200x128xf32, #tpu.memory_space<vmem>>, vector<128x128xf32>
    %dot_general3A_328 = arith.constant dense<0.000000e+00> : vector<128x250xf32>
    %dot_general3A_329 = tpu.matmul %get3A_327, %concatenate3A_324, %dot_general3A_328 {dimension_numbers = #tpu.dot_dimension_numbers<[1], [0], [0], [1], [0, 0, 1, 1], [], []>, transpose_lhs_hint = false} : vector<128x128xf32>, vector<128x250xf32>, vector<128x250xf32> -> vector<128x250xf32>
    %add3A_330 = arith.addf %add3A_318, %dot_general3A_329 : vector<128x250xf32>
    %slice3A_331 = vector.extract_strided_slice %dot_general3A_19 {offsets = [0, 0], sizes = [128, 50], strides = [1, 1]} : vector<128x250xf32> to vector<128x50xf32>
    %slice3A_332 = vector.extract_strided_slice %dot_general3A_74 {offsets = [0, 0], sizes = [128, 50], strides = [1, 1]} : vector<128x250xf32> to vector<128x50xf32>
    %slice3A_333 = vector.extract_strided_slice %dot_general3A_129 {offsets = [0, 0], sizes = [128, 50], strides = [1, 1]} : vector<128x250xf32> to vector<128x50xf32>
    %slice3A_334 = vector.extract_strided_slice %dot_general3A_184 {offsets = [0, 0], sizes = [128, 50], strides = [1, 1]} : vector<128x250xf32> to vector<128x50xf32>
    %slice3A_335 = vector.extract_strided_slice %dot_general3A_239 {offsets = [0, 0], sizes = [128, 50], strides = [1, 1]} : vector<128x250xf32> to vector<128x50xf32>
    %concatenate3A_336 = tpu.concatenate %slice3A_331, %slice3A_332, %slice3A_333, %slice3A_334, %slice3A_335 in 1 : vector<128x50xf32>, vector<128x50xf32>, vector<128x50xf32>, vector<128x50xf32>, vector<128x50xf32> -> vector<128x250xf32>
    %get3A_337 = arith.constant 640 : index
    %get3A_338 = arith.constant 0 : index
    %get3A_339 = vector.load %arg2[%get3A_337, %get3A_338] : memref<3200x128xf32, #tpu.memory_space<vmem>>, vector<128x128xf32>
    %dot_general3A_340 = arith.constant dense<0.000000e+00> : vector<128x250xf32>
    %dot_general3A_341 = tpu.matmul %get3A_339, %concatenate3A_336, %dot_general3A_340 {dimension_numbers = #tpu.dot_dimension_numbers<[1], [0], [0], [1], [0, 0, 1, 1], [], []>, transpose_lhs_hint = false} : vector<128x128xf32>, vector<128x250xf32>, vector<128x250xf32> -> vector<128x250xf32>
    %add3A_342 = arith.addf %add3A_330, %dot_general3A_341 : vector<128x250xf32>
    %slice3A_343 = vector.extract_strided_slice %dot_general3A_19 {offsets = [0, 50], sizes = [128, 50], strides = [1, 1]} : vector<128x250xf32> to vector<128x50xf32>
    %slice3A_344 = vector.extract_strided_slice %dot_general3A_74 {offsets = [0, 50], sizes = [128, 50], strides = [1, 1]} : vector<128x250xf32> to vector<128x50xf32>
    %slice3A_345 = vector.extract_strided_slice %dot_general3A_129 {offsets = [0, 50], sizes = [128, 50], strides = [1, 1]} : vector<128x250xf32> to vector<128x50xf32>
    %slice3A_346 = vector.extract_strided_slice %dot_general3A_184 {offsets = [0, 50], sizes = [128, 50], strides = [1, 1]} : vector<128x250xf32> to vector<128x50xf32>
    %slice3A_347 = vector.extract_strided_slice %dot_general3A_239 {offsets = [0, 50], sizes = [128, 50], strides = [1, 1]} : vector<128x250xf32> to vector<128x50xf32>
    %concatenate3A_348 = tpu.concatenate %slice3A_343, %slice3A_344, %slice3A_345, %slice3A_346, %slice3A_347 in 1 : vector<128x50xf32>, vector<128x50xf32>, vector<128x50xf32>, vector<128x50xf32>, vector<128x50xf32> -> vector<128x250xf32>
    %get3A_349 = arith.constant 768 : index
    %get3A_350 = arith.constant 0 : index
    %get3A_351 = vector.load %arg2[%get3A_349, %get3A_350] : memref<3200x128xf32, #tpu.memory_space<vmem>>, vector<128x128xf32>
    %dot_general3A_352 = arith.constant dense<0.000000e+00> : vector<128x250xf32>
    %dot_general3A_353 = tpu.matmul %get3A_351, %concatenate3A_348, %dot_general3A_352 {dimension_numbers = #tpu.dot_dimension_numbers<[1], [0], [0], [1], [0, 0, 1, 1], [], []>, transpose_lhs_hint = false} : vector<128x128xf32>, vector<128x250xf32>, vector<128x250xf32> -> vector<128x250xf32>
    %add3A_354 = arith.addf %add3A_342, %dot_general3A_353 : vector<128x250xf32>
    %slice3A_355 = vector.extract_strided_slice %dot_general3A_19 {offsets = [0, 100], sizes = [128, 50], strides = [1, 1]} : vector<128x250xf32> to vector<128x50xf32>
    %slice3A_356 = vector.extract_strided_slice %dot_general3A_74 {offsets = [0, 100], sizes = [128, 50], strides = [1, 1]} : vector<128x250xf32> to vector<128x50xf32>
    %slice3A_357 = vector.extract_strided_slice %dot_general3A_129 {offsets = [0, 100], sizes = [128, 50], strides = [1, 1]} : vector<128x250xf32> to vector<128x50xf32>
    %slice3A_358 = vector.extract_strided_slice %dot_general3A_184 {offsets = [0, 100], sizes = [128, 50], strides = [1, 1]} : vector<128x250xf32> to vector<128x50xf32>
    %slice3A_359 = vector.extract_strided_slice %dot_general3A_239 {offsets = [0, 100], sizes = [128, 50], strides = [1, 1]} : vector<128x250xf32> to vector<128x50xf32>
    %concatenate3A_360 = tpu.concatenate %slice3A_355, %slice3A_356, %slice3A_357, %slice3A_358, %slice3A_359 in 1 : vector<128x50xf32>, vector<128x50xf32>, vector<128x50xf32>, vector<128x50xf32>, vector<128x50xf32> -> vector<128x250xf32>
    %get3A_361 = arith.constant 896 : index
    %get3A_362 = arith.constant 0 : index
    %get3A_363 = vector.load %arg2[%get3A_361, %get3A_362] : memref<3200x128xf32, #tpu.memory_space<vmem>>, vector<128x128xf32>
    %dot_general3A_364 = arith.constant dense<0.000000e+00> : vector<128x250xf32>
    %dot_general3A_365 = tpu.matmul %get3A_363, %concatenate3A_360, %dot_general3A_364 {dimension_numbers = #tpu.dot_dimension_numbers<[1], [0], [0], [1], [0, 0, 1, 1], [], []>, transpose_lhs_hint = false} : vector<128x128xf32>, vector<128x250xf32>, vector<128x250xf32> -> vector<128x250xf32>
    %add3A_366 = arith.addf %add3A_354, %dot_general3A_365 : vector<128x250xf32>
    %slice3A_367 = vector.extract_strided_slice %dot_general3A_19 {offsets = [0, 150], sizes = [128, 50], strides = [1, 1]} : vector<128x250xf32> to vector<128x50xf32>
    %slice3A_368 = vector.extract_strided_slice %dot_general3A_74 {offsets = [0, 150], sizes = [128, 50], strides = [1, 1]} : vector<128x250xf32> to vector<128x50xf32>
    %slice3A_369 = vector.extract_strided_slice %dot_general3A_129 {offsets = [0, 150], sizes = [128, 50], strides = [1, 1]} : vector<128x250xf32> to vector<128x50xf32>
    %slice3A_370 = vector.extract_strided_slice %dot_general3A_184 {offsets = [0, 150], sizes = [128, 50], strides = [1, 1]} : vector<128x250xf32> to vector<128x50xf32>
    %slice3A_371 = vector.extract_strided_slice %dot_general3A_239 {offsets = [0, 150], sizes = [128, 50], strides = [1, 1]} : vector<128x250xf32> to vector<128x50xf32>
    %concatenate3A_372 = tpu.concatenate %slice3A_367, %slice3A_368, %slice3A_369, %slice3A_370, %slice3A_371 in 1 : vector<128x50xf32>, vector<128x50xf32>, vector<128x50xf32>, vector<128x50xf32>, vector<128x50xf32> -> vector<128x250xf32>
    %get3A_373 = arith.constant 1024 : index
    %get3A_374 = arith.constant 0 : index
    %get3A_375 = vector.load %arg2[%get3A_373, %get3A_374] : memref<3200x128xf32, #tpu.memory_space<vmem>>, vector<128x128xf32>
    %dot_general3A_376 = arith.constant dense<0.000000e+00> : vector<128x250xf32>
    %dot_general3A_377 = tpu.matmul %get3A_375, %concatenate3A_372, %dot_general3A_376 {dimension_numbers = #tpu.dot_dimension_numbers<[1], [0], [0], [1], [0, 0, 1, 1], [], []>, transpose_lhs_hint = false} : vector<128x128xf32>, vector<128x250xf32>, vector<128x250xf32> -> vector<128x250xf32>
    %add3A_378 = arith.addf %add3A_366, %dot_general3A_377 : vector<128x250xf32>
    %slice3A_379 = vector.extract_strided_slice %dot_general3A_19 {offsets = [0, 200], sizes = [128, 50], strides = [1, 1]} : vector<128x250xf32> to vector<128x50xf32>
    %slice3A_380 = vector.extract_strided_slice %dot_general3A_74 {offsets = [0, 200], sizes = [128, 50], strides = [1, 1]} : vector<128x250xf32> to vector<128x50xf32>
    %slice3A_381 = vector.extract_strided_slice %dot_general3A_129 {offsets = [0, 200], sizes = [128, 50], strides = [1, 1]} : vector<128x250xf32> to vector<128x50xf32>
    %slice3A_382 = vector.extract_strided_slice %dot_general3A_184 {offsets = [0, 200], sizes = [128, 50], strides = [1, 1]} : vector<128x250xf32> to vector<128x50xf32>
    %slice3A_383 = vector.extract_strided_slice %dot_general3A_239 {offsets = [0, 200], sizes = [128, 50], strides = [1, 1]} : vector<128x250xf32> to vector<128x50xf32>
    %concatenate3A_384 = tpu.concatenate %slice3A_379, %slice3A_380, %slice3A_381, %slice3A_382, %slice3A_383 in 1 : vector<128x50xf32>, vector<128x50xf32>, vector<128x50xf32>, vector<128x50xf32>, vector<128x50xf32> -> vector<128x250xf32>
    %get3A_385 = arith.constant 1152 : index
    %get3A_386 = arith.constant 0 : index
    %get3A_387 = vector.load %arg2[%get3A_385, %get3A_386] : memref<3200x128xf32, #tpu.memory_space<vmem>>, vector<128x128xf32>
    %dot_general3A_388 = arith.constant dense<0.000000e+00> : vector<128x250xf32>
    %dot_general3A_389 = tpu.matmul %get3A_387, %concatenate3A_384, %dot_general3A_388 {dimension_numbers = #tpu.dot_dimension_numbers<[1], [0], [0], [1], [0, 0, 1, 1], [], []>, transpose_lhs_hint = false} : vector<128x128xf32>, vector<128x250xf32>, vector<128x250xf32> -> vector<128x250xf32>
    %add3A_390 = arith.addf %add3A_378, %dot_general3A_389 : vector<128x250xf32>
    %slice3A_391 = vector.extract_strided_slice %dot_general3A_30 {offsets = [0, 0], sizes = [128, 50], strides = [1, 1]} : vector<128x250xf32> to vector<128x50xf32>
    %slice3A_392 = vector.extract_strided_slice %dot_general3A_85 {offsets = [0, 0], sizes = [128, 50], strides = [1, 1]} : vector<128x250xf32> to vector<128x50xf32>
    %slice3A_393 = vector.extract_strided_slice %dot_general3A_140 {offsets = [0, 0], sizes = [128, 50], strides = [1, 1]} : vector<128x250xf32> to vector<128x50xf32>
    %slice3A_394 = vector.extract_strided_slice %dot_general3A_195 {offsets = [0, 0], sizes = [128, 50], strides = [1, 1]} : vector<128x250xf32> to vector<128x50xf32>
    %slice3A_395 = vector.extract_strided_slice %dot_general3A_250 {offsets = [0, 0], sizes = [128, 50], strides = [1, 1]} : vector<128x250xf32> to vector<128x50xf32>
    %concatenate3A_396 = tpu.concatenate %slice3A_391, %slice3A_392, %slice3A_393, %slice3A_394, %slice3A_395 in 1 : vector<128x50xf32>, vector<128x50xf32>, vector<128x50xf32>, vector<128x50xf32>, vector<128x50xf32> -> vector<128x250xf32>
    %get3A_397 = arith.constant 1280 : index
    %get3A_398 = arith.constant 0 : index
    %get3A_399 = vector.load %arg2[%get3A_397, %get3A_398] : memref<3200x128xf32, #tpu.memory_space<vmem>>, vector<128x128xf32>
    %dot_general3A_400 = arith.constant dense<0.000000e+00> : vector<128x250xf32>
    %dot_general3A_401 = tpu.matmul %get3A_399, %concatenate3A_396, %dot_general3A_400 {dimension_numbers = #tpu.dot_dimension_numbers<[1], [0], [0], [1], [0, 0, 1, 1], [], []>, transpose_lhs_hint = false} : vector<128x128xf32>, vector<128x250xf32>, vector<128x250xf32> -> vector<128x250xf32>
    %add3A_402 = arith.addf %add3A_390, %dot_general3A_401 : vector<128x250xf32>
    %slice3A_403 = vector.extract_strided_slice %dot_general3A_30 {offsets = [0, 50], sizes = [128, 50], strides = [1, 1]} : vector<128x250xf32> to vector<128x50xf32>
    %slice3A_404 = vector.extract_strided_slice %dot_general3A_85 {offsets = [0, 50], sizes = [128, 50], strides = [1, 1]} : vector<128x250xf32> to vector<128x50xf32>
    %slice3A_405 = vector.extract_strided_slice %dot_general3A_140 {offsets = [0, 50], sizes = [128, 50], strides = [1, 1]} : vector<128x250xf32> to vector<128x50xf32>
    %slice3A_406 = vector.extract_strided_slice %dot_general3A_195 {offsets = [0, 50], sizes = [128, 50], strides = [1, 1]} : vector<128x250xf32> to vector<128x50xf32>
    %slice3A_407 = vector.extract_strided_slice %dot_general3A_250 {offsets = [0, 50], sizes = [128, 50], strides = [1, 1]} : vector<128x250xf32> to vector<128x50xf32>
    %concatenate3A_408 = tpu.concatenate %slice3A_403, %slice3A_404, %slice3A_405, %slice3A_406, %slice3A_407 in 1 : vector<128x50xf32>, vector<128x50xf32>, vector<128x50xf32>, vector<128x50xf32>, vector<128x50xf32> -> vector<128x250xf32>
    %get3A_409 = arith.constant 1408 : index
    %get3A_410 = arith.constant 0 : index
    %get3A_411 = vector.load %arg2[%get3A_409, %get3A_410] : memref<3200x128xf32, #tpu.memory_space<vmem>>, vector<128x128xf32>
    %dot_general3A_412 = arith.constant dense<0.000000e+00> : vector<128x250xf32>
    %dot_general3A_413 = tpu.matmul %get3A_411, %concatenate3A_408, %dot_general3A_412 {dimension_numbers = #tpu.dot_dimension_numbers<[1], [0], [0], [1], [0, 0, 1, 1], [], []>, transpose_lhs_hint = false} : vector<128x128xf32>, vector<128x250xf32>, vector<128x250xf32> -> vector<128x250xf32>
    %add3A_414 = arith.addf %add3A_402, %dot_general3A_413 : vector<128x250xf32>
    %slice3A_415 = vector.extract_strided_slice %dot_general3A_30 {offsets = [0, 100], sizes = [128, 50], strides = [1, 1]} : vector<128x250xf32> to vector<128x50xf32>
    %slice3A_416 = vector.extract_strided_slice %dot_general3A_85 {offsets = [0, 100], sizes = [128, 50], strides = [1, 1]} : vector<128x250xf32> to vector<128x50xf32>
    %slice3A_417 = vector.extract_strided_slice %dot_general3A_140 {offsets = [0, 100], sizes = [128, 50], strides = [1, 1]} : vector<128x250xf32> to vector<128x50xf32>
    %slice3A_418 = vector.extract_strided_slice %dot_general3A_195 {offsets = [0, 100], sizes = [128, 50], strides = [1, 1]} : vector<128x250xf32> to vector<128x50xf32>
    %slice3A_419 = vector.extract_strided_slice %dot_general3A_250 {offsets = [0, 100], sizes = [128, 50], strides = [1, 1]} : vector<128x250xf32> to vector<128x50xf32>
    %concatenate3A_420 = tpu.concatenate %slice3A_415, %slice3A_416, %slice3A_417, %slice3A_418, %slice3A_419 in 1 : vector<128x50xf32>, vector<128x50xf32>, vector<128x50xf32>, vector<128x50xf32>, vector<128x50xf32> -> vector<128x250xf32>
    %get3A_421 = arith.constant 1536 : index
    %get3A_422 = arith.constant 0 : index
    %get3A_423 = vector.load %arg2[%get3A_421, %get3A_422] : memref<3200x128xf32, #tpu.memory_space<vmem>>, vector<128x128xf32>
    %dot_general3A_424 = arith.constant dense<0.000000e+00> : vector<128x250xf32>
    %dot_general3A_425 = tpu.matmul %get3A_423, %concatenate3A_420, %dot_general3A_424 {dimension_numbers = #tpu.dot_dimension_numbers<[1], [0], [0], [1], [0, 0, 1, 1], [], []>, transpose_lhs_hint = false} : vector<128x128xf32>, vector<128x250xf32>, vector<128x250xf32> -> vector<128x250xf32>
    %add3A_426 = arith.addf %add3A_414, %dot_general3A_425 : vector<128x250xf32>
    %slice3A_427 = vector.extract_strided_slice %dot_general3A_30 {offsets = [0, 150], sizes = [128, 50], strides = [1, 1]} : vector<128x250xf32> to vector<128x50xf32>
    %slice3A_428 = vector.extract_strided_slice %dot_general3A_85 {offsets = [0, 150], sizes = [128, 50], strides = [1, 1]} : vector<128x250xf32> to vector<128x50xf32>
    %slice3A_429 = vector.extract_strided_slice %dot_general3A_140 {offsets = [0, 150], sizes = [128, 50], strides = [1, 1]} : vector<128x250xf32> to vector<128x50xf32>
    %slice3A_430 = vector.extract_strided_slice %dot_general3A_195 {offsets = [0, 150], sizes = [128, 50], strides = [1, 1]} : vector<128x250xf32> to vector<128x50xf32>
    %slice3A_431 = vector.extract_strided_slice %dot_general3A_250 {offsets = [0, 150], sizes = [128, 50], strides = [1, 1]} : vector<128x250xf32> to vector<128x50xf32>
    %concatenate3A_432 = tpu.concatenate %slice3A_427, %slice3A_428, %slice3A_429, %slice3A_430, %slice3A_431 in 1 : vector<128x50xf32>, vector<128x50xf32>, vector<128x50xf32>, vector<128x50xf32>, vector<128x50xf32> -> vector<128x250xf32>
    %get3A_433 = arith.constant 1664 : index
    %get3A_434 = arith.constant 0 : index
    %get3A_435 = vector.load %arg2[%get3A_433, %get3A_434] : memref<3200x128xf32, #tpu.memory_space<vmem>>, vector<128x128xf32>
    %dot_general3A_436 = arith.constant dense<0.000000e+00> : vector<128x250xf32>
    %dot_general3A_437 = tpu.matmul %get3A_435, %concatenate3A_432, %dot_general3A_436 {dimension_numbers = #tpu.dot_dimension_numbers<[1], [0], [0], [1], [0, 0, 1, 1], [], []>, transpose_lhs_hint = false} : vector<128x128xf32>, vector<128x250xf32>, vector<128x250xf32> -> vector<128x250xf32>
    %add3A_438 = arith.addf %add3A_426, %dot_general3A_437 : vector<128x250xf32>
    %slice3A_439 = vector.extract_strided_slice %dot_general3A_30 {offsets = [0, 200], sizes = [128, 50], strides = [1, 1]} : vector<128x250xf32> to vector<128x50xf32>
    %slice3A_440 = vector.extract_strided_slice %dot_general3A_85 {offsets = [0, 200], sizes = [128, 50], strides = [1, 1]} : vector<128x250xf32> to vector<128x50xf32>
    %slice3A_441 = vector.extract_strided_slice %dot_general3A_140 {offsets = [0, 200], sizes = [128, 50], strides = [1, 1]} : vector<128x250xf32> to vector<128x50xf32>
    %slice3A_442 = vector.extract_strided_slice %dot_general3A_195 {offsets = [0, 200], sizes = [128, 50], strides = [1, 1]} : vector<128x250xf32> to vector<128x50xf32>
    %slice3A_443 = vector.extract_strided_slice %dot_general3A_250 {offsets = [0, 200], sizes = [128, 50], strides = [1, 1]} : vector<128x250xf32> to vector<128x50xf32>
    %concatenate3A_444 = tpu.concatenate %slice3A_439, %slice3A_440, %slice3A_441, %slice3A_442, %slice3A_443 in 1 : vector<128x50xf32>, vector<128x50xf32>, vector<128x50xf32>, vector<128x50xf32>, vector<128x50xf32> -> vector<128x250xf32>
    %get3A_445 = arith.constant 1792 : index
    %get3A_446 = arith.constant 0 : index
    %get3A_447 = vector.load %arg2[%get3A_445, %get3A_446] : memref<3200x128xf32, #tpu.memory_space<vmem>>, vector<128x128xf32>
    %dot_general3A_448 = arith.constant dense<0.000000e+00> : vector<128x250xf32>
    %dot_general3A_449 = tpu.matmul %get3A_447, %concatenate3A_444, %dot_general3A_448 {dimension_numbers = #tpu.dot_dimension_numbers<[1], [0], [0], [1], [0, 0, 1, 1], [], []>, transpose_lhs_hint = false} : vector<128x128xf32>, vector<128x250xf32>, vector<128x250xf32> -> vector<128x250xf32>
    %add3A_450 = arith.addf %add3A_438, %dot_general3A_449 : vector<128x250xf32>
    %slice3A_451 = vector.extract_strided_slice %dot_general3A_41 {offsets = [0, 0], sizes = [128, 50], strides = [1, 1]} : vector<128x250xf32> to vector<128x50xf32>
    %slice3A_452 = vector.extract_strided_slice %dot_general3A_96 {offsets = [0, 0], sizes = [128, 50], strides = [1, 1]} : vector<128x250xf32> to vector<128x50xf32>
    %slice3A_453 = vector.extract_strided_slice %dot_general3A_151 {offsets = [0, 0], sizes = [128, 50], strides = [1, 1]} : vector<128x250xf32> to vector<128x50xf32>
    %slice3A_454 = vector.extract_strided_slice %dot_general3A_206 {offsets = [0, 0], sizes = [128, 50], strides = [1, 1]} : vector<128x250xf32> to vector<128x50xf32>
    %slice3A_455 = vector.extract_strided_slice %dot_general3A_261 {offsets = [0, 0], sizes = [128, 50], strides = [1, 1]} : vector<128x250xf32> to vector<128x50xf32>
    %concatenate3A_456 = tpu.concatenate %slice3A_451, %slice3A_452, %slice3A_453, %slice3A_454, %slice3A_455 in 1 : vector<128x50xf32>, vector<128x50xf32>, vector<128x50xf32>, vector<128x50xf32>, vector<128x50xf32> -> vector<128x250xf32>
    %get3A_457 = arith.constant 1920 : index
    %get3A_458 = arith.constant 0 : index
    %get3A_459 = vector.load %arg2[%get3A_457, %get3A_458] : memref<3200x128xf32, #tpu.memory_space<vmem>>, vector<128x128xf32>
    %dot_general3A_460 = arith.constant dense<0.000000e+00> : vector<128x250xf32>
    %dot_general3A_461 = tpu.matmul %get3A_459, %concatenate3A_456, %dot_general3A_460 {dimension_numbers = #tpu.dot_dimension_numbers<[1], [0], [0], [1], [0, 0, 1, 1], [], []>, transpose_lhs_hint = false} : vector<128x128xf32>, vector<128x250xf32>, vector<128x250xf32> -> vector<128x250xf32>
    %add3A_462 = arith.addf %add3A_450, %dot_general3A_461 : vector<128x250xf32>
    %slice3A_463 = vector.extract_strided_slice %dot_general3A_41 {offsets = [0, 50], sizes = [128, 50], strides = [1, 1]} : vector<128x250xf32> to vector<128x50xf32>
    %slice3A_464 = vector.extract_strided_slice %dot_general3A_96 {offsets = [0, 50], sizes = [128, 50], strides = [1, 1]} : vector<128x250xf32> to vector<128x50xf32>
    %slice3A_465 = vector.extract_strided_slice %dot_general3A_151 {offsets = [0, 50], sizes = [128, 50], strides = [1, 1]} : vector<128x250xf32> to vector<128x50xf32>
    %slice3A_466 = vector.extract_strided_slice %dot_general3A_206 {offsets = [0, 50], sizes = [128, 50], strides = [1, 1]} : vector<128x250xf32> to vector<128x50xf32>
    %slice3A_467 = vector.extract_strided_slice %dot_general3A_261 {offsets = [0, 50], sizes = [128, 50], strides = [1, 1]} : vector<128x250xf32> to vector<128x50xf32>
    %concatenate3A_468 = tpu.concatenate %slice3A_463, %slice3A_464, %slice3A_465, %slice3A_466, %slice3A_467 in 1 : vector<128x50xf32>, vector<128x50xf32>, vector<128x50xf32>, vector<128x50xf32>, vector<128x50xf32> -> vector<128x250xf32>
    %get3A_469 = arith.constant 2048 : index
    %get3A_470 = arith.constant 0 : index
    %get3A_471 = vector.load %arg2[%get3A_469, %get3A_470] : memref<3200x128xf32, #tpu.memory_space<vmem>>, vector<128x128xf32>
    %dot_general3A_472 = arith.constant dense<0.000000e+00> : vector<128x250xf32>
    %dot_general3A_473 = tpu.matmul %get3A_471, %concatenate3A_468, %dot_general3A_472 {dimension_numbers = #tpu.dot_dimension_numbers<[1], [0], [0], [1], [0, 0, 1, 1], [], []>, transpose_lhs_hint = false} : vector<128x128xf32>, vector<128x250xf32>, vector<128x250xf32> -> vector<128x250xf32>
    %add3A_474 = arith.addf %add3A_462, %dot_general3A_473 : vector<128x250xf32>
    %slice3A_475 = vector.extract_strided_slice %dot_general3A_41 {offsets = [0, 100], sizes = [128, 50], strides = [1, 1]} : vector<128x250xf32> to vector<128x50xf32>
    %slice3A_476 = vector.extract_strided_slice %dot_general3A_96 {offsets = [0, 100], sizes = [128, 50], strides = [1, 1]} : vector<128x250xf32> to vector<128x50xf32>
    %slice3A_477 = vector.extract_strided_slice %dot_general3A_151 {offsets = [0, 100], sizes = [128, 50], strides = [1, 1]} : vector<128x250xf32> to vector<128x50xf32>
    %slice3A_478 = vector.extract_strided_slice %dot_general3A_206 {offsets = [0, 100], sizes = [128, 50], strides = [1, 1]} : vector<128x250xf32> to vector<128x50xf32>
    %slice3A_479 = vector.extract_strided_slice %dot_general3A_261 {offsets = [0, 100], sizes = [128, 50], strides = [1, 1]} : vector<128x250xf32> to vector<128x50xf32>
    %concatenate3A_480 = tpu.concatenate %slice3A_475, %slice3A_476, %slice3A_477, %slice3A_478, %slice3A_479 in 1 : vector<128x50xf32>, vector<128x50xf32>, vector<128x50xf32>, vector<128x50xf32>, vector<128x50xf32> -> vector<128x250xf32>
    %get3A_481 = arith.constant 2176 : index
    %get3A_482 = arith.constant 0 : index
    %get3A_483 = vector.load %arg2[%get3A_481, %get3A_482] : memref<3200x128xf32, #tpu.memory_space<vmem>>, vector<128x128xf32>
    %dot_general3A_484 = arith.constant dense<0.000000e+00> : vector<128x250xf32>
    %dot_general3A_485 = tpu.matmul %get3A_483, %concatenate3A_480, %dot_general3A_484 {dimension_numbers = #tpu.dot_dimension_numbers<[1], [0], [0], [1], [0, 0, 1, 1], [], []>, transpose_lhs_hint = false} : vector<128x128xf32>, vector<128x250xf32>, vector<128x250xf32> -> vector<128x250xf32>
    %add3A_486 = arith.addf %add3A_474, %dot_general3A_485 : vector<128x250xf32>
    %slice3A_487 = vector.extract_strided_slice %dot_general3A_41 {offsets = [0, 150], sizes = [128, 50], strides = [1, 1]} : vector<128x250xf32> to vector<128x50xf32>
    %slice3A_488 = vector.extract_strided_slice %dot_general3A_96 {offsets = [0, 150], sizes = [128, 50], strides = [1, 1]} : vector<128x250xf32> to vector<128x50xf32>
    %slice3A_489 = vector.extract_strided_slice %dot_general3A_151 {offsets = [0, 150], sizes = [128, 50], strides = [1, 1]} : vector<128x250xf32> to vector<128x50xf32>
    %slice3A_490 = vector.extract_strided_slice %dot_general3A_206 {offsets = [0, 150], sizes = [128, 50], strides = [1, 1]} : vector<128x250xf32> to vector<128x50xf32>
    %slice3A_491 = vector.extract_strided_slice %dot_general3A_261 {offsets = [0, 150], sizes = [128, 50], strides = [1, 1]} : vector<128x250xf32> to vector<128x50xf32>
    %concatenate3A_492 = tpu.concatenate %slice3A_487, %slice3A_488, %slice3A_489, %slice3A_490, %slice3A_491 in 1 : vector<128x50xf32>, vector<128x50xf32>, vector<128x50xf32>, vector<128x50xf32>, vector<128x50xf32> -> vector<128x250xf32>
    %get3A_493 = arith.constant 2304 : index
    %get3A_494 = arith.constant 0 : index
    %get3A_495 = vector.load %arg2[%get3A_493, %get3A_494] : memref<3200x128xf32, #tpu.memory_space<vmem>>, vector<128x128xf32>
    %dot_general3A_496 = arith.constant dense<0.000000e+00> : vector<128x250xf32>
    %dot_general3A_497 = tpu.matmul %get3A_495, %concatenate3A_492, %dot_general3A_496 {dimension_numbers = #tpu.dot_dimension_numbers<[1], [0], [0], [1], [0, 0, 1, 1], [], []>, transpose_lhs_hint = false} : vector<128x128xf32>, vector<128x250xf32>, vector<128x250xf32> -> vector<128x250xf32>
    %add3A_498 = arith.addf %add3A_486, %dot_general3A_497 : vector<128x250xf32>
    %slice3A_499 = vector.extract_strided_slice %dot_general3A_41 {offsets = [0, 200], sizes = [128, 50], strides = [1, 1]} : vector<128x250xf32> to vector<128x50xf32>
    %slice3A_500 = vector.extract_strided_slice %dot_general3A_96 {offsets = [0, 200], sizes = [128, 50], strides = [1, 1]} : vector<128x250xf32> to vector<128x50xf32>
    %slice3A_501 = vector.extract_strided_slice %dot_general3A_151 {offsets = [0, 200], sizes = [128, 50], strides = [1, 1]} : vector<128x250xf32> to vector<128x50xf32>
    %slice3A_502 = vector.extract_strided_slice %dot_general3A_206 {offsets = [0, 200], sizes = [128, 50], strides = [1, 1]} : vector<128x250xf32> to vector<128x50xf32>
    %slice3A_503 = vector.extract_strided_slice %dot_general3A_261 {offsets = [0, 200], sizes = [128, 50], strides = [1, 1]} : vector<128x250xf32> to vector<128x50xf32>
    %concatenate3A_504 = tpu.concatenate %slice3A_499, %slice3A_500, %slice3A_501, %slice3A_502, %slice3A_503 in 1 : vector<128x50xf32>, vector<128x50xf32>, vector<128x50xf32>, vector<128x50xf32>, vector<128x50xf32> -> vector<128x250xf32>
    %get3A_505 = arith.constant 2432 : index
    %get3A_506 = arith.constant 0 : index
    %get3A_507 = vector.load %arg2[%get3A_505, %get3A_506] : memref<3200x128xf32, #tpu.memory_space<vmem>>, vector<128x128xf32>
    %dot_general3A_508 = arith.constant dense<0.000000e+00> : vector<128x250xf32>
    %dot_general3A_509 = tpu.matmul %get3A_507, %concatenate3A_504, %dot_general3A_508 {dimension_numbers = #tpu.dot_dimension_numbers<[1], [0], [0], [1], [0, 0, 1, 1], [], []>, transpose_lhs_hint = false} : vector<128x128xf32>, vector<128x250xf32>, vector<128x250xf32> -> vector<128x250xf32>
    %add3A_510 = arith.addf %add3A_498, %dot_general3A_509 : vector<128x250xf32>
    %slice3A_511 = vector.extract_strided_slice %dot_general3A_52 {offsets = [0, 0], sizes = [128, 50], strides = [1, 1]} : vector<128x250xf32> to vector<128x50xf32>
    %slice3A_512 = vector.extract_strided_slice %dot_general3A_107 {offsets = [0, 0], sizes = [128, 50], strides = [1, 1]} : vector<128x250xf32> to vector<128x50xf32>
    %slice3A_513 = vector.extract_strided_slice %dot_general3A_162 {offsets = [0, 0], sizes = [128, 50], strides = [1, 1]} : vector<128x250xf32> to vector<128x50xf32>
    %slice3A_514 = vector.extract_strided_slice %dot_general3A_217 {offsets = [0, 0], sizes = [128, 50], strides = [1, 1]} : vector<128x250xf32> to vector<128x50xf32>
    %slice3A_515 = vector.extract_strided_slice %dot_general3A_272 {offsets = [0, 0], sizes = [128, 50], strides = [1, 1]} : vector<128x250xf32> to vector<128x50xf32>
    %concatenate3A_516 = tpu.concatenate %slice3A_511, %slice3A_512, %slice3A_513, %slice3A_514, %slice3A_515 in 1 : vector<128x50xf32>, vector<128x50xf32>, vector<128x50xf32>, vector<128x50xf32>, vector<128x50xf32> -> vector<128x250xf32>
    %get3A_517 = arith.constant 2560 : index
    %get3A_518 = arith.constant 0 : index
    %get3A_519 = vector.load %arg2[%get3A_517, %get3A_518] : memref<3200x128xf32, #tpu.memory_space<vmem>>, vector<128x128xf32>
    %dot_general3A_520 = arith.constant dense<0.000000e+00> : vector<128x250xf32>
    %dot_general3A_521 = tpu.matmul %get3A_519, %concatenate3A_516, %dot_general3A_520 {dimension_numbers = #tpu.dot_dimension_numbers<[1], [0], [0], [1], [0, 0, 1, 1], [], []>, transpose_lhs_hint = false} : vector<128x128xf32>, vector<128x250xf32>, vector<128x250xf32> -> vector<128x250xf32>
    %add3A_522 = arith.addf %add3A_510, %dot_general3A_521 : vector<128x250xf32>
    %slice3A_523 = vector.extract_strided_slice %dot_general3A_52 {offsets = [0, 50], sizes = [128, 50], strides = [1, 1]} : vector<128x250xf32> to vector<128x50xf32>
    %slice3A_524 = vector.extract_strided_slice %dot_general3A_107 {offsets = [0, 50], sizes = [128, 50], strides = [1, 1]} : vector<128x250xf32> to vector<128x50xf32>
    %slice3A_525 = vector.extract_strided_slice %dot_general3A_162 {offsets = [0, 50], sizes = [128, 50], strides = [1, 1]} : vector<128x250xf32> to vector<128x50xf32>
    %slice3A_526 = vector.extract_strided_slice %dot_general3A_217 {offsets = [0, 50], sizes = [128, 50], strides = [1, 1]} : vector<128x250xf32> to vector<128x50xf32>
    %slice3A_527 = vector.extract_strided_slice %dot_general3A_272 {offsets = [0, 50], sizes = [128, 50], strides = [1, 1]} : vector<128x250xf32> to vector<128x50xf32>
    %concatenate3A_528 = tpu.concatenate %slice3A_523, %slice3A_524, %slice3A_525, %slice3A_526, %slice3A_527 in 1 : vector<128x50xf32>, vector<128x50xf32>, vector<128x50xf32>, vector<128x50xf32>, vector<128x50xf32> -> vector<128x250xf32>
    %get3A_529 = arith.constant 2688 : index
    %get3A_530 = arith.constant 0 : index
    %get3A_531 = vector.load %arg2[%get3A_529, %get3A_530] : memref<3200x128xf32, #tpu.memory_space<vmem>>, vector<128x128xf32>
    %dot_general3A_532 = arith.constant dense<0.000000e+00> : vector<128x250xf32>
    %dot_general3A_533 = tpu.matmul %get3A_531, %concatenate3A_528, %dot_general3A_532 {dimension_numbers = #tpu.dot_dimension_numbers<[1], [0], [0], [1], [0, 0, 1, 1], [], []>, transpose_lhs_hint = false} : vector<128x128xf32>, vector<128x250xf32>, vector<128x250xf32> -> vector<128x250xf32>
    %add3A_534 = arith.addf %add3A_522, %dot_general3A_533 : vector<128x250xf32>
    %slice3A_535 = vector.extract_strided_slice %dot_general3A_52 {offsets = [0, 100], sizes = [128, 50], strides = [1, 1]} : vector<128x250xf32> to vector<128x50xf32>
    %slice3A_536 = vector.extract_strided_slice %dot_general3A_107 {offsets = [0, 100], sizes = [128, 50], strides = [1, 1]} : vector<128x250xf32> to vector<128x50xf32>
    %slice3A_537 = vector.extract_strided_slice %dot_general3A_162 {offsets = [0, 100], sizes = [128, 50], strides = [1, 1]} : vector<128x250xf32> to vector<128x50xf32>
    %slice3A_538 = vector.extract_strided_slice %dot_general3A_217 {offsets = [0, 100], sizes = [128, 50], strides = [1, 1]} : vector<128x250xf32> to vector<128x50xf32>
    %slice3A_539 = vector.extract_strided_slice %dot_general3A_272 {offsets = [0, 100], sizes = [128, 50], strides = [1, 1]} : vector<128x250xf32> to vector<128x50xf32>
    %concatenate3A_540 = tpu.concatenate %slice3A_535, %slice3A_536, %slice3A_537, %slice3A_538, %slice3A_539 in 1 : vector<128x50xf32>, vector<128x50xf32>, vector<128x50xf32>, vector<128x50xf32>, vector<128x50xf32> -> vector<128x250xf32>
    %get3A_541 = arith.constant 2816 : index
    %get3A_542 = arith.constant 0 : index
    %get3A_543 = vector.load %arg2[%get3A_541, %get3A_542] : memref<3200x128xf32, #tpu.memory_space<vmem>>, vector<128x128xf32>
    %dot_general3A_544 = arith.constant dense<0.000000e+00> : vector<128x250xf32>
    %dot_general3A_545 = tpu.matmul %get3A_543, %concatenate3A_540, %dot_general3A_544 {dimension_numbers = #tpu.dot_dimension_numbers<[1], [0], [0], [1], [0, 0, 1, 1], [], []>, transpose_lhs_hint = false} : vector<128x128xf32>, vector<128x250xf32>, vector<128x250xf32> -> vector<128x250xf32>
    %add3A_546 = arith.addf %add3A_534, %dot_general3A_545 : vector<128x250xf32>
    %slice3A_547 = vector.extract_strided_slice %dot_general3A_52 {offsets = [0, 150], sizes = [128, 50], strides = [1, 1]} : vector<128x250xf32> to vector<128x50xf32>
    %slice3A_548 = vector.extract_strided_slice %dot_general3A_107 {offsets = [0, 150], sizes = [128, 50], strides = [1, 1]} : vector<128x250xf32> to vector<128x50xf32>
    %slice3A_549 = vector.extract_strided_slice %dot_general3A_162 {offsets = [0, 150], sizes = [128, 50], strides = [1, 1]} : vector<128x250xf32> to vector<128x50xf32>
    %slice3A_550 = vector.extract_strided_slice %dot_general3A_217 {offsets = [0, 150], sizes = [128, 50], strides = [1, 1]} : vector<128x250xf32> to vector<128x50xf32>
    %slice3A_551 = vector.extract_strided_slice %dot_general3A_272 {offsets = [0, 150], sizes = [128, 50], strides = [1, 1]} : vector<128x250xf32> to vector<128x50xf32>
    %concatenate3A_552 = tpu.concatenate %slice3A_547, %slice3A_548, %slice3A_549, %slice3A_550, %slice3A_551 in 1 : vector<128x50xf32>, vector<128x50xf32>, vector<128x50xf32>, vector<128x50xf32>, vector<128x50xf32> -> vector<128x250xf32>
    %get3A_553 = arith.constant 2944 : index
    %get3A_554 = arith.constant 0 : index
    %get3A_555 = vector.load %arg2[%get3A_553, %get3A_554] : memref<3200x128xf32, #tpu.memory_space<vmem>>, vector<128x128xf32>
    %dot_general3A_556 = arith.constant dense<0.000000e+00> : vector<128x250xf32>
    %dot_general3A_557 = tpu.matmul %get3A_555, %concatenate3A_552, %dot_general3A_556 {dimension_numbers = #tpu.dot_dimension_numbers<[1], [0], [0], [1], [0, 0, 1, 1], [], []>, transpose_lhs_hint = false} : vector<128x128xf32>, vector<128x250xf32>, vector<128x250xf32> -> vector<128x250xf32>
    %add3A_558 = arith.addf %add3A_546, %dot_general3A_557 : vector<128x250xf32>
    %slice3A_559 = vector.extract_strided_slice %dot_general3A_52 {offsets = [0, 200], sizes = [128, 50], strides = [1, 1]} : vector<128x250xf32> to vector<128x50xf32>
    %slice3A_560 = vector.extract_strided_slice %dot_general3A_107 {offsets = [0, 200], sizes = [128, 50], strides = [1, 1]} : vector<128x250xf32> to vector<128x50xf32>
    %slice3A_561 = vector.extract_strided_slice %dot_general3A_162 {offsets = [0, 200], sizes = [128, 50], strides = [1, 1]} : vector<128x250xf32> to vector<128x50xf32>
    %slice3A_562 = vector.extract_strided_slice %dot_general3A_217 {offsets = [0, 200], sizes = [128, 50], strides = [1, 1]} : vector<128x250xf32> to vector<128x50xf32>
    %slice3A_563 = vector.extract_strided_slice %dot_general3A_272 {offsets = [0, 200], sizes = [128, 50], strides = [1, 1]} : vector<128x250xf32> to vector<128x50xf32>
    %concatenate3A_564 = tpu.concatenate %slice3A_559, %slice3A_560, %slice3A_561, %slice3A_562, %slice3A_563 in 1 : vector<128x50xf32>, vector<128x50xf32>, vector<128x50xf32>, vector<128x50xf32>, vector<128x50xf32> -> vector<128x250xf32>
    %get3A_565 = arith.constant 3072 : index
    %get3A_566 = arith.constant 0 : index
    %get3A_567 = vector.load %arg2[%get3A_565, %get3A_566] : memref<3200x128xf32, #tpu.memory_space<vmem>>, vector<128x128xf32>
    %dot_general3A_568 = arith.constant dense<0.000000e+00> : vector<128x250xf32>
    %dot_general3A_569 = tpu.matmul %get3A_567, %concatenate3A_564, %dot_general3A_568 {dimension_numbers = #tpu.dot_dimension_numbers<[1], [0], [0], [1], [0, 0, 1, 1], [], []>, transpose_lhs_hint = false} : vector<128x128xf32>, vector<128x250xf32>, vector<128x250xf32> -> vector<128x250xf32>
    %add3A_570 = arith.addf %add3A_558, %dot_general3A_569 : vector<128x250xf32>
    %get3A_571 = arith.constant 0 : index
    %get3A_572 = arith.constant 0 : index
    %get3A_573 = vector.load %arg3[%get3A_571, %get3A_572] : memref<128x1xf32, #tpu.memory_space<vmem>>, vector<128x1xf32>
    %add3A_574 = vector.broadcast %get3A_573 : vector<128x1xf32> to vector<128x250xf32>
    %add3A_575 = arith.addf %add3A_570, %add3A_574 : vector<128x250xf32>
    %max3A = arith.constant 0.000000e+00 : f32
    %max3A_576 = vector.broadcast %max3A : f32 to vector<128x250xf32>
    %max3A_577 = arith.maximumf %add3A_575, %max3A_576 : vector<128x250xf32>
    %get3A_578 = arith.constant 0 : index
    %get3A_579 = arith.constant 0 : index
    %get3A_580 = vector.load %arg4[%get3A_578, %get3A_579] : memref<128x128xf32, #tpu.memory_space<vmem>>, vector<128x128xf32>
    %dot_general3A_581 = arith.constant dense<0.000000e+00> : vector<128x250xf32>
    %dot_general3A_582 = tpu.matmul %get3A_580, %max3A_577, %dot_general3A_581 {dimension_numbers = #tpu.dot_dimension_numbers<[1], [0], [0], [1], [0, 0, 1, 1], [], []>, transpose_lhs_hint = false} : vector<128x128xf32>, vector<128x250xf32>, vector<128x250xf32> -> vector<128x250xf32>
    %get3A_583 = arith.constant 0 : index
    %get3A_584 = arith.constant 0 : index
    %get3A_585 = vector.load %arg5[%get3A_583, %get3A_584] : memref<128x1xf32, #tpu.memory_space<vmem>>, vector<128x1xf32>
    %add3A_586 = vector.broadcast %get3A_585 : vector<128x1xf32> to vector<128x250xf32>
    %add3A_587 = arith.addf %dot_general3A_582, %add3A_586 : vector<128x250xf32>
    %max3A_588 = arith.constant 0.000000e+00 : f32
    %max3A_589 = vector.broadcast %max3A_588 : f32 to vector<128x250xf32>
    %max3A_590 = arith.maximumf %add3A_587, %max3A_589 : vector<128x250xf32>
    %transpose3A = tpu.transpose %max3A_590, [1, 0] : vector<128x250xf32> -> vector<250x128xf32>
    %swap3A = arith.constant 0 : index
    %swap3A_591 = arith.constant 0 : index
    %swap3A_592 = arith.constant 0 : index
    %swap3A_593 = vector.load %arg7[%swap3A, %swap3A_591, %swap3A_592] : memref<1x250x128xf32, #tpu.memory_space<vmem>>, vector<1x250x128xf32>
    %swap3A_594 = vector.shape_cast %swap3A_593 : vector<1x250x128xf32> to vector<250x128xf32>
    %swap3A_595 = vector.shape_cast %transpose3A : vector<250x128xf32> to vector<1x250x128xf32>
    tpu.vector_store %arg7[%swap3A, %swap3A_591, %swap3A_592], %swap3A_595 {strides = array<i32>} : memref<1x250x128xf32, #tpu.memory_space<vmem>>, vector<1x250x128xf32>,
    return
  }
  func.func @transform_0(%arg0: i32) -> (i32, i32, i32, i32) {
    %c0_i32 = arith.constant 0 : i32
    %c0_i32_0 = arith.constant 0 : i32
    %c0_i32_1 = arith.constant 0 : i32
    %c0_i32_2 = arith.constant 0 : i32
    return %c0_i32, %arg0, %c0_i32_0, %c0_i32_1 : i32, i32, i32, i32
  }
  func.func @transform_1(%arg0: i32) -> (i32, i32) {
    %c0_i32 = arith.constant 0 : i32
    %c0_i32_0 = arith.constant 0 : i32
    %c0_i32_1 = arith.constant 0 : i32
    return %c0_i32, %c0_i32_0 : i32, i32
  }
  func.func @transform_2(%arg0: i32) -> (i32, i32) {
    %c0_i32 = arith.constant 0 : i32
    %c0_i32_0 = arith.constant 0 : i32
    %c0_i32_1 = arith.constant 0 : i32
    return %c0_i32, %c0_i32_0 : i32, i32
  }
  func.func @transform_3(%arg0: i32) -> (i32, i32) {
    %c0_i32 = arith.constant 0 : i32
    %c0_i32_0 = arith.constant 0 : i32
    %c0_i32_1 = arith.constant 0 : i32
    return %c0_i32, %c0_i32_0 : i32, i32
  }
  func.func @transform_4(%arg0: i32) -> (i32, i32) {
    %c0_i32 = arith.constant 0 : i32
    %c0_i32_0 = arith.constant 0 : i32
    %c0_i32_1 = arith.constant 0 : i32
    return %c0_i32, %c0_i32_0 : i32, i32
  }
  func.func @transform_5(%arg0: i32) -> (i32, i32) {
    %c0_i32 = arith.constant 0 : i32
    %c0_i32_0 = arith.constant 0 : i32
    %c0_i32_1 = arith.constant 0 : i32
    return %c0_i32, %c0_i32_0 : i32, i32
  }
  func.func @transform_6(%arg0: i32) -> (i32, i32, i32) {
    %c0_i32 = arith.constant 0 : i32
    %c0_i32_0 = arith.constant 0 : i32
    %c0_i32_1 = arith.constant 0 : i32
    return %arg0, %c0_i32, %c0_i32_0 : i32, i32, i32
  }
}

module attributes {stable_mosaic.version = 14 : i64} {
  func.func @_topk_body(%arg0: i32, %arg1: memref<2560x128xf32, #tpu.memory_space<vmem>>, %arg2: memref<128x2560xf32, #tpu.memory_space<vmem>>, %arg3: memref<512x8xi32, #tpu.memory_space<vmem>>, %arg4: memref<512x8xf32, #tpu.memory_space<vmem>>) attributes {dimension_semantics = [#tpu.dimension_semantics<arbitrary>], iteration_bounds = array<i64: 5>, scalar_prefetch = 0 : i64, scratch_operands = 0 : i64, tpu.core_type = #tpu.core_type<tc>, window_params = [{pipeline_mode = #tpu.pipeline_mode<synchronous>, transform_indices = @transform_0, window_bounds = array<i64: 2560, 128>}, {pipeline_mode = #tpu.pipeline_mode<synchronous>, transform_indices = @transform_1, window_bounds = array<i64: 128, 2560>}, {transform_indices = @transform_2, window_bounds = array<i64: 512, 8>}, {transform_indices = @transform_3, window_bounds = array<i64: 512, 8>}]} {
    %mul3A = arith.constant 512 : i32
    %mul3A_0 = arith.muli %arg0, %mul3A : i32
    %get3A = arith.index_cast %mul3A_0 : i32 to index
    %get3A_1 = arith.constant 0 : index
    %get3A_2 = vector.load %arg1[%get3A, %get3A_1] : memref<2560x128xf32, #tpu.memory_space<vmem>>, vector<512x128xf32>
    %get3A_3 = arith.constant 0 : index
    %get3A_4 = arith.constant 0 : index
    %get3A_5 = vector.load %arg2[%get3A_3, %get3A_4] : memref<128x2560xf32, #tpu.memory_space<vmem>>, vector<128x2560xf32>
    %dot_general3A = arith.constant dense<0.000000e+00> : vector<512x2560xf32>
    %dot_general3A_6 = tpu.matmul %get3A_2, %get3A_5, %dot_general3A {dimension_numbers = #tpu.dot_dimension_numbers<[1], [0], [0], [1], [0, 0, 1, 1], [], []>, transpose_lhs_hint = false} : vector<512x128xf32>, vector<128x2560xf32>, vector<512x2560xf32> -> vector<512x2560xf32>
    %iota3A = tpu.iota {dimensions = array<i32: 1>} : vector<512x2560xi32>
    %mul3A_7 = arith.constant 512 : i32
    %mul3A_8 = arith.muli %arg0, %mul3A_7 : i32
    %iota3A_9 = tpu.iota {dimensions = array<i32: 0>} : vector<512x1xi32>
    %add3A = vector.broadcast %mul3A_8 : i32 to vector<512x1xi32>
    %add3A_10 = arith.addi %add3A, %iota3A_9 : vector<512x1xi32>
    %lt3A = arith.constant 2500 : i32
    %lt3A_11 = vector.broadcast %lt3A : i32 to vector<512x2560xi32>
    %lt3A_12 = arith.cmpi slt, %iota3A, %lt3A_11 : vector<512x2560xi32>
    %jit3A = arith.constant -1.000000e+30 : f32
    %broadcast_in_dim3A = vector.broadcast %jit3A : f32 to vector<512x2560xf32>
    %select_n3A = arith.select %lt3A_12, %dot_general3A_6, %broadcast_in_dim3A : vector<512x2560xi1>, vector<512x2560xf32>
    %reduce_max3A = arith.constant dense<0xFF800000> : vector<512xf32>
    %reduce_max3A_13 = vector.multi_reduction <maximumf>, %select_n3A, %reduce_max3A [1] : vector<512x2560xf32> to vector<512xf32>
    %broadcast_in_dim3A_14 = vector.shape_cast %reduce_max3A_13 : vector<512xf32> to vector<512x1xf32>
    %eq3A = vector.broadcast %broadcast_in_dim3A_14 : vector<512x1xf32> to vector<512x2560xf32>
    %eq3A_15 = arith.cmpf oeq, %select_n3A, %eq3A : vector<512x2560xf32>
    %gt3A = arith.constant -1.000000e+30 : f32
    %gt3A_16 = vector.broadcast %gt3A : f32 to vector<512x1xf32>
    %gt3A_17 = arith.cmpf ogt, %broadcast_in_dim3A_14, %gt3A_16 : vector<512x1xf32>
    %and3A = vector.broadcast %gt3A_17 : vector<512x1xi1> to vector<512x2560xi1>
    %and3A_18 = arith.andi %eq3A_15, %and3A : vector<512x2560xi1>
    %jit3A_19 = arith.constant 2560 : i32
    %broadcast_in_dim3A_20 = vector.broadcast %jit3A_19 : i32 to vector<512x2560xi32>
    %select_n3A_21 = arith.select %and3A_18, %iota3A, %broadcast_in_dim3A_20 : vector<512x2560xi1>, vector<512x2560xi32>
    %reduce_min3A = arith.constant dense<2147483647> : vector<512xi32>
    %reduce_min3A_22 = vector.multi_reduction <minsi>, %select_n3A_21, %reduce_min3A [1] : vector<512x2560xi32> to vector<512xi32>
    %broadcast_in_dim3A_23 = vector.shape_cast %reduce_min3A_22 : vector<512xi32> to vector<512x1xi32>
    %le3A = arith.cmpi sle, %add3A_10, %broadcast_in_dim3A_23 : vector<512x1xi32>
    %ne3A = arith.constant 0.000000e+00 : f32
    %ne3A_24 = vector.broadcast %ne3A : f32 to vector<512x1xf32>
    %ne3A_25 = arith.cmpf one, %broadcast_in_dim3A_14, %ne3A_24 : vector<512x1xf32>
    %and3A_26 = arith.andi %le3A, %ne3A_25 : vector<512x1xi1>
    %lt3A_27 = arith.constant 2560 : i32
    %lt3A_28 = vector.broadcast %lt3A_27 : i32 to vector<512x1xi32>
    %lt3A_29 = arith.cmpi slt, %broadcast_in_dim3A_23, %lt3A_28 : vector<512x1xi32>
    %and3A_30 = arith.andi %and3A_26, %lt3A_29 : vector<512x1xi1>
    %select_n3A_31 = arith.select %and3A_30, %broadcast_in_dim3A_23, %add3A_10 : vector<512x1xi1>, vector<512x1xi32>
    %jit3A_32 = arith.constant 1.000000e+00 : f32
    %jit3A_33 = arith.constant 0.000000e+00 : f32
    %broadcast_in_dim3A_34 = vector.broadcast %jit3A_32 : f32 to vector<512x1xf32>
    %broadcast_in_dim3A_35 = vector.broadcast %jit3A_33 : f32 to vector<512x1xf32>
    %select_n3A_36 = arith.select %and3A_30, %broadcast_in_dim3A_34, %broadcast_in_dim3A_35 : vector<512x1xi1>, vector<512x1xf32>
    %eq3A_37 = vector.broadcast %broadcast_in_dim3A_23 : vector<512x1xi32> to vector<512x2560xi32>
    %eq3A_38 = arith.cmpi eq, %iota3A, %eq3A_37 : vector<512x2560xi32>
    %jit3A_39 = arith.constant -1.000000e+30 : f32
    %broadcast_in_dim3A_40 = vector.broadcast %jit3A_39 : f32 to vector<512x2560xf32>
    %select_n3A_41 = arith.select %eq3A_38, %broadcast_in_dim3A_40, %select_n3A : vector<512x2560xi1>, vector<512x2560xf32>
    %reduce_max3A_42 = arith.constant dense<0xFF800000> : vector<512xf32>
    %reduce_max3A_43 = vector.multi_reduction <maximumf>, %select_n3A_41, %reduce_max3A_42 [1] : vector<512x2560xf32> to vector<512xf32>
    %broadcast_in_dim3A_44 = vector.shape_cast %reduce_max3A_43 : vector<512xf32> to vector<512x1xf32>
    %eq3A_45 = vector.broadcast %broadcast_in_dim3A_44 : vector<512x1xf32> to vector<512x2560xf32>
    %eq3A_46 = arith.cmpf oeq, %select_n3A_41, %eq3A_45 : vector<512x2560xf32>
    %gt3A_47 = arith.constant -1.000000e+30 : f32
    %gt3A_48 = vector.broadcast %gt3A_47 : f32 to vector<512x1xf32>
    %gt3A_49 = arith.cmpf ogt, %broadcast_in_dim3A_44, %gt3A_48 : vector<512x1xf32>
    %and3A_50 = vector.broadcast %gt3A_49 : vector<512x1xi1> to vector<512x2560xi1>
    %and3A_51 = arith.andi %eq3A_46, %and3A_50 : vector<512x2560xi1>
    %jit3A_52 = arith.constant 2560 : i32
    %broadcast_in_dim3A_53 = vector.broadcast %jit3A_52 : i32 to vector<512x2560xi32>
    %select_n3A_54 = arith.select %and3A_51, %iota3A, %broadcast_in_dim3A_53 : vector<512x2560xi1>, vector<512x2560xi32>
    %reduce_min3A_55 = arith.constant dense<2147483647> : vector<512xi32>
    %reduce_min3A_56 = vector.multi_reduction <minsi>, %select_n3A_54, %reduce_min3A_55 [1] : vector<512x2560xi32> to vector<512xi32>
    %broadcast_in_dim3A_57 = vector.shape_cast %reduce_min3A_56 : vector<512xi32> to vector<512x1xi32>
    %le3A_58 = arith.cmpi sle, %add3A_10, %broadcast_in_dim3A_57 : vector<512x1xi32>
    %ne3A_59 = arith.constant 0.000000e+00 : f32
    %ne3A_60 = vector.broadcast %ne3A_59 : f32 to vector<512x1xf32>
    %ne3A_61 = arith.cmpf one, %broadcast_in_dim3A_44, %ne3A_60 : vector<512x1xf32>
    %and3A_62 = arith.andi %le3A_58, %ne3A_61 : vector<512x1xi1>
    %lt3A_63 = arith.constant 2560 : i32
    %lt3A_64 = vector.broadcast %lt3A_63 : i32 to vector<512x1xi32>
    %lt3A_65 = arith.cmpi slt, %broadcast_in_dim3A_57, %lt3A_64 : vector<512x1xi32>
    %and3A_66 = arith.andi %and3A_62, %lt3A_65 : vector<512x1xi1>
    %select_n3A_67 = arith.select %and3A_66, %broadcast_in_dim3A_57, %add3A_10 : vector<512x1xi1>, vector<512x1xi32>
    %jit3A_68 = arith.constant 1.000000e+00 : f32
    %jit3A_69 = arith.constant 0.000000e+00 : f32
    %broadcast_in_dim3A_70 = vector.broadcast %jit3A_68 : f32 to vector<512x1xf32>
    %broadcast_in_dim3A_71 = vector.broadcast %jit3A_69 : f32 to vector<512x1xf32>
    %select_n3A_72 = arith.select %and3A_66, %broadcast_in_dim3A_70, %broadcast_in_dim3A_71 : vector<512x1xi1>, vector<512x1xf32>
    %eq3A_73 = vector.broadcast %broadcast_in_dim3A_57 : vector<512x1xi32> to vector<512x2560xi32>
    %eq3A_74 = arith.cmpi eq, %iota3A, %eq3A_73 : vector<512x2560xi32>
    %jit3A_75 = arith.constant -1.000000e+30 : f32
    %broadcast_in_dim3A_76 = vector.broadcast %jit3A_75 : f32 to vector<512x2560xf32>
    %select_n3A_77 = arith.select %eq3A_74, %broadcast_in_dim3A_76, %select_n3A_41 : vector<512x2560xi1>, vector<512x2560xf32>
    %reduce_max3A_78 = arith.constant dense<0xFF800000> : vector<512xf32>
    %reduce_max3A_79 = vector.multi_reduction <maximumf>, %select_n3A_77, %reduce_max3A_78 [1] : vector<512x2560xf32> to vector<512xf32>
    %broadcast_in_dim3A_80 = vector.shape_cast %reduce_max3A_79 : vector<512xf32> to vector<512x1xf32>
    %eq3A_81 = vector.broadcast %broadcast_in_dim3A_80 : vector<512x1xf32> to vector<512x2560xf32>
    %eq3A_82 = arith.cmpf oeq, %select_n3A_77, %eq3A_81 : vector<512x2560xf32>
    %gt3A_83 = arith.constant -1.000000e+30 : f32
    %gt3A_84 = vector.broadcast %gt3A_83 : f32 to vector<512x1xf32>
    %gt3A_85 = arith.cmpf ogt, %broadcast_in_dim3A_80, %gt3A_84 : vector<512x1xf32>
    %and3A_86 = vector.broadcast %gt3A_85 : vector<512x1xi1> to vector<512x2560xi1>
    %and3A_87 = arith.andi %eq3A_82, %and3A_86 : vector<512x2560xi1>
    %jit3A_88 = arith.constant 2560 : i32
    %broadcast_in_dim3A_89 = vector.broadcast %jit3A_88 : i32 to vector<512x2560xi32>
    %select_n3A_90 = arith.select %and3A_87, %iota3A, %broadcast_in_dim3A_89 : vector<512x2560xi1>, vector<512x2560xi32>
    %reduce_min3A_91 = arith.constant dense<2147483647> : vector<512xi32>
    %reduce_min3A_92 = vector.multi_reduction <minsi>, %select_n3A_90, %reduce_min3A_91 [1] : vector<512x2560xi32> to vector<512xi32>
    %broadcast_in_dim3A_93 = vector.shape_cast %reduce_min3A_92 : vector<512xi32> to vector<512x1xi32>
    %le3A_94 = arith.cmpi sle, %add3A_10, %broadcast_in_dim3A_93 : vector<512x1xi32>
    %ne3A_95 = arith.constant 0.000000e+00 : f32
    %ne3A_96 = vector.broadcast %ne3A_95 : f32 to vector<512x1xf32>
    %ne3A_97 = arith.cmpf one, %broadcast_in_dim3A_80, %ne3A_96 : vector<512x1xf32>
    %and3A_98 = arith.andi %le3A_94, %ne3A_97 : vector<512x1xi1>
    %lt3A_99 = arith.constant 2560 : i32
    %lt3A_100 = vector.broadcast %lt3A_99 : i32 to vector<512x1xi32>
    %lt3A_101 = arith.cmpi slt, %broadcast_in_dim3A_93, %lt3A_100 : vector<512x1xi32>
    %and3A_102 = arith.andi %and3A_98, %lt3A_101 : vector<512x1xi1>
    %select_n3A_103 = arith.select %and3A_102, %broadcast_in_dim3A_93, %add3A_10 : vector<512x1xi1>, vector<512x1xi32>
    %jit3A_104 = arith.constant 1.000000e+00 : f32
    %jit3A_105 = arith.constant 0.000000e+00 : f32
    %broadcast_in_dim3A_106 = vector.broadcast %jit3A_104 : f32 to vector<512x1xf32>
    %broadcast_in_dim3A_107 = vector.broadcast %jit3A_105 : f32 to vector<512x1xf32>
    %select_n3A_108 = arith.select %and3A_102, %broadcast_in_dim3A_106, %broadcast_in_dim3A_107 : vector<512x1xi1>, vector<512x1xf32>
    %eq3A_109 = vector.broadcast %broadcast_in_dim3A_93 : vector<512x1xi32> to vector<512x2560xi32>
    %eq3A_110 = arith.cmpi eq, %iota3A, %eq3A_109 : vector<512x2560xi32>
    %jit3A_111 = arith.constant -1.000000e+30 : f32
    %broadcast_in_dim3A_112 = vector.broadcast %jit3A_111 : f32 to vector<512x2560xf32>
    %select_n3A_113 = arith.select %eq3A_110, %broadcast_in_dim3A_112, %select_n3A_77 : vector<512x2560xi1>, vector<512x2560xf32>
    %reduce_max3A_114 = arith.constant dense<0xFF800000> : vector<512xf32>
    %reduce_max3A_115 = vector.multi_reduction <maximumf>, %select_n3A_113, %reduce_max3A_114 [1] : vector<512x2560xf32> to vector<512xf32>
    %broadcast_in_dim3A_116 = vector.shape_cast %reduce_max3A_115 : vector<512xf32> to vector<512x1xf32>
    %eq3A_117 = vector.broadcast %broadcast_in_dim3A_116 : vector<512x1xf32> to vector<512x2560xf32>
    %eq3A_118 = arith.cmpf oeq, %select_n3A_113, %eq3A_117 : vector<512x2560xf32>
    %gt3A_119 = arith.constant -1.000000e+30 : f32
    %gt3A_120 = vector.broadcast %gt3A_119 : f32 to vector<512x1xf32>
    %gt3A_121 = arith.cmpf ogt, %broadcast_in_dim3A_116, %gt3A_120 : vector<512x1xf32>
    %and3A_122 = vector.broadcast %gt3A_121 : vector<512x1xi1> to vector<512x2560xi1>
    %and3A_123 = arith.andi %eq3A_118, %and3A_122 : vector<512x2560xi1>
    %jit3A_124 = arith.constant 2560 : i32
    %broadcast_in_dim3A_125 = vector.broadcast %jit3A_124 : i32 to vector<512x2560xi32>
    %select_n3A_126 = arith.select %and3A_123, %iota3A, %broadcast_in_dim3A_125 : vector<512x2560xi1>, vector<512x2560xi32>
    %reduce_min3A_127 = arith.constant dense<2147483647> : vector<512xi32>
    %reduce_min3A_128 = vector.multi_reduction <minsi>, %select_n3A_126, %reduce_min3A_127 [1] : vector<512x2560xi32> to vector<512xi32>
    %broadcast_in_dim3A_129 = vector.shape_cast %reduce_min3A_128 : vector<512xi32> to vector<512x1xi32>
    %le3A_130 = arith.cmpi sle, %add3A_10, %broadcast_in_dim3A_129 : vector<512x1xi32>
    %ne3A_131 = arith.constant 0.000000e+00 : f32
    %ne3A_132 = vector.broadcast %ne3A_131 : f32 to vector<512x1xf32>
    %ne3A_133 = arith.cmpf one, %broadcast_in_dim3A_116, %ne3A_132 : vector<512x1xf32>
    %and3A_134 = arith.andi %le3A_130, %ne3A_133 : vector<512x1xi1>
    %lt3A_135 = arith.constant 2560 : i32
    %lt3A_136 = vector.broadcast %lt3A_135 : i32 to vector<512x1xi32>
    %lt3A_137 = arith.cmpi slt, %broadcast_in_dim3A_129, %lt3A_136 : vector<512x1xi32>
    %and3A_138 = arith.andi %and3A_134, %lt3A_137 : vector<512x1xi1>
    %select_n3A_139 = arith.select %and3A_138, %broadcast_in_dim3A_129, %add3A_10 : vector<512x1xi1>, vector<512x1xi32>
    %jit3A_140 = arith.constant 1.000000e+00 : f32
    %jit3A_141 = arith.constant 0.000000e+00 : f32
    %broadcast_in_dim3A_142 = vector.broadcast %jit3A_140 : f32 to vector<512x1xf32>
    %broadcast_in_dim3A_143 = vector.broadcast %jit3A_141 : f32 to vector<512x1xf32>
    %select_n3A_144 = arith.select %and3A_138, %broadcast_in_dim3A_142, %broadcast_in_dim3A_143 : vector<512x1xi1>, vector<512x1xf32>
    %eq3A_145 = vector.broadcast %broadcast_in_dim3A_129 : vector<512x1xi32> to vector<512x2560xi32>
    %eq3A_146 = arith.cmpi eq, %iota3A, %eq3A_145 : vector<512x2560xi32>
    %jit3A_147 = arith.constant -1.000000e+30 : f32
    %broadcast_in_dim3A_148 = vector.broadcast %jit3A_147 : f32 to vector<512x2560xf32>
    %select_n3A_149 = arith.select %eq3A_146, %broadcast_in_dim3A_148, %select_n3A_113 : vector<512x2560xi1>, vector<512x2560xf32>
    %reduce_max3A_150 = arith.constant dense<0xFF800000> : vector<512xf32>
    %reduce_max3A_151 = vector.multi_reduction <maximumf>, %select_n3A_149, %reduce_max3A_150 [1] : vector<512x2560xf32> to vector<512xf32>
    %broadcast_in_dim3A_152 = vector.shape_cast %reduce_max3A_151 : vector<512xf32> to vector<512x1xf32>
    %eq3A_153 = vector.broadcast %broadcast_in_dim3A_152 : vector<512x1xf32> to vector<512x2560xf32>
    %eq3A_154 = arith.cmpf oeq, %select_n3A_149, %eq3A_153 : vector<512x2560xf32>
    %gt3A_155 = arith.constant -1.000000e+30 : f32
    %gt3A_156 = vector.broadcast %gt3A_155 : f32 to vector<512x1xf32>
    %gt3A_157 = arith.cmpf ogt, %broadcast_in_dim3A_152, %gt3A_156 : vector<512x1xf32>
    %and3A_158 = vector.broadcast %gt3A_157 : vector<512x1xi1> to vector<512x2560xi1>
    %and3A_159 = arith.andi %eq3A_154, %and3A_158 : vector<512x2560xi1>
    %jit3A_160 = arith.constant 2560 : i32
    %broadcast_in_dim3A_161 = vector.broadcast %jit3A_160 : i32 to vector<512x2560xi32>
    %select_n3A_162 = arith.select %and3A_159, %iota3A, %broadcast_in_dim3A_161 : vector<512x2560xi1>, vector<512x2560xi32>
    %reduce_min3A_163 = arith.constant dense<2147483647> : vector<512xi32>
    %reduce_min3A_164 = vector.multi_reduction <minsi>, %select_n3A_162, %reduce_min3A_163 [1] : vector<512x2560xi32> to vector<512xi32>
    %broadcast_in_dim3A_165 = vector.shape_cast %reduce_min3A_164 : vector<512xi32> to vector<512x1xi32>
    %le3A_166 = arith.cmpi sle, %add3A_10, %broadcast_in_dim3A_165 : vector<512x1xi32>
    %ne3A_167 = arith.constant 0.000000e+00 : f32
    %ne3A_168 = vector.broadcast %ne3A_167 : f32 to vector<512x1xf32>
    %ne3A_169 = arith.cmpf one, %broadcast_in_dim3A_152, %ne3A_168 : vector<512x1xf32>
    %and3A_170 = arith.andi %le3A_166, %ne3A_169 : vector<512x1xi1>
    %lt3A_171 = arith.constant 2560 : i32
    %lt3A_172 = vector.broadcast %lt3A_171 : i32 to vector<512x1xi32>
    %lt3A_173 = arith.cmpi slt, %broadcast_in_dim3A_165, %lt3A_172 : vector<512x1xi32>
    %and3A_174 = arith.andi %and3A_170, %lt3A_173 : vector<512x1xi1>
    %select_n3A_175 = arith.select %and3A_174, %broadcast_in_dim3A_165, %add3A_10 : vector<512x1xi1>, vector<512x1xi32>
    %jit3A_176 = arith.constant 1.000000e+00 : f32
    %jit3A_177 = arith.constant 0.000000e+00 : f32
    %broadcast_in_dim3A_178 = vector.broadcast %jit3A_176 : f32 to vector<512x1xf32>
    %broadcast_in_dim3A_179 = vector.broadcast %jit3A_177 : f32 to vector<512x1xf32>
    %select_n3A_180 = arith.select %and3A_174, %broadcast_in_dim3A_178, %broadcast_in_dim3A_179 : vector<512x1xi1>, vector<512x1xf32>
    %eq3A_181 = vector.broadcast %broadcast_in_dim3A_165 : vector<512x1xi32> to vector<512x2560xi32>
    %eq3A_182 = arith.cmpi eq, %iota3A, %eq3A_181 : vector<512x2560xi32>
    %jit3A_183 = arith.constant -1.000000e+30 : f32
    %broadcast_in_dim3A_184 = vector.broadcast %jit3A_183 : f32 to vector<512x2560xf32>
    %select_n3A_185 = arith.select %eq3A_182, %broadcast_in_dim3A_184, %select_n3A_149 : vector<512x2560xi1>, vector<512x2560xf32>
    %reduce_max3A_186 = arith.constant dense<0xFF800000> : vector<512xf32>
    %reduce_max3A_187 = vector.multi_reduction <maximumf>, %select_n3A_185, %reduce_max3A_186 [1] : vector<512x2560xf32> to vector<512xf32>
    %broadcast_in_dim3A_188 = vector.shape_cast %reduce_max3A_187 : vector<512xf32> to vector<512x1xf32>
    %eq3A_189 = vector.broadcast %broadcast_in_dim3A_188 : vector<512x1xf32> to vector<512x2560xf32>
    %eq3A_190 = arith.cmpf oeq, %select_n3A_185, %eq3A_189 : vector<512x2560xf32>
    %gt3A_191 = arith.constant -1.000000e+30 : f32
    %gt3A_192 = vector.broadcast %gt3A_191 : f32 to vector<512x1xf32>
    %gt3A_193 = arith.cmpf ogt, %broadcast_in_dim3A_188, %gt3A_192 : vector<512x1xf32>
    %and3A_194 = vector.broadcast %gt3A_193 : vector<512x1xi1> to vector<512x2560xi1>
    %and3A_195 = arith.andi %eq3A_190, %and3A_194 : vector<512x2560xi1>
    %jit3A_196 = arith.constant 2560 : i32
    %broadcast_in_dim3A_197 = vector.broadcast %jit3A_196 : i32 to vector<512x2560xi32>
    %select_n3A_198 = arith.select %and3A_195, %iota3A, %broadcast_in_dim3A_197 : vector<512x2560xi1>, vector<512x2560xi32>
    %reduce_min3A_199 = arith.constant dense<2147483647> : vector<512xi32>
    %reduce_min3A_200 = vector.multi_reduction <minsi>, %select_n3A_198, %reduce_min3A_199 [1] : vector<512x2560xi32> to vector<512xi32>
    %broadcast_in_dim3A_201 = vector.shape_cast %reduce_min3A_200 : vector<512xi32> to vector<512x1xi32>
    %le3A_202 = arith.cmpi sle, %add3A_10, %broadcast_in_dim3A_201 : vector<512x1xi32>
    %ne3A_203 = arith.constant 0.000000e+00 : f32
    %ne3A_204 = vector.broadcast %ne3A_203 : f32 to vector<512x1xf32>
    %ne3A_205 = arith.cmpf one, %broadcast_in_dim3A_188, %ne3A_204 : vector<512x1xf32>
    %and3A_206 = arith.andi %le3A_202, %ne3A_205 : vector<512x1xi1>
    %lt3A_207 = arith.constant 2560 : i32
    %lt3A_208 = vector.broadcast %lt3A_207 : i32 to vector<512x1xi32>
    %lt3A_209 = arith.cmpi slt, %broadcast_in_dim3A_201, %lt3A_208 : vector<512x1xi32>
    %and3A_210 = arith.andi %and3A_206, %lt3A_209 : vector<512x1xi1>
    %select_n3A_211 = arith.select %and3A_210, %broadcast_in_dim3A_201, %add3A_10 : vector<512x1xi1>, vector<512x1xi32>
    %jit3A_212 = arith.constant 1.000000e+00 : f32
    %jit3A_213 = arith.constant 0.000000e+00 : f32
    %broadcast_in_dim3A_214 = vector.broadcast %jit3A_212 : f32 to vector<512x1xf32>
    %broadcast_in_dim3A_215 = vector.broadcast %jit3A_213 : f32 to vector<512x1xf32>
    %select_n3A_216 = arith.select %and3A_210, %broadcast_in_dim3A_214, %broadcast_in_dim3A_215 : vector<512x1xi1>, vector<512x1xf32>
    %eq3A_217 = vector.broadcast %broadcast_in_dim3A_201 : vector<512x1xi32> to vector<512x2560xi32>
    %eq3A_218 = arith.cmpi eq, %iota3A, %eq3A_217 : vector<512x2560xi32>
    %jit3A_219 = arith.constant -1.000000e+30 : f32
    %broadcast_in_dim3A_220 = vector.broadcast %jit3A_219 : f32 to vector<512x2560xf32>
    %select_n3A_221 = arith.select %eq3A_218, %broadcast_in_dim3A_220, %select_n3A_185 : vector<512x2560xi1>, vector<512x2560xf32>
    %reduce_max3A_222 = arith.constant dense<0xFF800000> : vector<512xf32>
    %reduce_max3A_223 = vector.multi_reduction <maximumf>, %select_n3A_221, %reduce_max3A_222 [1] : vector<512x2560xf32> to vector<512xf32>
    %broadcast_in_dim3A_224 = vector.shape_cast %reduce_max3A_223 : vector<512xf32> to vector<512x1xf32>
    %eq3A_225 = vector.broadcast %broadcast_in_dim3A_224 : vector<512x1xf32> to vector<512x2560xf32>
    %eq3A_226 = arith.cmpf oeq, %select_n3A_221, %eq3A_225 : vector<512x2560xf32>
    %gt3A_227 = arith.constant -1.000000e+30 : f32
    %gt3A_228 = vector.broadcast %gt3A_227 : f32 to vector<512x1xf32>
    %gt3A_229 = arith.cmpf ogt, %broadcast_in_dim3A_224, %gt3A_228 : vector<512x1xf32>
    %and3A_230 = vector.broadcast %gt3A_229 : vector<512x1xi1> to vector<512x2560xi1>
    %and3A_231 = arith.andi %eq3A_226, %and3A_230 : vector<512x2560xi1>
    %jit3A_232 = arith.constant 2560 : i32
    %broadcast_in_dim3A_233 = vector.broadcast %jit3A_232 : i32 to vector<512x2560xi32>
    %select_n3A_234 = arith.select %and3A_231, %iota3A, %broadcast_in_dim3A_233 : vector<512x2560xi1>, vector<512x2560xi32>
    %reduce_min3A_235 = arith.constant dense<2147483647> : vector<512xi32>
    %reduce_min3A_236 = vector.multi_reduction <minsi>, %select_n3A_234, %reduce_min3A_235 [1] : vector<512x2560xi32> to vector<512xi32>
    %broadcast_in_dim3A_237 = vector.shape_cast %reduce_min3A_236 : vector<512xi32> to vector<512x1xi32>
    %le3A_238 = arith.cmpi sle, %add3A_10, %broadcast_in_dim3A_237 : vector<512x1xi32>
    %ne3A_239 = arith.constant 0.000000e+00 : f32
    %ne3A_240 = vector.broadcast %ne3A_239 : f32 to vector<512x1xf32>
    %ne3A_241 = arith.cmpf one, %broadcast_in_dim3A_224, %ne3A_240 : vector<512x1xf32>
    %and3A_242 = arith.andi %le3A_238, %ne3A_241 : vector<512x1xi1>
    %lt3A_243 = arith.constant 2560 : i32
    %lt3A_244 = vector.broadcast %lt3A_243 : i32 to vector<512x1xi32>
    %lt3A_245 = arith.cmpi slt, %broadcast_in_dim3A_237, %lt3A_244 : vector<512x1xi32>
    %and3A_246 = arith.andi %and3A_242, %lt3A_245 : vector<512x1xi1>
    %select_n3A_247 = arith.select %and3A_246, %broadcast_in_dim3A_237, %add3A_10 : vector<512x1xi1>, vector<512x1xi32>
    %jit3A_248 = arith.constant 1.000000e+00 : f32
    %jit3A_249 = arith.constant 0.000000e+00 : f32
    %broadcast_in_dim3A_250 = vector.broadcast %jit3A_248 : f32 to vector<512x1xf32>
    %broadcast_in_dim3A_251 = vector.broadcast %jit3A_249 : f32 to vector<512x1xf32>
    %select_n3A_252 = arith.select %and3A_246, %broadcast_in_dim3A_250, %broadcast_in_dim3A_251 : vector<512x1xi1>, vector<512x1xf32>
    %broadcast_in_dim3A_253 = arith.constant 1.000000e+00 : f32
    %broadcast_in_dim3A_254 = vector.broadcast %broadcast_in_dim3A_253 : f32 to vector<512x1xf32>
    %concatenate3A = tpu.concatenate %select_n3A_31, %select_n3A_67, %select_n3A_103, %select_n3A_139, %select_n3A_175, %select_n3A_211, %select_n3A_247, %add3A_10 in 1 : vector<512x1xi32>, vector<512x1xi32>, vector<512x1xi32>, vector<512x1xi32>, vector<512x1xi32>, vector<512x1xi32>, vector<512x1xi32>, vector<512x1xi32> -> vector<512x8xi32>
    %swap3A = arith.constant 0 : index
    %swap3A_255 = arith.constant 0 : index
    %swap3A_256 = vector.load %arg3[%swap3A, %swap3A_255] : memref<512x8xi32, #tpu.memory_space<vmem>>, vector<512x8xi32>
    tpu.vector_store %arg3[%swap3A, %swap3A_255], %concatenate3A {strides = array<i32>} : memref<512x8xi32, #tpu.memory_space<vmem>>, vector<512x8xi32>,
    %concatenate3A_257 = tpu.concatenate %select_n3A_36, %select_n3A_72, %select_n3A_108, %select_n3A_144, %select_n3A_180, %select_n3A_216, %select_n3A_252, %broadcast_in_dim3A_254 in 1 : vector<512x1xf32>, vector<512x1xf32>, vector<512x1xf32>, vector<512x1xf32>, vector<512x1xf32>, vector<512x1xf32>, vector<512x1xf32>, vector<512x1xf32> -> vector<512x8xf32>
    %swap3A_258 = arith.constant 0 : index
    %swap3A_259 = arith.constant 0 : index
    %swap3A_260 = vector.load %arg4[%swap3A_258, %swap3A_259] : memref<512x8xf32, #tpu.memory_space<vmem>>, vector<512x8xf32>
    tpu.vector_store %arg4[%swap3A_258, %swap3A_259], %concatenate3A_257 {strides = array<i32>} : memref<512x8xf32, #tpu.memory_space<vmem>>, vector<512x8xf32>,
    return
  }
  func.func @transform_0(%arg0: i32) -> (i32, i32) {
    %c0_i32 = arith.constant 0 : i32
    %c0_i32_0 = arith.constant 0 : i32
    %c0_i32_1 = arith.constant 0 : i32
    return %c0_i32, %c0_i32_0 : i32, i32
  }
  func.func @transform_1(%arg0: i32) -> (i32, i32) {
    %c0_i32 = arith.constant 0 : i32
    %c0_i32_0 = arith.constant 0 : i32
    %c0_i32_1 = arith.constant 0 : i32
    return %c0_i32, %c0_i32_0 : i32, i32
  }
  func.func @transform_2(%arg0: i32) -> (i32, i32) {
    %c0_i32 = arith.constant 0 : i32
    %c0_i32_0 = arith.constant 0 : i32
    return %arg0, %c0_i32 : i32, i32
  }
  func.func @transform_3(%arg0: i32) -> (i32, i32) {
    %c0_i32 = arith.constant 0 : i32
    %c0_i32_0 = arith.constant 0 : i32
    return %arg0, %c0_i32 : i32, i32
  }
}

module attributes {stable_mosaic.version = 14 : i64} {
  func.func @_att_hi_body(%arg0: i32, %arg1: memref<512x128xf32, #tpu.memory_space<vmem>>, %arg2: memref<8x512x128xf32, #tpu.memory_space<vmem>>, %arg3: memref<512x8xf32, #tpu.memory_space<vmem>>, %arg4: memref<128x1024xf32, #tpu.memory_space<vmem>>, %arg5: memref<1x1024xf32, #tpu.memory_space<vmem>>, %arg6: memref<128x1024xf32, #tpu.memory_space<vmem>>, %arg7: memref<1x1024xf32, #tpu.memory_space<vmem>>, %arg8: memref<1024x8xf32, #tpu.memory_space<vmem>>, %arg9: memref<1x1024xf32, #tpu.memory_space<vmem>>, %arg10: memref<512x1024xf32, #tpu.memory_space<vmem>>) attributes {dimension_semantics = [#tpu.dimension_semantics<arbitrary>], iteration_bounds = array<i64: 5>, scalar_prefetch = 0 : i64, scratch_operands = 0 : i64, tpu.core_type = #tpu.core_type<tc>, window_params = [{transform_indices = @transform_0, window_bounds = array<i64: 512, 128>}, {transform_indices = @transform_1, window_bounds = array<i64: 8, 512, 128>}, {transform_indices = @transform_2, window_bounds = array<i64: 512, 8>}, {pipeline_mode = #tpu.pipeline_mode<synchronous>, transform_indices = @transform_3, window_bounds = array<i64: 128, 1024>}, {pipeline_mode = #tpu.pipeline_mode<synchronous>, transform_indices = @transform_4, window_bounds = array<i64: 1, 1024>}, {pipeline_mode = #tpu.pipeline_mode<synchronous>, transform_indices = @transform_5, window_bounds = array<i64: 128, 1024>}, {pipeline_mode = #tpu.pipeline_mode<synchronous>, transform_indices = @transform_6, window_bounds = array<i64: 1, 1024>}, {pipeline_mode = #tpu.pipeline_mode<synchronous>, transform_indices = @transform_7, window_bounds = array<i64: 1024, 8>}, {pipeline_mode = #tpu.pipeline_mode<synchronous>, transform_indices = @transform_8, window_bounds = array<i64: 1, 1024>}, {transform_indices = @transform_9, window_bounds = array<i64: 512, 1024>}]} {
    %get3A = arith.constant 0 : index
    %get3A_0 = arith.constant 0 : index
    %get3A_1 = vector.load %arg1[%get3A, %get3A_0] : memref<512x128xf32, #tpu.memory_space<vmem>>, vector<512x128xf32>
    %get3A_2 = arith.constant 0 : index
    %get3A_3 = arith.constant 0 : index
    %get3A_4 = vector.load %arg6[%get3A_2, %get3A_3] : memref<128x1024xf32, #tpu.memory_space<vmem>>, vector<128x1024xf32>
    %dot_general3A = arith.constant dense<0.000000e+00> : vector<512x1024xf32>
    %dot_general3A_5 = tpu.matmul %get3A_1, %get3A_4, %dot_general3A {dimension_numbers = #tpu.dot_dimension_numbers<[1], [0], [0], [1], [0, 0, 1, 1], [], []>, transpose_lhs_hint = false} : vector<512x128xf32>, vector<128x1024xf32>, vector<512x1024xf32> -> vector<512x1024xf32>
    %get3A_6 = arith.constant 0 : index
    %get3A_7 = arith.constant 0 : index
    %get3A_8 = vector.load %arg7[%get3A_6, %get3A_7] : memref<1x1024xf32, #tpu.memory_space<vmem>>, vector<1x1024xf32>
    %add3A = vector.broadcast %get3A_8 : vector<1x1024xf32> to vector<512x1024xf32>
    %add3A_9 = arith.addf %dot_general3A_5, %add3A : vector<512x1024xf32>
    %get3A_10 = arith.constant 0 : index
    %get3A_11 = arith.constant 0 : index
    %get3A_12 = arith.constant 0 : index
    %get3A_13 = vector.load %arg2[%get3A_10, %get3A_11, %get3A_12] : memref<8x512x128xf32, #tpu.memory_space<vmem>>, vector<1x512x128xf32>
    %get3A_14 = vector.shape_cast %get3A_13 : vector<1x512x128xf32> to vector<512x128xf32>
    %get3A_15 = arith.constant 0 : index
    %get3A_16 = arith.constant 0 : index
    %get3A_17 = vector.load %arg4[%get3A_15, %get3A_16] : memref<128x1024xf32, #tpu.memory_space<vmem>>, vector<128x1024xf32>
    %dot_general3A_18 = arith.constant dense<0.000000e+00> : vector<512x1024xf32>
    %dot_general3A_19 = tpu.matmul %get3A_14, %get3A_17, %dot_general3A_18 {dimension_numbers = #tpu.dot_dimension_numbers<[1], [0], [0], [1], [0, 0, 1, 1], [], []>, transpose_lhs_hint = false} : vector<512x128xf32>, vector<128x1024xf32>, vector<512x1024xf32> -> vector<512x1024xf32>
    %get3A_20 = arith.constant 0 : index
    %get3A_21 = arith.constant 0 : index
    %get3A_22 = vector.load %arg5[%get3A_20, %get3A_21] : memref<1x1024xf32, #tpu.memory_space<vmem>>, vector<1x1024xf32>
    %add3A_23 = vector.broadcast %get3A_22 : vector<1x1024xf32> to vector<512x1024xf32>
    %add3A_24 = arith.addf %dot_general3A_19, %add3A_23 : vector<512x1024xf32>
    %add3A_25 = arith.addf %add3A_24, %add3A_9 : vector<512x1024xf32>
    %ge3A = arith.constant 0.000000e+00 : f32
    %ge3A_26 = vector.broadcast %ge3A : f32 to vector<512x1024xf32>
    %ge3A_27 = arith.cmpf oge, %add3A_25, %ge3A_26 : vector<512x1024xf32>
    %mul3A = arith.constant 2.000000e-01 : f32
    %mul3A_28 = vector.broadcast %mul3A : f32 to vector<512x1024xf32>
    %mul3A_29 = arith.mulf %mul3A_28, %add3A_25 : vector<512x1024xf32>
    %select_n3A = arith.select %ge3A_27, %add3A_25, %mul3A_29 : vector<512x1024xi1>, vector<512x1024xf32>
    %get3A_30 = arith.constant 0 : index
    %get3A_31 = arith.constant 0 : index
    %get3A_32 = vector.load %arg8[%get3A_30, %get3A_31] : memref<1024x8xf32, #tpu.memory_space<vmem>>, vector<1024x8xf32>
    %dot_general3A_33 = arith.constant dense<0.000000e+00> : vector<512x8xf32>
    %dot_general3A_34 = tpu.matmul %select_n3A, %get3A_32, %dot_general3A_33 {dimension_numbers = #tpu.dot_dimension_numbers<[1], [0], [0], [1], [0, 0, 1, 1], [], []>, transpose_lhs_hint = false} : vector<512x1024xf32>, vector<1024x8xf32>, vector<512x8xf32> -> vector<512x8xf32>
    %get3A_35 = arith.constant 0 : index
    %get3A_36 = arith.constant 0 : index
    %get3A_37 = vector.load %arg3[%get3A_35, %get3A_36] : memref<512x8xf32, #tpu.memory_space<vmem>>, vector<512x1xf32>
    %gt3A = arith.constant 0.000000e+00 : f32
    %gt3A_38 = vector.broadcast %gt3A : f32 to vector<512x1xf32>
    %gt3A_39 = arith.cmpf ogt, %get3A_37, %gt3A_38 : vector<512x1xf32>
    %jit3A = arith.constant -1.000000e+30 : f32
    %broadcast_in_dim3A = vector.shape_cast %gt3A_39 : vector<512x1xi1> to vector<512x1xi1>
    %broadcast_in_dim3A_40 = vector.broadcast %broadcast_in_dim3A : vector<512x1xi1> to vector<512x8xi1>
    %broadcast_in_dim3A_41 = vector.broadcast %jit3A : f32 to vector<512x8xf32>
    %select_n3A_42 = arith.select %broadcast_in_dim3A_40, %dot_general3A_34, %broadcast_in_dim3A_41 : vector<512x8xi1>, vector<512x8xf32>
    %get3A_43 = arith.constant 1 : index
    %get3A_44 = arith.constant 0 : index
    %get3A_45 = arith.constant 0 : index
    %get3A_46 = vector.load %arg2[%get3A_43, %get3A_44, %get3A_45] : memref<8x512x128xf32, #tpu.memory_space<vmem>>, vector<1x512x128xf32>
    %get3A_47 = vector.shape_cast %get3A_46 : vector<1x512x128xf32> to vector<512x128xf32>
    %get3A_48 = arith.constant 0 : index
    %get3A_49 = arith.constant 0 : index
    %get3A_50 = vector.load %arg4[%get3A_48, %get3A_49] : memref<128x1024xf32, #tpu.memory_space<vmem>>, vector<128x1024xf32>
    %dot_general3A_51 = arith.constant dense<0.000000e+00> : vector<512x1024xf32>
    %dot_general3A_52 = tpu.matmul %get3A_47, %get3A_50, %dot_general3A_51 {dimension_numbers = #tpu.dot_dimension_numbers<[1], [0], [0], [1], [0, 0, 1, 1], [], []>, transpose_lhs_hint = false} : vector<512x128xf32>, vector<128x1024xf32>, vector<512x1024xf32> -> vector<512x1024xf32>
    %get3A_53 = arith.constant 0 : index
    %get3A_54 = arith.constant 0 : index
    %get3A_55 = vector.load %arg5[%get3A_53, %get3A_54] : memref<1x1024xf32, #tpu.memory_space<vmem>>, vector<1x1024xf32>
    %add3A_56 = vector.broadcast %get3A_55 : vector<1x1024xf32> to vector<512x1024xf32>
    %add3A_57 = arith.addf %dot_general3A_52, %add3A_56 : vector<512x1024xf32>
    %add3A_58 = arith.addf %add3A_57, %add3A_9 : vector<512x1024xf32>
    %ge3A_59 = arith.constant 0.000000e+00 : f32
    %ge3A_60 = vector.broadcast %ge3A_59 : f32 to vector<512x1024xf32>
    %ge3A_61 = arith.cmpf oge, %add3A_58, %ge3A_60 : vector<512x1024xf32>
    %mul3A_62 = arith.constant 2.000000e-01 : f32
    %mul3A_63 = vector.broadcast %mul3A_62 : f32 to vector<512x1024xf32>
    %mul3A_64 = arith.mulf %mul3A_63, %add3A_58 : vector<512x1024xf32>
    %select_n3A_65 = arith.select %ge3A_61, %add3A_58, %mul3A_64 : vector<512x1024xi1>, vector<512x1024xf32>
    %get3A_66 = arith.constant 0 : index
    %get3A_67 = arith.constant 0 : index
    %get3A_68 = vector.load %arg8[%get3A_66, %get3A_67] : memref<1024x8xf32, #tpu.memory_space<vmem>>, vector<1024x8xf32>
    %dot_general3A_69 = arith.constant dense<0.000000e+00> : vector<512x8xf32>
    %dot_general3A_70 = tpu.matmul %select_n3A_65, %get3A_68, %dot_general3A_69 {dimension_numbers = #tpu.dot_dimension_numbers<[1], [0], [0], [1], [0, 0, 1, 1], [], []>, transpose_lhs_hint = false} : vector<512x1024xf32>, vector<1024x8xf32>, vector<512x8xf32> -> vector<512x8xf32>
    %get3A_71 = arith.constant 0 : index
    %get3A_72 = arith.constant 1 : index
    %get3A_73 = vector.load %arg3[%get3A_71, %get3A_72] : memref<512x8xf32, #tpu.memory_space<vmem>>, vector<512x1xf32>
    %gt3A_74 = arith.constant 0.000000e+00 : f32
    %gt3A_75 = vector.broadcast %gt3A_74 : f32 to vector<512x1xf32>
    %gt3A_76 = arith.cmpf ogt, %get3A_73, %gt3A_75 : vector<512x1xf32>
    %jit3A_77 = arith.constant -1.000000e+30 : f32
    %broadcast_in_dim3A_78 = vector.shape_cast %gt3A_76 : vector<512x1xi1> to vector<512x1xi1>
    %broadcast_in_dim3A_79 = vector.broadcast %broadcast_in_dim3A_78 : vector<512x1xi1> to vector<512x8xi1>
    %broadcast_in_dim3A_80 = vector.broadcast %jit3A_77 : f32 to vector<512x8xf32>
    %select_n3A_81 = arith.select %broadcast_in_dim3A_79, %dot_general3A_70, %broadcast_in_dim3A_80 : vector<512x8xi1>, vector<512x8xf32>
    %get3A_82 = arith.constant 2 : index
    %get3A_83 = arith.constant 0 : index
    %get3A_84 = arith.constant 0 : index
    %get3A_85 = vector.load %arg2[%get3A_82, %get3A_83, %get3A_84] : memref<8x512x128xf32, #tpu.memory_space<vmem>>, vector<1x512x128xf32>
    %get3A_86 = vector.shape_cast %get3A_85 : vector<1x512x128xf32> to vector<512x128xf32>
    %get3A_87 = arith.constant 0 : index
    %get3A_88 = arith.constant 0 : index
    %get3A_89 = vector.load %arg4[%get3A_87, %get3A_88] : memref<128x1024xf32, #tpu.memory_space<vmem>>, vector<128x1024xf32>
    %dot_general3A_90 = arith.constant dense<0.000000e+00> : vector<512x1024xf32>
    %dot_general3A_91 = tpu.matmul %get3A_86, %get3A_89, %dot_general3A_90 {dimension_numbers = #tpu.dot_dimension_numbers<[1], [0], [0], [1], [0, 0, 1, 1], [], []>, transpose_lhs_hint = false} : vector<512x128xf32>, vector<128x1024xf32>, vector<512x1024xf32> -> vector<512x1024xf32>
    %get3A_92 = arith.constant 0 : index
    %get3A_93 = arith.constant 0 : index
    %get3A_94 = vector.load %arg5[%get3A_92, %get3A_93] : memref<1x1024xf32, #tpu.memory_space<vmem>>, vector<1x1024xf32>
    %add3A_95 = vector.broadcast %get3A_94 : vector<1x1024xf32> to vector<512x1024xf32>
    %add3A_96 = arith.addf %dot_general3A_91, %add3A_95 : vector<512x1024xf32>
    %add3A_97 = arith.addf %add3A_96, %add3A_9 : vector<512x1024xf32>
    %ge3A_98 = arith.constant 0.000000e+00 : f32
    %ge3A_99 = vector.broadcast %ge3A_98 : f32 to vector<512x1024xf32>
    %ge3A_100 = arith.cmpf oge, %add3A_97, %ge3A_99 : vector<512x1024xf32>
    %mul3A_101 = arith.constant 2.000000e-01 : f32
    %mul3A_102 = vector.broadcast %mul3A_101 : f32 to vector<512x1024xf32>
    %mul3A_103 = arith.mulf %mul3A_102, %add3A_97 : vector<512x1024xf32>
    %select_n3A_104 = arith.select %ge3A_100, %add3A_97, %mul3A_103 : vector<512x1024xi1>, vector<512x1024xf32>
    %get3A_105 = arith.constant 0 : index
    %get3A_106 = arith.constant 0 : index
    %get3A_107 = vector.load %arg8[%get3A_105, %get3A_106] : memref<1024x8xf32, #tpu.memory_space<vmem>>, vector<1024x8xf32>
    %dot_general3A_108 = arith.constant dense<0.000000e+00> : vector<512x8xf32>
    %dot_general3A_109 = tpu.matmul %select_n3A_104, %get3A_107, %dot_general3A_108 {dimension_numbers = #tpu.dot_dimension_numbers<[1], [0], [0], [1], [0, 0, 1, 1], [], []>, transpose_lhs_hint = false} : vector<512x1024xf32>, vector<1024x8xf32>, vector<512x8xf32> -> vector<512x8xf32>
    %get3A_110 = arith.constant 0 : index
    %get3A_111 = arith.constant 2 : index
    %get3A_112 = vector.load %arg3[%get3A_110, %get3A_111] : memref<512x8xf32, #tpu.memory_space<vmem>>, vector<512x1xf32>
    %gt3A_113 = arith.constant 0.000000e+00 : f32
    %gt3A_114 = vector.broadcast %gt3A_113 : f32 to vector<512x1xf32>
    %gt3A_115 = arith.cmpf ogt, %get3A_112, %gt3A_114 : vector<512x1xf32>
    %jit3A_116 = arith.constant -1.000000e+30 : f32
    %broadcast_in_dim3A_117 = vector.shape_cast %gt3A_115 : vector<512x1xi1> to vector<512x1xi1>
    %broadcast_in_dim3A_118 = vector.broadcast %broadcast_in_dim3A_117 : vector<512x1xi1> to vector<512x8xi1>
    %broadcast_in_dim3A_119 = vector.broadcast %jit3A_116 : f32 to vector<512x8xf32>
    %select_n3A_120 = arith.select %broadcast_in_dim3A_118, %dot_general3A_109, %broadcast_in_dim3A_119 : vector<512x8xi1>, vector<512x8xf32>
    %get3A_121 = arith.constant 3 : index
    %get3A_122 = arith.constant 0 : index
    %get3A_123 = arith.constant 0 : index
    %get3A_124 = vector.load %arg2[%get3A_121, %get3A_122, %get3A_123] : memref<8x512x128xf32, #tpu.memory_space<vmem>>, vector<1x512x128xf32>
    %get3A_125 = vector.shape_cast %get3A_124 : vector<1x512x128xf32> to vector<512x128xf32>
    %get3A_126 = arith.constant 0 : index
    %get3A_127 = arith.constant 0 : index
    %get3A_128 = vector.load %arg4[%get3A_126, %get3A_127] : memref<128x1024xf32, #tpu.memory_space<vmem>>, vector<128x1024xf32>
    %dot_general3A_129 = arith.constant dense<0.000000e+00> : vector<512x1024xf32>
    %dot_general3A_130 = tpu.matmul %get3A_125, %get3A_128, %dot_general3A_129 {dimension_numbers = #tpu.dot_dimension_numbers<[1], [0], [0], [1], [0, 0, 1, 1], [], []>, transpose_lhs_hint = false} : vector<512x128xf32>, vector<128x1024xf32>, vector<512x1024xf32> -> vector<512x1024xf32>
    %get3A_131 = arith.constant 0 : index
    %get3A_132 = arith.constant 0 : index
    %get3A_133 = vector.load %arg5[%get3A_131, %get3A_132] : memref<1x1024xf32, #tpu.memory_space<vmem>>, vector<1x1024xf32>
    %add3A_134 = vector.broadcast %get3A_133 : vector<1x1024xf32> to vector<512x1024xf32>
    %add3A_135 = arith.addf %dot_general3A_130, %add3A_134 : vector<512x1024xf32>
    %add3A_136 = arith.addf %add3A_135, %add3A_9 : vector<512x1024xf32>
    %ge3A_137 = arith.constant 0.000000e+00 : f32
    %ge3A_138 = vector.broadcast %ge3A_137 : f32 to vector<512x1024xf32>
    %ge3A_139 = arith.cmpf oge, %add3A_136, %ge3A_138 : vector<512x1024xf32>
    %mul3A_140 = arith.constant 2.000000e-01 : f32
    %mul3A_141 = vector.broadcast %mul3A_140 : f32 to vector<512x1024xf32>
    %mul3A_142 = arith.mulf %mul3A_141, %add3A_136 : vector<512x1024xf32>
    %select_n3A_143 = arith.select %ge3A_139, %add3A_136, %mul3A_142 : vector<512x1024xi1>, vector<512x1024xf32>
    %get3A_144 = arith.constant 0 : index
    %get3A_145 = arith.constant 0 : index
    %get3A_146 = vector.load %arg8[%get3A_144, %get3A_145] : memref<1024x8xf32, #tpu.memory_space<vmem>>, vector<1024x8xf32>
    %dot_general3A_147 = arith.constant dense<0.000000e+00> : vector<512x8xf32>
    %dot_general3A_148 = tpu.matmul %select_n3A_143, %get3A_146, %dot_general3A_147 {dimension_numbers = #tpu.dot_dimension_numbers<[1], [0], [0], [1], [0, 0, 1, 1], [], []>, transpose_lhs_hint = false} : vector<512x1024xf32>, vector<1024x8xf32>, vector<512x8xf32> -> vector<512x8xf32>
    %get3A_149 = arith.constant 0 : index
    %get3A_150 = arith.constant 3 : index
    %get3A_151 = vector.load %arg3[%get3A_149, %get3A_150] : memref<512x8xf32, #tpu.memory_space<vmem>>, vector<512x1xf32>
    %gt3A_152 = arith.constant 0.000000e+00 : f32
    %gt3A_153 = vector.broadcast %gt3A_152 : f32 to vector<512x1xf32>
    %gt3A_154 = arith.cmpf ogt, %get3A_151, %gt3A_153 : vector<512x1xf32>
    %jit3A_155 = arith.constant -1.000000e+30 : f32
    %broadcast_in_dim3A_156 = vector.shape_cast %gt3A_154 : vector<512x1xi1> to vector<512x1xi1>
    %broadcast_in_dim3A_157 = vector.broadcast %broadcast_in_dim3A_156 : vector<512x1xi1> to vector<512x8xi1>
    %broadcast_in_dim3A_158 = vector.broadcast %jit3A_155 : f32 to vector<512x8xf32>
    %select_n3A_159 = arith.select %broadcast_in_dim3A_157, %dot_general3A_148, %broadcast_in_dim3A_158 : vector<512x8xi1>, vector<512x8xf32>
    %get3A_160 = arith.constant 4 : index
    %get3A_161 = arith.constant 0 : index
    %get3A_162 = arith.constant 0 : index
    %get3A_163 = vector.load %arg2[%get3A_160, %get3A_161, %get3A_162] : memref<8x512x128xf32, #tpu.memory_space<vmem>>, vector<1x512x128xf32>
    %get3A_164 = vector.shape_cast %get3A_163 : vector<1x512x128xf32> to vector<512x128xf32>
    %get3A_165 = arith.constant 0 : index
    %get3A_166 = arith.constant 0 : index
    %get3A_167 = vector.load %arg4[%get3A_165, %get3A_166] : memref<128x1024xf32, #tpu.memory_space<vmem>>, vector<128x1024xf32>
    %dot_general3A_168 = arith.constant dense<0.000000e+00> : vector<512x1024xf32>
    %dot_general3A_169 = tpu.matmul %get3A_164, %get3A_167, %dot_general3A_168 {dimension_numbers = #tpu.dot_dimension_numbers<[1], [0], [0], [1], [0, 0, 1, 1], [], []>, transpose_lhs_hint = false} : vector<512x128xf32>, vector<128x1024xf32>, vector<512x1024xf32> -> vector<512x1024xf32>
    %get3A_170 = arith.constant 0 : index
    %get3A_171 = arith.constant 0 : index
    %get3A_172 = vector.load %arg5[%get3A_170, %get3A_171] : memref<1x1024xf32, #tpu.memory_space<vmem>>, vector<1x1024xf32>
    %add3A_173 = vector.broadcast %get3A_172 : vector<1x1024xf32> to vector<512x1024xf32>
    %add3A_174 = arith.addf %dot_general3A_169, %add3A_173 : vector<512x1024xf32>
    %add3A_175 = arith.addf %add3A_174, %add3A_9 : vector<512x1024xf32>
    %ge3A_176 = arith.constant 0.000000e+00 : f32
    %ge3A_177 = vector.broadcast %ge3A_176 : f32 to vector<512x1024xf32>
    %ge3A_178 = arith.cmpf oge, %add3A_175, %ge3A_177 : vector<512x1024xf32>
    %mul3A_179 = arith.constant 2.000000e-01 : f32
    %mul3A_180 = vector.broadcast %mul3A_179 : f32 to vector<512x1024xf32>
    %mul3A_181 = arith.mulf %mul3A_180, %add3A_175 : vector<512x1024xf32>
    %select_n3A_182 = arith.select %ge3A_178, %add3A_175, %mul3A_181 : vector<512x1024xi1>, vector<512x1024xf32>
    %get3A_183 = arith.constant 0 : index
    %get3A_184 = arith.constant 0 : index
    %get3A_185 = vector.load %arg8[%get3A_183, %get3A_184] : memref<1024x8xf32, #tpu.memory_space<vmem>>, vector<1024x8xf32>
    %dot_general3A_186 = arith.constant dense<0.000000e+00> : vector<512x8xf32>
    %dot_general3A_187 = tpu.matmul %select_n3A_182, %get3A_185, %dot_general3A_186 {dimension_numbers = #tpu.dot_dimension_numbers<[1], [0], [0], [1], [0, 0, 1, 1], [], []>, transpose_lhs_hint = false} : vector<512x1024xf32>, vector<1024x8xf32>, vector<512x8xf32> -> vector<512x8xf32>
    %get3A_188 = arith.constant 0 : index
    %get3A_189 = arith.constant 4 : index
    %get3A_190 = vector.load %arg3[%get3A_188, %get3A_189] : memref<512x8xf32, #tpu.memory_space<vmem>>, vector<512x1xf32>
    %gt3A_191 = arith.constant 0.000000e+00 : f32
    %gt3A_192 = vector.broadcast %gt3A_191 : f32 to vector<512x1xf32>
    %gt3A_193 = arith.cmpf ogt, %get3A_190, %gt3A_192 : vector<512x1xf32>
    %jit3A_194 = arith.constant -1.000000e+30 : f32
    %broadcast_in_dim3A_195 = vector.shape_cast %gt3A_193 : vector<512x1xi1> to vector<512x1xi1>
    %broadcast_in_dim3A_196 = vector.broadcast %broadcast_in_dim3A_195 : vector<512x1xi1> to vector<512x8xi1>
    %broadcast_in_dim3A_197 = vector.broadcast %jit3A_194 : f32 to vector<512x8xf32>
    %select_n3A_198 = arith.select %broadcast_in_dim3A_196, %dot_general3A_187, %broadcast_in_dim3A_197 : vector<512x8xi1>, vector<512x8xf32>
    %get3A_199 = arith.constant 5 : index
    %get3A_200 = arith.constant 0 : index
    %get3A_201 = arith.constant 0 : index
    %get3A_202 = vector.load %arg2[%get3A_199, %get3A_200, %get3A_201] : memref<8x512x128xf32, #tpu.memory_space<vmem>>, vector<1x512x128xf32>
    %get3A_203 = vector.shape_cast %get3A_202 : vector<1x512x128xf32> to vector<512x128xf32>
    %get3A_204 = arith.constant 0 : index
    %get3A_205 = arith.constant 0 : index
    %get3A_206 = vector.load %arg4[%get3A_204, %get3A_205] : memref<128x1024xf32, #tpu.memory_space<vmem>>, vector<128x1024xf32>
    %dot_general3A_207 = arith.constant dense<0.000000e+00> : vector<512x1024xf32>
    %dot_general3A_208 = tpu.matmul %get3A_203, %get3A_206, %dot_general3A_207 {dimension_numbers = #tpu.dot_dimension_numbers<[1], [0], [0], [1], [0, 0, 1, 1], [], []>, transpose_lhs_hint = false} : vector<512x128xf32>, vector<128x1024xf32>, vector<512x1024xf32> -> vector<512x1024xf32>
    %get3A_209 = arith.constant 0 : index
    %get3A_210 = arith.constant 0 : index
    %get3A_211 = vector.load %arg5[%get3A_209, %get3A_210] : memref<1x1024xf32, #tpu.memory_space<vmem>>, vector<1x1024xf32>
    %add3A_212 = vector.broadcast %get3A_211 : vector<1x1024xf32> to vector<512x1024xf32>
    %add3A_213 = arith.addf %dot_general3A_208, %add3A_212 : vector<512x1024xf32>
    %add3A_214 = arith.addf %add3A_213, %add3A_9 : vector<512x1024xf32>
    %ge3A_215 = arith.constant 0.000000e+00 : f32
    %ge3A_216 = vector.broadcast %ge3A_215 : f32 to vector<512x1024xf32>
    %ge3A_217 = arith.cmpf oge, %add3A_214, %ge3A_216 : vector<512x1024xf32>
    %mul3A_218 = arith.constant 2.000000e-01 : f32
    %mul3A_219 = vector.broadcast %mul3A_218 : f32 to vector<512x1024xf32>
    %mul3A_220 = arith.mulf %mul3A_219, %add3A_214 : vector<512x1024xf32>
    %select_n3A_221 = arith.select %ge3A_217, %add3A_214, %mul3A_220 : vector<512x1024xi1>, vector<512x1024xf32>
    %get3A_222 = arith.constant 0 : index
    %get3A_223 = arith.constant 0 : index
    %get3A_224 = vector.load %arg8[%get3A_222, %get3A_223] : memref<1024x8xf32, #tpu.memory_space<vmem>>, vector<1024x8xf32>
    %dot_general3A_225 = arith.constant dense<0.000000e+00> : vector<512x8xf32>
    %dot_general3A_226 = tpu.matmul %select_n3A_221, %get3A_224, %dot_general3A_225 {dimension_numbers = #tpu.dot_dimension_numbers<[1], [0], [0], [1], [0, 0, 1, 1], [], []>, transpose_lhs_hint = false} : vector<512x1024xf32>, vector<1024x8xf32>, vector<512x8xf32> -> vector<512x8xf32>
    %get3A_227 = arith.constant 0 : index
    %get3A_228 = arith.constant 5 : index
    %get3A_229 = vector.load %arg3[%get3A_227, %get3A_228] : memref<512x8xf32, #tpu.memory_space<vmem>>, vector<512x1xf32>
    %gt3A_230 = arith.constant 0.000000e+00 : f32
    %gt3A_231 = vector.broadcast %gt3A_230 : f32 to vector<512x1xf32>
    %gt3A_232 = arith.cmpf ogt, %get3A_229, %gt3A_231 : vector<512x1xf32>
    %jit3A_233 = arith.constant -1.000000e+30 : f32
    %broadcast_in_dim3A_234 = vector.shape_cast %gt3A_232 : vector<512x1xi1> to vector<512x1xi1>
    %broadcast_in_dim3A_235 = vector.broadcast %broadcast_in_dim3A_234 : vector<512x1xi1> to vector<512x8xi1>
    %broadcast_in_dim3A_236 = vector.broadcast %jit3A_233 : f32 to vector<512x8xf32>
    %select_n3A_237 = arith.select %broadcast_in_dim3A_235, %dot_general3A_226, %broadcast_in_dim3A_236 : vector<512x8xi1>, vector<512x8xf32>
    %get3A_238 = arith.constant 6 : index
    %get3A_239 = arith.constant 0 : index
    %get3A_240 = arith.constant 0 : index
    %get3A_241 = vector.load %arg2[%get3A_238, %get3A_239, %get3A_240] : memref<8x512x128xf32, #tpu.memory_space<vmem>>, vector<1x512x128xf32>
    %get3A_242 = vector.shape_cast %get3A_241 : vector<1x512x128xf32> to vector<512x128xf32>
    %get3A_243 = arith.constant 0 : index
    %get3A_244 = arith.constant 0 : index
    %get3A_245 = vector.load %arg4[%get3A_243, %get3A_244] : memref<128x1024xf32, #tpu.memory_space<vmem>>, vector<128x1024xf32>
    %dot_general3A_246 = arith.constant dense<0.000000e+00> : vector<512x1024xf32>
    %dot_general3A_247 = tpu.matmul %get3A_242, %get3A_245, %dot_general3A_246 {dimension_numbers = #tpu.dot_dimension_numbers<[1], [0], [0], [1], [0, 0, 1, 1], [], []>, transpose_lhs_hint = false} : vector<512x128xf32>, vector<128x1024xf32>, vector<512x1024xf32> -> vector<512x1024xf32>
    %get3A_248 = arith.constant 0 : index
    %get3A_249 = arith.constant 0 : index
    %get3A_250 = vector.load %arg5[%get3A_248, %get3A_249] : memref<1x1024xf32, #tpu.memory_space<vmem>>, vector<1x1024xf32>
    %add3A_251 = vector.broadcast %get3A_250 : vector<1x1024xf32> to vector<512x1024xf32>
    %add3A_252 = arith.addf %dot_general3A_247, %add3A_251 : vector<512x1024xf32>
    %add3A_253 = arith.addf %add3A_252, %add3A_9 : vector<512x1024xf32>
    %ge3A_254 = arith.constant 0.000000e+00 : f32
    %ge3A_255 = vector.broadcast %ge3A_254 : f32 to vector<512x1024xf32>
    %ge3A_256 = arith.cmpf oge, %add3A_253, %ge3A_255 : vector<512x1024xf32>
    %mul3A_257 = arith.constant 2.000000e-01 : f32
    %mul3A_258 = vector.broadcast %mul3A_257 : f32 to vector<512x1024xf32>
    %mul3A_259 = arith.mulf %mul3A_258, %add3A_253 : vector<512x1024xf32>
    %select_n3A_260 = arith.select %ge3A_256, %add3A_253, %mul3A_259 : vector<512x1024xi1>, vector<512x1024xf32>
    %get3A_261 = arith.constant 0 : index
    %get3A_262 = arith.constant 0 : index
    %get3A_263 = vector.load %arg8[%get3A_261, %get3A_262] : memref<1024x8xf32, #tpu.memory_space<vmem>>, vector<1024x8xf32>
    %dot_general3A_264 = arith.constant dense<0.000000e+00> : vector<512x8xf32>
    %dot_general3A_265 = tpu.matmul %select_n3A_260, %get3A_263, %dot_general3A_264 {dimension_numbers = #tpu.dot_dimension_numbers<[1], [0], [0], [1], [0, 0, 1, 1], [], []>, transpose_lhs_hint = false} : vector<512x1024xf32>, vector<1024x8xf32>, vector<512x8xf32> -> vector<512x8xf32>
    %get3A_266 = arith.constant 0 : index
    %get3A_267 = arith.constant 6 : index
    %get3A_268 = vector.load %arg3[%get3A_266, %get3A_267] : memref<512x8xf32, #tpu.memory_space<vmem>>, vector<512x1xf32>
    %gt3A_269 = arith.constant 0.000000e+00 : f32
    %gt3A_270 = vector.broadcast %gt3A_269 : f32 to vector<512x1xf32>
    %gt3A_271 = arith.cmpf ogt, %get3A_268, %gt3A_270 : vector<512x1xf32>
    %jit3A_272 = arith.constant -1.000000e+30 : f32
    %broadcast_in_dim3A_273 = vector.shape_cast %gt3A_271 : vector<512x1xi1> to vector<512x1xi1>
    %broadcast_in_dim3A_274 = vector.broadcast %broadcast_in_dim3A_273 : vector<512x1xi1> to vector<512x8xi1>
    %broadcast_in_dim3A_275 = vector.broadcast %jit3A_272 : f32 to vector<512x8xf32>
    %select_n3A_276 = arith.select %broadcast_in_dim3A_274, %dot_general3A_265, %broadcast_in_dim3A_275 : vector<512x8xi1>, vector<512x8xf32>
    %get3A_277 = arith.constant 7 : index
    %get3A_278 = arith.constant 0 : index
    %get3A_279 = arith.constant 0 : index
    %get3A_280 = vector.load %arg2[%get3A_277, %get3A_278, %get3A_279] : memref<8x512x128xf32, #tpu.memory_space<vmem>>, vector<1x512x128xf32>
    %get3A_281 = vector.shape_cast %get3A_280 : vector<1x512x128xf32> to vector<512x128xf32>
    %get3A_282 = arith.constant 0 : index
    %get3A_283 = arith.constant 0 : index
    %get3A_284 = vector.load %arg4[%get3A_282, %get3A_283] : memref<128x1024xf32, #tpu.memory_space<vmem>>, vector<128x1024xf32>
    %dot_general3A_285 = arith.constant dense<0.000000e+00> : vector<512x1024xf32>
    %dot_general3A_286 = tpu.matmul %get3A_281, %get3A_284, %dot_general3A_285 {dimension_numbers = #tpu.dot_dimension_numbers<[1], [0], [0], [1], [0, 0, 1, 1], [], []>, transpose_lhs_hint = false} : vector<512x128xf32>, vector<128x1024xf32>, vector<512x1024xf32> -> vector<512x1024xf32>
    %get3A_287 = arith.constant 0 : index
    %get3A_288 = arith.constant 0 : index
    %get3A_289 = vector.load %arg5[%get3A_287, %get3A_288] : memref<1x1024xf32, #tpu.memory_space<vmem>>, vector<1x1024xf32>
    %add3A_290 = vector.broadcast %get3A_289 : vector<1x1024xf32> to vector<512x1024xf32>
    %add3A_291 = arith.addf %dot_general3A_286, %add3A_290 : vector<512x1024xf32>
    %add3A_292 = arith.addf %add3A_291, %add3A_9 : vector<512x1024xf32>
    %ge3A_293 = arith.constant 0.000000e+00 : f32
    %ge3A_294 = vector.broadcast %ge3A_293 : f32 to vector<512x1024xf32>
    %ge3A_295 = arith.cmpf oge, %add3A_292, %ge3A_294 : vector<512x1024xf32>
    %mul3A_296 = arith.constant 2.000000e-01 : f32
    %mul3A_297 = vector.broadcast %mul3A_296 : f32 to vector<512x1024xf32>
    %mul3A_298 = arith.mulf %mul3A_297, %add3A_292 : vector<512x1024xf32>
    %select_n3A_299 = arith.select %ge3A_295, %add3A_292, %mul3A_298 : vector<512x1024xi1>, vector<512x1024xf32>
    %get3A_300 = arith.constant 0 : index
    %get3A_301 = arith.constant 0 : index
    %get3A_302 = vector.load %arg8[%get3A_300, %get3A_301] : memref<1024x8xf32, #tpu.memory_space<vmem>>, vector<1024x8xf32>
    %dot_general3A_303 = arith.constant dense<0.000000e+00> : vector<512x8xf32>
    %dot_general3A_304 = tpu.matmul %select_n3A_299, %get3A_302, %dot_general3A_303 {dimension_numbers = #tpu.dot_dimension_numbers<[1], [0], [0], [1], [0, 0, 1, 1], [], []>, transpose_lhs_hint = false} : vector<512x1024xf32>, vector<1024x8xf32>, vector<512x8xf32> -> vector<512x8xf32>
    %get3A_305 = arith.constant 0 : index
    %get3A_306 = arith.constant 7 : index
    %get3A_307 = vector.load %arg3[%get3A_305, %get3A_306] : memref<512x8xf32, #tpu.memory_space<vmem>>, vector<512x1xf32>
    %gt3A_308 = arith.constant 0.000000e+00 : f32
    %gt3A_309 = vector.broadcast %gt3A_308 : f32 to vector<512x1xf32>
    %gt3A_310 = arith.cmpf ogt, %get3A_307, %gt3A_309 : vector<512x1xf32>
    %jit3A_311 = arith.constant -1.000000e+30 : f32
    %broadcast_in_dim3A_312 = vector.shape_cast %gt3A_310 : vector<512x1xi1> to vector<512x1xi1>
    %broadcast_in_dim3A_313 = vector.broadcast %broadcast_in_dim3A_312 : vector<512x1xi1> to vector<512x8xi1>
    %broadcast_in_dim3A_314 = vector.broadcast %jit3A_311 : f32 to vector<512x8xf32>
    %select_n3A_315 = arith.select %broadcast_in_dim3A_313, %dot_general3A_304, %broadcast_in_dim3A_314 : vector<512x8xi1>, vector<512x8xf32>
    %max3A = arith.maximumf %select_n3A_42, %select_n3A_81 : vector<512x8xf32>
    %max3A_316 = arith.maximumf %max3A, %select_n3A_120 : vector<512x8xf32>
    %max3A_317 = arith.maximumf %max3A_316, %select_n3A_159 : vector<512x8xf32>
    %max3A_318 = arith.maximumf %max3A_317, %select_n3A_198 : vector<512x8xf32>
    %max3A_319 = arith.maximumf %max3A_318, %select_n3A_237 : vector<512x8xf32>
    %max3A_320 = arith.maximumf %max3A_319, %select_n3A_276 : vector<512x8xf32>
    %max3A_321 = arith.maximumf %max3A_320, %select_n3A_315 : vector<512x8xf32>
    %sub3A = arith.subf %select_n3A_42, %max3A_321 : vector<512x8xf32>
    %exp3A = math.exp %sub3A : vector<512x8xf32>
    %sub3A_322 = arith.subf %select_n3A_81, %max3A_321 : vector<512x8xf32>
    %exp3A_323 = math.exp %sub3A_322 : vector<512x8xf32>
    %sub3A_324 = arith.subf %select_n3A_120, %max3A_321 : vector<512x8xf32>
    %exp3A_325 = math.exp %sub3A_324 : vector<512x8xf32>
    %sub3A_326 = arith.subf %select_n3A_159, %max3A_321 : vector<512x8xf32>
    %exp3A_327 = math.exp %sub3A_326 : vector<512x8xf32>
    %sub3A_328 = arith.subf %select_n3A_198, %max3A_321 : vector<512x8xf32>
    %exp3A_329 = math.exp %sub3A_328 : vector<512x8xf32>
    %sub3A_330 = arith.subf %select_n3A_237, %max3A_321 : vector<512x8xf32>
    %exp3A_331 = math.exp %sub3A_330 : vector<512x8xf32>
    %sub3A_332 = arith.subf %select_n3A_276, %max3A_321 : vector<512x8xf32>
    %exp3A_333 = math.exp %sub3A_332 : vector<512x8xf32>
    %sub3A_334 = arith.subf %select_n3A_315, %max3A_321 : vector<512x8xf32>
    %exp3A_335 = math.exp %sub3A_334 : vector<512x8xf32>
    %add3A_336 = arith.addf %exp3A, %exp3A_323 : vector<512x8xf32>
    %add3A_337 = arith.addf %add3A_336, %exp3A_325 : vector<512x8xf32>
    %add3A_338 = arith.addf %add3A_337, %exp3A_327 : vector<512x8xf32>
    %add3A_339 = arith.addf %add3A_338, %exp3A_329 : vector<512x8xf32>
    %add3A_340 = arith.addf %add3A_339, %exp3A_331 : vector<512x8xf32>
    %add3A_341 = arith.addf %add3A_340, %exp3A_333 : vector<512x8xf32>
    %add3A_342 = arith.addf %add3A_341, %exp3A_335 : vector<512x8xf32>
    %add3A_343 = arith.constant 1.000000e-16 : f32
    %add3A_344 = vector.broadcast %add3A_343 : f32 to vector<512x8xf32>
    %add3A_345 = arith.addf %add3A_342, %add3A_344 : vector<512x8xf32>
    %div3A = arith.constant 1.000000e+00 : f32
    %div3A_346 = vector.broadcast %div3A : f32 to vector<512x8xf32>
    %div3A_347 = arith.divf %div3A_346, %add3A_345 : vector<512x8xf32>
    %mul3A_348 = arith.mulf %exp3A, %div3A_347 : vector<512x8xf32>
    %mul3A_349 = arith.mulf %exp3A_323, %div3A_347 : vector<512x8xf32>
    %mul3A_350 = arith.mulf %exp3A_325, %div3A_347 : vector<512x8xf32>
    %mul3A_351 = arith.mulf %exp3A_327, %div3A_347 : vector<512x8xf32>
    %mul3A_352 = arith.mulf %exp3A_329, %div3A_347 : vector<512x8xf32>
    %mul3A_353 = arith.mulf %exp3A_331, %div3A_347 : vector<512x8xf32>
    %mul3A_354 = arith.mulf %exp3A_333, %div3A_347 : vector<512x8xf32>
    %mul3A_355 = arith.mulf %exp3A_335, %div3A_347 : vector<512x8xf32>
    %add3A_356 = arith.addf %mul3A_348, %mul3A_349 : vector<512x8xf32>
    %add3A_357 = arith.addf %add3A_356, %mul3A_350 : vector<512x8xf32>
    %add3A_358 = arith.addf %add3A_357, %mul3A_351 : vector<512x8xf32>
    %add3A_359 = arith.addf %add3A_358, %mul3A_352 : vector<512x8xf32>
    %add3A_360 = arith.addf %add3A_359, %mul3A_353 : vector<512x8xf32>
    %add3A_361 = arith.addf %add3A_360, %mul3A_354 : vector<512x8xf32>
    %add3A_362 = arith.addf %add3A_361, %mul3A_355 : vector<512x8xf32>
    %slice3A = vector.extract_strided_slice %mul3A_348 {offsets = [0, 0], sizes = [512, 1], strides = [1, 1]} : vector<512x8xf32> to vector<512x1xf32>
    %mul3A_363 = vector.broadcast %slice3A : vector<512x1xf32> to vector<512x128xf32>
    %mul3A_364 = arith.mulf %mul3A_363, %get3A_14 : vector<512x128xf32>
    %slice3A_365 = vector.extract_strided_slice %mul3A_349 {offsets = [0, 0], sizes = [512, 1], strides = [1, 1]} : vector<512x8xf32> to vector<512x1xf32>
    %mul3A_366 = vector.broadcast %slice3A_365 : vector<512x1xf32> to vector<512x128xf32>
    %mul3A_367 = arith.mulf %mul3A_366, %get3A_47 : vector<512x128xf32>
    %add3A_368 = arith.addf %mul3A_364, %mul3A_367 : vector<512x128xf32>
    %slice3A_369 = vector.extract_strided_slice %mul3A_350 {offsets = [0, 0], sizes = [512, 1], strides = [1, 1]} : vector<512x8xf32> to vector<512x1xf32>
    %mul3A_370 = vector.broadcast %slice3A_369 : vector<512x1xf32> to vector<512x128xf32>
    %mul3A_371 = arith.mulf %mul3A_370, %get3A_86 : vector<512x128xf32>
    %add3A_372 = arith.addf %add3A_368, %mul3A_371 : vector<512x128xf32>
    %slice3A_373 = vector.extract_strided_slice %mul3A_351 {offsets = [0, 0], sizes = [512, 1], strides = [1, 1]} : vector<512x8xf32> to vector<512x1xf32>
    %mul3A_374 = vector.broadcast %slice3A_373 : vector<512x1xf32> to vector<512x128xf32>
    %mul3A_375 = arith.mulf %mul3A_374, %get3A_125 : vector<512x128xf32>
    %add3A_376 = arith.addf %add3A_372, %mul3A_375 : vector<512x128xf32>
    %slice3A_377 = vector.extract_strided_slice %mul3A_352 {offsets = [0, 0], sizes = [512, 1], strides = [1, 1]} : vector<512x8xf32> to vector<512x1xf32>
    %mul3A_378 = vector.broadcast %slice3A_377 : vector<512x1xf32> to vector<512x128xf32>
    %mul3A_379 = arith.mulf %mul3A_378, %get3A_164 : vector<512x128xf32>
    %add3A_380 = arith.addf %add3A_376, %mul3A_379 : vector<512x128xf32>
    %slice3A_381 = vector.extract_strided_slice %mul3A_353 {offsets = [0, 0], sizes = [512, 1], strides = [1, 1]} : vector<512x8xf32> to vector<512x1xf32>
    %mul3A_382 = vector.broadcast %slice3A_381 : vector<512x1xf32> to vector<512x128xf32>
    %mul3A_383 = arith.mulf %mul3A_382, %get3A_203 : vector<512x128xf32>
    %add3A_384 = arith.addf %add3A_380, %mul3A_383 : vector<512x128xf32>
    %slice3A_385 = vector.extract_strided_slice %mul3A_354 {offsets = [0, 0], sizes = [512, 1], strides = [1, 1]} : vector<512x8xf32> to vector<512x1xf32>
    %mul3A_386 = vector.broadcast %slice3A_385 : vector<512x1xf32> to vector<512x128xf32>
    %mul3A_387 = arith.mulf %mul3A_386, %get3A_242 : vector<512x128xf32>
    %add3A_388 = arith.addf %add3A_384, %mul3A_387 : vector<512x128xf32>
    %slice3A_389 = vector.extract_strided_slice %mul3A_355 {offsets = [0, 0], sizes = [512, 1], strides = [1, 1]} : vector<512x8xf32> to vector<512x1xf32>
    %mul3A_390 = vector.broadcast %slice3A_389 : vector<512x1xf32> to vector<512x128xf32>
    %mul3A_391 = arith.mulf %mul3A_390, %get3A_281 : vector<512x128xf32>
    %add3A_392 = arith.addf %add3A_388, %mul3A_391 : vector<512x128xf32>
    %get3A_393 = arith.constant 0 : index
    %get3A_394 = arith.constant 0 : index
    %get3A_395 = vector.load %arg4[%get3A_393, %get3A_394] : memref<128x1024xf32, #tpu.memory_space<vmem>>, vector<128x128xf32>
    %dot_general3A_396 = arith.constant dense<0.000000e+00> : vector<512x128xf32>
    %dot_general3A_397 = tpu.matmul %add3A_392, %get3A_395, %dot_general3A_396 {dimension_numbers = #tpu.dot_dimension_numbers<[1], [0], [0], [1], [0, 0, 1, 1], [], []>, transpose_lhs_hint = false} : vector<512x128xf32>, vector<128x128xf32>, vector<512x128xf32> -> vector<512x128xf32>
    %slice3A_398 = vector.extract_strided_slice %add3A_362 {offsets = [0, 0], sizes = [512, 1], strides = [1, 1]} : vector<512x8xf32> to vector<512x1xf32>
    %get3A_399 = arith.constant 0 : index
    %get3A_400 = arith.constant 0 : index
    %get3A_401 = vector.load %arg5[%get3A_399, %get3A_400] : memref<1x1024xf32, #tpu.memory_space<vmem>>, vector<1x128xf32>
    %mul3A_402 = vector.broadcast %slice3A_398 : vector<512x1xf32> to vector<512x128xf32>
    %mul3A_403 = vector.broadcast %get3A_401 : vector<1x128xf32> to vector<512x128xf32>
    %mul3A_404 = arith.mulf %mul3A_402, %mul3A_403 : vector<512x128xf32>
    %add3A_405 = arith.addf %dot_general3A_397, %mul3A_404 : vector<512x128xf32>
    %slice3A_406 = vector.extract_strided_slice %mul3A_348 {offsets = [0, 1], sizes = [512, 1], strides = [1, 1]} : vector<512x8xf32> to vector<512x1xf32>
    %mul3A_407 = vector.broadcast %slice3A_406 : vector<512x1xf32> to vector<512x128xf32>
    %mul3A_408 = arith.mulf %mul3A_407, %get3A_14 : vector<512x128xf32>
    %slice3A_409 = vector.extract_strided_slice %mul3A_349 {offsets = [0, 1], sizes = [512, 1], strides = [1, 1]} : vector<512x8xf32> to vector<512x1xf32>
    %mul3A_410 = vector.broadcast %slice3A_409 : vector<512x1xf32> to vector<512x128xf32>
    %mul3A_411 = arith.mulf %mul3A_410, %get3A_47 : vector<512x128xf32>
    %add3A_412 = arith.addf %mul3A_408, %mul3A_411 : vector<512x128xf32>
    %slice3A_413 = vector.extract_strided_slice %mul3A_350 {offsets = [0, 1], sizes = [512, 1], strides = [1, 1]} : vector<512x8xf32> to vector<512x1xf32>
    %mul3A_414 = vector.broadcast %slice3A_413 : vector<512x1xf32> to vector<512x128xf32>
    %mul3A_415 = arith.mulf %mul3A_414, %get3A_86 : vector<512x128xf32>
    %add3A_416 = arith.addf %add3A_412, %mul3A_415 : vector<512x128xf32>
    %slice3A_417 = vector.extract_strided_slice %mul3A_351 {offsets = [0, 1], sizes = [512, 1], strides = [1, 1]} : vector<512x8xf32> to vector<512x1xf32>
    %mul3A_418 = vector.broadcast %slice3A_417 : vector<512x1xf32> to vector<512x128xf32>
    %mul3A_419 = arith.mulf %mul3A_418, %get3A_125 : vector<512x128xf32>
    %add3A_420 = arith.addf %add3A_416, %mul3A_419 : vector<512x128xf32>
    %slice3A_421 = vector.extract_strided_slice %mul3A_352 {offsets = [0, 1], sizes = [512, 1], strides = [1, 1]} : vector<512x8xf32> to vector<512x1xf32>
    %mul3A_422 = vector.broadcast %slice3A_421 : vector<512x1xf32> to vector<512x128xf32>
    %mul3A_423 = arith.mulf %mul3A_422, %get3A_164 : vector<512x128xf32>
    %add3A_424 = arith.addf %add3A_420, %mul3A_423 : vector<512x128xf32>
    %slice3A_425 = vector.extract_strided_slice %mul3A_353 {offsets = [0, 1], sizes = [512, 1], strides = [1, 1]} : vector<512x8xf32> to vector<512x1xf32>
    %mul3A_426 = vector.broadcast %slice3A_425 : vector<512x1xf32> to vector<512x128xf32>
    %mul3A_427 = arith.mulf %mul3A_426, %get3A_203 : vector<512x128xf32>
    %add3A_428 = arith.addf %add3A_424, %mul3A_427 : vector<512x128xf32>
    %slice3A_429 = vector.extract_strided_slice %mul3A_354 {offsets = [0, 1], sizes = [512, 1], strides = [1, 1]} : vector<512x8xf32> to vector<512x1xf32>
    %mul3A_430 = vector.broadcast %slice3A_429 : vector<512x1xf32> to vector<512x128xf32>
    %mul3A_431 = arith.mulf %mul3A_430, %get3A_242 : vector<512x128xf32>
    %add3A_432 = arith.addf %add3A_428, %mul3A_431 : vector<512x128xf32>
    %slice3A_433 = vector.extract_strided_slice %mul3A_355 {offsets = [0, 1], sizes = [512, 1], strides = [1, 1]} : vector<512x8xf32> to vector<512x1xf32>
    %mul3A_434 = vector.broadcast %slice3A_433 : vector<512x1xf32> to vector<512x128xf32>
    %mul3A_435 = arith.mulf %mul3A_434, %get3A_281 : vector<512x128xf32>
    %add3A_436 = arith.addf %add3A_432, %mul3A_435 : vector<512x128xf32>
    %get3A_437 = arith.constant 0 : index
    %get3A_438 = arith.constant 128 : index
    %get3A_439 = vector.load %arg4[%get3A_437, %get3A_438] : memref<128x1024xf32, #tpu.memory_space<vmem>>, vector<128x128xf32>
    %dot_general3A_440 = arith.constant dense<0.000000e+00> : vector<512x128xf32>
    %dot_general3A_441 = tpu.matmul %add3A_436, %get3A_439, %dot_general3A_440 {dimension_numbers = #tpu.dot_dimension_numbers<[1], [0], [0], [1], [0, 0, 1, 1], [], []>, transpose_lhs_hint = false} : vector<512x128xf32>, vector<128x128xf32>, vector<512x128xf32> -> vector<512x128xf32>
    %slice3A_442 = vector.extract_strided_slice %add3A_362 {offsets = [0, 1], sizes = [512, 1], strides = [1, 1]} : vector<512x8xf32> to vector<512x1xf32>
    %get3A_443 = arith.constant 0 : index
    %get3A_444 = arith.constant 128 : index
    %get3A_445 = vector.load %arg5[%get3A_443, %get3A_444] : memref<1x1024xf32, #tpu.memory_space<vmem>>, vector<1x128xf32>
    %mul3A_446 = vector.broadcast %slice3A_442 : vector<512x1xf32> to vector<512x128xf32>
    %mul3A_447 = vector.broadcast %get3A_445 : vector<1x128xf32> to vector<512x128xf32>
    %mul3A_448 = arith.mulf %mul3A_446, %mul3A_447 : vector<512x128xf32>
    %add3A_449 = arith.addf %dot_general3A_441, %mul3A_448 : vector<512x128xf32>
    %slice3A_450 = vector.extract_strided_slice %mul3A_348 {offsets = [0, 2], sizes = [512, 1], strides = [1, 1]} : vector<512x8xf32> to vector<512x1xf32>
    %mul3A_451 = vector.broadcast %slice3A_450 : vector<512x1xf32> to vector<512x128xf32>
    %mul3A_452 = arith.mulf %mul3A_451, %get3A_14 : vector<512x128xf32>
    %slice3A_453 = vector.extract_strided_slice %mul3A_349 {offsets = [0, 2], sizes = [512, 1], strides = [1, 1]} : vector<512x8xf32> to vector<512x1xf32>
    %mul3A_454 = vector.broadcast %slice3A_453 : vector<512x1xf32> to vector<512x128xf32>
    %mul3A_455 = arith.mulf %mul3A_454, %get3A_47 : vector<512x128xf32>
    %add3A_456 = arith.addf %mul3A_452, %mul3A_455 : vector<512x128xf32>
    %slice3A_457 = vector.extract_strided_slice %mul3A_350 {offsets = [0, 2], sizes = [512, 1], strides = [1, 1]} : vector<512x8xf32> to vector<512x1xf32>
    %mul3A_458 = vector.broadcast %slice3A_457 : vector<512x1xf32> to vector<512x128xf32>
    %mul3A_459 = arith.mulf %mul3A_458, %get3A_86 : vector<512x128xf32>
    %add3A_460 = arith.addf %add3A_456, %mul3A_459 : vector<512x128xf32>
    %slice3A_461 = vector.extract_strided_slice %mul3A_351 {offsets = [0, 2], sizes = [512, 1], strides = [1, 1]} : vector<512x8xf32> to vector<512x1xf32>
    %mul3A_462 = vector.broadcast %slice3A_461 : vector<512x1xf32> to vector<512x128xf32>
    %mul3A_463 = arith.mulf %mul3A_462, %get3A_125 : vector<512x128xf32>
    %add3A_464 = arith.addf %add3A_460, %mul3A_463 : vector<512x128xf32>
    %slice3A_465 = vector.extract_strided_slice %mul3A_352 {offsets = [0, 2], sizes = [512, 1], strides = [1, 1]} : vector<512x8xf32> to vector<512x1xf32>
    %mul3A_466 = vector.broadcast %slice3A_465 : vector<512x1xf32> to vector<512x128xf32>
    %mul3A_467 = arith.mulf %mul3A_466, %get3A_164 : vector<512x128xf32>
    %add3A_468 = arith.addf %add3A_464, %mul3A_467 : vector<512x128xf32>
    %slice3A_469 = vector.extract_strided_slice %mul3A_353 {offsets = [0, 2], sizes = [512, 1], strides = [1, 1]} : vector<512x8xf32> to vector<512x1xf32>
    %mul3A_470 = vector.broadcast %slice3A_469 : vector<512x1xf32> to vector<512x128xf32>
    %mul3A_471 = arith.mulf %mul3A_470, %get3A_203 : vector<512x128xf32>
    %add3A_472 = arith.addf %add3A_468, %mul3A_471 : vector<512x128xf32>
    %slice3A_473 = vector.extract_strided_slice %mul3A_354 {offsets = [0, 2], sizes = [512, 1], strides = [1, 1]} : vector<512x8xf32> to vector<512x1xf32>
    %mul3A_474 = vector.broadcast %slice3A_473 : vector<512x1xf32> to vector<512x128xf32>
    %mul3A_475 = arith.mulf %mul3A_474, %get3A_242 : vector<512x128xf32>
    %add3A_476 = arith.addf %add3A_472, %mul3A_475 : vector<512x128xf32>
    %slice3A_477 = vector.extract_strided_slice %mul3A_355 {offsets = [0, 2], sizes = [512, 1], strides = [1, 1]} : vector<512x8xf32> to vector<512x1xf32>
    %mul3A_478 = vector.broadcast %slice3A_477 : vector<512x1xf32> to vector<512x128xf32>
    %mul3A_479 = arith.mulf %mul3A_478, %get3A_281 : vector<512x128xf32>
    %add3A_480 = arith.addf %add3A_476, %mul3A_479 : vector<512x128xf32>
    %get3A_481 = arith.constant 0 : index
    %get3A_482 = arith.constant 256 : index
    %get3A_483 = vector.load %arg4[%get3A_481, %get3A_482] : memref<128x1024xf32, #tpu.memory_space<vmem>>, vector<128x128xf32>
    %dot_general3A_484 = arith.constant dense<0.000000e+00> : vector<512x128xf32>
    %dot_general3A_485 = tpu.matmul %add3A_480, %get3A_483, %dot_general3A_484 {dimension_numbers = #tpu.dot_dimension_numbers<[1], [0], [0], [1], [0, 0, 1, 1], [], []>, transpose_lhs_hint = false} : vector<512x128xf32>, vector<128x128xf32>, vector<512x128xf32> -> vector<512x128xf32>
    %slice3A_486 = vector.extract_strided_slice %add3A_362 {offsets = [0, 2], sizes = [512, 1], strides = [1, 1]} : vector<512x8xf32> to vector<512x1xf32>
    %get3A_487 = arith.constant 0 : index
    %get3A_488 = arith.constant 256 : index
    %get3A_489 = vector.load %arg5[%get3A_487, %get3A_488] : memref<1x1024xf32, #tpu.memory_space<vmem>>, vector<1x128xf32>
    %mul3A_490 = vector.broadcast %slice3A_486 : vector<512x1xf32> to vector<512x128xf32>
    %mul3A_491 = vector.broadcast %get3A_489 : vector<1x128xf32> to vector<512x128xf32>
    %mul3A_492 = arith.mulf %mul3A_490, %mul3A_491 : vector<512x128xf32>
    %add3A_493 = arith.addf %dot_general3A_485, %mul3A_492 : vector<512x128xf32>
    %slice3A_494 = vector.extract_strided_slice %mul3A_348 {offsets = [0, 3], sizes = [512, 1], strides = [1, 1]} : vector<512x8xf32> to vector<512x1xf32>
    %mul3A_495 = vector.broadcast %slice3A_494 : vector<512x1xf32> to vector<512x128xf32>
    %mul3A_496 = arith.mulf %mul3A_495, %get3A_14 : vector<512x128xf32>
    %slice3A_497 = vector.extract_strided_slice %mul3A_349 {offsets = [0, 3], sizes = [512, 1], strides = [1, 1]} : vector<512x8xf32> to vector<512x1xf32>
    %mul3A_498 = vector.broadcast %slice3A_497 : vector<512x1xf32> to vector<512x128xf32>
    %mul3A_499 = arith.mulf %mul3A_498, %get3A_47 : vector<512x128xf32>
    %add3A_500 = arith.addf %mul3A_496, %mul3A_499 : vector<512x128xf32>
    %slice3A_501 = vector.extract_strided_slice %mul3A_350 {offsets = [0, 3], sizes = [512, 1], strides = [1, 1]} : vector<512x8xf32> to vector<512x1xf32>
    %mul3A_502 = vector.broadcast %slice3A_501 : vector<512x1xf32> to vector<512x128xf32>
    %mul3A_503 = arith.mulf %mul3A_502, %get3A_86 : vector<512x128xf32>
    %add3A_504 = arith.addf %add3A_500, %mul3A_503 : vector<512x128xf32>
    %slice3A_505 = vector.extract_strided_slice %mul3A_351 {offsets = [0, 3], sizes = [512, 1], strides = [1, 1]} : vector<512x8xf32> to vector<512x1xf32>
    %mul3A_506 = vector.broadcast %slice3A_505 : vector<512x1xf32> to vector<512x128xf32>
    %mul3A_507 = arith.mulf %mul3A_506, %get3A_125 : vector<512x128xf32>
    %add3A_508 = arith.addf %add3A_504, %mul3A_507 : vector<512x128xf32>
    %slice3A_509 = vector.extract_strided_slice %mul3A_352 {offsets = [0, 3], sizes = [512, 1], strides = [1, 1]} : vector<512x8xf32> to vector<512x1xf32>
    %mul3A_510 = vector.broadcast %slice3A_509 : vector<512x1xf32> to vector<512x128xf32>
    %mul3A_511 = arith.mulf %mul3A_510, %get3A_164 : vector<512x128xf32>
    %add3A_512 = arith.addf %add3A_508, %mul3A_511 : vector<512x128xf32>
    %slice3A_513 = vector.extract_strided_slice %mul3A_353 {offsets = [0, 3], sizes = [512, 1], strides = [1, 1]} : vector<512x8xf32> to vector<512x1xf32>
    %mul3A_514 = vector.broadcast %slice3A_513 : vector<512x1xf32> to vector<512x128xf32>
    %mul3A_515 = arith.mulf %mul3A_514, %get3A_203 : vector<512x128xf32>
    %add3A_516 = arith.addf %add3A_512, %mul3A_515 : vector<512x128xf32>
    %slice3A_517 = vector.extract_strided_slice %mul3A_354 {offsets = [0, 3], sizes = [512, 1], strides = [1, 1]} : vector<512x8xf32> to vector<512x1xf32>
    %mul3A_518 = vector.broadcast %slice3A_517 : vector<512x1xf32> to vector<512x128xf32>
    %mul3A_519 = arith.mulf %mul3A_518, %get3A_242 : vector<512x128xf32>
    %add3A_520 = arith.addf %add3A_516, %mul3A_519 : vector<512x128xf32>
    %slice3A_521 = vector.extract_strided_slice %mul3A_355 {offsets = [0, 3], sizes = [512, 1], strides = [1, 1]} : vector<512x8xf32> to vector<512x1xf32>
    %mul3A_522 = vector.broadcast %slice3A_521 : vector<512x1xf32> to vector<512x128xf32>
    %mul3A_523 = arith.mulf %mul3A_522, %get3A_281 : vector<512x128xf32>
    %add3A_524 = arith.addf %add3A_520, %mul3A_523 : vector<512x128xf32>
    %get3A_525 = arith.constant 0 : index
    %get3A_526 = arith.constant 384 : index
    %get3A_527 = vector.load %arg4[%get3A_525, %get3A_526] : memref<128x1024xf32, #tpu.memory_space<vmem>>, vector<128x128xf32>
    %dot_general3A_528 = arith.constant dense<0.000000e+00> : vector<512x128xf32>
    %dot_general3A_529 = tpu.matmul %add3A_524, %get3A_527, %dot_general3A_528 {dimension_numbers = #tpu.dot_dimension_numbers<[1], [0], [0], [1], [0, 0, 1, 1], [], []>, transpose_lhs_hint = false} : vector<512x128xf32>, vector<128x128xf32>, vector<512x128xf32> -> vector<512x128xf32>
    %slice3A_530 = vector.extract_strided_slice %add3A_362 {offsets = [0, 3], sizes = [512, 1], strides = [1, 1]} : vector<512x8xf32> to vector<512x1xf32>
    %get3A_531 = arith.constant 0 : index
    %get3A_532 = arith.constant 384 : index
    %get3A_533 = vector.load %arg5[%get3A_531, %get3A_532] : memref<1x1024xf32, #tpu.memory_space<vmem>>, vector<1x128xf32>
    %mul3A_534 = vector.broadcast %slice3A_530 : vector<512x1xf32> to vector<512x128xf32>
    %mul3A_535 = vector.broadcast %get3A_533 : vector<1x128xf32> to vector<512x128xf32>
    %mul3A_536 = arith.mulf %mul3A_534, %mul3A_535 : vector<512x128xf32>
    %add3A_537 = arith.addf %dot_general3A_529, %mul3A_536 : vector<512x128xf32>
    %slice3A_538 = vector.extract_strided_slice %mul3A_348 {offsets = [0, 4], sizes = [512, 1], strides = [1, 1]} : vector<512x8xf32> to vector<512x1xf32>
    %mul3A_539 = vector.broadcast %slice3A_538 : vector<512x1xf32> to vector<512x128xf32>
    %mul3A_540 = arith.mulf %mul3A_539, %get3A_14 : vector<512x128xf32>
    %slice3A_541 = vector.extract_strided_slice %mul3A_349 {offsets = [0, 4], sizes = [512, 1], strides = [1, 1]} : vector<512x8xf32> to vector<512x1xf32>
    %mul3A_542 = vector.broadcast %slice3A_541 : vector<512x1xf32> to vector<512x128xf32>
    %mul3A_543 = arith.mulf %mul3A_542, %get3A_47 : vector<512x128xf32>
    %add3A_544 = arith.addf %mul3A_540, %mul3A_543 : vector<512x128xf32>
    %slice3A_545 = vector.extract_strided_slice %mul3A_350 {offsets = [0, 4], sizes = [512, 1], strides = [1, 1]} : vector<512x8xf32> to vector<512x1xf32>
    %mul3A_546 = vector.broadcast %slice3A_545 : vector<512x1xf32> to vector<512x128xf32>
    %mul3A_547 = arith.mulf %mul3A_546, %get3A_86 : vector<512x128xf32>
    %add3A_548 = arith.addf %add3A_544, %mul3A_547 : vector<512x128xf32>
    %slice3A_549 = vector.extract_strided_slice %mul3A_351 {offsets = [0, 4], sizes = [512, 1], strides = [1, 1]} : vector<512x8xf32> to vector<512x1xf32>
    %mul3A_550 = vector.broadcast %slice3A_549 : vector<512x1xf32> to vector<512x128xf32>
    %mul3A_551 = arith.mulf %mul3A_550, %get3A_125 : vector<512x128xf32>
    %add3A_552 = arith.addf %add3A_548, %mul3A_551 : vector<512x128xf32>
    %slice3A_553 = vector.extract_strided_slice %mul3A_352 {offsets = [0, 4], sizes = [512, 1], strides = [1, 1]} : vector<512x8xf32> to vector<512x1xf32>
    %mul3A_554 = vector.broadcast %slice3A_553 : vector<512x1xf32> to vector<512x128xf32>
    %mul3A_555 = arith.mulf %mul3A_554, %get3A_164 : vector<512x128xf32>
    %add3A_556 = arith.addf %add3A_552, %mul3A_555 : vector<512x128xf32>
    %slice3A_557 = vector.extract_strided_slice %mul3A_353 {offsets = [0, 4], sizes = [512, 1], strides = [1, 1]} : vector<512x8xf32> to vector<512x1xf32>
    %mul3A_558 = vector.broadcast %slice3A_557 : vector<512x1xf32> to vector<512x128xf32>
    %mul3A_559 = arith.mulf %mul3A_558, %get3A_203 : vector<512x128xf32>
    %add3A_560 = arith.addf %add3A_556, %mul3A_559 : vector<512x128xf32>
    %slice3A_561 = vector.extract_strided_slice %mul3A_354 {offsets = [0, 4], sizes = [512, 1], strides = [1, 1]} : vector<512x8xf32> to vector<512x1xf32>
    %mul3A_562 = vector.broadcast %slice3A_561 : vector<512x1xf32> to vector<512x128xf32>
    %mul3A_563 = arith.mulf %mul3A_562, %get3A_242 : vector<512x128xf32>
    %add3A_564 = arith.addf %add3A_560, %mul3A_563 : vector<512x128xf32>
    %slice3A_565 = vector.extract_strided_slice %mul3A_355 {offsets = [0, 4], sizes = [512, 1], strides = [1, 1]} : vector<512x8xf32> to vector<512x1xf32>
    %mul3A_566 = vector.broadcast %slice3A_565 : vector<512x1xf32> to vector<512x128xf32>
    %mul3A_567 = arith.mulf %mul3A_566, %get3A_281 : vector<512x128xf32>
    %add3A_568 = arith.addf %add3A_564, %mul3A_567 : vector<512x128xf32>
    %get3A_569 = arith.constant 0 : index
    %get3A_570 = arith.constant 512 : index
    %get3A_571 = vector.load %arg4[%get3A_569, %get3A_570] : memref<128x1024xf32, #tpu.memory_space<vmem>>, vector<128x128xf32>
    %dot_general3A_572 = arith.constant dense<0.000000e+00> : vector<512x128xf32>
    %dot_general3A_573 = tpu.matmul %add3A_568, %get3A_571, %dot_general3A_572 {dimension_numbers = #tpu.dot_dimension_numbers<[1], [0], [0], [1], [0, 0, 1, 1], [], []>, transpose_lhs_hint = false} : vector<512x128xf32>, vector<128x128xf32>, vector<512x128xf32> -> vector<512x128xf32>
    %slice3A_574 = vector.extract_strided_slice %add3A_362 {offsets = [0, 4], sizes = [512, 1], strides = [1, 1]} : vector<512x8xf32> to vector<512x1xf32>
    %get3A_575 = arith.constant 0 : index
    %get3A_576 = arith.constant 512 : index
    %get3A_577 = vector.load %arg5[%get3A_575, %get3A_576] : memref<1x1024xf32, #tpu.memory_space<vmem>>, vector<1x128xf32>
    %mul3A_578 = vector.broadcast %slice3A_574 : vector<512x1xf32> to vector<512x128xf32>
    %mul3A_579 = vector.broadcast %get3A_577 : vector<1x128xf32> to vector<512x128xf32>
    %mul3A_580 = arith.mulf %mul3A_578, %mul3A_579 : vector<512x128xf32>
    %add3A_581 = arith.addf %dot_general3A_573, %mul3A_580 : vector<512x128xf32>
    %slice3A_582 = vector.extract_strided_slice %mul3A_348 {offsets = [0, 5], sizes = [512, 1], strides = [1, 1]} : vector<512x8xf32> to vector<512x1xf32>
    %mul3A_583 = vector.broadcast %slice3A_582 : vector<512x1xf32> to vector<512x128xf32>
    %mul3A_584 = arith.mulf %mul3A_583, %get3A_14 : vector<512x128xf32>
    %slice3A_585 = vector.extract_strided_slice %mul3A_349 {offsets = [0, 5], sizes = [512, 1], strides = [1, 1]} : vector<512x8xf32> to vector<512x1xf32>
    %mul3A_586 = vector.broadcast %slice3A_585 : vector<512x1xf32> to vector<512x128xf32>
    %mul3A_587 = arith.mulf %mul3A_586, %get3A_47 : vector<512x128xf32>
    %add3A_588 = arith.addf %mul3A_584, %mul3A_587 : vector<512x128xf32>
    %slice3A_589 = vector.extract_strided_slice %mul3A_350 {offsets = [0, 5], sizes = [512, 1], strides = [1, 1]} : vector<512x8xf32> to vector<512x1xf32>
    %mul3A_590 = vector.broadcast %slice3A_589 : vector<512x1xf32> to vector<512x128xf32>
    %mul3A_591 = arith.mulf %mul3A_590, %get3A_86 : vector<512x128xf32>
    %add3A_592 = arith.addf %add3A_588, %mul3A_591 : vector<512x128xf32>
    %slice3A_593 = vector.extract_strided_slice %mul3A_351 {offsets = [0, 5], sizes = [512, 1], strides = [1, 1]} : vector<512x8xf32> to vector<512x1xf32>
    %mul3A_594 = vector.broadcast %slice3A_593 : vector<512x1xf32> to vector<512x128xf32>
    %mul3A_595 = arith.mulf %mul3A_594, %get3A_125 : vector<512x128xf32>
    %add3A_596 = arith.addf %add3A_592, %mul3A_595 : vector<512x128xf32>
    %slice3A_597 = vector.extract_strided_slice %mul3A_352 {offsets = [0, 5], sizes = [512, 1], strides = [1, 1]} : vector<512x8xf32> to vector<512x1xf32>
    %mul3A_598 = vector.broadcast %slice3A_597 : vector<512x1xf32> to vector<512x128xf32>
    %mul3A_599 = arith.mulf %mul3A_598, %get3A_164 : vector<512x128xf32>
    %add3A_600 = arith.addf %add3A_596, %mul3A_599 : vector<512x128xf32>
    %slice3A_601 = vector.extract_strided_slice %mul3A_353 {offsets = [0, 5], sizes = [512, 1], strides = [1, 1]} : vector<512x8xf32> to vector<512x1xf32>
    %mul3A_602 = vector.broadcast %slice3A_601 : vector<512x1xf32> to vector<512x128xf32>
    %mul3A_603 = arith.mulf %mul3A_602, %get3A_203 : vector<512x128xf32>
    %add3A_604 = arith.addf %add3A_600, %mul3A_603 : vector<512x128xf32>
    %slice3A_605 = vector.extract_strided_slice %mul3A_354 {offsets = [0, 5], sizes = [512, 1], strides = [1, 1]} : vector<512x8xf32> to vector<512x1xf32>
    %mul3A_606 = vector.broadcast %slice3A_605 : vector<512x1xf32> to vector<512x128xf32>
    %mul3A_607 = arith.mulf %mul3A_606, %get3A_242 : vector<512x128xf32>
    %add3A_608 = arith.addf %add3A_604, %mul3A_607 : vector<512x128xf32>
    %slice3A_609 = vector.extract_strided_slice %mul3A_355 {offsets = [0, 5], sizes = [512, 1], strides = [1, 1]} : vector<512x8xf32> to vector<512x1xf32>
    %mul3A_610 = vector.broadcast %slice3A_609 : vector<512x1xf32> to vector<512x128xf32>
    %mul3A_611 = arith.mulf %mul3A_610, %get3A_281 : vector<512x128xf32>
    %add3A_612 = arith.addf %add3A_608, %mul3A_611 : vector<512x128xf32>
    %get3A_613 = arith.constant 0 : index
    %get3A_614 = arith.constant 640 : index
    %get3A_615 = vector.load %arg4[%get3A_613, %get3A_614] : memref<128x1024xf32, #tpu.memory_space<vmem>>, vector<128x128xf32>
    %dot_general3A_616 = arith.constant dense<0.000000e+00> : vector<512x128xf32>
    %dot_general3A_617 = tpu.matmul %add3A_612, %get3A_615, %dot_general3A_616 {dimension_numbers = #tpu.dot_dimension_numbers<[1], [0], [0], [1], [0, 0, 1, 1], [], []>, transpose_lhs_hint = false} : vector<512x128xf32>, vector<128x128xf32>, vector<512x128xf32> -> vector<512x128xf32>
    %slice3A_618 = vector.extract_strided_slice %add3A_362 {offsets = [0, 5], sizes = [512, 1], strides = [1, 1]} : vector<512x8xf32> to vector<512x1xf32>
    %get3A_619 = arith.constant 0 : index
    %get3A_620 = arith.constant 640 : index
    %get3A_621 = vector.load %arg5[%get3A_619, %get3A_620] : memref<1x1024xf32, #tpu.memory_space<vmem>>, vector<1x128xf32>
    %mul3A_622 = vector.broadcast %slice3A_618 : vector<512x1xf32> to vector<512x128xf32>
    %mul3A_623 = vector.broadcast %get3A_621 : vector<1x128xf32> to vector<512x128xf32>
    %mul3A_624 = arith.mulf %mul3A_622, %mul3A_623 : vector<512x128xf32>
    %add3A_625 = arith.addf %dot_general3A_617, %mul3A_624 : vector<512x128xf32>
    %slice3A_626 = vector.extract_strided_slice %mul3A_348 {offsets = [0, 6], sizes = [512, 1], strides = [1, 1]} : vector<512x8xf32> to vector<512x1xf32>
    %mul3A_627 = vector.broadcast %slice3A_626 : vector<512x1xf32> to vector<512x128xf32>
    %mul3A_628 = arith.mulf %mul3A_627, %get3A_14 : vector<512x128xf32>
    %slice3A_629 = vector.extract_strided_slice %mul3A_349 {offsets = [0, 6], sizes = [512, 1], strides = [1, 1]} : vector<512x8xf32> to vector<512x1xf32>
    %mul3A_630 = vector.broadcast %slice3A_629 : vector<512x1xf32> to vector<512x128xf32>
    %mul3A_631 = arith.mulf %mul3A_630, %get3A_47 : vector<512x128xf32>
    %add3A_632 = arith.addf %mul3A_628, %mul3A_631 : vector<512x128xf32>
    %slice3A_633 = vector.extract_strided_slice %mul3A_350 {offsets = [0, 6], sizes = [512, 1], strides = [1, 1]} : vector<512x8xf32> to vector<512x1xf32>
    %mul3A_634 = vector.broadcast %slice3A_633 : vector<512x1xf32> to vector<512x128xf32>
    %mul3A_635 = arith.mulf %mul3A_634, %get3A_86 : vector<512x128xf32>
    %add3A_636 = arith.addf %add3A_632, %mul3A_635 : vector<512x128xf32>
    %slice3A_637 = vector.extract_strided_slice %mul3A_351 {offsets = [0, 6], sizes = [512, 1], strides = [1, 1]} : vector<512x8xf32> to vector<512x1xf32>
    %mul3A_638 = vector.broadcast %slice3A_637 : vector<512x1xf32> to vector<512x128xf32>
    %mul3A_639 = arith.mulf %mul3A_638, %get3A_125 : vector<512x128xf32>
    %add3A_640 = arith.addf %add3A_636, %mul3A_639 : vector<512x128xf32>
    %slice3A_641 = vector.extract_strided_slice %mul3A_352 {offsets = [0, 6], sizes = [512, 1], strides = [1, 1]} : vector<512x8xf32> to vector<512x1xf32>
    %mul3A_642 = vector.broadcast %slice3A_641 : vector<512x1xf32> to vector<512x128xf32>
    %mul3A_643 = arith.mulf %mul3A_642, %get3A_164 : vector<512x128xf32>
    %add3A_644 = arith.addf %add3A_640, %mul3A_643 : vector<512x128xf32>
    %slice3A_645 = vector.extract_strided_slice %mul3A_353 {offsets = [0, 6], sizes = [512, 1], strides = [1, 1]} : vector<512x8xf32> to vector<512x1xf32>
    %mul3A_646 = vector.broadcast %slice3A_645 : vector<512x1xf32> to vector<512x128xf32>
    %mul3A_647 = arith.mulf %mul3A_646, %get3A_203 : vector<512x128xf32>
    %add3A_648 = arith.addf %add3A_644, %mul3A_647 : vector<512x128xf32>
    %slice3A_649 = vector.extract_strided_slice %mul3A_354 {offsets = [0, 6], sizes = [512, 1], strides = [1, 1]} : vector<512x8xf32> to vector<512x1xf32>
    %mul3A_650 = vector.broadcast %slice3A_649 : vector<512x1xf32> to vector<512x128xf32>
    %mul3A_651 = arith.mulf %mul3A_650, %get3A_242 : vector<512x128xf32>
    %add3A_652 = arith.addf %add3A_648, %mul3A_651 : vector<512x128xf32>
    %slice3A_653 = vector.extract_strided_slice %mul3A_355 {offsets = [0, 6], sizes = [512, 1], strides = [1, 1]} : vector<512x8xf32> to vector<512x1xf32>
    %mul3A_654 = vector.broadcast %slice3A_653 : vector<512x1xf32> to vector<512x128xf32>
    %mul3A_655 = arith.mulf %mul3A_654, %get3A_281 : vector<512x128xf32>
    %add3A_656 = arith.addf %add3A_652, %mul3A_655 : vector<512x128xf32>
    %get3A_657 = arith.constant 0 : index
    %get3A_658 = arith.constant 768 : index
    %get3A_659 = vector.load %arg4[%get3A_657, %get3A_658] : memref<128x1024xf32, #tpu.memory_space<vmem>>, vector<128x128xf32>
    %dot_general3A_660 = arith.constant dense<0.000000e+00> : vector<512x128xf32>
    %dot_general3A_661 = tpu.matmul %add3A_656, %get3A_659, %dot_general3A_660 {dimension_numbers = #tpu.dot_dimension_numbers<[1], [0], [0], [1], [0, 0, 1, 1], [], []>, transpose_lhs_hint = false} : vector<512x128xf32>, vector<128x128xf32>, vector<512x128xf32> -> vector<512x128xf32>
    %slice3A_662 = vector.extract_strided_slice %add3A_362 {offsets = [0, 6], sizes = [512, 1], strides = [1, 1]} : vector<512x8xf32> to vector<512x1xf32>
    %get3A_663 = arith.constant 0 : index
    %get3A_664 = arith.constant 768 : index
    %get3A_665 = vector.load %arg5[%get3A_663, %get3A_664] : memref<1x1024xf32, #tpu.memory_space<vmem>>, vector<1x128xf32>
    %mul3A_666 = vector.broadcast %slice3A_662 : vector<512x1xf32> to vector<512x128xf32>
    %mul3A_667 = vector.broadcast %get3A_665 : vector<1x128xf32> to vector<512x128xf32>
    %mul3A_668 = arith.mulf %mul3A_666, %mul3A_667 : vector<512x128xf32>
    %add3A_669 = arith.addf %dot_general3A_661, %mul3A_668 : vector<512x128xf32>
    %slice3A_670 = vector.extract_strided_slice %mul3A_348 {offsets = [0, 7], sizes = [512, 1], strides = [1, 1]} : vector<512x8xf32> to vector<512x1xf32>
    %mul3A_671 = vector.broadcast %slice3A_670 : vector<512x1xf32> to vector<512x128xf32>
    %mul3A_672 = arith.mulf %mul3A_671, %get3A_14 : vector<512x128xf32>
    %slice3A_673 = vector.extract_strided_slice %mul3A_349 {offsets = [0, 7], sizes = [512, 1], strides = [1, 1]} : vector<512x8xf32> to vector<512x1xf32>
    %mul3A_674 = vector.broadcast %slice3A_673 : vector<512x1xf32> to vector<512x128xf32>
    %mul3A_675 = arith.mulf %mul3A_674, %get3A_47 : vector<512x128xf32>
    %add3A_676 = arith.addf %mul3A_672, %mul3A_675 : vector<512x128xf32>
    %slice3A_677 = vector.extract_strided_slice %mul3A_350 {offsets = [0, 7], sizes = [512, 1], strides = [1, 1]} : vector<512x8xf32> to vector<512x1xf32>
    %mul3A_678 = vector.broadcast %slice3A_677 : vector<512x1xf32> to vector<512x128xf32>
    %mul3A_679 = arith.mulf %mul3A_678, %get3A_86 : vector<512x128xf32>
    %add3A_680 = arith.addf %add3A_676, %mul3A_679 : vector<512x128xf32>
    %slice3A_681 = vector.extract_strided_slice %mul3A_351 {offsets = [0, 7], sizes = [512, 1], strides = [1, 1]} : vector<512x8xf32> to vector<512x1xf32>
    %mul3A_682 = vector.broadcast %slice3A_681 : vector<512x1xf32> to vector<512x128xf32>
    %mul3A_683 = arith.mulf %mul3A_682, %get3A_125 : vector<512x128xf32>
    %add3A_684 = arith.addf %add3A_680, %mul3A_683 : vector<512x128xf32>
    %slice3A_685 = vector.extract_strided_slice %mul3A_352 {offsets = [0, 7], sizes = [512, 1], strides = [1, 1]} : vector<512x8xf32> to vector<512x1xf32>
    %mul3A_686 = vector.broadcast %slice3A_685 : vector<512x1xf32> to vector<512x128xf32>
    %mul3A_687 = arith.mulf %mul3A_686, %get3A_164 : vector<512x128xf32>
    %add3A_688 = arith.addf %add3A_684, %mul3A_687 : vector<512x128xf32>
    %slice3A_689 = vector.extract_strided_slice %mul3A_353 {offsets = [0, 7], sizes = [512, 1], strides = [1, 1]} : vector<512x8xf32> to vector<512x1xf32>
    %mul3A_690 = vector.broadcast %slice3A_689 : vector<512x1xf32> to vector<512x128xf32>
    %mul3A_691 = arith.mulf %mul3A_690, %get3A_203 : vector<512x128xf32>
    %add3A_692 = arith.addf %add3A_688, %mul3A_691 : vector<512x128xf32>
    %slice3A_693 = vector.extract_strided_slice %mul3A_354 {offsets = [0, 7], sizes = [512, 1], strides = [1, 1]} : vector<512x8xf32> to vector<512x1xf32>
    %mul3A_694 = vector.broadcast %slice3A_693 : vector<512x1xf32> to vector<512x128xf32>
    %mul3A_695 = arith.mulf %mul3A_694, %get3A_242 : vector<512x128xf32>
    %add3A_696 = arith.addf %add3A_692, %mul3A_695 : vector<512x128xf32>
    %slice3A_697 = vector.extract_strided_slice %mul3A_355 {offsets = [0, 7], sizes = [512, 1], strides = [1, 1]} : vector<512x8xf32> to vector<512x1xf32>
    %mul3A_698 = vector.broadcast %slice3A_697 : vector<512x1xf32> to vector<512x128xf32>
    %mul3A_699 = arith.mulf %mul3A_698, %get3A_281 : vector<512x128xf32>
    %add3A_700 = arith.addf %add3A_696, %mul3A_699 : vector<512x128xf32>
    %get3A_701 = arith.constant 0 : index
    %get3A_702 = arith.constant 896 : index
    %get3A_703 = vector.load %arg4[%get3A_701, %get3A_702] : memref<128x1024xf32, #tpu.memory_space<vmem>>, vector<128x128xf32>
    %dot_general3A_704 = arith.constant dense<0.000000e+00> : vector<512x128xf32>
    %dot_general3A_705 = tpu.matmul %add3A_700, %get3A_703, %dot_general3A_704 {dimension_numbers = #tpu.dot_dimension_numbers<[1], [0], [0], [1], [0, 0, 1, 1], [], []>, transpose_lhs_hint = false} : vector<512x128xf32>, vector<128x128xf32>, vector<512x128xf32> -> vector<512x128xf32>
    %slice3A_706 = vector.extract_strided_slice %add3A_362 {offsets = [0, 7], sizes = [512, 1], strides = [1, 1]} : vector<512x8xf32> to vector<512x1xf32>
    %get3A_707 = arith.constant 0 : index
    %get3A_708 = arith.constant 896 : index
    %get3A_709 = vector.load %arg5[%get3A_707, %get3A_708] : memref<1x1024xf32, #tpu.memory_space<vmem>>, vector<1x128xf32>
    %mul3A_710 = vector.broadcast %slice3A_706 : vector<512x1xf32> to vector<512x128xf32>
    %mul3A_711 = vector.broadcast %get3A_709 : vector<1x128xf32> to vector<512x128xf32>
    %mul3A_712 = arith.mulf %mul3A_710, %mul3A_711 : vector<512x128xf32>
    %add3A_713 = arith.addf %dot_general3A_705, %mul3A_712 : vector<512x128xf32>
    %concatenate3A = tpu.concatenate %add3A_405, %add3A_449, %add3A_493, %add3A_537, %add3A_581, %add3A_625, %add3A_669, %add3A_713 in 1 : vector<512x128xf32>, vector<512x128xf32>, vector<512x128xf32>, vector<512x128xf32>, vector<512x128xf32>, vector<512x128xf32>, vector<512x128xf32>, vector<512x128xf32> -> vector<512x1024xf32>
    %get3A_714 = arith.constant 0 : index
    %get3A_715 = arith.constant 0 : index
    %get3A_716 = vector.load %arg9[%get3A_714, %get3A_715] : memref<1x1024xf32, #tpu.memory_space<vmem>>, vector<1x1024xf32>
    %add3A_717 = vector.broadcast %get3A_716 : vector<1x1024xf32> to vector<512x1024xf32>
    %add3A_718 = arith.addf %concatenate3A, %add3A_717 : vector<512x1024xf32>
    %gt3A_719 = arith.constant 0.000000e+00 : f32
    %gt3A_720 = vector.broadcast %gt3A_719 : f32 to vector<512x1024xf32>
    %gt3A_721 = arith.cmpf ogt, %add3A_718, %gt3A_720 : vector<512x1024xf32>
    %min3A = arith.constant 0.000000e+00 : f32
    %min3A_722 = vector.broadcast %min3A : f32 to vector<512x1024xf32>
    %min3A_723 = arith.minimumf %add3A_718, %min3A_722 : vector<512x1024xf32>
    %exp3A_724 = math.exp %min3A_723 : vector<512x1024xf32>
    %sub3A_725 = arith.constant 1.000000e+00 : f32
    %sub3A_726 = vector.broadcast %sub3A_725 : f32 to vector<512x1024xf32>
    %sub3A_727 = arith.subf %exp3A_724, %sub3A_726 : vector<512x1024xf32>
    %select_n3A_728 = arith.select %gt3A_721, %add3A_718, %sub3A_727 : vector<512x1024xi1>, vector<512x1024xf32>
    %swap3A = arith.constant 0 : index
    %swap3A_729 = arith.constant 0 : index
    %swap3A_730 = vector.load %arg10[%swap3A, %swap3A_729] : memref<512x1024xf32, #tpu.memory_space<vmem>>, vector<512x1024xf32>
    tpu.vector_store %arg10[%swap3A, %swap3A_729], %select_n3A_728 {strides = array<i32>} : memref<512x1024xf32, #tpu.memory_space<vmem>>, vector<512x1024xf32>,
    return
  }
  func.func @transform_0(%arg0: i32) -> (i32, i32) {
    %c0_i32 = arith.constant 0 : i32
    %c0_i32_0 = arith.constant 0 : i32
    return %arg0, %c0_i32 : i32, i32
  }
  func.func @transform_1(%arg0: i32) -> (i32, i32, i32) {
    %c0_i32 = arith.constant 0 : i32
    %c0_i32_0 = arith.constant 0 : i32
    %c0_i32_1 = arith.constant 0 : i32
    return %c0_i32, %arg0, %c0_i32_0 : i32, i32, i32
  }
  func.func @transform_2(%arg0: i32) -> (i32, i32) {
    %c0_i32 = arith.constant 0 : i32
    %c0_i32_0 = arith.constant 0 : i32
    return %arg0, %c0_i32 : i32, i32
  }
  func.func @transform_3(%arg0: i32) -> (i32, i32) {
    %c0_i32 = arith.constant 0 : i32
    %c0_i32_0 = arith.constant 0 : i32
    %c0_i32_1 = arith.constant 0 : i32
    return %c0_i32, %c0_i32_0 : i32, i32
  }
  func.func @transform_4(%arg0: i32) -> (i32, i32) {
    %c0_i32 = arith.constant 0 : i32
    %c0_i32_0 = arith.constant 0 : i32
    %c0_i32_1 = arith.constant 0 : i32
    return %c0_i32, %c0_i32_0 : i32, i32
  }
  func.func @transform_5(%arg0: i32) -> (i32, i32) {
    %c0_i32 = arith.constant 0 : i32
    %c0_i32_0 = arith.constant 0 : i32
    %c0_i32_1 = arith.constant 0 : i32
    return %c0_i32, %c0_i32_0 : i32, i32
  }
  func.func @transform_6(%arg0: i32) -> (i32, i32) {
    %c0_i32 = arith.constant 0 : i32
    %c0_i32_0 = arith.constant 0 : i32
    %c0_i32_1 = arith.constant 0 : i32
    return %c0_i32, %c0_i32_0 : i32, i32
  }
  func.func @transform_7(%arg0: i32) -> (i32, i32) {
    %c0_i32 = arith.constant 0 : i32
    %c0_i32_0 = arith.constant 0 : i32
    %c0_i32_1 = arith.constant 0 : i32
    return %c0_i32, %c0_i32_0 : i32, i32
  }
  func.func @transform_8(%arg0: i32) -> (i32, i32) {
    %c0_i32 = arith.constant 0 : i32
    %c0_i32_0 = arith.constant 0 : i32
    %c0_i32_1 = arith.constant 0 : i32
    return %c0_i32, %c0_i32_0 : i32, i32
  }
  func.func @transform_9(%arg0: i32) -> (i32, i32) {
    %c0_i32 = arith.constant 0 : i32
    %c0_i32_0 = arith.constant 0 : i32
    return %arg0, %c0_i32 : i32, i32
  }
}

module attributes {stable_mosaic.version = 14 : i64} {
  func.func @_xlr_body(%arg0: i32, %arg1: memref<512x1024xf32, #tpu.memory_space<vmem>>, %arg2: memref<1024x128xf32, #tpu.memory_space<vmem>>, %arg3: memref<1x128xf32, #tpu.memory_space<vmem>>, %arg4: memref<1024x128xf32, #tpu.memory_space<vmem>>, %arg5: memref<1x128xf32, #tpu.memory_space<vmem>>, %arg6: memref<512x128xf32, #tpu.memory_space<vmem>>, %arg7: memref<512x128xf32, #tpu.memory_space<vmem>>) attributes {dimension_semantics = [#tpu.dimension_semantics<arbitrary>], iteration_bounds = array<i64: 5>, scalar_prefetch = 0 : i64, scratch_operands = 0 : i64, tpu.core_type = #tpu.core_type<tc>, window_params = [{transform_indices = @transform_0, window_bounds = array<i64: 512, 1024>}, {pipeline_mode = #tpu.pipeline_mode<synchronous>, transform_indices = @transform_1, window_bounds = array<i64: 1024, 128>}, {pipeline_mode = #tpu.pipeline_mode<synchronous>, transform_indices = @transform_2, window_bounds = array<i64: 1, 128>}, {pipeline_mode = #tpu.pipeline_mode<synchronous>, transform_indices = @transform_3, window_bounds = array<i64: 1024, 128>}, {pipeline_mode = #tpu.pipeline_mode<synchronous>, transform_indices = @transform_4, window_bounds = array<i64: 1, 128>}, {transform_indices = @transform_5, window_bounds = array<i64: 512, 128>}, {transform_indices = @transform_6, window_bounds = array<i64: 512, 128>}]} {
    %get3A = arith.constant 0 : index
    %get3A_0 = arith.constant 0 : index
    %get3A_1 = vector.load %arg1[%get3A, %get3A_0] : memref<512x1024xf32, #tpu.memory_space<vmem>>, vector<512x1024xf32>
    %get3A_2 = arith.constant 0 : index
    %get3A_3 = arith.constant 0 : index
    %get3A_4 = vector.load %arg2[%get3A_2, %get3A_3] : memref<1024x128xf32, #tpu.memory_space<vmem>>, vector<1024x128xf32>
    %dot_general3A = arith.constant dense<0.000000e+00> : vector<512x128xf32>
    %dot_general3A_5 = tpu.matmul %get3A_1, %get3A_4, %dot_general3A {dimension_numbers = #tpu.dot_dimension_numbers<[1], [0], [0], [1], [0, 0, 1, 1], [], []>, transpose_lhs_hint = false} : vector<512x1024xf32>, vector<1024x128xf32>, vector<512x128xf32> -> vector<512x128xf32>
    %get3A_6 = arith.constant 0 : index
    %get3A_7 = arith.constant 0 : index
    %get3A_8 = vector.load %arg3[%get3A_6, %get3A_7] : memref<1x128xf32, #tpu.memory_space<vmem>>, vector<1x128xf32>
    %add3A = vector.broadcast %get3A_8 : vector<1x128xf32> to vector<512x128xf32>
    %add3A_9 = arith.addf %dot_general3A_5, %add3A : vector<512x128xf32>
    %swap3A = arith.constant 0 : index
    %swap3A_10 = arith.constant 0 : index
    %swap3A_11 = vector.load %arg6[%swap3A, %swap3A_10] : memref<512x128xf32, #tpu.memory_space<vmem>>, vector<512x128xf32>
    tpu.vector_store %arg6[%swap3A, %swap3A_10], %add3A_9 {strides = array<i32>} : memref<512x128xf32, #tpu.memory_space<vmem>>, vector<512x128xf32>,
    %get3A_12 = arith.constant 0 : index
    %get3A_13 = arith.constant 0 : index
    %get3A_14 = vector.load %arg4[%get3A_12, %get3A_13] : memref<1024x128xf32, #tpu.memory_space<vmem>>, vector<1024x128xf32>
    %dot_general3A_15 = arith.constant dense<0.000000e+00> : vector<512x128xf32>
    %dot_general3A_16 = tpu.matmul %get3A_1, %get3A_14, %dot_general3A_15 {dimension_numbers = #tpu.dot_dimension_numbers<[1], [0], [0], [1], [0, 0, 1, 1], [], []>, transpose_lhs_hint = false} : vector<512x1024xf32>, vector<1024x128xf32>, vector<512x128xf32> -> vector<512x128xf32>
    %get3A_17 = arith.constant 0 : index
    %get3A_18 = arith.constant 0 : index
    %get3A_19 = vector.load %arg5[%get3A_17, %get3A_18] : memref<1x128xf32, #tpu.memory_space<vmem>>, vector<1x128xf32>
    %add3A_20 = vector.broadcast %get3A_19 : vector<1x128xf32> to vector<512x128xf32>
    %add3A_21 = arith.addf %dot_general3A_16, %add3A_20 : vector<512x128xf32>
    %swap3A_22 = arith.constant 0 : index
    %swap3A_23 = arith.constant 0 : index
    %swap3A_24 = vector.load %arg7[%swap3A_22, %swap3A_23] : memref<512x128xf32, #tpu.memory_space<vmem>>, vector<512x128xf32>
    tpu.vector_store %arg7[%swap3A_22, %swap3A_23], %add3A_21 {strides = array<i32>} : memref<512x128xf32, #tpu.memory_space<vmem>>, vector<512x128xf32>,
    return
  }
  func.func @transform_0(%arg0: i32) -> (i32, i32) {
    %c0_i32 = arith.constant 0 : i32
    %c0_i32_0 = arith.constant 0 : i32
    return %arg0, %c0_i32 : i32, i32
  }
  func.func @transform_1(%arg0: i32) -> (i32, i32) {
    %c0_i32 = arith.constant 0 : i32
    %c0_i32_0 = arith.constant 0 : i32
    %c0_i32_1 = arith.constant 0 : i32
    return %c0_i32, %c0_i32_0 : i32, i32
  }
  func.func @transform_2(%arg0: i32) -> (i32, i32) {
    %c0_i32 = arith.constant 0 : i32
    %c0_i32_0 = arith.constant 0 : i32
    %c0_i32_1 = arith.constant 0 : i32
    return %c0_i32, %c0_i32_0 : i32, i32
  }
  func.func @transform_3(%arg0: i32) -> (i32, i32) {
    %c0_i32 = arith.constant 0 : i32
    %c0_i32_0 = arith.constant 0 : i32
    %c0_i32_1 = arith.constant 0 : i32
    return %c0_i32, %c0_i32_0 : i32, i32
  }
  func.func @transform_4(%arg0: i32) -> (i32, i32) {
    %c0_i32 = arith.constant 0 : i32
    %c0_i32_0 = arith.constant 0 : i32
    %c0_i32_1 = arith.constant 0 : i32
    return %c0_i32, %c0_i32_0 : i32, i32
  }
  func.func @transform_5(%arg0: i32) -> (i32, i32) {
    %c0_i32 = arith.constant 0 : i32
    %c0_i32_0 = arith.constant 0 : i32
    return %arg0, %c0_i32 : i32, i32
  }
  func.func @transform_6(%arg0: i32) -> (i32, i32) {
    %c0_i32 = arith.constant 0 : i32
    %c0_i32_0 = arith.constant 0 : i32
    return %arg0, %c0_i32 : i32, i32
  }
}

module attributes {stable_mosaic.version = 14 : i64} {
  func.func @_att_lo_body(%arg0: i32, %arg1: memref<8x512x128xf32, #tpu.memory_space<vmem>>, %arg2: memref<512x128xf32, #tpu.memory_space<vmem>>, %arg3: memref<512x8xf32, #tpu.memory_space<vmem>>, %arg4: memref<1x128xf32, #tpu.memory_space<vmem>>, %arg5: memref<1x128xf32, #tpu.memory_space<vmem>>, %arg6: memref<512x128xf32, #tpu.memory_space<vmem>>) attributes {dimension_semantics = [#tpu.dimension_semantics<arbitrary>], iteration_bounds = array<i64: 5>, scalar_prefetch = 0 : i64, scratch_operands = 0 : i64, tpu.core_type = #tpu.core_type<tc>, window_params = [{transform_indices = @transform_0, window_bounds = array<i64: 8, 512, 128>}, {transform_indices = @transform_1, window_bounds = array<i64: 512, 128>}, {transform_indices = @transform_2, window_bounds = array<i64: 512, 8>}, {pipeline_mode = #tpu.pipeline_mode<synchronous>, transform_indices = @transform_3, window_bounds = array<i64: 1, 128>}, {pipeline_mode = #tpu.pipeline_mode<synchronous>, transform_indices = @transform_4, window_bounds = array<i64: 1, 128>}, {transform_indices = @transform_5, window_bounds = array<i64: 512, 128>}]} {
    %get3A = arith.constant 0 : index
    %get3A_0 = arith.constant 0 : index
    %get3A_1 = vector.load %arg2[%get3A, %get3A_0] : memref<512x128xf32, #tpu.memory_space<vmem>>, vector<512x128xf32>
    %get3A_2 = arith.constant 0 : index
    %get3A_3 = arith.constant 0 : index
    %get3A_4 = arith.constant 0 : index
    %get3A_5 = vector.load %arg1[%get3A_2, %get3A_3, %get3A_4] : memref<8x512x128xf32, #tpu.memory_space<vmem>>, vector<1x512x128xf32>
    %get3A_6 = vector.shape_cast %get3A_5 : vector<1x512x128xf32> to vector<512x128xf32>
    %add3A = arith.addf %get3A_6, %get3A_1 : vector<512x128xf32>
    %ge3A = arith.constant 0.000000e+00 : f32
    %ge3A_7 = vector.broadcast %ge3A : f32 to vector<512x128xf32>
    %ge3A_8 = arith.cmpf oge, %add3A, %ge3A_7 : vector<512x128xf32>
    %mul3A = arith.constant 2.000000e-01 : f32
    %mul3A_9 = vector.broadcast %mul3A : f32 to vector<512x128xf32>
    %mul3A_10 = arith.mulf %mul3A_9, %add3A : vector<512x128xf32>
    %select_n3A = arith.select %ge3A_8, %add3A, %mul3A_10 : vector<512x128xi1>, vector<512x128xf32>
    %get3A_11 = arith.constant 0 : index
    %get3A_12 = arith.constant 0 : index
    %get3A_13 = vector.load %arg4[%get3A_11, %get3A_12] : memref<1x128xf32, #tpu.memory_space<vmem>>, vector<1x128xf32>
    %mul3A_14 = vector.broadcast %get3A_13 : vector<1x128xf32> to vector<512x128xf32>
    %mul3A_15 = arith.mulf %select_n3A, %mul3A_14 : vector<512x128xf32>
    %reduce_sum3A = arith.constant dense<0.000000e+00> : vector<512xf32>
    %reduce_sum3A_16 = vector.multi_reduction <add>, %mul3A_15, %reduce_sum3A [1] : vector<512x128xf32> to vector<512xf32>
    %broadcast_in_dim3A = vector.shape_cast %reduce_sum3A_16 : vector<512xf32> to vector<512x1xf32>
    %get3A_17 = arith.constant 0 : index
    %get3A_18 = arith.constant 0 : index
    %get3A_19 = vector.load %arg3[%get3A_17, %get3A_18] : memref<512x8xf32, #tpu.memory_space<vmem>>, vector<512x1xf32>
    %gt3A = arith.constant 0.000000e+00 : f32
    %gt3A_20 = vector.broadcast %gt3A : f32 to vector<512x1xf32>
    %gt3A_21 = arith.cmpf ogt, %get3A_19, %gt3A_20 : vector<512x1xf32>
    %jit3A = arith.constant -1.000000e+30 : f32
    %broadcast_in_dim3A_22 = vector.broadcast %jit3A : f32 to vector<512x1xf32>
    %select_n3A_23 = arith.select %gt3A_21, %broadcast_in_dim3A, %broadcast_in_dim3A_22 : vector<512x1xi1>, vector<512x1xf32>
    %get3A_24 = arith.constant 1 : index
    %get3A_25 = arith.constant 0 : index
    %get3A_26 = arith.constant 0 : index
    %get3A_27 = vector.load %arg1[%get3A_24, %get3A_25, %get3A_26] : memref<8x512x128xf32, #tpu.memory_space<vmem>>, vector<1x512x128xf32>
    %get3A_28 = vector.shape_cast %get3A_27 : vector<1x512x128xf32> to vector<512x128xf32>
    %add3A_29 = arith.addf %get3A_28, %get3A_1 : vector<512x128xf32>
    %ge3A_30 = arith.constant 0.000000e+00 : f32
    %ge3A_31 = vector.broadcast %ge3A_30 : f32 to vector<512x128xf32>
    %ge3A_32 = arith.cmpf oge, %add3A_29, %ge3A_31 : vector<512x128xf32>
    %mul3A_33 = arith.constant 2.000000e-01 : f32
    %mul3A_34 = vector.broadcast %mul3A_33 : f32 to vector<512x128xf32>
    %mul3A_35 = arith.mulf %mul3A_34, %add3A_29 : vector<512x128xf32>
    %select_n3A_36 = arith.select %ge3A_32, %add3A_29, %mul3A_35 : vector<512x128xi1>, vector<512x128xf32>
    %get3A_37 = arith.constant 0 : index
    %get3A_38 = arith.constant 0 : index
    %get3A_39 = vector.load %arg4[%get3A_37, %get3A_38] : memref<1x128xf32, #tpu.memory_space<vmem>>, vector<1x128xf32>
    %mul3A_40 = vector.broadcast %get3A_39 : vector<1x128xf32> to vector<512x128xf32>
    %mul3A_41 = arith.mulf %select_n3A_36, %mul3A_40 : vector<512x128xf32>
    %reduce_sum3A_42 = arith.constant dense<0.000000e+00> : vector<512xf32>
    %reduce_sum3A_43 = vector.multi_reduction <add>, %mul3A_41, %reduce_sum3A_42 [1] : vector<512x128xf32> to vector<512xf32>
    %broadcast_in_dim3A_44 = vector.shape_cast %reduce_sum3A_43 : vector<512xf32> to vector<512x1xf32>
    %get3A_45 = arith.constant 0 : index
    %get3A_46 = arith.constant 1 : index
    %get3A_47 = vector.load %arg3[%get3A_45, %get3A_46] : memref<512x8xf32, #tpu.memory_space<vmem>>, vector<512x1xf32>
    %gt3A_48 = arith.constant 0.000000e+00 : f32
    %gt3A_49 = vector.broadcast %gt3A_48 : f32 to vector<512x1xf32>
    %gt3A_50 = arith.cmpf ogt, %get3A_47, %gt3A_49 : vector<512x1xf32>
    %jit3A_51 = arith.constant -1.000000e+30 : f32
    %broadcast_in_dim3A_52 = vector.broadcast %jit3A_51 : f32 to vector<512x1xf32>
    %select_n3A_53 = arith.select %gt3A_50, %broadcast_in_dim3A_44, %broadcast_in_dim3A_52 : vector<512x1xi1>, vector<512x1xf32>
    %get3A_54 = arith.constant 2 : index
    %get3A_55 = arith.constant 0 : index
    %get3A_56 = arith.constant 0 : index
    %get3A_57 = vector.load %arg1[%get3A_54, %get3A_55, %get3A_56] : memref<8x512x128xf32, #tpu.memory_space<vmem>>, vector<1x512x128xf32>
    %get3A_58 = vector.shape_cast %get3A_57 : vector<1x512x128xf32> to vector<512x128xf32>
    %add3A_59 = arith.addf %get3A_58, %get3A_1 : vector<512x128xf32>
    %ge3A_60 = arith.constant 0.000000e+00 : f32
    %ge3A_61 = vector.broadcast %ge3A_60 : f32 to vector<512x128xf32>
    %ge3A_62 = arith.cmpf oge, %add3A_59, %ge3A_61 : vector<512x128xf32>
    %mul3A_63 = arith.constant 2.000000e-01 : f32
    %mul3A_64 = vector.broadcast %mul3A_63 : f32 to vector<512x128xf32>
    %mul3A_65 = arith.mulf %mul3A_64, %add3A_59 : vector<512x128xf32>
    %select_n3A_66 = arith.select %ge3A_62, %add3A_59, %mul3A_65 : vector<512x128xi1>, vector<512x128xf32>
    %get3A_67 = arith.constant 0 : index
    %get3A_68 = arith.constant 0 : index
    %get3A_69 = vector.load %arg4[%get3A_67, %get3A_68] : memref<1x128xf32, #tpu.memory_space<vmem>>, vector<1x128xf32>
    %mul3A_70 = vector.broadcast %get3A_69 : vector<1x128xf32> to vector<512x128xf32>
    %mul3A_71 = arith.mulf %select_n3A_66, %mul3A_70 : vector<512x128xf32>
    %reduce_sum3A_72 = arith.constant dense<0.000000e+00> : vector<512xf32>
    %reduce_sum3A_73 = vector.multi_reduction <add>, %mul3A_71, %reduce_sum3A_72 [1] : vector<512x128xf32> to vector<512xf32>
    %broadcast_in_dim3A_74 = vector.shape_cast %reduce_sum3A_73 : vector<512xf32> to vector<512x1xf32>
    %get3A_75 = arith.constant 0 : index
    %get3A_76 = arith.constant 2 : index
    %get3A_77 = vector.load %arg3[%get3A_75, %get3A_76] : memref<512x8xf32, #tpu.memory_space<vmem>>, vector<512x1xf32>
    %gt3A_78 = arith.constant 0.000000e+00 : f32
    %gt3A_79 = vector.broadcast %gt3A_78 : f32 to vector<512x1xf32>
    %gt3A_80 = arith.cmpf ogt, %get3A_77, %gt3A_79 : vector<512x1xf32>
    %jit3A_81 = arith.constant -1.000000e+30 : f32
    %broadcast_in_dim3A_82 = vector.broadcast %jit3A_81 : f32 to vector<512x1xf32>
    %select_n3A_83 = arith.select %gt3A_80, %broadcast_in_dim3A_74, %broadcast_in_dim3A_82 : vector<512x1xi1>, vector<512x1xf32>
    %get3A_84 = arith.constant 3 : index
    %get3A_85 = arith.constant 0 : index
    %get3A_86 = arith.constant 0 : index
    %get3A_87 = vector.load %arg1[%get3A_84, %get3A_85, %get3A_86] : memref<8x512x128xf32, #tpu.memory_space<vmem>>, vector<1x512x128xf32>
    %get3A_88 = vector.shape_cast %get3A_87 : vector<1x512x128xf32> to vector<512x128xf32>
    %add3A_89 = arith.addf %get3A_88, %get3A_1 : vector<512x128xf32>
    %ge3A_90 = arith.constant 0.000000e+00 : f32
    %ge3A_91 = vector.broadcast %ge3A_90 : f32 to vector<512x128xf32>
    %ge3A_92 = arith.cmpf oge, %add3A_89, %ge3A_91 : vector<512x128xf32>
    %mul3A_93 = arith.constant 2.000000e-01 : f32
    %mul3A_94 = vector.broadcast %mul3A_93 : f32 to vector<512x128xf32>
    %mul3A_95 = arith.mulf %mul3A_94, %add3A_89 : vector<512x128xf32>
    %select_n3A_96 = arith.select %ge3A_92, %add3A_89, %mul3A_95 : vector<512x128xi1>, vector<512x128xf32>
    %get3A_97 = arith.constant 0 : index
    %get3A_98 = arith.constant 0 : index
    %get3A_99 = vector.load %arg4[%get3A_97, %get3A_98] : memref<1x128xf32, #tpu.memory_space<vmem>>, vector<1x128xf32>
    %mul3A_100 = vector.broadcast %get3A_99 : vector<1x128xf32> to vector<512x128xf32>
    %mul3A_101 = arith.mulf %select_n3A_96, %mul3A_100 : vector<512x128xf32>
    %reduce_sum3A_102 = arith.constant dense<0.000000e+00> : vector<512xf32>
    %reduce_sum3A_103 = vector.multi_reduction <add>, %mul3A_101, %reduce_sum3A_102 [1] : vector<512x128xf32> to vector<512xf32>
    %broadcast_in_dim3A_104 = vector.shape_cast %reduce_sum3A_103 : vector<512xf32> to vector<512x1xf32>
    %get3A_105 = arith.constant 0 : index
    %get3A_106 = arith.constant 3 : index
    %get3A_107 = vector.load %arg3[%get3A_105, %get3A_106] : memref<512x8xf32, #tpu.memory_space<vmem>>, vector<512x1xf32>
    %gt3A_108 = arith.constant 0.000000e+00 : f32
    %gt3A_109 = vector.broadcast %gt3A_108 : f32 to vector<512x1xf32>
    %gt3A_110 = arith.cmpf ogt, %get3A_107, %gt3A_109 : vector<512x1xf32>
    %jit3A_111 = arith.constant -1.000000e+30 : f32
    %broadcast_in_dim3A_112 = vector.broadcast %jit3A_111 : f32 to vector<512x1xf32>
    %select_n3A_113 = arith.select %gt3A_110, %broadcast_in_dim3A_104, %broadcast_in_dim3A_112 : vector<512x1xi1>, vector<512x1xf32>
    %get3A_114 = arith.constant 4 : index
    %get3A_115 = arith.constant 0 : index
    %get3A_116 = arith.constant 0 : index
    %get3A_117 = vector.load %arg1[%get3A_114, %get3A_115, %get3A_116] : memref<8x512x128xf32, #tpu.memory_space<vmem>>, vector<1x512x128xf32>
    %get3A_118 = vector.shape_cast %get3A_117 : vector<1x512x128xf32> to vector<512x128xf32>
    %add3A_119 = arith.addf %get3A_118, %get3A_1 : vector<512x128xf32>
    %ge3A_120 = arith.constant 0.000000e+00 : f32
    %ge3A_121 = vector.broadcast %ge3A_120 : f32 to vector<512x128xf32>
    %ge3A_122 = arith.cmpf oge, %add3A_119, %ge3A_121 : vector<512x128xf32>
    %mul3A_123 = arith.constant 2.000000e-01 : f32
    %mul3A_124 = vector.broadcast %mul3A_123 : f32 to vector<512x128xf32>
    %mul3A_125 = arith.mulf %mul3A_124, %add3A_119 : vector<512x128xf32>
    %select_n3A_126 = arith.select %ge3A_122, %add3A_119, %mul3A_125 : vector<512x128xi1>, vector<512x128xf32>
    %get3A_127 = arith.constant 0 : index
    %get3A_128 = arith.constant 0 : index
    %get3A_129 = vector.load %arg4[%get3A_127, %get3A_128] : memref<1x128xf32, #tpu.memory_space<vmem>>, vector<1x128xf32>
    %mul3A_130 = vector.broadcast %get3A_129 : vector<1x128xf32> to vector<512x128xf32>
    %mul3A_131 = arith.mulf %select_n3A_126, %mul3A_130 : vector<512x128xf32>
    %reduce_sum3A_132 = arith.constant dense<0.000000e+00> : vector<512xf32>
    %reduce_sum3A_133 = vector.multi_reduction <add>, %mul3A_131, %reduce_sum3A_132 [1] : vector<512x128xf32> to vector<512xf32>
    %broadcast_in_dim3A_134 = vector.shape_cast %reduce_sum3A_133 : vector<512xf32> to vector<512x1xf32>
    %get3A_135 = arith.constant 0 : index
    %get3A_136 = arith.constant 4 : index
    %get3A_137 = vector.load %arg3[%get3A_135, %get3A_136] : memref<512x8xf32, #tpu.memory_space<vmem>>, vector<512x1xf32>
    %gt3A_138 = arith.constant 0.000000e+00 : f32
    %gt3A_139 = vector.broadcast %gt3A_138 : f32 to vector<512x1xf32>
    %gt3A_140 = arith.cmpf ogt, %get3A_137, %gt3A_139 : vector<512x1xf32>
    %jit3A_141 = arith.constant -1.000000e+30 : f32
    %broadcast_in_dim3A_142 = vector.broadcast %jit3A_141 : f32 to vector<512x1xf32>
    %select_n3A_143 = arith.select %gt3A_140, %broadcast_in_dim3A_134, %broadcast_in_dim3A_142 : vector<512x1xi1>, vector<512x1xf32>
    %get3A_144 = arith.constant 5 : index
    %get3A_145 = arith.constant 0 : index
    %get3A_146 = arith.constant 0 : index
    %get3A_147 = vector.load %arg1[%get3A_144, %get3A_145, %get3A_146] : memref<8x512x128xf32, #tpu.memory_space<vmem>>, vector<1x512x128xf32>
    %get3A_148 = vector.shape_cast %get3A_147 : vector<1x512x128xf32> to vector<512x128xf32>
    %add3A_149 = arith.addf %get3A_148, %get3A_1 : vector<512x128xf32>
    %ge3A_150 = arith.constant 0.000000e+00 : f32
    %ge3A_151 = vector.broadcast %ge3A_150 : f32 to vector<512x128xf32>
    %ge3A_152 = arith.cmpf oge, %add3A_149, %ge3A_151 : vector<512x128xf32>
    %mul3A_153 = arith.constant 2.000000e-01 : f32
    %mul3A_154 = vector.broadcast %mul3A_153 : f32 to vector<512x128xf32>
    %mul3A_155 = arith.mulf %mul3A_154, %add3A_149 : vector<512x128xf32>
    %select_n3A_156 = arith.select %ge3A_152, %add3A_149, %mul3A_155 : vector<512x128xi1>, vector<512x128xf32>
    %get3A_157 = arith.constant 0 : index
    %get3A_158 = arith.constant 0 : index
    %get3A_159 = vector.load %arg4[%get3A_157, %get3A_158] : memref<1x128xf32, #tpu.memory_space<vmem>>, vector<1x128xf32>
    %mul3A_160 = vector.broadcast %get3A_159 : vector<1x128xf32> to vector<512x128xf32>
    %mul3A_161 = arith.mulf %select_n3A_156, %mul3A_160 : vector<512x128xf32>
    %reduce_sum3A_162 = arith.constant dense<0.000000e+00> : vector<512xf32>
    %reduce_sum3A_163 = vector.multi_reduction <add>, %mul3A_161, %reduce_sum3A_162 [1] : vector<512x128xf32> to vector<512xf32>
    %broadcast_in_dim3A_164 = vector.shape_cast %reduce_sum3A_163 : vector<512xf32> to vector<512x1xf32>
    %get3A_165 = arith.constant 0 : index
    %get3A_166 = arith.constant 5 : index
    %get3A_167 = vector.load %arg3[%get3A_165, %get3A_166] : memref<512x8xf32, #tpu.memory_space<vmem>>, vector<512x1xf32>
    %gt3A_168 = arith.constant 0.000000e+00 : f32
    %gt3A_169 = vector.broadcast %gt3A_168 : f32 to vector<512x1xf32>
    %gt3A_170 = arith.cmpf ogt, %get3A_167, %gt3A_169 : vector<512x1xf32>
    %jit3A_171 = arith.constant -1.000000e+30 : f32
    %broadcast_in_dim3A_172 = vector.broadcast %jit3A_171 : f32 to vector<512x1xf32>
    %select_n3A_173 = arith.select %gt3A_170, %broadcast_in_dim3A_164, %broadcast_in_dim3A_172 : vector<512x1xi1>, vector<512x1xf32>
    %get3A_174 = arith.constant 6 : index
    %get3A_175 = arith.constant 0 : index
    %get3A_176 = arith.constant 0 : index
    %get3A_177 = vector.load %arg1[%get3A_174, %get3A_175, %get3A_176] : memref<8x512x128xf32, #tpu.memory_space<vmem>>, vector<1x512x128xf32>
    %get3A_178 = vector.shape_cast %get3A_177 : vector<1x512x128xf32> to vector<512x128xf32>
    %add3A_179 = arith.addf %get3A_178, %get3A_1 : vector<512x128xf32>
    %ge3A_180 = arith.constant 0.000000e+00 : f32
    %ge3A_181 = vector.broadcast %ge3A_180 : f32 to vector<512x128xf32>
    %ge3A_182 = arith.cmpf oge, %add3A_179, %ge3A_181 : vector<512x128xf32>
    %mul3A_183 = arith.constant 2.000000e-01 : f32
    %mul3A_184 = vector.broadcast %mul3A_183 : f32 to vector<512x128xf32>
    %mul3A_185 = arith.mulf %mul3A_184, %add3A_179 : vector<512x128xf32>
    %select_n3A_186 = arith.select %ge3A_182, %add3A_179, %mul3A_185 : vector<512x128xi1>, vector<512x128xf32>
    %get3A_187 = arith.constant 0 : index
    %get3A_188 = arith.constant 0 : index
    %get3A_189 = vector.load %arg4[%get3A_187, %get3A_188] : memref<1x128xf32, #tpu.memory_space<vmem>>, vector<1x128xf32>
    %mul3A_190 = vector.broadcast %get3A_189 : vector<1x128xf32> to vector<512x128xf32>
    %mul3A_191 = arith.mulf %select_n3A_186, %mul3A_190 : vector<512x128xf32>
    %reduce_sum3A_192 = arith.constant dense<0.000000e+00> : vector<512xf32>
    %reduce_sum3A_193 = vector.multi_reduction <add>, %mul3A_191, %reduce_sum3A_192 [1] : vector<512x128xf32> to vector<512xf32>
    %broadcast_in_dim3A_194 = vector.shape_cast %reduce_sum3A_193 : vector<512xf32> to vector<512x1xf32>
    %get3A_195 = arith.constant 0 : index
    %get3A_196 = arith.constant 6 : index
    %get3A_197 = vector.load %arg3[%get3A_195, %get3A_196] : memref<512x8xf32, #tpu.memory_space<vmem>>, vector<512x1xf32>
    %gt3A_198 = arith.constant 0.000000e+00 : f32
    %gt3A_199 = vector.broadcast %gt3A_198 : f32 to vector<512x1xf32>
    %gt3A_200 = arith.cmpf ogt, %get3A_197, %gt3A_199 : vector<512x1xf32>
    %jit3A_201 = arith.constant -1.000000e+30 : f32
    %broadcast_in_dim3A_202 = vector.broadcast %jit3A_201 : f32 to vector<512x1xf32>
    %select_n3A_203 = arith.select %gt3A_200, %broadcast_in_dim3A_194, %broadcast_in_dim3A_202 : vector<512x1xi1>, vector<512x1xf32>
    %get3A_204 = arith.constant 7 : index
    %get3A_205 = arith.constant 0 : index
    %get3A_206 = arith.constant 0 : index
    %get3A_207 = vector.load %arg1[%get3A_204, %get3A_205, %get3A_206] : memref<8x512x128xf32, #tpu.memory_space<vmem>>, vector<1x512x128xf32>
    %get3A_208 = vector.shape_cast %get3A_207 : vector<1x512x128xf32> to vector<512x128xf32>
    %add3A_209 = arith.addf %get3A_208, %get3A_1 : vector<512x128xf32>
    %ge3A_210 = arith.constant 0.000000e+00 : f32
    %ge3A_211 = vector.broadcast %ge3A_210 : f32 to vector<512x128xf32>
    %ge3A_212 = arith.cmpf oge, %add3A_209, %ge3A_211 : vector<512x128xf32>
    %mul3A_213 = arith.constant 2.000000e-01 : f32
    %mul3A_214 = vector.broadcast %mul3A_213 : f32 to vector<512x128xf32>
    %mul3A_215 = arith.mulf %mul3A_214, %add3A_209 : vector<512x128xf32>
    %select_n3A_216 = arith.select %ge3A_212, %add3A_209, %mul3A_215 : vector<512x128xi1>, vector<512x128xf32>
    %get3A_217 = arith.constant 0 : index
    %get3A_218 = arith.constant 0 : index
    %get3A_219 = vector.load %arg4[%get3A_217, %get3A_218] : memref<1x128xf32, #tpu.memory_space<vmem>>, vector<1x128xf32>
    %mul3A_220 = vector.broadcast %get3A_219 : vector<1x128xf32> to vector<512x128xf32>
    %mul3A_221 = arith.mulf %select_n3A_216, %mul3A_220 : vector<512x128xf32>
    %reduce_sum3A_222 = arith.constant dense<0.000000e+00> : vector<512xf32>
    %reduce_sum3A_223 = vector.multi_reduction <add>, %mul3A_221, %reduce_sum3A_222 [1] : vector<512x128xf32> to vector<512xf32>
    %broadcast_in_dim3A_224 = vector.shape_cast %reduce_sum3A_223 : vector<512xf32> to vector<512x1xf32>
    %get3A_225 = arith.constant 0 : index
    %get3A_226 = arith.constant 7 : index
    %get3A_227 = vector.load %arg3[%get3A_225, %get3A_226] : memref<512x8xf32, #tpu.memory_space<vmem>>, vector<512x1xf32>
    %gt3A_228 = arith.constant 0.000000e+00 : f32
    %gt3A_229 = vector.broadcast %gt3A_228 : f32 to vector<512x1xf32>
    %gt3A_230 = arith.cmpf ogt, %get3A_227, %gt3A_229 : vector<512x1xf32>
    %jit3A_231 = arith.constant -1.000000e+30 : f32
    %broadcast_in_dim3A_232 = vector.broadcast %jit3A_231 : f32 to vector<512x1xf32>
    %select_n3A_233 = arith.select %gt3A_230, %broadcast_in_dim3A_224, %broadcast_in_dim3A_232 : vector<512x1xi1>, vector<512x1xf32>
    %max3A = arith.maximumf %select_n3A_23, %select_n3A_53 : vector<512x1xf32>
    %max3A_234 = arith.maximumf %max3A, %select_n3A_83 : vector<512x1xf32>
    %max3A_235 = arith.maximumf %max3A_234, %select_n3A_113 : vector<512x1xf32>
    %max3A_236 = arith.maximumf %max3A_235, %select_n3A_143 : vector<512x1xf32>
    %max3A_237 = arith.maximumf %max3A_236, %select_n3A_173 : vector<512x1xf32>
    %max3A_238 = arith.maximumf %max3A_237, %select_n3A_203 : vector<512x1xf32>
    %max3A_239 = arith.maximumf %max3A_238, %select_n3A_233 : vector<512x1xf32>
    %sub3A = arith.subf %select_n3A_23, %max3A_239 : vector<512x1xf32>
    %exp3A = math.exp %sub3A : vector<512x1xf32>
    %sub3A_240 = arith.subf %select_n3A_53, %max3A_239 : vector<512x1xf32>
    %exp3A_241 = math.exp %sub3A_240 : vector<512x1xf32>
    %sub3A_242 = arith.subf %select_n3A_83, %max3A_239 : vector<512x1xf32>
    %exp3A_243 = math.exp %sub3A_242 : vector<512x1xf32>
    %sub3A_244 = arith.subf %select_n3A_113, %max3A_239 : vector<512x1xf32>
    %exp3A_245 = math.exp %sub3A_244 : vector<512x1xf32>
    %sub3A_246 = arith.subf %select_n3A_143, %max3A_239 : vector<512x1xf32>
    %exp3A_247 = math.exp %sub3A_246 : vector<512x1xf32>
    %sub3A_248 = arith.subf %select_n3A_173, %max3A_239 : vector<512x1xf32>
    %exp3A_249 = math.exp %sub3A_248 : vector<512x1xf32>
    %sub3A_250 = arith.subf %select_n3A_203, %max3A_239 : vector<512x1xf32>
    %exp3A_251 = math.exp %sub3A_250 : vector<512x1xf32>
    %sub3A_252 = arith.subf %select_n3A_233, %max3A_239 : vector<512x1xf32>
    %exp3A_253 = math.exp %sub3A_252 : vector<512x1xf32>
    %add3A_254 = arith.addf %exp3A, %exp3A_241 : vector<512x1xf32>
    %add3A_255 = arith.addf %add3A_254, %exp3A_243 : vector<512x1xf32>
    %add3A_256 = arith.addf %add3A_255, %exp3A_245 : vector<512x1xf32>
    %add3A_257 = arith.addf %add3A_256, %exp3A_247 : vector<512x1xf32>
    %add3A_258 = arith.addf %add3A_257, %exp3A_249 : vector<512x1xf32>
    %add3A_259 = arith.addf %add3A_258, %exp3A_251 : vector<512x1xf32>
    %add3A_260 = arith.addf %add3A_259, %exp3A_253 : vector<512x1xf32>
    %add3A_261 = arith.constant 1.000000e-16 : f32
    %add3A_262 = vector.broadcast %add3A_261 : f32 to vector<512x1xf32>
    %add3A_263 = arith.addf %add3A_260, %add3A_262 : vector<512x1xf32>
    %div3A = arith.constant 1.000000e+00 : f32
    %div3A_264 = vector.broadcast %div3A : f32 to vector<512x1xf32>
    %div3A_265 = arith.divf %div3A_264, %add3A_263 : vector<512x1xf32>
    %mul3A_266 = arith.mulf %exp3A, %div3A_265 : vector<512x1xf32>
    %mul3A_267 = vector.broadcast %mul3A_266 : vector<512x1xf32> to vector<512x128xf32>
    %mul3A_268 = arith.mulf %mul3A_267, %get3A_6 : vector<512x128xf32>
    %mul3A_269 = arith.mulf %exp3A_241, %div3A_265 : vector<512x1xf32>
    %mul3A_270 = vector.broadcast %mul3A_269 : vector<512x1xf32> to vector<512x128xf32>
    %mul3A_271 = arith.mulf %mul3A_270, %get3A_28 : vector<512x128xf32>
    %add3A_272 = arith.addf %mul3A_268, %mul3A_271 : vector<512x128xf32>
    %mul3A_273 = arith.mulf %exp3A_243, %div3A_265 : vector<512x1xf32>
    %mul3A_274 = vector.broadcast %mul3A_273 : vector<512x1xf32> to vector<512x128xf32>
    %mul3A_275 = arith.mulf %mul3A_274, %get3A_58 : vector<512x128xf32>
    %add3A_276 = arith.addf %add3A_272, %mul3A_275 : vector<512x128xf32>
    %mul3A_277 = arith.mulf %exp3A_245, %div3A_265 : vector<512x1xf32>
    %mul3A_278 = vector.broadcast %mul3A_277 : vector<512x1xf32> to vector<512x128xf32>
    %mul3A_279 = arith.mulf %mul3A_278, %get3A_88 : vector<512x128xf32>
    %add3A_280 = arith.addf %add3A_276, %mul3A_279 : vector<512x128xf32>
    %mul3A_281 = arith.mulf %exp3A_247, %div3A_265 : vector<512x1xf32>
    %mul3A_282 = vector.broadcast %mul3A_281 : vector<512x1xf32> to vector<512x128xf32>
    %mul3A_283 = arith.mulf %mul3A_282, %get3A_118 : vector<512x128xf32>
    %add3A_284 = arith.addf %add3A_280, %mul3A_283 : vector<512x128xf32>
    %mul3A_285 = arith.mulf %exp3A_249, %div3A_265 : vector<512x1xf32>
    %mul3A_286 = vector.broadcast %mul3A_285 : vector<512x1xf32> to vector<512x128xf32>
    %mul3A_287 = arith.mulf %mul3A_286, %get3A_148 : vector<512x128xf32>
    %add3A_288 = arith.addf %add3A_284, %mul3A_287 : vector<512x128xf32>
    %mul3A_289 = arith.mulf %exp3A_251, %div3A_265 : vector<512x1xf32>
    %mul3A_290 = vector.broadcast %mul3A_289 : vector<512x1xf32> to vector<512x128xf32>
    %mul3A_291 = arith.mulf %mul3A_290, %get3A_178 : vector<512x128xf32>
    %add3A_292 = arith.addf %add3A_288, %mul3A_291 : vector<512x128xf32>
    %mul3A_293 = arith.mulf %exp3A_253, %div3A_265 : vector<512x1xf32>
    %mul3A_294 = vector.broadcast %mul3A_293 : vector<512x1xf32> to vector<512x128xf32>
    %mul3A_295 = arith.mulf %mul3A_294, %get3A_208 : vector<512x128xf32>
    %add3A_296 = arith.addf %add3A_292, %mul3A_295 : vector<512x128xf32>
    %get3A_297 = arith.constant 0 : index
    %get3A_298 = arith.constant 0 : index
    %get3A_299 = vector.load %arg5[%get3A_297, %get3A_298] : memref<1x128xf32, #tpu.memory_space<vmem>>, vector<1x128xf32>
    %add3A_300 = vector.broadcast %get3A_299 : vector<1x128xf32> to vector<512x128xf32>
    %add3A_301 = arith.addf %add3A_296, %add3A_300 : vector<512x128xf32>
    %gt3A_302 = arith.constant 0.000000e+00 : f32
    %gt3A_303 = vector.broadcast %gt3A_302 : f32 to vector<512x128xf32>
    %gt3A_304 = arith.cmpf ogt, %add3A_301, %gt3A_303 : vector<512x128xf32>
    %min3A = arith.constant 0.000000e+00 : f32
    %min3A_305 = vector.broadcast %min3A : f32 to vector<512x128xf32>
    %min3A_306 = arith.minimumf %add3A_301, %min3A_305 : vector<512x128xf32>
    %exp3A_307 = math.exp %min3A_306 : vector<512x128xf32>
    %sub3A_308 = arith.constant 1.000000e+00 : f32
    %sub3A_309 = vector.broadcast %sub3A_308 : f32 to vector<512x128xf32>
    %sub3A_310 = arith.subf %exp3A_307, %sub3A_309 : vector<512x128xf32>
    %select_n3A_311 = arith.select %gt3A_304, %add3A_301, %sub3A_310 : vector<512x128xi1>, vector<512x128xf32>
    %swap3A = arith.constant 0 : index
    %swap3A_312 = arith.constant 0 : index
    %swap3A_313 = vector.load %arg6[%swap3A, %swap3A_312] : memref<512x128xf32, #tpu.memory_space<vmem>>, vector<512x128xf32>
    tpu.vector_store %arg6[%swap3A, %swap3A_312], %select_n3A_311 {strides = array<i32>} : memref<512x128xf32, #tpu.memory_space<vmem>>, vector<512x128xf32>,
    return
  }
  func.func @transform_0(%arg0: i32) -> (i32, i32, i32) {
    %c0_i32 = arith.constant 0 : i32
    %c0_i32_0 = arith.constant 0 : i32
    %c0_i32_1 = arith.constant 0 : i32
    return %c0_i32, %arg0, %c0_i32_0 : i32, i32, i32
  }
  func.func @transform_1(%arg0: i32) -> (i32, i32) {
    %c0_i32 = arith.constant 0 : i32
    %c0_i32_0 = arith.constant 0 : i32
    return %arg0, %c0_i32 : i32, i32
  }
  func.func @transform_2(%arg0: i32) -> (i32, i32) {
    %c0_i32 = arith.constant 0 : i32
    %c0_i32_0 = arith.constant 0 : i32
    return %arg0, %c0_i32 : i32, i32
  }
  func.func @transform_3(%arg0: i32) -> (i32, i32) {
    %c0_i32 = arith.constant 0 : i32
    %c0_i32_0 = arith.constant 0 : i32
    %c0_i32_1 = arith.constant 0 : i32
    return %c0_i32, %c0_i32_0 : i32, i32
  }
  func.func @transform_4(%arg0: i32) -> (i32, i32) {
    %c0_i32 = arith.constant 0 : i32
    %c0_i32_0 = arith.constant 0 : i32
    %c0_i32_1 = arith.constant 0 : i32
    return %c0_i32, %c0_i32_0 : i32, i32
  }
  func.func @transform_5(%arg0: i32) -> (i32, i32) {
    %c0_i32 = arith.constant 0 : i32
    %c0_i32_0 = arith.constant 0 : i32
    return %arg0, %c0_i32 : i32, i32
  }
}

module attributes {stable_mosaic.version = 14 : i64} {
  func.func @_up_body(%arg0: i32, %arg1: memref<1x250x128xf32, #tpu.memory_space<vmem>>, %arg2: memref<1x250x128xf32, #tpu.memory_space<vmem>>, %arg3: memref<128x128xf32, #tpu.memory_space<vmem>>, %arg4: memref<128x128xf32, #tpu.memory_space<vmem>>, %arg5: memref<1x128xf32, #tpu.memory_space<vmem>>, %arg6: memref<128x1x25x250xf32, #tpu.memory_space<vmem>>, %arg7: memref<3200x128xf32, #tpu.memory_space<vmem>>, %arg8: memref<128x1xf32, #tpu.memory_space<vmem>>, %arg9: memref<64x128xf32, #tpu.memory_space<vmem>>, %arg10: memref<64x1xf32, #tpu.memory_space<vmem>>, %arg11: memref<250x250xf32, #tpu.memory_space<vmem>>, %arg12: memref<250x256xf32, #tpu.memory_space<vmem>>, %arg13: memref<64x1x25x256xf32, #tpu.memory_space<vmem>>) attributes {dimension_semantics = [#tpu.dimension_semantics<arbitrary>], iteration_bounds = array<i64: 12>, scalar_prefetch = 0 : i64, scratch_operands = 0 : i64, tpu.core_type = #tpu.core_type<tc>, window_params = [{transform_indices = @transform_0, window_bounds = array<i64: 1, 250, 128>}, {transform_indices = @transform_1, window_bounds = array<i64: 1, 250, 128>}, {pipeline_mode = #tpu.pipeline_mode<synchronous>, transform_indices = @transform_2, window_bounds = array<i64: 128, 128>}, {pipeline_mode = #tpu.pipeline_mode<synchronous>, transform_indices = @transform_3, window_bounds = array<i64: 128, 128>}, {pipeline_mode = #tpu.pipeline_mode<synchronous>, transform_indices = @transform_4, window_bounds = array<i64: 1, 128>}, {transform_indices = @transform_5, window_bounds = array<i64: 128, 1, 25, 250>}, {pipeline_mode = #tpu.pipeline_mode<synchronous>, transform_indices = @transform_6, window_bounds = array<i64: 3200, 128>}, {pipeline_mode = #tpu.pipeline_mode<synchronous>, transform_indices = @transform_7, window_bounds = array<i64: 128, 1>}, {pipeline_mode = #tpu.pipeline_mode<synchronous>, transform_indices = @transform_8, window_bounds = array<i64: 64, 128>}, {pipeline_mode = #tpu.pipeline_mode<synchronous>, transform_indices = @transform_9, window_bounds = array<i64: 64, 1>}, {pipeline_mode = #tpu.pipeline_mode<synchronous>, transform_indices = @transform_10, window_bounds = array<i64: 250, 250>}, {pipeline_mode = #tpu.pipeline_mode<synchronous>, transform_indices = @transform_11, window_bounds = array<i64: 250, 256>}, {transform_indices = @transform_12, window_bounds = array<i64: 64, 1, 25, 256>}]} {
    %ge3A = arith.constant 1 : i32
    %ge3A_0 = arith.cmpi sge, %arg0, %ge3A : i32
    %le3A = arith.constant 10 : i32
    %le3A_1 = arith.cmpi sle, %arg0, %le3A : i32
    %and3A = arith.andi %ge3A_0, %le3A_1 : i1
    %convert_element_type3A = arith.extui %and3A : i1 to i32
    %cond3A = arith.constant 0 : i32
    %cond3A_2 = arith.cmpi ne, %convert_element_type3A, %cond3A : i32
    scf.if %cond3A_2 {
      %get3A = arith.constant 0 : index
      %get3A_7 = arith.constant 0 : index
      %get3A_8 = arith.constant 0 : index
      %get3A_9 = vector.load %arg2[%get3A, %get3A_7, %get3A_8] : memref<1x250x128xf32, #tpu.memory_space<vmem>>, vector<1x250x128xf32>
      %get3A_10 = vector.shape_cast %get3A_9 : vector<1x250x128xf32> to vector<250x128xf32>
      %get3A_11 = arith.constant 0 : index
      %get3A_12 = arith.constant 0 : index
      %get3A_13 = arith.constant 0 : index
      %get3A_14 = vector.load %arg1[%get3A_11, %get3A_12, %get3A_13] : memref<1x250x128xf32, #tpu.memory_space<vmem>>, vector<1x250x128xf32>
      %get3A_15 = vector.shape_cast %get3A_14 : vector<1x250x128xf32> to vector<250x128xf32>
      %get3A_16 = arith.constant 0 : index
      %get3A_17 = arith.constant 0 : index
      %get3A_18 = vector.load %arg3[%get3A_16, %get3A_17] : memref<128x128xf32, #tpu.memory_space<vmem>>, vector<128x128xf32>
      %dot_general3A = arith.constant dense<0.000000e+00> : vector<250x128xf32>
      %dot_general3A_19 = tpu.matmul %get3A_15, %get3A_18, %dot_general3A {dimension_numbers = #tpu.dot_dimension_numbers<[1], [0], [0], [1], [0, 0, 1, 1], [], []>, transpose_lhs_hint = false} : vector<250x128xf32>, vector<128x128xf32>, vector<250x128xf32> -> vector<250x128xf32>
      %get3A_20 = arith.constant 0 : index
      %get3A_21 = arith.constant 0 : index
      %get3A_22 = vector.load %arg4[%get3A_20, %get3A_21] : memref<128x128xf32, #tpu.memory_space<vmem>>, vector<128x128xf32>
      %dot_general3A_23 = arith.constant dense<0.000000e+00> : vector<250x128xf32>
      %dot_general3A_24 = tpu.matmul %get3A_10, %get3A_22, %dot_general3A_23 {dimension_numbers = #tpu.dot_dimension_numbers<[1], [0], [0], [1], [0, 0, 1, 1], [], []>, transpose_lhs_hint = false} : vector<250x128xf32>, vector<128x128xf32>, vector<250x128xf32> -> vector<250x128xf32>
      %add3A = arith.addf %dot_general3A_19, %dot_general3A_24 : vector<250x128xf32>
      %get3A_25 = arith.constant 0 : index
      %get3A_26 = arith.constant 0 : index
      %get3A_27 = vector.load %arg5[%get3A_25, %get3A_26] : memref<1x128xf32, #tpu.memory_space<vmem>>, vector<1x128xf32>
      %add3A_28 = vector.broadcast %get3A_27 : vector<1x128xf32> to vector<250x128xf32>
      %add3A_29 = arith.addf %add3A, %add3A_28 : vector<250x128xf32>
      %max3A = arith.constant 0.000000e+00 : f32
      %max3A_30 = vector.broadcast %max3A : f32 to vector<250x128xf32>
      %max3A_31 = arith.maximumf %add3A_29, %max3A_30 : vector<250x128xf32>
      %add3A_32 = arith.addf %max3A_31, %get3A_10 : vector<250x128xf32>
      %transpose3A = tpu.transpose %add3A_32, [1, 0] : vector<250x128xf32> -> vector<128x250xf32>
      %get3A_33 = arith.constant 0 : index
      %get3A_34 = arith.constant 0 : index
      %get3A_35 = vector.load %arg7[%get3A_33, %get3A_34] : memref<3200x128xf32, #tpu.memory_space<vmem>>, vector<3200x128xf32>
      %dot_general3A_36 = arith.constant dense<0.000000e+00> : vector<3200x250xf32>
      %dot_general3A_37 = tpu.matmul %get3A_35, %transpose3A, %dot_general3A_36 {dimension_numbers = #tpu.dot_dimension_numbers<[1], [0], [0], [1], [0, 0, 1, 1], [], []>, transpose_lhs_hint = false} : vector<3200x128xf32>, vector<128x250xf32>, vector<3200x250xf32> -> vector<3200x250xf32>
      %get3A_38 = arith.constant 0 : index
      %get3A_39 = arith.constant 0 : index
      %get3A_40 = arith.constant 0 : index
      %get3A_41 = arith.constant 0 : index
      %get3A_42 = vector.load %arg6[%get3A_38, %get3A_39, %get3A_40, %get3A_41] : memref<128x1x25x250xf32, #tpu.memory_space<vmem>>, vector<128x1x1x250xf32>
      %get3A_43 = vector.shape_cast %get3A_42 : vector<128x1x1x250xf32> to vector<128x250xf32>
      %get3A_44 = arith.constant 0 : index
      %get3A_45 = arith.constant 0 : index
      %get3A_46 = vector.load %arg11[%get3A_44, %get3A_45] : memref<250x250xf32, #tpu.memory_space<vmem>>, vector<250x250xf32>
      %dot_general3A_47 = arith.constant dense<0.000000e+00> : vector<128x250xf32>
      %dot_general3A_48 = tpu.matmul %get3A_43, %get3A_46, %dot_general3A_47 {dimension_numbers = #tpu.dot_dimension_numbers<[1], [0], [0], [1], [0, 0, 1, 1], [], []>, transpose_lhs_hint = false} : vector<128x250xf32>, vector<250x250xf32>, vector<128x250xf32> -> vector<128x250xf32>
      %slice3A = vector.extract_strided_slice %dot_general3A_37 {offsets = [0, 0], sizes = [128, 50], strides = [1, 1]} : vector<3200x250xf32> to vector<128x50xf32>
      %slice3A_49 = vector.extract_strided_slice %dot_general3A_37 {offsets = [128, 0], sizes = [128, 50], strides = [1, 1]} : vector<3200x250xf32> to vector<128x50xf32>
      %slice3A_50 = vector.extract_strided_slice %dot_general3A_37 {offsets = [256, 0], sizes = [128, 50], strides = [1, 1]} : vector<3200x250xf32> to vector<128x50xf32>
      %slice3A_51 = vector.extract_strided_slice %dot_general3A_37 {offsets = [384, 0], sizes = [128, 50], strides = [1, 1]} : vector<3200x250xf32> to vector<128x50xf32>
      %slice3A_52 = vector.extract_strided_slice %dot_general3A_37 {offsets = [512, 0], sizes = [128, 50], strides = [1, 1]} : vector<3200x250xf32> to vector<128x50xf32>
      %concatenate3A = tpu.concatenate %slice3A, %slice3A_49, %slice3A_50, %slice3A_51, %slice3A_52 in 1 : vector<128x50xf32>, vector<128x50xf32>, vector<128x50xf32>, vector<128x50xf32>, vector<128x50xf32> -> vector<128x250xf32>
      %add3A_53 = arith.addf %dot_general3A_48, %concatenate3A : vector<128x250xf32>
      %get3A_54 = arith.constant 0 : index
      %get3A_55 = arith.constant 0 : index
      %get3A_56 = vector.load %arg8[%get3A_54, %get3A_55] : memref<128x1xf32, #tpu.memory_space<vmem>>, vector<128x1xf32>
      %add3A_57 = vector.broadcast %get3A_56 : vector<128x1xf32> to vector<128x250xf32>
      %add3A_58 = arith.addf %add3A_53, %add3A_57 : vector<128x250xf32>
      %max3A_59 = arith.constant 0.000000e+00 : f32
      %max3A_60 = vector.broadcast %max3A_59 : f32 to vector<128x250xf32>
      %max3A_61 = arith.maximumf %add3A_58, %max3A_60 : vector<128x250xf32>
      %get3A_62 = arith.constant 0 : index
      %get3A_63 = arith.constant 0 : index
      %get3A_64 = vector.load %arg9[%get3A_62, %get3A_63] : memref<64x128xf32, #tpu.memory_space<vmem>>, vector<64x128xf32>
      %dot_general3A_65 = arith.constant dense<0.000000e+00> : vector<64x250xf32>
      %dot_general3A_66 = tpu.matmul %get3A_64, %max3A_61, %dot_general3A_65 {dimension_numbers = #tpu.dot_dimension_numbers<[1], [0], [0], [1], [0, 0, 1, 1], [], []>, transpose_lhs_hint = false} : vector<64x128xf32>, vector<128x250xf32>, vector<64x250xf32> -> vector<64x250xf32>
      %get3A_67 = arith.constant 0 : index
      %get3A_68 = arith.constant 0 : index
      %get3A_69 = vector.load %arg10[%get3A_67, %get3A_68] : memref<64x1xf32, #tpu.memory_space<vmem>>, vector<64x1xf32>
      %add3A_70 = vector.broadcast %get3A_69 : vector<64x1xf32> to vector<64x250xf32>
      %add3A_71 = arith.addf %dot_general3A_66, %add3A_70 : vector<64x250xf32>
      %get3A_72 = arith.constant 0 : index
      %get3A_73 = arith.constant 0 : index
      %get3A_74 = vector.load %arg12[%get3A_72, %get3A_73] : memref<250x256xf32, #tpu.memory_space<vmem>>, vector<250x256xf32>
      %dot_general3A_75 = arith.constant dense<0.000000e+00> : vector<64x256xf32>
      %dot_general3A_76 = tpu.matmul %add3A_71, %get3A_74, %dot_general3A_75 {dimension_numbers = #tpu.dot_dimension_numbers<[1], [0], [0], [1], [0, 0, 1, 1], [], []>, transpose_lhs_hint = false} : vector<64x250xf32>, vector<250x256xf32>, vector<64x256xf32> -> vector<64x256xf32>
      %swap3A = arith.constant 0 : index
      %swap3A_77 = arith.constant 0 : index
      %swap3A_78 = arith.constant 0 : index
      %swap3A_79 = arith.constant 0 : index
      %swap3A_80 = vector.load %arg13[%swap3A, %swap3A_77, %swap3A_78, %swap3A_79] : memref<64x1x25x256xf32, #tpu.memory_space<vmem>>, vector<64x1x1x256xf32>
      %swap3A_81 = vector.shape_cast %swap3A_80 : vector<64x1x1x256xf32> to vector<64x256xf32>
      %swap3A_82 = vector.shape_cast %dot_general3A_76 : vector<64x256xf32> to vector<64x1x1x256xf32>
      tpu.vector_store %arg13[%swap3A, %swap3A_77, %swap3A_78, %swap3A_79], %swap3A_82 {strides = array<i32>} : memref<64x1x25x256xf32, #tpu.memory_space<vmem>>, vector<64x1x1x256xf32>,
      %get3A_83 = arith.constant 0 : index
      %get3A_84 = arith.constant 0 : index
      %get3A_85 = arith.constant 1 : index
      %get3A_86 = arith.constant 0 : index
      %get3A_87 = vector.load %arg6[%get3A_83, %get3A_84, %get3A_85, %get3A_86] : memref<128x1x25x250xf32, #tpu.memory_space<vmem>>, vector<128x1x1x250xf32>
      %get3A_88 = vector.shape_cast %get3A_87 : vector<128x1x1x250xf32> to vector<128x250xf32>
      %get3A_89 = arith.constant 0 : index
      %get3A_90 = arith.constant 0 : index
      %get3A_91 = vector.load %arg11[%get3A_89, %get3A_90] : memref<250x250xf32, #tpu.memory_space<vmem>>, vector<250x250xf32>
      %dot_general3A_92 = arith.constant dense<0.000000e+00> : vector<128x250xf32>
      %dot_general3A_93 = tpu.matmul %get3A_88, %get3A_91, %dot_general3A_92 {dimension_numbers = #tpu.dot_dimension_numbers<[1], [0], [0], [1], [0, 0, 1, 1], [], []>, transpose_lhs_hint = false} : vector<128x250xf32>, vector<250x250xf32>, vector<128x250xf32> -> vector<128x250xf32>
      %slice3A_94 = vector.extract_strided_slice %dot_general3A_37 {offsets = [640, 0], sizes = [128, 50], strides = [1, 1]} : vector<3200x250xf32> to vector<128x50xf32>
      %slice3A_95 = vector.extract_strided_slice %dot_general3A_37 {offsets = [768, 0], sizes = [128, 50], strides = [1, 1]} : vector<3200x250xf32> to vector<128x50xf32>
      %slice3A_96 = vector.extract_strided_slice %dot_general3A_37 {offsets = [896, 0], sizes = [128, 50], strides = [1, 1]} : vector<3200x250xf32> to vector<128x50xf32>
      %slice3A_97 = vector.extract_strided_slice %dot_general3A_37 {offsets = [1024, 0], sizes = [128, 50], strides = [1, 1]} : vector<3200x250xf32> to vector<128x50xf32>
      %slice3A_98 = vector.extract_strided_slice %dot_general3A_37 {offsets = [1152, 0], sizes = [128, 50], strides = [1, 1]} : vector<3200x250xf32> to vector<128x50xf32>
      %concatenate3A_99 = tpu.concatenate %slice3A_94, %slice3A_95, %slice3A_96, %slice3A_97, %slice3A_98 in 1 : vector<128x50xf32>, vector<128x50xf32>, vector<128x50xf32>, vector<128x50xf32>, vector<128x50xf32> -> vector<128x250xf32>
      %add3A_100 = arith.addf %dot_general3A_93, %concatenate3A_99 : vector<128x250xf32>
      %get3A_101 = arith.constant 0 : index
      %get3A_102 = arith.constant 0 : index
      %get3A_103 = vector.load %arg8[%get3A_101, %get3A_102] : memref<128x1xf32, #tpu.memory_space<vmem>>, vector<128x1xf32>
      %add3A_104 = vector.broadcast %get3A_103 : vector<128x1xf32> to vector<128x250xf32>
      %add3A_105 = arith.addf %add3A_100, %add3A_104 : vector<128x250xf32>
      %max3A_106 = arith.constant 0.000000e+00 : f32
      %max3A_107 = vector.broadcast %max3A_106 : f32 to vector<128x250xf32>
      %max3A_108 = arith.maximumf %add3A_105, %max3A_107 : vector<128x250xf32>
      %get3A_109 = arith.constant 0 : index
      %get3A_110 = arith.constant 0 : index
      %get3A_111 = vector.load %arg9[%get3A_109, %get3A_110] : memref<64x128xf32, #tpu.memory_space<vmem>>, vector<64x128xf32>
      %dot_general3A_112 = arith.constant dense<0.000000e+00> : vector<64x250xf32>
      %dot_general3A_113 = tpu.matmul %get3A_111, %max3A_108, %dot_general3A_112 {dimension_numbers = #tpu.dot_dimension_numbers<[1], [0], [0], [1], [0, 0, 1, 1], [], []>, transpose_lhs_hint = false} : vector<64x128xf32>, vector<128x250xf32>, vector<64x250xf32> -> vector<64x250xf32>
      %get3A_114 = arith.constant 0 : index
      %get3A_115 = arith.constant 0 : index
      %get3A_116 = vector.load %arg10[%get3A_114, %get3A_115] : memref<64x1xf32, #tpu.memory_space<vmem>>, vector<64x1xf32>
      %add3A_117 = vector.broadcast %get3A_116 : vector<64x1xf32> to vector<64x250xf32>
      %add3A_118 = arith.addf %dot_general3A_113, %add3A_117 : vector<64x250xf32>
      %get3A_119 = arith.constant 0 : index
      %get3A_120 = arith.constant 0 : index
      %get3A_121 = vector.load %arg12[%get3A_119, %get3A_120] : memref<250x256xf32, #tpu.memory_space<vmem>>, vector<250x256xf32>
      %dot_general3A_122 = arith.constant dense<0.000000e+00> : vector<64x256xf32>
      %dot_general3A_123 = tpu.matmul %add3A_118, %get3A_121, %dot_general3A_122 {dimension_numbers = #tpu.dot_dimension_numbers<[1], [0], [0], [1], [0, 0, 1, 1], [], []>, transpose_lhs_hint = false} : vector<64x250xf32>, vector<250x256xf32>, vector<64x256xf32> -> vector<64x256xf32>
      %swap3A_124 = arith.constant 0 : index
      %swap3A_125 = arith.constant 0 : index
      %swap3A_126 = arith.constant 1 : index
      %swap3A_127 = arith.constant 0 : index
      %swap3A_128 = vector.load %arg13[%swap3A_124, %swap3A_125, %swap3A_126, %swap3A_127] : memref<64x1x25x256xf32, #tpu.memory_space<vmem>>, vector<64x1x1x256xf32>
      %swap3A_129 = vector.shape_cast %swap3A_128 : vector<64x1x1x256xf32> to vector<64x256xf32>
      %swap3A_130 = vector.shape_cast %dot_general3A_123 : vector<64x256xf32> to vector<64x1x1x256xf32>
      tpu.vector_store %arg13[%swap3A_124, %swap3A_125, %swap3A_126, %swap3A_127], %swap3A_130 {strides = array<i32>} : memref<64x1x25x256xf32, #tpu.memory_space<vmem>>, vector<64x1x1x256xf32>,
      %get3A_131 = arith.constant 0 : index
      %get3A_132 = arith.constant 0 : index
      %get3A_133 = arith.constant 2 : index
      %get3A_134 = arith.constant 0 : index
      %get3A_135 = vector.load %arg6[%get3A_131, %get3A_132, %get3A_133, %get3A_134] : memref<128x1x25x250xf32, #tpu.memory_space<vmem>>, vector<128x1x1x250xf32>
      %get3A_136 = vector.shape_cast %get3A_135 : vector<128x1x1x250xf32> to vector<128x250xf32>
      %get3A_137 = arith.constant 0 : index
      %get3A_138 = arith.constant 0 : index
      %get3A_139 = vector.load %arg11[%get3A_137, %get3A_138] : memref<250x250xf32, #tpu.memory_space<vmem>>, vector<250x250xf32>
      %dot_general3A_140 = arith.constant dense<0.000000e+00> : vector<128x250xf32>
      %dot_general3A_141 = tpu.matmul %get3A_136, %get3A_139, %dot_general3A_140 {dimension_numbers = #tpu.dot_dimension_numbers<[1], [0], [0], [1], [0, 0, 1, 1], [], []>, transpose_lhs_hint = false} : vector<128x250xf32>, vector<250x250xf32>, vector<128x250xf32> -> vector<128x250xf32>
      %slice3A_142 = vector.extract_strided_slice %dot_general3A_37 {offsets = [1280, 0], sizes = [128, 50], strides = [1, 1]} : vector<3200x250xf32> to vector<128x50xf32>
      %slice3A_143 = vector.extract_strided_slice %dot_general3A_37 {offsets = [1408, 0], sizes = [128, 50], strides = [1, 1]} : vector<3200x250xf32> to vector<128x50xf32>
      %slice3A_144 = vector.extract_strided_slice %dot_general3A_37 {offsets = [1536, 0], sizes = [128, 50], strides = [1, 1]} : vector<3200x250xf32> to vector<128x50xf32>
      %slice3A_145 = vector.extract_strided_slice %dot_general3A_37 {offsets = [1664, 0], sizes = [128, 50], strides = [1, 1]} : vector<3200x250xf32> to vector<128x50xf32>
      %slice3A_146 = vector.extract_strided_slice %dot_general3A_37 {offsets = [1792, 0], sizes = [128, 50], strides = [1, 1]} : vector<3200x250xf32> to vector<128x50xf32>
      %concatenate3A_147 = tpu.concatenate %slice3A_142, %slice3A_143, %slice3A_144, %slice3A_145, %slice3A_146 in 1 : vector<128x50xf32>, vector<128x50xf32>, vector<128x50xf32>, vector<128x50xf32>, vector<128x50xf32> -> vector<128x250xf32>
      %add3A_148 = arith.addf %dot_general3A_141, %concatenate3A_147 : vector<128x250xf32>
      %get3A_149 = arith.constant 0 : index
      %get3A_150 = arith.constant 0 : index
      %get3A_151 = vector.load %arg8[%get3A_149, %get3A_150] : memref<128x1xf32, #tpu.memory_space<vmem>>, vector<128x1xf32>
      %add3A_152 = vector.broadcast %get3A_151 : vector<128x1xf32> to vector<128x250xf32>
      %add3A_153 = arith.addf %add3A_148, %add3A_152 : vector<128x250xf32>
      %max3A_154 = arith.constant 0.000000e+00 : f32
      %max3A_155 = vector.broadcast %max3A_154 : f32 to vector<128x250xf32>
      %max3A_156 = arith.maximumf %add3A_153, %max3A_155 : vector<128x250xf32>
      %get3A_157 = arith.constant 0 : index
      %get3A_158 = arith.constant 0 : index
      %get3A_159 = vector.load %arg9[%get3A_157, %get3A_158] : memref<64x128xf32, #tpu.memory_space<vmem>>, vector<64x128xf32>
      %dot_general3A_160 = arith.constant dense<0.000000e+00> : vector<64x250xf32>
      %dot_general3A_161 = tpu.matmul %get3A_159, %max3A_156, %dot_general3A_160 {dimension_numbers = #tpu.dot_dimension_numbers<[1], [0], [0], [1], [0, 0, 1, 1], [], []>, transpose_lhs_hint = false} : vector<64x128xf32>, vector<128x250xf32>, vector<64x250xf32> -> vector<64x250xf32>
      %get3A_162 = arith.constant 0 : index
      %get3A_163 = arith.constant 0 : index
      %get3A_164 = vector.load %arg10[%get3A_162, %get3A_163] : memref<64x1xf32, #tpu.memory_space<vmem>>, vector<64x1xf32>
      %add3A_165 = vector.broadcast %get3A_164 : vector<64x1xf32> to vector<64x250xf32>
      %add3A_166 = arith.addf %dot_general3A_161, %add3A_165 : vector<64x250xf32>
      %get3A_167 = arith.constant 0 : index
      %get3A_168 = arith.constant 0 : index
      %get3A_169 = vector.load %arg12[%get3A_167, %get3A_168] : memref<250x256xf32, #tpu.memory_space<vmem>>, vector<250x256xf32>
      %dot_general3A_170 = arith.constant dense<0.000000e+00> : vector<64x256xf32>
      %dot_general3A_171 = tpu.matmul %add3A_166, %get3A_169, %dot_general3A_170 {dimension_numbers = #tpu.dot_dimension_numbers<[1], [0], [0], [1], [0, 0, 1, 1], [], []>, transpose_lhs_hint = false} : vector<64x250xf32>, vector<250x256xf32>, vector<64x256xf32> -> vector<64x256xf32>
      %swap3A_172 = arith.constant 0 : index
      %swap3A_173 = arith.constant 0 : index
      %swap3A_174 = arith.constant 2 : index
      %swap3A_175 = arith.constant 0 : index
      %swap3A_176 = vector.load %arg13[%swap3A_172, %swap3A_173, %swap3A_174, %swap3A_175] : memref<64x1x25x256xf32, #tpu.memory_space<vmem>>, vector<64x1x1x256xf32>
      %swap3A_177 = vector.shape_cast %swap3A_176 : vector<64x1x1x256xf32> to vector<64x256xf32>
      %swap3A_178 = vector.shape_cast %dot_general3A_171 : vector<64x256xf32> to vector<64x1x1x256xf32>
      tpu.vector_store %arg13[%swap3A_172, %swap3A_173, %swap3A_174, %swap3A_175], %swap3A_178 {strides = array<i32>} : memref<64x1x25x256xf32, #tpu.memory_space<vmem>>, vector<64x1x1x256xf32>,
      %get3A_179 = arith.constant 0 : index
      %get3A_180 = arith.constant 0 : index
      %get3A_181 = arith.constant 3 : index
      %get3A_182 = arith.constant 0 : index
      %get3A_183 = vector.load %arg6[%get3A_179, %get3A_180, %get3A_181, %get3A_182] : memref<128x1x25x250xf32, #tpu.memory_space<vmem>>, vector<128x1x1x250xf32>
      %get3A_184 = vector.shape_cast %get3A_183 : vector<128x1x1x250xf32> to vector<128x250xf32>
      %get3A_185 = arith.constant 0 : index
      %get3A_186 = arith.constant 0 : index
      %get3A_187 = vector.load %arg11[%get3A_185, %get3A_186] : memref<250x250xf32, #tpu.memory_space<vmem>>, vector<250x250xf32>
      %dot_general3A_188 = arith.constant dense<0.000000e+00> : vector<128x250xf32>
      %dot_general3A_189 = tpu.matmul %get3A_184, %get3A_187, %dot_general3A_188 {dimension_numbers = #tpu.dot_dimension_numbers<[1], [0], [0], [1], [0, 0, 1, 1], [], []>, transpose_lhs_hint = false} : vector<128x250xf32>, vector<250x250xf32>, vector<128x250xf32> -> vector<128x250xf32>
      %slice3A_190 = vector.extract_strided_slice %dot_general3A_37 {offsets = [1920, 0], sizes = [128, 50], strides = [1, 1]} : vector<3200x250xf32> to vector<128x50xf32>
      %slice3A_191 = vector.extract_strided_slice %dot_general3A_37 {offsets = [2048, 0], sizes = [128, 50], strides = [1, 1]} : vector<3200x250xf32> to vector<128x50xf32>
      %slice3A_192 = vector.extract_strided_slice %dot_general3A_37 {offsets = [2176, 0], sizes = [128, 50], strides = [1, 1]} : vector<3200x250xf32> to vector<128x50xf32>
      %slice3A_193 = vector.extract_strided_slice %dot_general3A_37 {offsets = [2304, 0], sizes = [128, 50], strides = [1, 1]} : vector<3200x250xf32> to vector<128x50xf32>
      %slice3A_194 = vector.extract_strided_slice %dot_general3A_37 {offsets = [2432, 0], sizes = [128, 50], strides = [1, 1]} : vector<3200x250xf32> to vector<128x50xf32>
      %concatenate3A_195 = tpu.concatenate %slice3A_190, %slice3A_191, %slice3A_192, %slice3A_193, %slice3A_194 in 1 : vector<128x50xf32>, vector<128x50xf32>, vector<128x50xf32>, vector<128x50xf32>, vector<128x50xf32> -> vector<128x250xf32>
      %add3A_196 = arith.addf %dot_general3A_189, %concatenate3A_195 : vector<128x250xf32>
      %get3A_197 = arith.constant 0 : index
      %get3A_198 = arith.constant 0 : index
      %get3A_199 = vector.load %arg8[%get3A_197, %get3A_198] : memref<128x1xf32, #tpu.memory_space<vmem>>, vector<128x1xf32>
      %add3A_200 = vector.broadcast %get3A_199 : vector<128x1xf32> to vector<128x250xf32>
      %add3A_201 = arith.addf %add3A_196, %add3A_200 : vector<128x250xf32>
      %max3A_202 = arith.constant 0.000000e+00 : f32
      %max3A_203 = vector.broadcast %max3A_202 : f32 to vector<128x250xf32>
      %max3A_204 = arith.maximumf %add3A_201, %max3A_203 : vector<128x250xf32>
      %get3A_205 = arith.constant 0 : index
      %get3A_206 = arith.constant 0 : index
      %get3A_207 = vector.load %arg9[%get3A_205, %get3A_206] : memref<64x128xf32, #tpu.memory_space<vmem>>, vector<64x128xf32>
      %dot_general3A_208 = arith.constant dense<0.000000e+00> : vector<64x250xf32>
      %dot_general3A_209 = tpu.matmul %get3A_207, %max3A_204, %dot_general3A_208 {dimension_numbers = #tpu.dot_dimension_numbers<[1], [0], [0], [1], [0, 0, 1, 1], [], []>, transpose_lhs_hint = false} : vector<64x128xf32>, vector<128x250xf32>, vector<64x250xf32> -> vector<64x250xf32>
      %get3A_210 = arith.constant 0 : index
      %get3A_211 = arith.constant 0 : index
      %get3A_212 = vector.load %arg10[%get3A_210, %get3A_211] : memref<64x1xf32, #tpu.memory_space<vmem>>, vector<64x1xf32>
      %add3A_213 = vector.broadcast %get3A_212 : vector<64x1xf32> to vector<64x250xf32>
      %add3A_214 = arith.addf %dot_general3A_209, %add3A_213 : vector<64x250xf32>
      %get3A_215 = arith.constant 0 : index
      %get3A_216 = arith.constant 0 : index
      %get3A_217 = vector.load %arg12[%get3A_215, %get3A_216] : memref<250x256xf32, #tpu.memory_space<vmem>>, vector<250x256xf32>
      %dot_general3A_218 = arith.constant dense<0.000000e+00> : vector<64x256xf32>
      %dot_general3A_219 = tpu.matmul %add3A_214, %get3A_217, %dot_general3A_218 {dimension_numbers = #tpu.dot_dimension_numbers<[1], [0], [0], [1], [0, 0, 1, 1], [], []>, transpose_lhs_hint = false} : vector<64x250xf32>, vector<250x256xf32>, vector<64x256xf32> -> vector<64x256xf32>
      %swap3A_220 = arith.constant 0 : index
      %swap3A_221 = arith.constant 0 : index
      %swap3A_222 = arith.constant 3 : index
      %swap3A_223 = arith.constant 0 : index
      %swap3A_224 = vector.load %arg13[%swap3A_220, %swap3A_221, %swap3A_222, %swap3A_223] : memref<64x1x25x256xf32, #tpu.memory_space<vmem>>, vector<64x1x1x256xf32>
      %swap3A_225 = vector.shape_cast %swap3A_224 : vector<64x1x1x256xf32> to vector<64x256xf32>
      %swap3A_226 = vector.shape_cast %dot_general3A_219 : vector<64x256xf32> to vector<64x1x1x256xf32>
      tpu.vector_store %arg13[%swap3A_220, %swap3A_221, %swap3A_222, %swap3A_223], %swap3A_226 {strides = array<i32>} : memref<64x1x25x256xf32, #tpu.memory_space<vmem>>, vector<64x1x1x256xf32>,
      %get3A_227 = arith.constant 0 : index
      %get3A_228 = arith.constant 0 : index
      %get3A_229 = arith.constant 4 : index
      %get3A_230 = arith.constant 0 : index
      %get3A_231 = vector.load %arg6[%get3A_227, %get3A_228, %get3A_229, %get3A_230] : memref<128x1x25x250xf32, #tpu.memory_space<vmem>>, vector<128x1x1x250xf32>
      %get3A_232 = vector.shape_cast %get3A_231 : vector<128x1x1x250xf32> to vector<128x250xf32>
      %get3A_233 = arith.constant 0 : index
      %get3A_234 = arith.constant 0 : index
      %get3A_235 = vector.load %arg11[%get3A_233, %get3A_234] : memref<250x250xf32, #tpu.memory_space<vmem>>, vector<250x250xf32>
      %dot_general3A_236 = arith.constant dense<0.000000e+00> : vector<128x250xf32>
      %dot_general3A_237 = tpu.matmul %get3A_232, %get3A_235, %dot_general3A_236 {dimension_numbers = #tpu.dot_dimension_numbers<[1], [0], [0], [1], [0, 0, 1, 1], [], []>, transpose_lhs_hint = false} : vector<128x250xf32>, vector<250x250xf32>, vector<128x250xf32> -> vector<128x250xf32>
      %slice3A_238 = vector.extract_strided_slice %dot_general3A_37 {offsets = [2560, 0], sizes = [128, 50], strides = [1, 1]} : vector<3200x250xf32> to vector<128x50xf32>
      %slice3A_239 = vector.extract_strided_slice %dot_general3A_37 {offsets = [2688, 0], sizes = [128, 50], strides = [1, 1]} : vector<3200x250xf32> to vector<128x50xf32>
      %slice3A_240 = vector.extract_strided_slice %dot_general3A_37 {offsets = [2816, 0], sizes = [128, 50], strides = [1, 1]} : vector<3200x250xf32> to vector<128x50xf32>
      %slice3A_241 = vector.extract_strided_slice %dot_general3A_37 {offsets = [2944, 0], sizes = [128, 50], strides = [1, 1]} : vector<3200x250xf32> to vector<128x50xf32>
      %slice3A_242 = vector.extract_strided_slice %dot_general3A_37 {offsets = [3072, 0], sizes = [128, 50], strides = [1, 1]} : vector<3200x250xf32> to vector<128x50xf32>
      %concatenate3A_243 = tpu.concatenate %slice3A_238, %slice3A_239, %slice3A_240, %slice3A_241, %slice3A_242 in 1 : vector<128x50xf32>, vector<128x50xf32>, vector<128x50xf32>, vector<128x50xf32>, vector<128x50xf32> -> vector<128x250xf32>
      %add3A_244 = arith.addf %dot_general3A_237, %concatenate3A_243 : vector<128x250xf32>
      %get3A_245 = arith.constant 0 : index
      %get3A_246 = arith.constant 0 : index
      %get3A_247 = vector.load %arg8[%get3A_245, %get3A_246] : memref<128x1xf32, #tpu.memory_space<vmem>>, vector<128x1xf32>
      %add3A_248 = vector.broadcast %get3A_247 : vector<128x1xf32> to vector<128x250xf32>
      %add3A_249 = arith.addf %add3A_244, %add3A_248 : vector<128x250xf32>
      %max3A_250 = arith.constant 0.000000e+00 : f32
      %max3A_251 = vector.broadcast %max3A_250 : f32 to vector<128x250xf32>
      %max3A_252 = arith.maximumf %add3A_249, %max3A_251 : vector<128x250xf32>
      %get3A_253 = arith.constant 0 : index
      %get3A_254 = arith.constant 0 : index
      %get3A_255 = vector.load %arg9[%get3A_253, %get3A_254] : memref<64x128xf32, #tpu.memory_space<vmem>>, vector<64x128xf32>
      %dot_general3A_256 = arith.constant dense<0.000000e+00> : vector<64x250xf32>
      %dot_general3A_257 = tpu.matmul %get3A_255, %max3A_252, %dot_general3A_256 {dimension_numbers = #tpu.dot_dimension_numbers<[1], [0], [0], [1], [0, 0, 1, 1], [], []>, transpose_lhs_hint = false} : vector<64x128xf32>, vector<128x250xf32>, vector<64x250xf32> -> vector<64x250xf32>
      %get3A_258 = arith.constant 0 : index
      %get3A_259 = arith.constant 0 : index
      %get3A_260 = vector.load %arg10[%get3A_258, %get3A_259] : memref<64x1xf32, #tpu.memory_space<vmem>>, vector<64x1xf32>
      %add3A_261 = vector.broadcast %get3A_260 : vector<64x1xf32> to vector<64x250xf32>
      %add3A_262 = arith.addf %dot_general3A_257, %add3A_261 : vector<64x250xf32>
      %get3A_263 = arith.constant 0 : index
      %get3A_264 = arith.constant 0 : index
      %get3A_265 = vector.load %arg12[%get3A_263, %get3A_264] : memref<250x256xf32, #tpu.memory_space<vmem>>, vector<250x256xf32>
      %dot_general3A_266 = arith.constant dense<0.000000e+00> : vector<64x256xf32>
      %dot_general3A_267 = tpu.matmul %add3A_262, %get3A_265, %dot_general3A_266 {dimension_numbers = #tpu.dot_dimension_numbers<[1], [0], [0], [1], [0, 0, 1, 1], [], []>, transpose_lhs_hint = false} : vector<64x250xf32>, vector<250x256xf32>, vector<64x256xf32> -> vector<64x256xf32>
      %swap3A_268 = arith.constant 0 : index
      %swap3A_269 = arith.constant 0 : index
      %swap3A_270 = arith.constant 4 : index
      %swap3A_271 = arith.constant 0 : index
      %swap3A_272 = vector.load %arg13[%swap3A_268, %swap3A_269, %swap3A_270, %swap3A_271] : memref<64x1x25x256xf32, #tpu.memory_space<vmem>>, vector<64x1x1x256xf32>
      %swap3A_273 = vector.shape_cast %swap3A_272 : vector<64x1x1x256xf32> to vector<64x256xf32>
      %swap3A_274 = vector.shape_cast %dot_general3A_267 : vector<64x256xf32> to vector<64x1x1x256xf32>
      tpu.vector_store %arg13[%swap3A_268, %swap3A_269, %swap3A_270, %swap3A_271], %swap3A_274 {strides = array<i32>} : memref<64x1x25x256xf32, #tpu.memory_space<vmem>>, vector<64x1x1x256xf32>,
      %get3A_275 = arith.constant 0 : index
      %get3A_276 = arith.constant 0 : index
      %get3A_277 = arith.constant 5 : index
      %get3A_278 = arith.constant 0 : index
      %get3A_279 = vector.load %arg6[%get3A_275, %get3A_276, %get3A_277, %get3A_278] : memref<128x1x25x250xf32, #tpu.memory_space<vmem>>, vector<128x1x1x250xf32>
      %get3A_280 = vector.shape_cast %get3A_279 : vector<128x1x1x250xf32> to vector<128x250xf32>
      %get3A_281 = arith.constant 0 : index
      %get3A_282 = arith.constant 0 : index
      %get3A_283 = vector.load %arg11[%get3A_281, %get3A_282] : memref<250x250xf32, #tpu.memory_space<vmem>>, vector<250x250xf32>
      %dot_general3A_284 = arith.constant dense<0.000000e+00> : vector<128x250xf32>
      %dot_general3A_285 = tpu.matmul %get3A_280, %get3A_283, %dot_general3A_284 {dimension_numbers = #tpu.dot_dimension_numbers<[1], [0], [0], [1], [0, 0, 1, 1], [], []>, transpose_lhs_hint = false} : vector<128x250xf32>, vector<250x250xf32>, vector<128x250xf32> -> vector<128x250xf32>
      %slice3A_286 = vector.extract_strided_slice %dot_general3A_37 {offsets = [0, 50], sizes = [128, 50], strides = [1, 1]} : vector<3200x250xf32> to vector<128x50xf32>
      %slice3A_287 = vector.extract_strided_slice %dot_general3A_37 {offsets = [128, 50], sizes = [128, 50], strides = [1, 1]} : vector<3200x250xf32> to vector<128x50xf32>
      %slice3A_288 = vector.extract_strided_slice %dot_general3A_37 {offsets = [256, 50], sizes = [128, 50], strides = [1, 1]} : vector<3200x250xf32> to vector<128x50xf32>
      %slice3A_289 = vector.extract_strided_slice %dot_general3A_37 {offsets = [384, 50], sizes = [128, 50], strides = [1, 1]} : vector<3200x250xf32> to vector<128x50xf32>
      %slice3A_290 = vector.extract_strided_slice %dot_general3A_37 {offsets = [512, 50], sizes = [128, 50], strides = [1, 1]} : vector<3200x250xf32> to vector<128x50xf32>
      %concatenate3A_291 = tpu.concatenate %slice3A_286, %slice3A_287, %slice3A_288, %slice3A_289, %slice3A_290 in 1 : vector<128x50xf32>, vector<128x50xf32>, vector<128x50xf32>, vector<128x50xf32>, vector<128x50xf32> -> vector<128x250xf32>
      %add3A_292 = arith.addf %dot_general3A_285, %concatenate3A_291 : vector<128x250xf32>
      %get3A_293 = arith.constant 0 : index
      %get3A_294 = arith.constant 0 : index
      %get3A_295 = vector.load %arg8[%get3A_293, %get3A_294] : memref<128x1xf32, #tpu.memory_space<vmem>>, vector<128x1xf32>
      %add3A_296 = vector.broadcast %get3A_295 : vector<128x1xf32> to vector<128x250xf32>
      %add3A_297 = arith.addf %add3A_292, %add3A_296 : vector<128x250xf32>
      %max3A_298 = arith.constant 0.000000e+00 : f32
      %max3A_299 = vector.broadcast %max3A_298 : f32 to vector<128x250xf32>
      %max3A_300 = arith.maximumf %add3A_297, %max3A_299 : vector<128x250xf32>
      %get3A_301 = arith.constant 0 : index
      %get3A_302 = arith.constant 0 : index
      %get3A_303 = vector.load %arg9[%get3A_301, %get3A_302] : memref<64x128xf32, #tpu.memory_space<vmem>>, vector<64x128xf32>
      %dot_general3A_304 = arith.constant dense<0.000000e+00> : vector<64x250xf32>
      %dot_general3A_305 = tpu.matmul %get3A_303, %max3A_300, %dot_general3A_304 {dimension_numbers = #tpu.dot_dimension_numbers<[1], [0], [0], [1], [0, 0, 1, 1], [], []>, transpose_lhs_hint = false} : vector<64x128xf32>, vector<128x250xf32>, vector<64x250xf32> -> vector<64x250xf32>
      %get3A_306 = arith.constant 0 : index
      %get3A_307 = arith.constant 0 : index
      %get3A_308 = vector.load %arg10[%get3A_306, %get3A_307] : memref<64x1xf32, #tpu.memory_space<vmem>>, vector<64x1xf32>
      %add3A_309 = vector.broadcast %get3A_308 : vector<64x1xf32> to vector<64x250xf32>
      %add3A_310 = arith.addf %dot_general3A_305, %add3A_309 : vector<64x250xf32>
      %get3A_311 = arith.constant 0 : index
      %get3A_312 = arith.constant 0 : index
      %get3A_313 = vector.load %arg12[%get3A_311, %get3A_312] : memref<250x256xf32, #tpu.memory_space<vmem>>, vector<250x256xf32>
      %dot_general3A_314 = arith.constant dense<0.000000e+00> : vector<64x256xf32>
      %dot_general3A_315 = tpu.matmul %add3A_310, %get3A_313, %dot_general3A_314 {dimension_numbers = #tpu.dot_dimension_numbers<[1], [0], [0], [1], [0, 0, 1, 1], [], []>, transpose_lhs_hint = false} : vector<64x250xf32>, vector<250x256xf32>, vector<64x256xf32> -> vector<64x256xf32>
      %swap3A_316 = arith.constant 0 : index
      %swap3A_317 = arith.constant 0 : index
      %swap3A_318 = arith.constant 5 : index
      %swap3A_319 = arith.constant 0 : index
      %swap3A_320 = vector.load %arg13[%swap3A_316, %swap3A_317, %swap3A_318, %swap3A_319] : memref<64x1x25x256xf32, #tpu.memory_space<vmem>>, vector<64x1x1x256xf32>
      %swap3A_321 = vector.shape_cast %swap3A_320 : vector<64x1x1x256xf32> to vector<64x256xf32>
      %swap3A_322 = vector.shape_cast %dot_general3A_315 : vector<64x256xf32> to vector<64x1x1x256xf32>
      tpu.vector_store %arg13[%swap3A_316, %swap3A_317, %swap3A_318, %swap3A_319], %swap3A_322 {strides = array<i32>} : memref<64x1x25x256xf32, #tpu.memory_space<vmem>>, vector<64x1x1x256xf32>,
      %get3A_323 = arith.constant 0 : index
      %get3A_324 = arith.constant 0 : index
      %get3A_325 = arith.constant 6 : index
      %get3A_326 = arith.constant 0 : index
      %get3A_327 = vector.load %arg6[%get3A_323, %get3A_324, %get3A_325, %get3A_326] : memref<128x1x25x250xf32, #tpu.memory_space<vmem>>, vector<128x1x1x250xf32>
      %get3A_328 = vector.shape_cast %get3A_327 : vector<128x1x1x250xf32> to vector<128x250xf32>
      %get3A_329 = arith.constant 0 : index
      %get3A_330 = arith.constant 0 : index
      %get3A_331 = vector.load %arg11[%get3A_329, %get3A_330] : memref<250x250xf32, #tpu.memory_space<vmem>>, vector<250x250xf32>
      %dot_general3A_332 = arith.constant dense<0.000000e+00> : vector<128x250xf32>
      %dot_general3A_333 = tpu.matmul %get3A_328, %get3A_331, %dot_general3A_332 {dimension_numbers = #tpu.dot_dimension_numbers<[1], [0], [0], [1], [0, 0, 1, 1], [], []>, transpose_lhs_hint = false} : vector<128x250xf32>, vector<250x250xf32>, vector<128x250xf32> -> vector<128x250xf32>
      %slice3A_334 = vector.extract_strided_slice %dot_general3A_37 {offsets = [640, 50], sizes = [128, 50], strides = [1, 1]} : vector<3200x250xf32> to vector<128x50xf32>
      %slice3A_335 = vector.extract_strided_slice %dot_general3A_37 {offsets = [768, 50], sizes = [128, 50], strides = [1, 1]} : vector<3200x250xf32> to vector<128x50xf32>
      %slice3A_336 = vector.extract_strided_slice %dot_general3A_37 {offsets = [896, 50], sizes = [128, 50], strides = [1, 1]} : vector<3200x250xf32> to vector<128x50xf32>
      %slice3A_337 = vector.extract_strided_slice %dot_general3A_37 {offsets = [1024, 50], sizes = [128, 50], strides = [1, 1]} : vector<3200x250xf32> to vector<128x50xf32>
      %slice3A_338 = vector.extract_strided_slice %dot_general3A_37 {offsets = [1152, 50], sizes = [128, 50], strides = [1, 1]} : vector<3200x250xf32> to vector<128x50xf32>
      %concatenate3A_339 = tpu.concatenate %slice3A_334, %slice3A_335, %slice3A_336, %slice3A_337, %slice3A_338 in 1 : vector<128x50xf32>, vector<128x50xf32>, vector<128x50xf32>, vector<128x50xf32>, vector<128x50xf32> -> vector<128x250xf32>
      %add3A_340 = arith.addf %dot_general3A_333, %concatenate3A_339 : vector<128x250xf32>
      %get3A_341 = arith.constant 0 : index
      %get3A_342 = arith.constant 0 : index
      %get3A_343 = vector.load %arg8[%get3A_341, %get3A_342] : memref<128x1xf32, #tpu.memory_space<vmem>>, vector<128x1xf32>
      %add3A_344 = vector.broadcast %get3A_343 : vector<128x1xf32> to vector<128x250xf32>
      %add3A_345 = arith.addf %add3A_340, %add3A_344 : vector<128x250xf32>
      %max3A_346 = arith.constant 0.000000e+00 : f32
      %max3A_347 = vector.broadcast %max3A_346 : f32 to vector<128x250xf32>
      %max3A_348 = arith.maximumf %add3A_345, %max3A_347 : vector<128x250xf32>
      %get3A_349 = arith.constant 0 : index
      %get3A_350 = arith.constant 0 : index
      %get3A_351 = vector.load %arg9[%get3A_349, %get3A_350] : memref<64x128xf32, #tpu.memory_space<vmem>>, vector<64x128xf32>
      %dot_general3A_352 = arith.constant dense<0.000000e+00> : vector<64x250xf32>
      %dot_general3A_353 = tpu.matmul %get3A_351, %max3A_348, %dot_general3A_352 {dimension_numbers = #tpu.dot_dimension_numbers<[1], [0], [0], [1], [0, 0, 1, 1], [], []>, transpose_lhs_hint = false} : vector<64x128xf32>, vector<128x250xf32>, vector<64x250xf32> -> vector<64x250xf32>
      %get3A_354 = arith.constant 0 : index
      %get3A_355 = arith.constant 0 : index
      %get3A_356 = vector.load %arg10[%get3A_354, %get3A_355] : memref<64x1xf32, #tpu.memory_space<vmem>>, vector<64x1xf32>
      %add3A_357 = vector.broadcast %get3A_356 : vector<64x1xf32> to vector<64x250xf32>
      %add3A_358 = arith.addf %dot_general3A_353, %add3A_357 : vector<64x250xf32>
      %get3A_359 = arith.constant 0 : index
      %get3A_360 = arith.constant 0 : index
      %get3A_361 = vector.load %arg12[%get3A_359, %get3A_360] : memref<250x256xf32, #tpu.memory_space<vmem>>, vector<250x256xf32>
      %dot_general3A_362 = arith.constant dense<0.000000e+00> : vector<64x256xf32>
      %dot_general3A_363 = tpu.matmul %add3A_358, %get3A_361, %dot_general3A_362 {dimension_numbers = #tpu.dot_dimension_numbers<[1], [0], [0], [1], [0, 0, 1, 1], [], []>, transpose_lhs_hint = false} : vector<64x250xf32>, vector<250x256xf32>, vector<64x256xf32> -> vector<64x256xf32>
      %swap3A_364 = arith.constant 0 : index
      %swap3A_365 = arith.constant 0 : index
      %swap3A_366 = arith.constant 6 : index
      %swap3A_367 = arith.constant 0 : index
      %swap3A_368 = vector.load %arg13[%swap3A_364, %swap3A_365, %swap3A_366, %swap3A_367] : memref<64x1x25x256xf32, #tpu.memory_space<vmem>>, vector<64x1x1x256xf32>
      %swap3A_369 = vector.shape_cast %swap3A_368 : vector<64x1x1x256xf32> to vector<64x256xf32>
      %swap3A_370 = vector.shape_cast %dot_general3A_363 : vector<64x256xf32> to vector<64x1x1x256xf32>
      tpu.vector_store %arg13[%swap3A_364, %swap3A_365, %swap3A_366, %swap3A_367], %swap3A_370 {strides = array<i32>} : memref<64x1x25x256xf32, #tpu.memory_space<vmem>>, vector<64x1x1x256xf32>,
      %get3A_371 = arith.constant 0 : index
      %get3A_372 = arith.constant 0 : index
      %get3A_373 = arith.constant 7 : index
      %get3A_374 = arith.constant 0 : index
      %get3A_375 = vector.load %arg6[%get3A_371, %get3A_372, %get3A_373, %get3A_374] : memref<128x1x25x250xf32, #tpu.memory_space<vmem>>, vector<128x1x1x250xf32>
      %get3A_376 = vector.shape_cast %get3A_375 : vector<128x1x1x250xf32> to vector<128x250xf32>
      %get3A_377 = arith.constant 0 : index
      %get3A_378 = arith.constant 0 : index
      %get3A_379 = vector.load %arg11[%get3A_377, %get3A_378] : memref<250x250xf32, #tpu.memory_space<vmem>>, vector<250x250xf32>
      %dot_general3A_380 = arith.constant dense<0.000000e+00> : vector<128x250xf32>
      %dot_general3A_381 = tpu.matmul %get3A_376, %get3A_379, %dot_general3A_380 {dimension_numbers = #tpu.dot_dimension_numbers<[1], [0], [0], [1], [0, 0, 1, 1], [], []>, transpose_lhs_hint = false} : vector<128x250xf32>, vector<250x250xf32>, vector<128x250xf32> -> vector<128x250xf32>
      %slice3A_382 = vector.extract_strided_slice %dot_general3A_37 {offsets = [1280, 50], sizes = [128, 50], strides = [1, 1]} : vector<3200x250xf32> to vector<128x50xf32>
      %slice3A_383 = vector.extract_strided_slice %dot_general3A_37 {offsets = [1408, 50], sizes = [128, 50], strides = [1, 1]} : vector<3200x250xf32> to vector<128x50xf32>
      %slice3A_384 = vector.extract_strided_slice %dot_general3A_37 {offsets = [1536, 50], sizes = [128, 50], strides = [1, 1]} : vector<3200x250xf32> to vector<128x50xf32>
      %slice3A_385 = vector.extract_strided_slice %dot_general3A_37 {offsets = [1664, 50], sizes = [128, 50], strides = [1, 1]} : vector<3200x250xf32> to vector<128x50xf32>
      %slice3A_386 = vector.extract_strided_slice %dot_general3A_37 {offsets = [1792, 50], sizes = [128, 50], strides = [1, 1]} : vector<3200x250xf32> to vector<128x50xf32>
      %concatenate3A_387 = tpu.concatenate %slice3A_382, %slice3A_383, %slice3A_384, %slice3A_385, %slice3A_386 in 1 : vector<128x50xf32>, vector<128x50xf32>, vector<128x50xf32>, vector<128x50xf32>, vector<128x50xf32> -> vector<128x250xf32>
      %add3A_388 = arith.addf %dot_general3A_381, %concatenate3A_387 : vector<128x250xf32>
      %get3A_389 = arith.constant 0 : index
      %get3A_390 = arith.constant 0 : index
      %get3A_391 = vector.load %arg8[%get3A_389, %get3A_390] : memref<128x1xf32, #tpu.memory_space<vmem>>, vector<128x1xf32>
      %add3A_392 = vector.broadcast %get3A_391 : vector<128x1xf32> to vector<128x250xf32>
      %add3A_393 = arith.addf %add3A_388, %add3A_392 : vector<128x250xf32>
      %max3A_394 = arith.constant 0.000000e+00 : f32
      %max3A_395 = vector.broadcast %max3A_394 : f32 to vector<128x250xf32>
      %max3A_396 = arith.maximumf %add3A_393, %max3A_395 : vector<128x250xf32>
      %get3A_397 = arith.constant 0 : index
      %get3A_398 = arith.constant 0 : index
      %get3A_399 = vector.load %arg9[%get3A_397, %get3A_398] : memref<64x128xf32, #tpu.memory_space<vmem>>, vector<64x128xf32>
      %dot_general3A_400 = arith.constant dense<0.000000e+00> : vector<64x250xf32>
      %dot_general3A_401 = tpu.matmul %get3A_399, %max3A_396, %dot_general3A_400 {dimension_numbers = #tpu.dot_dimension_numbers<[1], [0], [0], [1], [0, 0, 1, 1], [], []>, transpose_lhs_hint = false} : vector<64x128xf32>, vector<128x250xf32>, vector<64x250xf32> -> vector<64x250xf32>
      %get3A_402 = arith.constant 0 : index
      %get3A_403 = arith.constant 0 : index
      %get3A_404 = vector.load %arg10[%get3A_402, %get3A_403] : memref<64x1xf32, #tpu.memory_space<vmem>>, vector<64x1xf32>
      %add3A_405 = vector.broadcast %get3A_404 : vector<64x1xf32> to vector<64x250xf32>
      %add3A_406 = arith.addf %dot_general3A_401, %add3A_405 : vector<64x250xf32>
      %get3A_407 = arith.constant 0 : index
      %get3A_408 = arith.constant 0 : index
      %get3A_409 = vector.load %arg12[%get3A_407, %get3A_408] : memref<250x256xf32, #tpu.memory_space<vmem>>, vector<250x256xf32>
      %dot_general3A_410 = arith.constant dense<0.000000e+00> : vector<64x256xf32>
      %dot_general3A_411 = tpu.matmul %add3A_406, %get3A_409, %dot_general3A_410 {dimension_numbers = #tpu.dot_dimension_numbers<[1], [0], [0], [1], [0, 0, 1, 1], [], []>, transpose_lhs_hint = false} : vector<64x250xf32>, vector<250x256xf32>, vector<64x256xf32> -> vector<64x256xf32>
      %swap3A_412 = arith.constant 0 : index
      %swap3A_413 = arith.constant 0 : index
      %swap3A_414 = arith.constant 7 : index
      %swap3A_415 = arith.constant 0 : index
      %swap3A_416 = vector.load %arg13[%swap3A_412, %swap3A_413, %swap3A_414, %swap3A_415] : memref<64x1x25x256xf32, #tpu.memory_space<vmem>>, vector<64x1x1x256xf32>
      %swap3A_417 = vector.shape_cast %swap3A_416 : vector<64x1x1x256xf32> to vector<64x256xf32>
      %swap3A_418 = vector.shape_cast %dot_general3A_411 : vector<64x256xf32> to vector<64x1x1x256xf32>
      tpu.vector_store %arg13[%swap3A_412, %swap3A_413, %swap3A_414, %swap3A_415], %swap3A_418 {strides = array<i32>} : memref<64x1x25x256xf32, #tpu.memory_space<vmem>>, vector<64x1x1x256xf32>,
      %get3A_419 = arith.constant 0 : index
      %get3A_420 = arith.constant 0 : index
      %get3A_421 = arith.constant 8 : index
      %get3A_422 = arith.constant 0 : index
      %get3A_423 = vector.load %arg6[%get3A_419, %get3A_420, %get3A_421, %get3A_422] : memref<128x1x25x250xf32, #tpu.memory_space<vmem>>, vector<128x1x1x250xf32>
      %get3A_424 = vector.shape_cast %get3A_423 : vector<128x1x1x250xf32> to vector<128x250xf32>
      %get3A_425 = arith.constant 0 : index
      %get3A_426 = arith.constant 0 : index
      %get3A_427 = vector.load %arg11[%get3A_425, %get3A_426] : memref<250x250xf32, #tpu.memory_space<vmem>>, vector<250x250xf32>
      %dot_general3A_428 = arith.constant dense<0.000000e+00> : vector<128x250xf32>
      %dot_general3A_429 = tpu.matmul %get3A_424, %get3A_427, %dot_general3A_428 {dimension_numbers = #tpu.dot_dimension_numbers<[1], [0], [0], [1], [0, 0, 1, 1], [], []>, transpose_lhs_hint = false} : vector<128x250xf32>, vector<250x250xf32>, vector<128x250xf32> -> vector<128x250xf32>
      %slice3A_430 = vector.extract_strided_slice %dot_general3A_37 {offsets = [1920, 50], sizes = [128, 50], strides = [1, 1]} : vector<3200x250xf32> to vector<128x50xf32>
      %slice3A_431 = vector.extract_strided_slice %dot_general3A_37 {offsets = [2048, 50], sizes = [128, 50], strides = [1, 1]} : vector<3200x250xf32> to vector<128x50xf32>
      %slice3A_432 = vector.extract_strided_slice %dot_general3A_37 {offsets = [2176, 50], sizes = [128, 50], strides = [1, 1]} : vector<3200x250xf32> to vector<128x50xf32>
      %slice3A_433 = vector.extract_strided_slice %dot_general3A_37 {offsets = [2304, 50], sizes = [128, 50], strides = [1, 1]} : vector<3200x250xf32> to vector<128x50xf32>
      %slice3A_434 = vector.extract_strided_slice %dot_general3A_37 {offsets = [2432, 50], sizes = [128, 50], strides = [1, 1]} : vector<3200x250xf32> to vector<128x50xf32>
      %concatenate3A_435 = tpu.concatenate %slice3A_430, %slice3A_431, %slice3A_432, %slice3A_433, %slice3A_434 in 1 : vector<128x50xf32>, vector<128x50xf32>, vector<128x50xf32>, vector<128x50xf32>, vector<128x50xf32> -> vector<128x250xf32>
      %add3A_436 = arith.addf %dot_general3A_429, %concatenate3A_435 : vector<128x250xf32>
      %get3A_437 = arith.constant 0 : index
      %get3A_438 = arith.constant 0 : index
      %get3A_439 = vector.load %arg8[%get3A_437, %get3A_438] : memref<128x1xf32, #tpu.memory_space<vmem>>, vector<128x1xf32>
      %add3A_440 = vector.broadcast %get3A_439 : vector<128x1xf32> to vector<128x250xf32>
      %add3A_441 = arith.addf %add3A_436, %add3A_440 : vector<128x250xf32>
      %max3A_442 = arith.constant 0.000000e+00 : f32
      %max3A_443 = vector.broadcast %max3A_442 : f32 to vector<128x250xf32>
      %max3A_444 = arith.maximumf %add3A_441, %max3A_443 : vector<128x250xf32>
      %get3A_445 = arith.constant 0 : index
      %get3A_446 = arith.constant 0 : index
      %get3A_447 = vector.load %arg9[%get3A_445, %get3A_446] : memref<64x128xf32, #tpu.memory_space<vmem>>, vector<64x128xf32>
      %dot_general3A_448 = arith.constant dense<0.000000e+00> : vector<64x250xf32>
      %dot_general3A_449 = tpu.matmul %get3A_447, %max3A_444, %dot_general3A_448 {dimension_numbers = #tpu.dot_dimension_numbers<[1], [0], [0], [1], [0, 0, 1, 1], [], []>, transpose_lhs_hint = false} : vector<64x128xf32>, vector<128x250xf32>, vector<64x250xf32> -> vector<64x250xf32>
      %get3A_450 = arith.constant 0 : index
      %get3A_451 = arith.constant 0 : index
      %get3A_452 = vector.load %arg10[%get3A_450, %get3A_451] : memref<64x1xf32, #tpu.memory_space<vmem>>, vector<64x1xf32>
      %add3A_453 = vector.broadcast %get3A_452 : vector<64x1xf32> to vector<64x250xf32>
      %add3A_454 = arith.addf %dot_general3A_449, %add3A_453 : vector<64x250xf32>
      %get3A_455 = arith.constant 0 : index
      %get3A_456 = arith.constant 0 : index
      %get3A_457 = vector.load %arg12[%get3A_455, %get3A_456] : memref<250x256xf32, #tpu.memory_space<vmem>>, vector<250x256xf32>
      %dot_general3A_458 = arith.constant dense<0.000000e+00> : vector<64x256xf32>
      %dot_general3A_459 = tpu.matmul %add3A_454, %get3A_457, %dot_general3A_458 {dimension_numbers = #tpu.dot_dimension_numbers<[1], [0], [0], [1], [0, 0, 1, 1], [], []>, transpose_lhs_hint = false} : vector<64x250xf32>, vector<250x256xf32>, vector<64x256xf32> -> vector<64x256xf32>
      %swap3A_460 = arith.constant 0 : index
      %swap3A_461 = arith.constant 0 : index
      %swap3A_462 = arith.constant 8 : index
      %swap3A_463 = arith.constant 0 : index
      %swap3A_464 = vector.load %arg13[%swap3A_460, %swap3A_461, %swap3A_462, %swap3A_463] : memref<64x1x25x256xf32, #tpu.memory_space<vmem>>, vector<64x1x1x256xf32>
      %swap3A_465 = vector.shape_cast %swap3A_464 : vector<64x1x1x256xf32> to vector<64x256xf32>
      %swap3A_466 = vector.shape_cast %dot_general3A_459 : vector<64x256xf32> to vector<64x1x1x256xf32>
      tpu.vector_store %arg13[%swap3A_460, %swap3A_461, %swap3A_462, %swap3A_463], %swap3A_466 {strides = array<i32>} : memref<64x1x25x256xf32, #tpu.memory_space<vmem>>, vector<64x1x1x256xf32>,
      %get3A_467 = arith.constant 0 : index
      %get3A_468 = arith.constant 0 : index
      %get3A_469 = arith.constant 9 : index
      %get3A_470 = arith.constant 0 : index
      %get3A_471 = vector.load %arg6[%get3A_467, %get3A_468, %get3A_469, %get3A_470] : memref<128x1x25x250xf32, #tpu.memory_space<vmem>>, vector<128x1x1x250xf32>
      %get3A_472 = vector.shape_cast %get3A_471 : vector<128x1x1x250xf32> to vector<128x250xf32>
      %get3A_473 = arith.constant 0 : index
      %get3A_474 = arith.constant 0 : index
      %get3A_475 = vector.load %arg11[%get3A_473, %get3A_474] : memref<250x250xf32, #tpu.memory_space<vmem>>, vector<250x250xf32>
      %dot_general3A_476 = arith.constant dense<0.000000e+00> : vector<128x250xf32>
      %dot_general3A_477 = tpu.matmul %get3A_472, %get3A_475, %dot_general3A_476 {dimension_numbers = #tpu.dot_dimension_numbers<[1], [0], [0], [1], [0, 0, 1, 1], [], []>, transpose_lhs_hint = false} : vector<128x250xf32>, vector<250x250xf32>, vector<128x250xf32> -> vector<128x250xf32>
      %slice3A_478 = vector.extract_strided_slice %dot_general3A_37 {offsets = [2560, 50], sizes = [128, 50], strides = [1, 1]} : vector<3200x250xf32> to vector<128x50xf32>
      %slice3A_479 = vector.extract_strided_slice %dot_general3A_37 {offsets = [2688, 50], sizes = [128, 50], strides = [1, 1]} : vector<3200x250xf32> to vector<128x50xf32>
      %slice3A_480 = vector.extract_strided_slice %dot_general3A_37 {offsets = [2816, 50], sizes = [128, 50], strides = [1, 1]} : vector<3200x250xf32> to vector<128x50xf32>
      %slice3A_481 = vector.extract_strided_slice %dot_general3A_37 {offsets = [2944, 50], sizes = [128, 50], strides = [1, 1]} : vector<3200x250xf32> to vector<128x50xf32>
      %slice3A_482 = vector.extract_strided_slice %dot_general3A_37 {offsets = [3072, 50], sizes = [128, 50], strides = [1, 1]} : vector<3200x250xf32> to vector<128x50xf32>
      %concatenate3A_483 = tpu.concatenate %slice3A_478, %slice3A_479, %slice3A_480, %slice3A_481, %slice3A_482 in 1 : vector<128x50xf32>, vector<128x50xf32>, vector<128x50xf32>, vector<128x50xf32>, vector<128x50xf32> -> vector<128x250xf32>
      %add3A_484 = arith.addf %dot_general3A_477, %concatenate3A_483 : vector<128x250xf32>
      %get3A_485 = arith.constant 0 : index
      %get3A_486 = arith.constant 0 : index
      %get3A_487 = vector.load %arg8[%get3A_485, %get3A_486] : memref<128x1xf32, #tpu.memory_space<vmem>>, vector<128x1xf32>
      %add3A_488 = vector.broadcast %get3A_487 : vector<128x1xf32> to vector<128x250xf32>
      %add3A_489 = arith.addf %add3A_484, %add3A_488 : vector<128x250xf32>
      %max3A_490 = arith.constant 0.000000e+00 : f32
      %max3A_491 = vector.broadcast %max3A_490 : f32 to vector<128x250xf32>
      %max3A_492 = arith.maximumf %add3A_489, %max3A_491 : vector<128x250xf32>
      %get3A_493 = arith.constant 0 : index
      %get3A_494 = arith.constant 0 : index
      %get3A_495 = vector.load %arg9[%get3A_493, %get3A_494] : memref<64x128xf32, #tpu.memory_space<vmem>>, vector<64x128xf32>
      %dot_general3A_496 = arith.constant dense<0.000000e+00> : vector<64x250xf32>
      %dot_general3A_497 = tpu.matmul %get3A_495, %max3A_492, %dot_general3A_496 {dimension_numbers = #tpu.dot_dimension_numbers<[1], [0], [0], [1], [0, 0, 1, 1], [], []>, transpose_lhs_hint = false} : vector<64x128xf32>, vector<128x250xf32>, vector<64x250xf32> -> vector<64x250xf32>
      %get3A_498 = arith.constant 0 : index
      %get3A_499 = arith.constant 0 : index
      %get3A_500 = vector.load %arg10[%get3A_498, %get3A_499] : memref<64x1xf32, #tpu.memory_space<vmem>>, vector<64x1xf32>
      %add3A_501 = vector.broadcast %get3A_500 : vector<64x1xf32> to vector<64x250xf32>
      %add3A_502 = arith.addf %dot_general3A_497, %add3A_501 : vector<64x250xf32>
      %get3A_503 = arith.constant 0 : index
      %get3A_504 = arith.constant 0 : index
      %get3A_505 = vector.load %arg12[%get3A_503, %get3A_504] : memref<250x256xf32, #tpu.memory_space<vmem>>, vector<250x256xf32>
      %dot_general3A_506 = arith.constant dense<0.000000e+00> : vector<64x256xf32>
      %dot_general3A_507 = tpu.matmul %add3A_502, %get3A_505, %dot_general3A_506 {dimension_numbers = #tpu.dot_dimension_numbers<[1], [0], [0], [1], [0, 0, 1, 1], [], []>, transpose_lhs_hint = false} : vector<64x250xf32>, vector<250x256xf32>, vector<64x256xf32> -> vector<64x256xf32>
      %swap3A_508 = arith.constant 0 : index
      %swap3A_509 = arith.constant 0 : index
      %swap3A_510 = arith.constant 9 : index
      %swap3A_511 = arith.constant 0 : index
      %swap3A_512 = vector.load %arg13[%swap3A_508, %swap3A_509, %swap3A_510, %swap3A_511] : memref<64x1x25x256xf32, #tpu.memory_space<vmem>>, vector<64x1x1x256xf32>
      %swap3A_513 = vector.shape_cast %swap3A_512 : vector<64x1x1x256xf32> to vector<64x256xf32>
      %swap3A_514 = vector.shape_cast %dot_general3A_507 : vector<64x256xf32> to vector<64x1x1x256xf32>
      tpu.vector_store %arg13[%swap3A_508, %swap3A_509, %swap3A_510, %swap3A_511], %swap3A_514 {strides = array<i32>} : memref<64x1x25x256xf32, #tpu.memory_space<vmem>>, vector<64x1x1x256xf32>,
      %get3A_515 = arith.constant 0 : index
      %get3A_516 = arith.constant 0 : index
      %get3A_517 = arith.constant 10 : index
      %get3A_518 = arith.constant 0 : index
      %get3A_519 = vector.load %arg6[%get3A_515, %get3A_516, %get3A_517, %get3A_518] : memref<128x1x25x250xf32, #tpu.memory_space<vmem>>, vector<128x1x1x250xf32>
      %get3A_520 = vector.shape_cast %get3A_519 : vector<128x1x1x250xf32> to vector<128x250xf32>
      %get3A_521 = arith.constant 0 : index
      %get3A_522 = arith.constant 0 : index
      %get3A_523 = vector.load %arg11[%get3A_521, %get3A_522] : memref<250x250xf32, #tpu.memory_space<vmem>>, vector<250x250xf32>
      %dot_general3A_524 = arith.constant dense<0.000000e+00> : vector<128x250xf32>
      %dot_general3A_525 = tpu.matmul %get3A_520, %get3A_523, %dot_general3A_524 {dimension_numbers = #tpu.dot_dimension_numbers<[1], [0], [0], [1], [0, 0, 1, 1], [], []>, transpose_lhs_hint = false} : vector<128x250xf32>, vector<250x250xf32>, vector<128x250xf32> -> vector<128x250xf32>
      %slice3A_526 = vector.extract_strided_slice %dot_general3A_37 {offsets = [0, 100], sizes = [128, 50], strides = [1, 1]} : vector<3200x250xf32> to vector<128x50xf32>
      %slice3A_527 = vector.extract_strided_slice %dot_general3A_37 {offsets = [128, 100], sizes = [128, 50], strides = [1, 1]} : vector<3200x250xf32> to vector<128x50xf32>
      %slice3A_528 = vector.extract_strided_slice %dot_general3A_37 {offsets = [256, 100], sizes = [128, 50], strides = [1, 1]} : vector<3200x250xf32> to vector<128x50xf32>
      %slice3A_529 = vector.extract_strided_slice %dot_general3A_37 {offsets = [384, 100], sizes = [128, 50], strides = [1, 1]} : vector<3200x250xf32> to vector<128x50xf32>
      %slice3A_530 = vector.extract_strided_slice %dot_general3A_37 {offsets = [512, 100], sizes = [128, 50], strides = [1, 1]} : vector<3200x250xf32> to vector<128x50xf32>
      %concatenate3A_531 = tpu.concatenate %slice3A_526, %slice3A_527, %slice3A_528, %slice3A_529, %slice3A_530 in 1 : vector<128x50xf32>, vector<128x50xf32>, vector<128x50xf32>, vector<128x50xf32>, vector<128x50xf32> -> vector<128x250xf32>
      %add3A_532 = arith.addf %dot_general3A_525, %concatenate3A_531 : vector<128x250xf32>
      %get3A_533 = arith.constant 0 : index
      %get3A_534 = arith.constant 0 : index
      %get3A_535 = vector.load %arg8[%get3A_533, %get3A_534] : memref<128x1xf32, #tpu.memory_space<vmem>>, vector<128x1xf32>
      %add3A_536 = vector.broadcast %get3A_535 : vector<128x1xf32> to vector<128x250xf32>
      %add3A_537 = arith.addf %add3A_532, %add3A_536 : vector<128x250xf32>
      %max3A_538 = arith.constant 0.000000e+00 : f32
      %max3A_539 = vector.broadcast %max3A_538 : f32 to vector<128x250xf32>
      %max3A_540 = arith.maximumf %add3A_537, %max3A_539 : vector<128x250xf32>
      %get3A_541 = arith.constant 0 : index
      %get3A_542 = arith.constant 0 : index
      %get3A_543 = vector.load %arg9[%get3A_541, %get3A_542] : memref<64x128xf32, #tpu.memory_space<vmem>>, vector<64x128xf32>
      %dot_general3A_544 = arith.constant dense<0.000000e+00> : vector<64x250xf32>
      %dot_general3A_545 = tpu.matmul %get3A_543, %max3A_540, %dot_general3A_544 {dimension_numbers = #tpu.dot_dimension_numbers<[1], [0], [0], [1], [0, 0, 1, 1], [], []>, transpose_lhs_hint = false} : vector<64x128xf32>, vector<128x250xf32>, vector<64x250xf32> -> vector<64x250xf32>
      %get3A_546 = arith.constant 0 : index
      %get3A_547 = arith.constant 0 : index
      %get3A_548 = vector.load %arg10[%get3A_546, %get3A_547] : memref<64x1xf32, #tpu.memory_space<vmem>>, vector<64x1xf32>
      %add3A_549 = vector.broadcast %get3A_548 : vector<64x1xf32> to vector<64x250xf32>
      %add3A_550 = arith.addf %dot_general3A_545, %add3A_549 : vector<64x250xf32>
      %get3A_551 = arith.constant 0 : index
      %get3A_552 = arith.constant 0 : index
      %get3A_553 = vector.load %arg12[%get3A_551, %get3A_552] : memref<250x256xf32, #tpu.memory_space<vmem>>, vector<250x256xf32>
      %dot_general3A_554 = arith.constant dense<0.000000e+00> : vector<64x256xf32>
      %dot_general3A_555 = tpu.matmul %add3A_550, %get3A_553, %dot_general3A_554 {dimension_numbers = #tpu.dot_dimension_numbers<[1], [0], [0], [1], [0, 0, 1, 1], [], []>, transpose_lhs_hint = false} : vector<64x250xf32>, vector<250x256xf32>, vector<64x256xf32> -> vector<64x256xf32>
      %swap3A_556 = arith.constant 0 : index
      %swap3A_557 = arith.constant 0 : index
      %swap3A_558 = arith.constant 10 : index
      %swap3A_559 = arith.constant 0 : index
      %swap3A_560 = vector.load %arg13[%swap3A_556, %swap3A_557, %swap3A_558, %swap3A_559] : memref<64x1x25x256xf32, #tpu.memory_space<vmem>>, vector<64x1x1x256xf32>
      %swap3A_561 = vector.shape_cast %swap3A_560 : vector<64x1x1x256xf32> to vector<64x256xf32>
      %swap3A_562 = vector.shape_cast %dot_general3A_555 : vector<64x256xf32> to vector<64x1x1x256xf32>
      tpu.vector_store %arg13[%swap3A_556, %swap3A_557, %swap3A_558, %swap3A_559], %swap3A_562 {strides = array<i32>} : memref<64x1x25x256xf32, #tpu.memory_space<vmem>>, vector<64x1x1x256xf32>,
      %get3A_563 = arith.constant 0 : index
      %get3A_564 = arith.constant 0 : index
      %get3A_565 = arith.constant 11 : index
      %get3A_566 = arith.constant 0 : index
      %get3A_567 = vector.load %arg6[%get3A_563, %get3A_564, %get3A_565, %get3A_566] : memref<128x1x25x250xf32, #tpu.memory_space<vmem>>, vector<128x1x1x250xf32>
      %get3A_568 = vector.shape_cast %get3A_567 : vector<128x1x1x250xf32> to vector<128x250xf32>
      %get3A_569 = arith.constant 0 : index
      %get3A_570 = arith.constant 0 : index
      %get3A_571 = vector.load %arg11[%get3A_569, %get3A_570] : memref<250x250xf32, #tpu.memory_space<vmem>>, vector<250x250xf32>
      %dot_general3A_572 = arith.constant dense<0.000000e+00> : vector<128x250xf32>
      %dot_general3A_573 = tpu.matmul %get3A_568, %get3A_571, %dot_general3A_572 {dimension_numbers = #tpu.dot_dimension_numbers<[1], [0], [0], [1], [0, 0, 1, 1], [], []>, transpose_lhs_hint = false} : vector<128x250xf32>, vector<250x250xf32>, vector<128x250xf32> -> vector<128x250xf32>
      %slice3A_574 = vector.extract_strided_slice %dot_general3A_37 {offsets = [640, 100], sizes = [128, 50], strides = [1, 1]} : vector<3200x250xf32> to vector<128x50xf32>
      %slice3A_575 = vector.extract_strided_slice %dot_general3A_37 {offsets = [768, 100], sizes = [128, 50], strides = [1, 1]} : vector<3200x250xf32> to vector<128x50xf32>
      %slice3A_576 = vector.extract_strided_slice %dot_general3A_37 {offsets = [896, 100], sizes = [128, 50], strides = [1, 1]} : vector<3200x250xf32> to vector<128x50xf32>
      %slice3A_577 = vector.extract_strided_slice %dot_general3A_37 {offsets = [1024, 100], sizes = [128, 50], strides = [1, 1]} : vector<3200x250xf32> to vector<128x50xf32>
      %slice3A_578 = vector.extract_strided_slice %dot_general3A_37 {offsets = [1152, 100], sizes = [128, 50], strides = [1, 1]} : vector<3200x250xf32> to vector<128x50xf32>
      %concatenate3A_579 = tpu.concatenate %slice3A_574, %slice3A_575, %slice3A_576, %slice3A_577, %slice3A_578 in 1 : vector<128x50xf32>, vector<128x50xf32>, vector<128x50xf32>, vector<128x50xf32>, vector<128x50xf32> -> vector<128x250xf32>
      %add3A_580 = arith.addf %dot_general3A_573, %concatenate3A_579 : vector<128x250xf32>
      %get3A_581 = arith.constant 0 : index
      %get3A_582 = arith.constant 0 : index
      %get3A_583 = vector.load %arg8[%get3A_581, %get3A_582] : memref<128x1xf32, #tpu.memory_space<vmem>>, vector<128x1xf32>
      %add3A_584 = vector.broadcast %get3A_583 : vector<128x1xf32> to vector<128x250xf32>
      %add3A_585 = arith.addf %add3A_580, %add3A_584 : vector<128x250xf32>
      %max3A_586 = arith.constant 0.000000e+00 : f32
      %max3A_587 = vector.broadcast %max3A_586 : f32 to vector<128x250xf32>
      %max3A_588 = arith.maximumf %add3A_585, %max3A_587 : vector<128x250xf32>
      %get3A_589 = arith.constant 0 : index
      %get3A_590 = arith.constant 0 : index
      %get3A_591 = vector.load %arg9[%get3A_589, %get3A_590] : memref<64x128xf32, #tpu.memory_space<vmem>>, vector<64x128xf32>
      %dot_general3A_592 = arith.constant dense<0.000000e+00> : vector<64x250xf32>
      %dot_general3A_593 = tpu.matmul %get3A_591, %max3A_588, %dot_general3A_592 {dimension_numbers = #tpu.dot_dimension_numbers<[1], [0], [0], [1], [0, 0, 1, 1], [], []>, transpose_lhs_hint = false} : vector<64x128xf32>, vector<128x250xf32>, vector<64x250xf32> -> vector<64x250xf32>
      %get3A_594 = arith.constant 0 : index
      %get3A_595 = arith.constant 0 : index
      %get3A_596 = vector.load %arg10[%get3A_594, %get3A_595] : memref<64x1xf32, #tpu.memory_space<vmem>>, vector<64x1xf32>
      %add3A_597 = vector.broadcast %get3A_596 : vector<64x1xf32> to vector<64x250xf32>
      %add3A_598 = arith.addf %dot_general3A_593, %add3A_597 : vector<64x250xf32>
      %get3A_599 = arith.constant 0 : index
      %get3A_600 = arith.constant 0 : index
      %get3A_601 = vector.load %arg12[%get3A_599, %get3A_600] : memref<250x256xf32, #tpu.memory_space<vmem>>, vector<250x256xf32>
      %dot_general3A_602 = arith.constant dense<0.000000e+00> : vector<64x256xf32>
      %dot_general3A_603 = tpu.matmul %add3A_598, %get3A_601, %dot_general3A_602 {dimension_numbers = #tpu.dot_dimension_numbers<[1], [0], [0], [1], [0, 0, 1, 1], [], []>, transpose_lhs_hint = false} : vector<64x250xf32>, vector<250x256xf32>, vector<64x256xf32> -> vector<64x256xf32>
      %swap3A_604 = arith.constant 0 : index
      %swap3A_605 = arith.constant 0 : index
      %swap3A_606 = arith.constant 11 : index
      %swap3A_607 = arith.constant 0 : index
      %swap3A_608 = vector.load %arg13[%swap3A_604, %swap3A_605, %swap3A_606, %swap3A_607] : memref<64x1x25x256xf32, #tpu.memory_space<vmem>>, vector<64x1x1x256xf32>
      %swap3A_609 = vector.shape_cast %swap3A_608 : vector<64x1x1x256xf32> to vector<64x256xf32>
      %swap3A_610 = vector.shape_cast %dot_general3A_603 : vector<64x256xf32> to vector<64x1x1x256xf32>
      tpu.vector_store %arg13[%swap3A_604, %swap3A_605, %swap3A_606, %swap3A_607], %swap3A_610 {strides = array<i32>} : memref<64x1x25x256xf32, #tpu.memory_space<vmem>>, vector<64x1x1x256xf32>,
      %get3A_611 = arith.constant 0 : index
      %get3A_612 = arith.constant 0 : index
      %get3A_613 = arith.constant 12 : index
      %get3A_614 = arith.constant 0 : index
      %get3A_615 = vector.load %arg6[%get3A_611, %get3A_612, %get3A_613, %get3A_614] : memref<128x1x25x250xf32, #tpu.memory_space<vmem>>, vector<128x1x1x250xf32>
      %get3A_616 = vector.shape_cast %get3A_615 : vector<128x1x1x250xf32> to vector<128x250xf32>
      %get3A_617 = arith.constant 0 : index
      %get3A_618 = arith.constant 0 : index
      %get3A_619 = vector.load %arg11[%get3A_617, %get3A_618] : memref<250x250xf32, #tpu.memory_space<vmem>>, vector<250x250xf32>
      %dot_general3A_620 = arith.constant dense<0.000000e+00> : vector<128x250xf32>
      %dot_general3A_621 = tpu.matmul %get3A_616, %get3A_619, %dot_general3A_620 {dimension_numbers = #tpu.dot_dimension_numbers<[1], [0], [0], [1], [0, 0, 1, 1], [], []>, transpose_lhs_hint = false} : vector<128x250xf32>, vector<250x250xf32>, vector<128x250xf32> -> vector<128x250xf32>
      %slice3A_622 = vector.extract_strided_slice %dot_general3A_37 {offsets = [1280, 100], sizes = [128, 50], strides = [1, 1]} : vector<3200x250xf32> to vector<128x50xf32>
      %slice3A_623 = vector.extract_strided_slice %dot_general3A_37 {offsets = [1408, 100], sizes = [128, 50], strides = [1, 1]} : vector<3200x250xf32> to vector<128x50xf32>
      %slice3A_624 = vector.extract_strided_slice %dot_general3A_37 {offsets = [1536, 100], sizes = [128, 50], strides = [1, 1]} : vector<3200x250xf32> to vector<128x50xf32>
      %slice3A_625 = vector.extract_strided_slice %dot_general3A_37 {offsets = [1664, 100], sizes = [128, 50], strides = [1, 1]} : vector<3200x250xf32> to vector<128x50xf32>
      %slice3A_626 = vector.extract_strided_slice %dot_general3A_37 {offsets = [1792, 100], sizes = [128, 50], strides = [1, 1]} : vector<3200x250xf32> to vector<128x50xf32>
      %concatenate3A_627 = tpu.concatenate %slice3A_622, %slice3A_623, %slice3A_624, %slice3A_625, %slice3A_626 in 1 : vector<128x50xf32>, vector<128x50xf32>, vector<128x50xf32>, vector<128x50xf32>, vector<128x50xf32> -> vector<128x250xf32>
      %add3A_628 = arith.addf %dot_general3A_621, %concatenate3A_627 : vector<128x250xf32>
      %get3A_629 = arith.constant 0 : index
      %get3A_630 = arith.constant 0 : index
      %get3A_631 = vector.load %arg8[%get3A_629, %get3A_630] : memref<128x1xf32, #tpu.memory_space<vmem>>, vector<128x1xf32>
      %add3A_632 = vector.broadcast %get3A_631 : vector<128x1xf32> to vector<128x250xf32>
      %add3A_633 = arith.addf %add3A_628, %add3A_632 : vector<128x250xf32>
      %max3A_634 = arith.constant 0.000000e+00 : f32
      %max3A_635 = vector.broadcast %max3A_634 : f32 to vector<128x250xf32>
      %max3A_636 = arith.maximumf %add3A_633, %max3A_635 : vector<128x250xf32>
      %get3A_637 = arith.constant 0 : index
      %get3A_638 = arith.constant 0 : index
      %get3A_639 = vector.load %arg9[%get3A_637, %get3A_638] : memref<64x128xf32, #tpu.memory_space<vmem>>, vector<64x128xf32>
      %dot_general3A_640 = arith.constant dense<0.000000e+00> : vector<64x250xf32>
      %dot_general3A_641 = tpu.matmul %get3A_639, %max3A_636, %dot_general3A_640 {dimension_numbers = #tpu.dot_dimension_numbers<[1], [0], [0], [1], [0, 0, 1, 1], [], []>, transpose_lhs_hint = false} : vector<64x128xf32>, vector<128x250xf32>, vector<64x250xf32> -> vector<64x250xf32>
      %get3A_642 = arith.constant 0 : index
      %get3A_643 = arith.constant 0 : index
      %get3A_644 = vector.load %arg10[%get3A_642, %get3A_643] : memref<64x1xf32, #tpu.memory_space<vmem>>, vector<64x1xf32>
      %add3A_645 = vector.broadcast %get3A_644 : vector<64x1xf32> to vector<64x250xf32>
      %add3A_646 = arith.addf %dot_general3A_641, %add3A_645 : vector<64x250xf32>
      %get3A_647 = arith.constant 0 : index
      %get3A_648 = arith.constant 0 : index
      %get3A_649 = vector.load %arg12[%get3A_647, %get3A_648] : memref<250x256xf32, #tpu.memory_space<vmem>>, vector<250x256xf32>
      %dot_general3A_650 = arith.constant dense<0.000000e+00> : vector<64x256xf32>
      %dot_general3A_651 = tpu.matmul %add3A_646, %get3A_649, %dot_general3A_650 {dimension_numbers = #tpu.dot_dimension_numbers<[1], [0], [0], [1], [0, 0, 1, 1], [], []>, transpose_lhs_hint = false} : vector<64x250xf32>, vector<250x256xf32>, vector<64x256xf32> -> vector<64x256xf32>
      %swap3A_652 = arith.constant 0 : index
      %swap3A_653 = arith.constant 0 : index
      %swap3A_654 = arith.constant 12 : index
      %swap3A_655 = arith.constant 0 : index
      %swap3A_656 = vector.load %arg13[%swap3A_652, %swap3A_653, %swap3A_654, %swap3A_655] : memref<64x1x25x256xf32, #tpu.memory_space<vmem>>, vector<64x1x1x256xf32>
      %swap3A_657 = vector.shape_cast %swap3A_656 : vector<64x1x1x256xf32> to vector<64x256xf32>
      %swap3A_658 = vector.shape_cast %dot_general3A_651 : vector<64x256xf32> to vector<64x1x1x256xf32>
      tpu.vector_store %arg13[%swap3A_652, %swap3A_653, %swap3A_654, %swap3A_655], %swap3A_658 {strides = array<i32>} : memref<64x1x25x256xf32, #tpu.memory_space<vmem>>, vector<64x1x1x256xf32>,
      %get3A_659 = arith.constant 0 : index
      %get3A_660 = arith.constant 0 : index
      %get3A_661 = arith.constant 13 : index
      %get3A_662 = arith.constant 0 : index
      %get3A_663 = vector.load %arg6[%get3A_659, %get3A_660, %get3A_661, %get3A_662] : memref<128x1x25x250xf32, #tpu.memory_space<vmem>>, vector<128x1x1x250xf32>
      %get3A_664 = vector.shape_cast %get3A_663 : vector<128x1x1x250xf32> to vector<128x250xf32>
      %get3A_665 = arith.constant 0 : index
      %get3A_666 = arith.constant 0 : index
      %get3A_667 = vector.load %arg11[%get3A_665, %get3A_666] : memref<250x250xf32, #tpu.memory_space<vmem>>, vector<250x250xf32>
      %dot_general3A_668 = arith.constant dense<0.000000e+00> : vector<128x250xf32>
      %dot_general3A_669 = tpu.matmul %get3A_664, %get3A_667, %dot_general3A_668 {dimension_numbers = #tpu.dot_dimension_numbers<[1], [0], [0], [1], [0, 0, 1, 1], [], []>, transpose_lhs_hint = false} : vector<128x250xf32>, vector<250x250xf32>, vector<128x250xf32> -> vector<128x250xf32>
      %slice3A_670 = vector.extract_strided_slice %dot_general3A_37 {offsets = [1920, 100], sizes = [128, 50], strides = [1, 1]} : vector<3200x250xf32> to vector<128x50xf32>
      %slice3A_671 = vector.extract_strided_slice %dot_general3A_37 {offsets = [2048, 100], sizes = [128, 50], strides = [1, 1]} : vector<3200x250xf32> to vector<128x50xf32>
      %slice3A_672 = vector.extract_strided_slice %dot_general3A_37 {offsets = [2176, 100], sizes = [128, 50], strides = [1, 1]} : vector<3200x250xf32> to vector<128x50xf32>
      %slice3A_673 = vector.extract_strided_slice %dot_general3A_37 {offsets = [2304, 100], sizes = [128, 50], strides = [1, 1]} : vector<3200x250xf32> to vector<128x50xf32>
      %slice3A_674 = vector.extract_strided_slice %dot_general3A_37 {offsets = [2432, 100], sizes = [128, 50], strides = [1, 1]} : vector<3200x250xf32> to vector<128x50xf32>
      %concatenate3A_675 = tpu.concatenate %slice3A_670, %slice3A_671, %slice3A_672, %slice3A_673, %slice3A_674 in 1 : vector<128x50xf32>, vector<128x50xf32>, vector<128x50xf32>, vector<128x50xf32>, vector<128x50xf32> -> vector<128x250xf32>
      %add3A_676 = arith.addf %dot_general3A_669, %concatenate3A_675 : vector<128x250xf32>
      %get3A_677 = arith.constant 0 : index
      %get3A_678 = arith.constant 0 : index
      %get3A_679 = vector.load %arg8[%get3A_677, %get3A_678] : memref<128x1xf32, #tpu.memory_space<vmem>>, vector<128x1xf32>
      %add3A_680 = vector.broadcast %get3A_679 : vector<128x1xf32> to vector<128x250xf32>
      %add3A_681 = arith.addf %add3A_676, %add3A_680 : vector<128x250xf32>
      %max3A_682 = arith.constant 0.000000e+00 : f32
      %max3A_683 = vector.broadcast %max3A_682 : f32 to vector<128x250xf32>
      %max3A_684 = arith.maximumf %add3A_681, %max3A_683 : vector<128x250xf32>
      %get3A_685 = arith.constant 0 : index
      %get3A_686 = arith.constant 0 : index
      %get3A_687 = vector.load %arg9[%get3A_685, %get3A_686] : memref<64x128xf32, #tpu.memory_space<vmem>>, vector<64x128xf32>
      %dot_general3A_688 = arith.constant dense<0.000000e+00> : vector<64x250xf32>
      %dot_general3A_689 = tpu.matmul %get3A_687, %max3A_684, %dot_general3A_688 {dimension_numbers = #tpu.dot_dimension_numbers<[1], [0], [0], [1], [0, 0, 1, 1], [], []>, transpose_lhs_hint = false} : vector<64x128xf32>, vector<128x250xf32>, vector<64x250xf32> -> vector<64x250xf32>
      %get3A_690 = arith.constant 0 : index
      %get3A_691 = arith.constant 0 : index
      %get3A_692 = vector.load %arg10[%get3A_690, %get3A_691] : memref<64x1xf32, #tpu.memory_space<vmem>>, vector<64x1xf32>
      %add3A_693 = vector.broadcast %get3A_692 : vector<64x1xf32> to vector<64x250xf32>
      %add3A_694 = arith.addf %dot_general3A_689, %add3A_693 : vector<64x250xf32>
      %get3A_695 = arith.constant 0 : index
      %get3A_696 = arith.constant 0 : index
      %get3A_697 = vector.load %arg12[%get3A_695, %get3A_696] : memref<250x256xf32, #tpu.memory_space<vmem>>, vector<250x256xf32>
      %dot_general3A_698 = arith.constant dense<0.000000e+00> : vector<64x256xf32>
      %dot_general3A_699 = tpu.matmul %add3A_694, %get3A_697, %dot_general3A_698 {dimension_numbers = #tpu.dot_dimension_numbers<[1], [0], [0], [1], [0, 0, 1, 1], [], []>, transpose_lhs_hint = false} : vector<64x250xf32>, vector<250x256xf32>, vector<64x256xf32> -> vector<64x256xf32>
      %swap3A_700 = arith.constant 0 : index
      %swap3A_701 = arith.constant 0 : index
      %swap3A_702 = arith.constant 13 : index
      %swap3A_703 = arith.constant 0 : index
      %swap3A_704 = vector.load %arg13[%swap3A_700, %swap3A_701, %swap3A_702, %swap3A_703] : memref<64x1x25x256xf32, #tpu.memory_space<vmem>>, vector<64x1x1x256xf32>
      %swap3A_705 = vector.shape_cast %swap3A_704 : vector<64x1x1x256xf32> to vector<64x256xf32>
      %swap3A_706 = vector.shape_cast %dot_general3A_699 : vector<64x256xf32> to vector<64x1x1x256xf32>
      tpu.vector_store %arg13[%swap3A_700, %swap3A_701, %swap3A_702, %swap3A_703], %swap3A_706 {strides = array<i32>} : memref<64x1x25x256xf32, #tpu.memory_space<vmem>>, vector<64x1x1x256xf32>,
      %get3A_707 = arith.constant 0 : index
      %get3A_708 = arith.constant 0 : index
      %get3A_709 = arith.constant 14 : index
      %get3A_710 = arith.constant 0 : index
      %get3A_711 = vector.load %arg6[%get3A_707, %get3A_708, %get3A_709, %get3A_710] : memref<128x1x25x250xf32, #tpu.memory_space<vmem>>, vector<128x1x1x250xf32>
      %get3A_712 = vector.shape_cast %get3A_711 : vector<128x1x1x250xf32> to vector<128x250xf32>
      %get3A_713 = arith.constant 0 : index
      %get3A_714 = arith.constant 0 : index
      %get3A_715 = vector.load %arg11[%get3A_713, %get3A_714] : memref<250x250xf32, #tpu.memory_space<vmem>>, vector<250x250xf32>
      %dot_general3A_716 = arith.constant dense<0.000000e+00> : vector<128x250xf32>
      %dot_general3A_717 = tpu.matmul %get3A_712, %get3A_715, %dot_general3A_716 {dimension_numbers = #tpu.dot_dimension_numbers<[1], [0], [0], [1], [0, 0, 1, 1], [], []>, transpose_lhs_hint = false} : vector<128x250xf32>, vector<250x250xf32>, vector<128x250xf32> -> vector<128x250xf32>
      %slice3A_718 = vector.extract_strided_slice %dot_general3A_37 {offsets = [2560, 100], sizes = [128, 50], strides = [1, 1]} : vector<3200x250xf32> to vector<128x50xf32>
      %slice3A_719 = vector.extract_strided_slice %dot_general3A_37 {offsets = [2688, 100], sizes = [128, 50], strides = [1, 1]} : vector<3200x250xf32> to vector<128x50xf32>
      %slice3A_720 = vector.extract_strided_slice %dot_general3A_37 {offsets = [2816, 100], sizes = [128, 50], strides = [1, 1]} : vector<3200x250xf32> to vector<128x50xf32>
      %slice3A_721 = vector.extract_strided_slice %dot_general3A_37 {offsets = [2944, 100], sizes = [128, 50], strides = [1, 1]} : vector<3200x250xf32> to vector<128x50xf32>
      %slice3A_722 = vector.extract_strided_slice %dot_general3A_37 {offsets = [3072, 100], sizes = [128, 50], strides = [1, 1]} : vector<3200x250xf32> to vector<128x50xf32>
      %concatenate3A_723 = tpu.concatenate %slice3A_718, %slice3A_719, %slice3A_720, %slice3A_721, %slice3A_722 in 1 : vector<128x50xf32>, vector<128x50xf32>, vector<128x50xf32>, vector<128x50xf32>, vector<128x50xf32> -> vector<128x250xf32>
      %add3A_724 = arith.addf %dot_general3A_717, %concatenate3A_723 : vector<128x250xf32>
      %get3A_725 = arith.constant 0 : index
      %get3A_726 = arith.constant 0 : index
      %get3A_727 = vector.load %arg8[%get3A_725, %get3A_726] : memref<128x1xf32, #tpu.memory_space<vmem>>, vector<128x1xf32>
      %add3A_728 = vector.broadcast %get3A_727 : vector<128x1xf32> to vector<128x250xf32>
      %add3A_729 = arith.addf %add3A_724, %add3A_728 : vector<128x250xf32>
      %max3A_730 = arith.constant 0.000000e+00 : f32
      %max3A_731 = vector.broadcast %max3A_730 : f32 to vector<128x250xf32>
      %max3A_732 = arith.maximumf %add3A_729, %max3A_731 : vector<128x250xf32>
      %get3A_733 = arith.constant 0 : index
      %get3A_734 = arith.constant 0 : index
      %get3A_735 = vector.load %arg9[%get3A_733, %get3A_734] : memref<64x128xf32, #tpu.memory_space<vmem>>, vector<64x128xf32>
      %dot_general3A_736 = arith.constant dense<0.000000e+00> : vector<64x250xf32>
      %dot_general3A_737 = tpu.matmul %get3A_735, %max3A_732, %dot_general3A_736 {dimension_numbers = #tpu.dot_dimension_numbers<[1], [0], [0], [1], [0, 0, 1, 1], [], []>, transpose_lhs_hint = false} : vector<64x128xf32>, vector<128x250xf32>, vector<64x250xf32> -> vector<64x250xf32>
      %get3A_738 = arith.constant 0 : index
      %get3A_739 = arith.constant 0 : index
      %get3A_740 = vector.load %arg10[%get3A_738, %get3A_739] : memref<64x1xf32, #tpu.memory_space<vmem>>, vector<64x1xf32>
      %add3A_741 = vector.broadcast %get3A_740 : vector<64x1xf32> to vector<64x250xf32>
      %add3A_742 = arith.addf %dot_general3A_737, %add3A_741 : vector<64x250xf32>
      %get3A_743 = arith.constant 0 : index
      %get3A_744 = arith.constant 0 : index
      %get3A_745 = vector.load %arg12[%get3A_743, %get3A_744] : memref<250x256xf32, #tpu.memory_space<vmem>>, vector<250x256xf32>
      %dot_general3A_746 = arith.constant dense<0.000000e+00> : vector<64x256xf32>
      %dot_general3A_747 = tpu.matmul %add3A_742, %get3A_745, %dot_general3A_746 {dimension_numbers = #tpu.dot_dimension_numbers<[1], [0], [0], [1], [0, 0, 1, 1], [], []>, transpose_lhs_hint = false} : vector<64x250xf32>, vector<250x256xf32>, vector<64x256xf32> -> vector<64x256xf32>
      %swap3A_748 = arith.constant 0 : index
      %swap3A_749 = arith.constant 0 : index
      %swap3A_750 = arith.constant 14 : index
      %swap3A_751 = arith.constant 0 : index
      %swap3A_752 = vector.load %arg13[%swap3A_748, %swap3A_749, %swap3A_750, %swap3A_751] : memref<64x1x25x256xf32, #tpu.memory_space<vmem>>, vector<64x1x1x256xf32>
      %swap3A_753 = vector.shape_cast %swap3A_752 : vector<64x1x1x256xf32> to vector<64x256xf32>
      %swap3A_754 = vector.shape_cast %dot_general3A_747 : vector<64x256xf32> to vector<64x1x1x256xf32>
      tpu.vector_store %arg13[%swap3A_748, %swap3A_749, %swap3A_750, %swap3A_751], %swap3A_754 {strides = array<i32>} : memref<64x1x25x256xf32, #tpu.memory_space<vmem>>, vector<64x1x1x256xf32>,
      %get3A_755 = arith.constant 0 : index
      %get3A_756 = arith.constant 0 : index
      %get3A_757 = arith.constant 15 : index
      %get3A_758 = arith.constant 0 : index
      %get3A_759 = vector.load %arg6[%get3A_755, %get3A_756, %get3A_757, %get3A_758] : memref<128x1x25x250xf32, #tpu.memory_space<vmem>>, vector<128x1x1x250xf32>
      %get3A_760 = vector.shape_cast %get3A_759 : vector<128x1x1x250xf32> to vector<128x250xf32>
      %get3A_761 = arith.constant 0 : index
      %get3A_762 = arith.constant 0 : index
      %get3A_763 = vector.load %arg11[%get3A_761, %get3A_762] : memref<250x250xf32, #tpu.memory_space<vmem>>, vector<250x250xf32>
      %dot_general3A_764 = arith.constant dense<0.000000e+00> : vector<128x250xf32>
      %dot_general3A_765 = tpu.matmul %get3A_760, %get3A_763, %dot_general3A_764 {dimension_numbers = #tpu.dot_dimension_numbers<[1], [0], [0], [1], [0, 0, 1, 1], [], []>, transpose_lhs_hint = false} : vector<128x250xf32>, vector<250x250xf32>, vector<128x250xf32> -> vector<128x250xf32>
      %slice3A_766 = vector.extract_strided_slice %dot_general3A_37 {offsets = [0, 150], sizes = [128, 50], strides = [1, 1]} : vector<3200x250xf32> to vector<128x50xf32>
      %slice3A_767 = vector.extract_strided_slice %dot_general3A_37 {offsets = [128, 150], sizes = [128, 50], strides = [1, 1]} : vector<3200x250xf32> to vector<128x50xf32>
      %slice3A_768 = vector.extract_strided_slice %dot_general3A_37 {offsets = [256, 150], sizes = [128, 50], strides = [1, 1]} : vector<3200x250xf32> to vector<128x50xf32>
      %slice3A_769 = vector.extract_strided_slice %dot_general3A_37 {offsets = [384, 150], sizes = [128, 50], strides = [1, 1]} : vector<3200x250xf32> to vector<128x50xf32>
      %slice3A_770 = vector.extract_strided_slice %dot_general3A_37 {offsets = [512, 150], sizes = [128, 50], strides = [1, 1]} : vector<3200x250xf32> to vector<128x50xf32>
      %concatenate3A_771 = tpu.concatenate %slice3A_766, %slice3A_767, %slice3A_768, %slice3A_769, %slice3A_770 in 1 : vector<128x50xf32>, vector<128x50xf32>, vector<128x50xf32>, vector<128x50xf32>, vector<128x50xf32> -> vector<128x250xf32>
      %add3A_772 = arith.addf %dot_general3A_765, %concatenate3A_771 : vector<128x250xf32>
      %get3A_773 = arith.constant 0 : index
      %get3A_774 = arith.constant 0 : index
      %get3A_775 = vector.load %arg8[%get3A_773, %get3A_774] : memref<128x1xf32, #tpu.memory_space<vmem>>, vector<128x1xf32>
      %add3A_776 = vector.broadcast %get3A_775 : vector<128x1xf32> to vector<128x250xf32>
      %add3A_777 = arith.addf %add3A_772, %add3A_776 : vector<128x250xf32>
      %max3A_778 = arith.constant 0.000000e+00 : f32
      %max3A_779 = vector.broadcast %max3A_778 : f32 to vector<128x250xf32>
      %max3A_780 = arith.maximumf %add3A_777, %max3A_779 : vector<128x250xf32>
      %get3A_781 = arith.constant 0 : index
      %get3A_782 = arith.constant 0 : index
      %get3A_783 = vector.load %arg9[%get3A_781, %get3A_782] : memref<64x128xf32, #tpu.memory_space<vmem>>, vector<64x128xf32>
      %dot_general3A_784 = arith.constant dense<0.000000e+00> : vector<64x250xf32>
      %dot_general3A_785 = tpu.matmul %get3A_783, %max3A_780, %dot_general3A_784 {dimension_numbers = #tpu.dot_dimension_numbers<[1], [0], [0], [1], [0, 0, 1, 1], [], []>, transpose_lhs_hint = false} : vector<64x128xf32>, vector<128x250xf32>, vector<64x250xf32> -> vector<64x250xf32>
      %get3A_786 = arith.constant 0 : index
      %get3A_787 = arith.constant 0 : index
      %get3A_788 = vector.load %arg10[%get3A_786, %get3A_787] : memref<64x1xf32, #tpu.memory_space<vmem>>, vector<64x1xf32>
      %add3A_789 = vector.broadcast %get3A_788 : vector<64x1xf32> to vector<64x250xf32>
      %add3A_790 = arith.addf %dot_general3A_785, %add3A_789 : vector<64x250xf32>
      %get3A_791 = arith.constant 0 : index
      %get3A_792 = arith.constant 0 : index
      %get3A_793 = vector.load %arg12[%get3A_791, %get3A_792] : memref<250x256xf32, #tpu.memory_space<vmem>>, vector<250x256xf32>
      %dot_general3A_794 = arith.constant dense<0.000000e+00> : vector<64x256xf32>
      %dot_general3A_795 = tpu.matmul %add3A_790, %get3A_793, %dot_general3A_794 {dimension_numbers = #tpu.dot_dimension_numbers<[1], [0], [0], [1], [0, 0, 1, 1], [], []>, transpose_lhs_hint = false} : vector<64x250xf32>, vector<250x256xf32>, vector<64x256xf32> -> vector<64x256xf32>
      %swap3A_796 = arith.constant 0 : index
      %swap3A_797 = arith.constant 0 : index
      %swap3A_798 = arith.constant 15 : index
      %swap3A_799 = arith.constant 0 : index
      %swap3A_800 = vector.load %arg13[%swap3A_796, %swap3A_797, %swap3A_798, %swap3A_799] : memref<64x1x25x256xf32, #tpu.memory_space<vmem>>, vector<64x1x1x256xf32>
      %swap3A_801 = vector.shape_cast %swap3A_800 : vector<64x1x1x256xf32> to vector<64x256xf32>
      %swap3A_802 = vector.shape_cast %dot_general3A_795 : vector<64x256xf32> to vector<64x1x1x256xf32>
      tpu.vector_store %arg13[%swap3A_796, %swap3A_797, %swap3A_798, %swap3A_799], %swap3A_802 {strides = array<i32>} : memref<64x1x25x256xf32, #tpu.memory_space<vmem>>, vector<64x1x1x256xf32>,
      %get3A_803 = arith.constant 0 : index
      %get3A_804 = arith.constant 0 : index
      %get3A_805 = arith.constant 16 : index
      %get3A_806 = arith.constant 0 : index
      %get3A_807 = vector.load %arg6[%get3A_803, %get3A_804, %get3A_805, %get3A_806] : memref<128x1x25x250xf32, #tpu.memory_space<vmem>>, vector<128x1x1x250xf32>
      %get3A_808 = vector.shape_cast %get3A_807 : vector<128x1x1x250xf32> to vector<128x250xf32>
      %get3A_809 = arith.constant 0 : index
      %get3A_810 = arith.constant 0 : index
      %get3A_811 = vector.load %arg11[%get3A_809, %get3A_810] : memref<250x250xf32, #tpu.memory_space<vmem>>, vector<250x250xf32>
      %dot_general3A_812 = arith.constant dense<0.000000e+00> : vector<128x250xf32>
      %dot_general3A_813 = tpu.matmul %get3A_808, %get3A_811, %dot_general3A_812 {dimension_numbers = #tpu.dot_dimension_numbers<[1], [0], [0], [1], [0, 0, 1, 1], [], []>, transpose_lhs_hint = false} : vector<128x250xf32>, vector<250x250xf32>, vector<128x250xf32> -> vector<128x250xf32>
      %slice3A_814 = vector.extract_strided_slice %dot_general3A_37 {offsets = [640, 150], sizes = [128, 50], strides = [1, 1]} : vector<3200x250xf32> to vector<128x50xf32>
      %slice3A_815 = vector.extract_strided_slice %dot_general3A_37 {offsets = [768, 150], sizes = [128, 50], strides = [1, 1]} : vector<3200x250xf32> to vector<128x50xf32>
      %slice3A_816 = vector.extract_strided_slice %dot_general3A_37 {offsets = [896, 150], sizes = [128, 50], strides = [1, 1]} : vector<3200x250xf32> to vector<128x50xf32>
      %slice3A_817 = vector.extract_strided_slice %dot_general3A_37 {offsets = [1024, 150], sizes = [128, 50], strides = [1, 1]} : vector<3200x250xf32> to vector<128x50xf32>
      %slice3A_818 = vector.extract_strided_slice %dot_general3A_37 {offsets = [1152, 150], sizes = [128, 50], strides = [1, 1]} : vector<3200x250xf32> to vector<128x50xf32>
      %concatenate3A_819 = tpu.concatenate %slice3A_814, %slice3A_815, %slice3A_816, %slice3A_817, %slice3A_818 in 1 : vector<128x50xf32>, vector<128x50xf32>, vector<128x50xf32>, vector<128x50xf32>, vector<128x50xf32> -> vector<128x250xf32>
      %add3A_820 = arith.addf %dot_general3A_813, %concatenate3A_819 : vector<128x250xf32>
      %get3A_821 = arith.constant 0 : index
      %get3A_822 = arith.constant 0 : index
      %get3A_823 = vector.load %arg8[%get3A_821, %get3A_822] : memref<128x1xf32, #tpu.memory_space<vmem>>, vector<128x1xf32>
      %add3A_824 = vector.broadcast %get3A_823 : vector<128x1xf32> to vector<128x250xf32>
      %add3A_825 = arith.addf %add3A_820, %add3A_824 : vector<128x250xf32>
      %max3A_826 = arith.constant 0.000000e+00 : f32
      %max3A_827 = vector.broadcast %max3A_826 : f32 to vector<128x250xf32>
      %max3A_828 = arith.maximumf %add3A_825, %max3A_827 : vector<128x250xf32>
      %get3A_829 = arith.constant 0 : index
      %get3A_830 = arith.constant 0 : index
      %get3A_831 = vector.load %arg9[%get3A_829, %get3A_830] : memref<64x128xf32, #tpu.memory_space<vmem>>, vector<64x128xf32>
      %dot_general3A_832 = arith.constant dense<0.000000e+00> : vector<64x250xf32>
      %dot_general3A_833 = tpu.matmul %get3A_831, %max3A_828, %dot_general3A_832 {dimension_numbers = #tpu.dot_dimension_numbers<[1], [0], [0], [1], [0, 0, 1, 1], [], []>, transpose_lhs_hint = false} : vector<64x128xf32>, vector<128x250xf32>, vector<64x250xf32> -> vector<64x250xf32>
      %get3A_834 = arith.constant 0 : index
      %get3A_835 = arith.constant 0 : index
      %get3A_836 = vector.load %arg10[%get3A_834, %get3A_835] : memref<64x1xf32, #tpu.memory_space<vmem>>, vector<64x1xf32>
      %add3A_837 = vector.broadcast %get3A_836 : vector<64x1xf32> to vector<64x250xf32>
      %add3A_838 = arith.addf %dot_general3A_833, %add3A_837 : vector<64x250xf32>
      %get3A_839 = arith.constant 0 : index
      %get3A_840 = arith.constant 0 : index
      %get3A_841 = vector.load %arg12[%get3A_839, %get3A_840] : memref<250x256xf32, #tpu.memory_space<vmem>>, vector<250x256xf32>
      %dot_general3A_842 = arith.constant dense<0.000000e+00> : vector<64x256xf32>
      %dot_general3A_843 = tpu.matmul %add3A_838, %get3A_841, %dot_general3A_842 {dimension_numbers = #tpu.dot_dimension_numbers<[1], [0], [0], [1], [0, 0, 1, 1], [], []>, transpose_lhs_hint = false} : vector<64x250xf32>, vector<250x256xf32>, vector<64x256xf32> -> vector<64x256xf32>
      %swap3A_844 = arith.constant 0 : index
      %swap3A_845 = arith.constant 0 : index
      %swap3A_846 = arith.constant 16 : index
      %swap3A_847 = arith.constant 0 : index
      %swap3A_848 = vector.load %arg13[%swap3A_844, %swap3A_845, %swap3A_846, %swap3A_847] : memref<64x1x25x256xf32, #tpu.memory_space<vmem>>, vector<64x1x1x256xf32>
      %swap3A_849 = vector.shape_cast %swap3A_848 : vector<64x1x1x256xf32> to vector<64x256xf32>
      %swap3A_850 = vector.shape_cast %dot_general3A_843 : vector<64x256xf32> to vector<64x1x1x256xf32>
      tpu.vector_store %arg13[%swap3A_844, %swap3A_845, %swap3A_846, %swap3A_847], %swap3A_850 {strides = array<i32>} : memref<64x1x25x256xf32, #tpu.memory_space<vmem>>, vector<64x1x1x256xf32>,
      %get3A_851 = arith.constant 0 : index
      %get3A_852 = arith.constant 0 : index
      %get3A_853 = arith.constant 17 : index
      %get3A_854 = arith.constant 0 : index
      %get3A_855 = vector.load %arg6[%get3A_851, %get3A_852, %get3A_853, %get3A_854] : memref<128x1x25x250xf32, #tpu.memory_space<vmem>>, vector<128x1x1x250xf32>
      %get3A_856 = vector.shape_cast %get3A_855 : vector<128x1x1x250xf32> to vector<128x250xf32>
      %get3A_857 = arith.constant 0 : index
      %get3A_858 = arith.constant 0 : index
      %get3A_859 = vector.load %arg11[%get3A_857, %get3A_858] : memref<250x250xf32, #tpu.memory_space<vmem>>, vector<250x250xf32>
      %dot_general3A_860 = arith.constant dense<0.000000e+00> : vector<128x250xf32>
      %dot_general3A_861 = tpu.matmul %get3A_856, %get3A_859, %dot_general3A_860 {dimension_numbers = #tpu.dot_dimension_numbers<[1], [0], [0], [1], [0, 0, 1, 1], [], []>, transpose_lhs_hint = false} : vector<128x250xf32>, vector<250x250xf32>, vector<128x250xf32> -> vector<128x250xf32>
      %slice3A_862 = vector.extract_strided_slice %dot_general3A_37 {offsets = [1280, 150], sizes = [128, 50], strides = [1, 1]} : vector<3200x250xf32> to vector<128x50xf32>
      %slice3A_863 = vector.extract_strided_slice %dot_general3A_37 {offsets = [1408, 150], sizes = [128, 50], strides = [1, 1]} : vector<3200x250xf32> to vector<128x50xf32>
      %slice3A_864 = vector.extract_strided_slice %dot_general3A_37 {offsets = [1536, 150], sizes = [128, 50], strides = [1, 1]} : vector<3200x250xf32> to vector<128x50xf32>
      %slice3A_865 = vector.extract_strided_slice %dot_general3A_37 {offsets = [1664, 150], sizes = [128, 50], strides = [1, 1]} : vector<3200x250xf32> to vector<128x50xf32>
      %slice3A_866 = vector.extract_strided_slice %dot_general3A_37 {offsets = [1792, 150], sizes = [128, 50], strides = [1, 1]} : vector<3200x250xf32> to vector<128x50xf32>
      %concatenate3A_867 = tpu.concatenate %slice3A_862, %slice3A_863, %slice3A_864, %slice3A_865, %slice3A_866 in 1 : vector<128x50xf32>, vector<128x50xf32>, vector<128x50xf32>, vector<128x50xf32>, vector<128x50xf32> -> vector<128x250xf32>
      %add3A_868 = arith.addf %dot_general3A_861, %concatenate3A_867 : vector<128x250xf32>
      %get3A_869 = arith.constant 0 : index
      %get3A_870 = arith.constant 0 : index
      %get3A_871 = vector.load %arg8[%get3A_869, %get3A_870] : memref<128x1xf32, #tpu.memory_space<vmem>>, vector<128x1xf32>
      %add3A_872 = vector.broadcast %get3A_871 : vector<128x1xf32> to vector<128x250xf32>
      %add3A_873 = arith.addf %add3A_868, %add3A_872 : vector<128x250xf32>
      %max3A_874 = arith.constant 0.000000e+00 : f32
      %max3A_875 = vector.broadcast %max3A_874 : f32 to vector<128x250xf32>
      %max3A_876 = arith.maximumf %add3A_873, %max3A_875 : vector<128x250xf32>
      %get3A_877 = arith.constant 0 : index
      %get3A_878 = arith.constant 0 : index
      %get3A_879 = vector.load %arg9[%get3A_877, %get3A_878] : memref<64x128xf32, #tpu.memory_space<vmem>>, vector<64x128xf32>
      %dot_general3A_880 = arith.constant dense<0.000000e+00> : vector<64x250xf32>
      %dot_general3A_881 = tpu.matmul %get3A_879, %max3A_876, %dot_general3A_880 {dimension_numbers = #tpu.dot_dimension_numbers<[1], [0], [0], [1], [0, 0, 1, 1], [], []>, transpose_lhs_hint = false} : vector<64x128xf32>, vector<128x250xf32>, vector<64x250xf32> -> vector<64x250xf32>
      %get3A_882 = arith.constant 0 : index
      %get3A_883 = arith.constant 0 : index
      %get3A_884 = vector.load %arg10[%get3A_882, %get3A_883] : memref<64x1xf32, #tpu.memory_space<vmem>>, vector<64x1xf32>
      %add3A_885 = vector.broadcast %get3A_884 : vector<64x1xf32> to vector<64x250xf32>
      %add3A_886 = arith.addf %dot_general3A_881, %add3A_885 : vector<64x250xf32>
      %get3A_887 = arith.constant 0 : index
      %get3A_888 = arith.constant 0 : index
      %get3A_889 = vector.load %arg12[%get3A_887, %get3A_888] : memref<250x256xf32, #tpu.memory_space<vmem>>, vector<250x256xf32>
      %dot_general3A_890 = arith.constant dense<0.000000e+00> : vector<64x256xf32>
      %dot_general3A_891 = tpu.matmul %add3A_886, %get3A_889, %dot_general3A_890 {dimension_numbers = #tpu.dot_dimension_numbers<[1], [0], [0], [1], [0, 0, 1, 1], [], []>, transpose_lhs_hint = false} : vector<64x250xf32>, vector<250x256xf32>, vector<64x256xf32> -> vector<64x256xf32>
      %swap3A_892 = arith.constant 0 : index
      %swap3A_893 = arith.constant 0 : index
      %swap3A_894 = arith.constant 17 : index
      %swap3A_895 = arith.constant 0 : index
      %swap3A_896 = vector.load %arg13[%swap3A_892, %swap3A_893, %swap3A_894, %swap3A_895] : memref<64x1x25x256xf32, #tpu.memory_space<vmem>>, vector<64x1x1x256xf32>
      %swap3A_897 = vector.shape_cast %swap3A_896 : vector<64x1x1x256xf32> to vector<64x256xf32>
      %swap3A_898 = vector.shape_cast %dot_general3A_891 : vector<64x256xf32> to vector<64x1x1x256xf32>
      tpu.vector_store %arg13[%swap3A_892, %swap3A_893, %swap3A_894, %swap3A_895], %swap3A_898 {strides = array<i32>} : memref<64x1x25x256xf32, #tpu.memory_space<vmem>>, vector<64x1x1x256xf32>,
      %get3A_899 = arith.constant 0 : index
      %get3A_900 = arith.constant 0 : index
      %get3A_901 = arith.constant 18 : index
      %get3A_902 = arith.constant 0 : index
      %get3A_903 = vector.load %arg6[%get3A_899, %get3A_900, %get3A_901, %get3A_902] : memref<128x1x25x250xf32, #tpu.memory_space<vmem>>, vector<128x1x1x250xf32>
      %get3A_904 = vector.shape_cast %get3A_903 : vector<128x1x1x250xf32> to vector<128x250xf32>
      %get3A_905 = arith.constant 0 : index
      %get3A_906 = arith.constant 0 : index
      %get3A_907 = vector.load %arg11[%get3A_905, %get3A_906] : memref<250x250xf32, #tpu.memory_space<vmem>>, vector<250x250xf32>
      %dot_general3A_908 = arith.constant dense<0.000000e+00> : vector<128x250xf32>
      %dot_general3A_909 = tpu.matmul %get3A_904, %get3A_907, %dot_general3A_908 {dimension_numbers = #tpu.dot_dimension_numbers<[1], [0], [0], [1], [0, 0, 1, 1], [], []>, transpose_lhs_hint = false} : vector<128x250xf32>, vector<250x250xf32>, vector<128x250xf32> -> vector<128x250xf32>
      %slice3A_910 = vector.extract_strided_slice %dot_general3A_37 {offsets = [1920, 150], sizes = [128, 50], strides = [1, 1]} : vector<3200x250xf32> to vector<128x50xf32>
      %slice3A_911 = vector.extract_strided_slice %dot_general3A_37 {offsets = [2048, 150], sizes = [128, 50], strides = [1, 1]} : vector<3200x250xf32> to vector<128x50xf32>
      %slice3A_912 = vector.extract_strided_slice %dot_general3A_37 {offsets = [2176, 150], sizes = [128, 50], strides = [1, 1]} : vector<3200x250xf32> to vector<128x50xf32>
      %slice3A_913 = vector.extract_strided_slice %dot_general3A_37 {offsets = [2304, 150], sizes = [128, 50], strides = [1, 1]} : vector<3200x250xf32> to vector<128x50xf32>
      %slice3A_914 = vector.extract_strided_slice %dot_general3A_37 {offsets = [2432, 150], sizes = [128, 50], strides = [1, 1]} : vector<3200x250xf32> to vector<128x50xf32>
      %concatenate3A_915 = tpu.concatenate %slice3A_910, %slice3A_911, %slice3A_912, %slice3A_913, %slice3A_914 in 1 : vector<128x50xf32>, vector<128x50xf32>, vector<128x50xf32>, vector<128x50xf32>, vector<128x50xf32> -> vector<128x250xf32>
      %add3A_916 = arith.addf %dot_general3A_909, %concatenate3A_915 : vector<128x250xf32>
      %get3A_917 = arith.constant 0 : index
      %get3A_918 = arith.constant 0 : index
      %get3A_919 = vector.load %arg8[%get3A_917, %get3A_918] : memref<128x1xf32, #tpu.memory_space<vmem>>, vector<128x1xf32>
      %add3A_920 = vector.broadcast %get3A_919 : vector<128x1xf32> to vector<128x250xf32>
      %add3A_921 = arith.addf %add3A_916, %add3A_920 : vector<128x250xf32>
      %max3A_922 = arith.constant 0.000000e+00 : f32
      %max3A_923 = vector.broadcast %max3A_922 : f32 to vector<128x250xf32>
      %max3A_924 = arith.maximumf %add3A_921, %max3A_923 : vector<128x250xf32>
      %get3A_925 = arith.constant 0 : index
      %get3A_926 = arith.constant 0 : index
      %get3A_927 = vector.load %arg9[%get3A_925, %get3A_926] : memref<64x128xf32, #tpu.memory_space<vmem>>, vector<64x128xf32>
      %dot_general3A_928 = arith.constant dense<0.000000e+00> : vector<64x250xf32>
      %dot_general3A_929 = tpu.matmul %get3A_927, %max3A_924, %dot_general3A_928 {dimension_numbers = #tpu.dot_dimension_numbers<[1], [0], [0], [1], [0, 0, 1, 1], [], []>, transpose_lhs_hint = false} : vector<64x128xf32>, vector<128x250xf32>, vector<64x250xf32> -> vector<64x250xf32>
      %get3A_930 = arith.constant 0 : index
      %get3A_931 = arith.constant 0 : index
      %get3A_932 = vector.load %arg10[%get3A_930, %get3A_931] : memref<64x1xf32, #tpu.memory_space<vmem>>, vector<64x1xf32>
      %add3A_933 = vector.broadcast %get3A_932 : vector<64x1xf32> to vector<64x250xf32>
      %add3A_934 = arith.addf %dot_general3A_929, %add3A_933 : vector<64x250xf32>
      %get3A_935 = arith.constant 0 : index
      %get3A_936 = arith.constant 0 : index
      %get3A_937 = vector.load %arg12[%get3A_935, %get3A_936] : memref<250x256xf32, #tpu.memory_space<vmem>>, vector<250x256xf32>
      %dot_general3A_938 = arith.constant dense<0.000000e+00> : vector<64x256xf32>
      %dot_general3A_939 = tpu.matmul %add3A_934, %get3A_937, %dot_general3A_938 {dimension_numbers = #tpu.dot_dimension_numbers<[1], [0], [0], [1], [0, 0, 1, 1], [], []>, transpose_lhs_hint = false} : vector<64x250xf32>, vector<250x256xf32>, vector<64x256xf32> -> vector<64x256xf32>
      %swap3A_940 = arith.constant 0 : index
      %swap3A_941 = arith.constant 0 : index
      %swap3A_942 = arith.constant 18 : index
      %swap3A_943 = arith.constant 0 : index
      %swap3A_944 = vector.load %arg13[%swap3A_940, %swap3A_941, %swap3A_942, %swap3A_943] : memref<64x1x25x256xf32, #tpu.memory_space<vmem>>, vector<64x1x1x256xf32>
      %swap3A_945 = vector.shape_cast %swap3A_944 : vector<64x1x1x256xf32> to vector<64x256xf32>
      %swap3A_946 = vector.shape_cast %dot_general3A_939 : vector<64x256xf32> to vector<64x1x1x256xf32>
      tpu.vector_store %arg13[%swap3A_940, %swap3A_941, %swap3A_942, %swap3A_943], %swap3A_946 {strides = array<i32>} : memref<64x1x25x256xf32, #tpu.memory_space<vmem>>, vector<64x1x1x256xf32>,
      %get3A_947 = arith.constant 0 : index
      %get3A_948 = arith.constant 0 : index
      %get3A_949 = arith.constant 19 : index
      %get3A_950 = arith.constant 0 : index
      %get3A_951 = vector.load %arg6[%get3A_947, %get3A_948, %get3A_949, %get3A_950] : memref<128x1x25x250xf32, #tpu.memory_space<vmem>>, vector<128x1x1x250xf32>
      %get3A_952 = vector.shape_cast %get3A_951 : vector<128x1x1x250xf32> to vector<128x250xf32>
      %get3A_953 = arith.constant 0 : index
      %get3A_954 = arith.constant 0 : index
      %get3A_955 = vector.load %arg11[%get3A_953, %get3A_954] : memref<250x250xf32, #tpu.memory_space<vmem>>, vector<250x250xf32>
      %dot_general3A_956 = arith.constant dense<0.000000e+00> : vector<128x250xf32>
      %dot_general3A_957 = tpu.matmul %get3A_952, %get3A_955, %dot_general3A_956 {dimension_numbers = #tpu.dot_dimension_numbers<[1], [0], [0], [1], [0, 0, 1, 1], [], []>, transpose_lhs_hint = false} : vector<128x250xf32>, vector<250x250xf32>, vector<128x250xf32> -> vector<128x250xf32>
      %slice3A_958 = vector.extract_strided_slice %dot_general3A_37 {offsets = [2560, 150], sizes = [128, 50], strides = [1, 1]} : vector<3200x250xf32> to vector<128x50xf32>
      %slice3A_959 = vector.extract_strided_slice %dot_general3A_37 {offsets = [2688, 150], sizes = [128, 50], strides = [1, 1]} : vector<3200x250xf32> to vector<128x50xf32>
      %slice3A_960 = vector.extract_strided_slice %dot_general3A_37 {offsets = [2816, 150], sizes = [128, 50], strides = [1, 1]} : vector<3200x250xf32> to vector<128x50xf32>
      %slice3A_961 = vector.extract_strided_slice %dot_general3A_37 {offsets = [2944, 150], sizes = [128, 50], strides = [1, 1]} : vector<3200x250xf32> to vector<128x50xf32>
      %slice3A_962 = vector.extract_strided_slice %dot_general3A_37 {offsets = [3072, 150], sizes = [128, 50], strides = [1, 1]} : vector<3200x250xf32> to vector<128x50xf32>
      %concatenate3A_963 = tpu.concatenate %slice3A_958, %slice3A_959, %slice3A_960, %slice3A_961, %slice3A_962 in 1 : vector<128x50xf32>, vector<128x50xf32>, vector<128x50xf32>, vector<128x50xf32>, vector<128x50xf32> -> vector<128x250xf32>
      %add3A_964 = arith.addf %dot_general3A_957, %concatenate3A_963 : vector<128x250xf32>
      %get3A_965 = arith.constant 0 : index
      %get3A_966 = arith.constant 0 : index
      %get3A_967 = vector.load %arg8[%get3A_965, %get3A_966] : memref<128x1xf32, #tpu.memory_space<vmem>>, vector<128x1xf32>
      %add3A_968 = vector.broadcast %get3A_967 : vector<128x1xf32> to vector<128x250xf32>
      %add3A_969 = arith.addf %add3A_964, %add3A_968 : vector<128x250xf32>
      %max3A_970 = arith.constant 0.000000e+00 : f32
      %max3A_971 = vector.broadcast %max3A_970 : f32 to vector<128x250xf32>
      %max3A_972 = arith.maximumf %add3A_969, %max3A_971 : vector<128x250xf32>
      %get3A_973 = arith.constant 0 : index
      %get3A_974 = arith.constant 0 : index
      %get3A_975 = vector.load %arg9[%get3A_973, %get3A_974] : memref<64x128xf32, #tpu.memory_space<vmem>>, vector<64x128xf32>
      %dot_general3A_976 = arith.constant dense<0.000000e+00> : vector<64x250xf32>
      %dot_general3A_977 = tpu.matmul %get3A_975, %max3A_972, %dot_general3A_976 {dimension_numbers = #tpu.dot_dimension_numbers<[1], [0], [0], [1], [0, 0, 1, 1], [], []>, transpose_lhs_hint = false} : vector<64x128xf32>, vector<128x250xf32>, vector<64x250xf32> -> vector<64x250xf32>
      %get3A_978 = arith.constant 0 : index
      %get3A_979 = arith.constant 0 : index
      %get3A_980 = vector.load %arg10[%get3A_978, %get3A_979] : memref<64x1xf32, #tpu.memory_space<vmem>>, vector<64x1xf32>
      %add3A_981 = vector.broadcast %get3A_980 : vector<64x1xf32> to vector<64x250xf32>
      %add3A_982 = arith.addf %dot_general3A_977, %add3A_981 : vector<64x250xf32>
      %get3A_983 = arith.constant 0 : index
      %get3A_984 = arith.constant 0 : index
      %get3A_985 = vector.load %arg12[%get3A_983, %get3A_984] : memref<250x256xf32, #tpu.memory_space<vmem>>, vector<250x256xf32>
      %dot_general3A_986 = arith.constant dense<0.000000e+00> : vector<64x256xf32>
      %dot_general3A_987 = tpu.matmul %add3A_982, %get3A_985, %dot_general3A_986 {dimension_numbers = #tpu.dot_dimension_numbers<[1], [0], [0], [1], [0, 0, 1, 1], [], []>, transpose_lhs_hint = false} : vector<64x250xf32>, vector<250x256xf32>, vector<64x256xf32> -> vector<64x256xf32>
      %swap3A_988 = arith.constant 0 : index
      %swap3A_989 = arith.constant 0 : index
      %swap3A_990 = arith.constant 19 : index
      %swap3A_991 = arith.constant 0 : index
      %swap3A_992 = vector.load %arg13[%swap3A_988, %swap3A_989, %swap3A_990, %swap3A_991] : memref<64x1x25x256xf32, #tpu.memory_space<vmem>>, vector<64x1x1x256xf32>
      %swap3A_993 = vector.shape_cast %swap3A_992 : vector<64x1x1x256xf32> to vector<64x256xf32>
      %swap3A_994 = vector.shape_cast %dot_general3A_987 : vector<64x256xf32> to vector<64x1x1x256xf32>
      tpu.vector_store %arg13[%swap3A_988, %swap3A_989, %swap3A_990, %swap3A_991], %swap3A_994 {strides = array<i32>} : memref<64x1x25x256xf32, #tpu.memory_space<vmem>>, vector<64x1x1x256xf32>,
      %get3A_995 = arith.constant 0 : index
      %get3A_996 = arith.constant 0 : index
      %get3A_997 = arith.constant 20 : index
      %get3A_998 = arith.constant 0 : index
      %get3A_999 = vector.load %arg6[%get3A_995, %get3A_996, %get3A_997, %get3A_998] : memref<128x1x25x250xf32, #tpu.memory_space<vmem>>, vector<128x1x1x250xf32>
      %get3A_1000 = vector.shape_cast %get3A_999 : vector<128x1x1x250xf32> to vector<128x250xf32>
      %get3A_1001 = arith.constant 0 : index
      %get3A_1002 = arith.constant 0 : index
      %get3A_1003 = vector.load %arg11[%get3A_1001, %get3A_1002] : memref<250x250xf32, #tpu.memory_space<vmem>>, vector<250x250xf32>
      %dot_general3A_1004 = arith.constant dense<0.000000e+00> : vector<128x250xf32>
      %dot_general3A_1005 = tpu.matmul %get3A_1000, %get3A_1003, %dot_general3A_1004 {dimension_numbers = #tpu.dot_dimension_numbers<[1], [0], [0], [1], [0, 0, 1, 1], [], []>, transpose_lhs_hint = false} : vector<128x250xf32>, vector<250x250xf32>, vector<128x250xf32> -> vector<128x250xf32>
      %slice3A_1006 = vector.extract_strided_slice %dot_general3A_37 {offsets = [0, 200], sizes = [128, 50], strides = [1, 1]} : vector<3200x250xf32> to vector<128x50xf32>
      %slice3A_1007 = vector.extract_strided_slice %dot_general3A_37 {offsets = [128, 200], sizes = [128, 50], strides = [1, 1]} : vector<3200x250xf32> to vector<128x50xf32>
      %slice3A_1008 = vector.extract_strided_slice %dot_general3A_37 {offsets = [256, 200], sizes = [128, 50], strides = [1, 1]} : vector<3200x250xf32> to vector<128x50xf32>
      %slice3A_1009 = vector.extract_strided_slice %dot_general3A_37 {offsets = [384, 200], sizes = [128, 50], strides = [1, 1]} : vector<3200x250xf32> to vector<128x50xf32>
      %slice3A_1010 = vector.extract_strided_slice %dot_general3A_37 {offsets = [512, 200], sizes = [128, 50], strides = [1, 1]} : vector<3200x250xf32> to vector<128x50xf32>
      %concatenate3A_1011 = tpu.concatenate %slice3A_1006, %slice3A_1007, %slice3A_1008, %slice3A_1009, %slice3A_1010 in 1 : vector<128x50xf32>, vector<128x50xf32>, vector<128x50xf32>, vector<128x50xf32>, vector<128x50xf32> -> vector<128x250xf32>
      %add3A_1012 = arith.addf %dot_general3A_1005, %concatenate3A_1011 : vector<128x250xf32>
      %get3A_1013 = arith.constant 0 : index
      %get3A_1014 = arith.constant 0 : index
      %get3A_1015 = vector.load %arg8[%get3A_1013, %get3A_1014] : memref<128x1xf32, #tpu.memory_space<vmem>>, vector<128x1xf32>
      %add3A_1016 = vector.broadcast %get3A_1015 : vector<128x1xf32> to vector<128x250xf32>
      %add3A_1017 = arith.addf %add3A_1012, %add3A_1016 : vector<128x250xf32>
      %max3A_1018 = arith.constant 0.000000e+00 : f32
      %max3A_1019 = vector.broadcast %max3A_1018 : f32 to vector<128x250xf32>
      %max3A_1020 = arith.maximumf %add3A_1017, %max3A_1019 : vector<128x250xf32>
      %get3A_1021 = arith.constant 0 : index
      %get3A_1022 = arith.constant 0 : index
      %get3A_1023 = vector.load %arg9[%get3A_1021, %get3A_1022] : memref<64x128xf32, #tpu.memory_space<vmem>>, vector<64x128xf32>
      %dot_general3A_1024 = arith.constant dense<0.000000e+00> : vector<64x250xf32>
      %dot_general3A_1025 = tpu.matmul %get3A_1023, %max3A_1020, %dot_general3A_1024 {dimension_numbers = #tpu.dot_dimension_numbers<[1], [0], [0], [1], [0, 0, 1, 1], [], []>, transpose_lhs_hint = false} : vector<64x128xf32>, vector<128x250xf32>, vector<64x250xf32> -> vector<64x250xf32>
      %get3A_1026 = arith.constant 0 : index
      %get3A_1027 = arith.constant 0 : index
      %get3A_1028 = vector.load %arg10[%get3A_1026, %get3A_1027] : memref<64x1xf32, #tpu.memory_space<vmem>>, vector<64x1xf32>
      %add3A_1029 = vector.broadcast %get3A_1028 : vector<64x1xf32> to vector<64x250xf32>
      %add3A_1030 = arith.addf %dot_general3A_1025, %add3A_1029 : vector<64x250xf32>
      %get3A_1031 = arith.constant 0 : index
      %get3A_1032 = arith.constant 0 : index
      %get3A_1033 = vector.load %arg12[%get3A_1031, %get3A_1032] : memref<250x256xf32, #tpu.memory_space<vmem>>, vector<250x256xf32>
      %dot_general3A_1034 = arith.constant dense<0.000000e+00> : vector<64x256xf32>
      %dot_general3A_1035 = tpu.matmul %add3A_1030, %get3A_1033, %dot_general3A_1034 {dimension_numbers = #tpu.dot_dimension_numbers<[1], [0], [0], [1], [0, 0, 1, 1], [], []>, transpose_lhs_hint = false} : vector<64x250xf32>, vector<250x256xf32>, vector<64x256xf32> -> vector<64x256xf32>
      %swap3A_1036 = arith.constant 0 : index
      %swap3A_1037 = arith.constant 0 : index
      %swap3A_1038 = arith.constant 20 : index
      %swap3A_1039 = arith.constant 0 : index
      %swap3A_1040 = vector.load %arg13[%swap3A_1036, %swap3A_1037, %swap3A_1038, %swap3A_1039] : memref<64x1x25x256xf32, #tpu.memory_space<vmem>>, vector<64x1x1x256xf32>
      %swap3A_1041 = vector.shape_cast %swap3A_1040 : vector<64x1x1x256xf32> to vector<64x256xf32>
      %swap3A_1042 = vector.shape_cast %dot_general3A_1035 : vector<64x256xf32> to vector<64x1x1x256xf32>
      tpu.vector_store %arg13[%swap3A_1036, %swap3A_1037, %swap3A_1038, %swap3A_1039], %swap3A_1042 {strides = array<i32>} : memref<64x1x25x256xf32, #tpu.memory_space<vmem>>, vector<64x1x1x256xf32>,
      %get3A_1043 = arith.constant 0 : index
      %get3A_1044 = arith.constant 0 : index
      %get3A_1045 = arith.constant 21 : index
      %get3A_1046 = arith.constant 0 : index
      %get3A_1047 = vector.load %arg6[%get3A_1043, %get3A_1044, %get3A_1045, %get3A_1046] : memref<128x1x25x250xf32, #tpu.memory_space<vmem>>, vector<128x1x1x250xf32>
      %get3A_1048 = vector.shape_cast %get3A_1047 : vector<128x1x1x250xf32> to vector<128x250xf32>
      %get3A_1049 = arith.constant 0 : index
      %get3A_1050 = arith.constant 0 : index
      %get3A_1051 = vector.load %arg11[%get3A_1049, %get3A_1050] : memref<250x250xf32, #tpu.memory_space<vmem>>, vector<250x250xf32>
      %dot_general3A_1052 = arith.constant dense<0.000000e+00> : vector<128x250xf32>
      %dot_general3A_1053 = tpu.matmul %get3A_1048, %get3A_1051, %dot_general3A_1052 {dimension_numbers = #tpu.dot_dimension_numbers<[1], [0], [0], [1], [0, 0, 1, 1], [], []>, transpose_lhs_hint = false} : vector<128x250xf32>, vector<250x250xf32>, vector<128x250xf32> -> vector<128x250xf32>
      %slice3A_1054 = vector.extract_strided_slice %dot_general3A_37 {offsets = [640, 200], sizes = [128, 50], strides = [1, 1]} : vector<3200x250xf32> to vector<128x50xf32>
      %slice3A_1055 = vector.extract_strided_slice %dot_general3A_37 {offsets = [768, 200], sizes = [128, 50], strides = [1, 1]} : vector<3200x250xf32> to vector<128x50xf32>
      %slice3A_1056 = vector.extract_strided_slice %dot_general3A_37 {offsets = [896, 200], sizes = [128, 50], strides = [1, 1]} : vector<3200x250xf32> to vector<128x50xf32>
      %slice3A_1057 = vector.extract_strided_slice %dot_general3A_37 {offsets = [1024, 200], sizes = [128, 50], strides = [1, 1]} : vector<3200x250xf32> to vector<128x50xf32>
      %slice3A_1058 = vector.extract_strided_slice %dot_general3A_37 {offsets = [1152, 200], sizes = [128, 50], strides = [1, 1]} : vector<3200x250xf32> to vector<128x50xf32>
      %concatenate3A_1059 = tpu.concatenate %slice3A_1054, %slice3A_1055, %slice3A_1056, %slice3A_1057, %slice3A_1058 in 1 : vector<128x50xf32>, vector<128x50xf32>, vector<128x50xf32>, vector<128x50xf32>, vector<128x50xf32> -> vector<128x250xf32>
      %add3A_1060 = arith.addf %dot_general3A_1053, %concatenate3A_1059 : vector<128x250xf32>
      %get3A_1061 = arith.constant 0 : index
      %get3A_1062 = arith.constant 0 : index
      %get3A_1063 = vector.load %arg8[%get3A_1061, %get3A_1062] : memref<128x1xf32, #tpu.memory_space<vmem>>, vector<128x1xf32>
      %add3A_1064 = vector.broadcast %get3A_1063 : vector<128x1xf32> to vector<128x250xf32>
      %add3A_1065 = arith.addf %add3A_1060, %add3A_1064 : vector<128x250xf32>
      %max3A_1066 = arith.constant 0.000000e+00 : f32
      %max3A_1067 = vector.broadcast %max3A_1066 : f32 to vector<128x250xf32>
      %max3A_1068 = arith.maximumf %add3A_1065, %max3A_1067 : vector<128x250xf32>
      %get3A_1069 = arith.constant 0 : index
      %get3A_1070 = arith.constant 0 : index
      %get3A_1071 = vector.load %arg9[%get3A_1069, %get3A_1070] : memref<64x128xf32, #tpu.memory_space<vmem>>, vector<64x128xf32>
      %dot_general3A_1072 = arith.constant dense<0.000000e+00> : vector<64x250xf32>
      %dot_general3A_1073 = tpu.matmul %get3A_1071, %max3A_1068, %dot_general3A_1072 {dimension_numbers = #tpu.dot_dimension_numbers<[1], [0], [0], [1], [0, 0, 1, 1], [], []>, transpose_lhs_hint = false} : vector<64x128xf32>, vector<128x250xf32>, vector<64x250xf32> -> vector<64x250xf32>
      %get3A_1074 = arith.constant 0 : index
      %get3A_1075 = arith.constant 0 : index
      %get3A_1076 = vector.load %arg10[%get3A_1074, %get3A_1075] : memref<64x1xf32, #tpu.memory_space<vmem>>, vector<64x1xf32>
      %add3A_1077 = vector.broadcast %get3A_1076 : vector<64x1xf32> to vector<64x250xf32>
      %add3A_1078 = arith.addf %dot_general3A_1073, %add3A_1077 : vector<64x250xf32>
      %get3A_1079 = arith.constant 0 : index
      %get3A_1080 = arith.constant 0 : index
      %get3A_1081 = vector.load %arg12[%get3A_1079, %get3A_1080] : memref<250x256xf32, #tpu.memory_space<vmem>>, vector<250x256xf32>
      %dot_general3A_1082 = arith.constant dense<0.000000e+00> : vector<64x256xf32>
      %dot_general3A_1083 = tpu.matmul %add3A_1078, %get3A_1081, %dot_general3A_1082 {dimension_numbers = #tpu.dot_dimension_numbers<[1], [0], [0], [1], [0, 0, 1, 1], [], []>, transpose_lhs_hint = false} : vector<64x250xf32>, vector<250x256xf32>, vector<64x256xf32> -> vector<64x256xf32>
      %swap3A_1084 = arith.constant 0 : index
      %swap3A_1085 = arith.constant 0 : index
      %swap3A_1086 = arith.constant 21 : index
      %swap3A_1087 = arith.constant 0 : index
      %swap3A_1088 = vector.load %arg13[%swap3A_1084, %swap3A_1085, %swap3A_1086, %swap3A_1087] : memref<64x1x25x256xf32, #tpu.memory_space<vmem>>, vector<64x1x1x256xf32>
      %swap3A_1089 = vector.shape_cast %swap3A_1088 : vector<64x1x1x256xf32> to vector<64x256xf32>
      %swap3A_1090 = vector.shape_cast %dot_general3A_1083 : vector<64x256xf32> to vector<64x1x1x256xf32>
      tpu.vector_store %arg13[%swap3A_1084, %swap3A_1085, %swap3A_1086, %swap3A_1087], %swap3A_1090 {strides = array<i32>} : memref<64x1x25x256xf32, #tpu.memory_space<vmem>>, vector<64x1x1x256xf32>,
      %get3A_1091 = arith.constant 0 : index
      %get3A_1092 = arith.constant 0 : index
      %get3A_1093 = arith.constant 22 : index
      %get3A_1094 = arith.constant 0 : index
      %get3A_1095 = vector.load %arg6[%get3A_1091, %get3A_1092, %get3A_1093, %get3A_1094] : memref<128x1x25x250xf32, #tpu.memory_space<vmem>>, vector<128x1x1x250xf32>
      %get3A_1096 = vector.shape_cast %get3A_1095 : vector<128x1x1x250xf32> to vector<128x250xf32>
      %get3A_1097 = arith.constant 0 : index
      %get3A_1098 = arith.constant 0 : index
      %get3A_1099 = vector.load %arg11[%get3A_1097, %get3A_1098] : memref<250x250xf32, #tpu.memory_space<vmem>>, vector<250x250xf32>
      %dot_general3A_1100 = arith.constant dense<0.000000e+00> : vector<128x250xf32>
      %dot_general3A_1101 = tpu.matmul %get3A_1096, %get3A_1099, %dot_general3A_1100 {dimension_numbers = #tpu.dot_dimension_numbers<[1], [0], [0], [1], [0, 0, 1, 1], [], []>, transpose_lhs_hint = false} : vector<128x250xf32>, vector<250x250xf32>, vector<128x250xf32> -> vector<128x250xf32>
      %slice3A_1102 = vector.extract_strided_slice %dot_general3A_37 {offsets = [1280, 200], sizes = [128, 50], strides = [1, 1]} : vector<3200x250xf32> to vector<128x50xf32>
      %slice3A_1103 = vector.extract_strided_slice %dot_general3A_37 {offsets = [1408, 200], sizes = [128, 50], strides = [1, 1]} : vector<3200x250xf32> to vector<128x50xf32>
      %slice3A_1104 = vector.extract_strided_slice %dot_general3A_37 {offsets = [1536, 200], sizes = [128, 50], strides = [1, 1]} : vector<3200x250xf32> to vector<128x50xf32>
      %slice3A_1105 = vector.extract_strided_slice %dot_general3A_37 {offsets = [1664, 200], sizes = [128, 50], strides = [1, 1]} : vector<3200x250xf32> to vector<128x50xf32>
      %slice3A_1106 = vector.extract_strided_slice %dot_general3A_37 {offsets = [1792, 200], sizes = [128, 50], strides = [1, 1]} : vector<3200x250xf32> to vector<128x50xf32>
      %concatenate3A_1107 = tpu.concatenate %slice3A_1102, %slice3A_1103, %slice3A_1104, %slice3A_1105, %slice3A_1106 in 1 : vector<128x50xf32>, vector<128x50xf32>, vector<128x50xf32>, vector<128x50xf32>, vector<128x50xf32> -> vector<128x250xf32>
      %add3A_1108 = arith.addf %dot_general3A_1101, %concatenate3A_1107 : vector<128x250xf32>
      %get3A_1109 = arith.constant 0 : index
      %get3A_1110 = arith.constant 0 : index
      %get3A_1111 = vector.load %arg8[%get3A_1109, %get3A_1110] : memref<128x1xf32, #tpu.memory_space<vmem>>, vector<128x1xf32>
      %add3A_1112 = vector.broadcast %get3A_1111 : vector<128x1xf32> to vector<128x250xf32>
      %add3A_1113 = arith.addf %add3A_1108, %add3A_1112 : vector<128x250xf32>
      %max3A_1114 = arith.constant 0.000000e+00 : f32
      %max3A_1115 = vector.broadcast %max3A_1114 : f32 to vector<128x250xf32>
      %max3A_1116 = arith.maximumf %add3A_1113, %max3A_1115 : vector<128x250xf32>
      %get3A_1117 = arith.constant 0 : index
      %get3A_1118 = arith.constant 0 : index
      %get3A_1119 = vector.load %arg9[%get3A_1117, %get3A_1118] : memref<64x128xf32, #tpu.memory_space<vmem>>, vector<64x128xf32>
      %dot_general3A_1120 = arith.constant dense<0.000000e+00> : vector<64x250xf32>
      %dot_general3A_1121 = tpu.matmul %get3A_1119, %max3A_1116, %dot_general3A_1120 {dimension_numbers = #tpu.dot_dimension_numbers<[1], [0], [0], [1], [0, 0, 1, 1], [], []>, transpose_lhs_hint = false} : vector<64x128xf32>, vector<128x250xf32>, vector<64x250xf32> -> vector<64x250xf32>
      %get3A_1122 = arith.constant 0 : index
      %get3A_1123 = arith.constant 0 : index
      %get3A_1124 = vector.load %arg10[%get3A_1122, %get3A_1123] : memref<64x1xf32, #tpu.memory_space<vmem>>, vector<64x1xf32>
      %add3A_1125 = vector.broadcast %get3A_1124 : vector<64x1xf32> to vector<64x250xf32>
      %add3A_1126 = arith.addf %dot_general3A_1121, %add3A_1125 : vector<64x250xf32>
      %get3A_1127 = arith.constant 0 : index
      %get3A_1128 = arith.constant 0 : index
      %get3A_1129 = vector.load %arg12[%get3A_1127, %get3A_1128] : memref<250x256xf32, #tpu.memory_space<vmem>>, vector<250x256xf32>
      %dot_general3A_1130 = arith.constant dense<0.000000e+00> : vector<64x256xf32>
      %dot_general3A_1131 = tpu.matmul %add3A_1126, %get3A_1129, %dot_general3A_1130 {dimension_numbers = #tpu.dot_dimension_numbers<[1], [0], [0], [1], [0, 0, 1, 1], [], []>, transpose_lhs_hint = false} : vector<64x250xf32>, vector<250x256xf32>, vector<64x256xf32> -> vector<64x256xf32>
      %swap3A_1132 = arith.constant 0 : index
      %swap3A_1133 = arith.constant 0 : index
      %swap3A_1134 = arith.constant 22 : index
      %swap3A_1135 = arith.constant 0 : index
      %swap3A_1136 = vector.load %arg13[%swap3A_1132, %swap3A_1133, %swap3A_1134, %swap3A_1135] : memref<64x1x25x256xf32, #tpu.memory_space<vmem>>, vector<64x1x1x256xf32>
      %swap3A_1137 = vector.shape_cast %swap3A_1136 : vector<64x1x1x256xf32> to vector<64x256xf32>
      %swap3A_1138 = vector.shape_cast %dot_general3A_1131 : vector<64x256xf32> to vector<64x1x1x256xf32>
      tpu.vector_store %arg13[%swap3A_1132, %swap3A_1133, %swap3A_1134, %swap3A_1135], %swap3A_1138 {strides = array<i32>} : memref<64x1x25x256xf32, #tpu.memory_space<vmem>>, vector<64x1x1x256xf32>,
      %get3A_1139 = arith.constant 0 : index
      %get3A_1140 = arith.constant 0 : index
      %get3A_1141 = arith.constant 23 : index
      %get3A_1142 = arith.constant 0 : index
      %get3A_1143 = vector.load %arg6[%get3A_1139, %get3A_1140, %get3A_1141, %get3A_1142] : memref<128x1x25x250xf32, #tpu.memory_space<vmem>>, vector<128x1x1x250xf32>
      %get3A_1144 = vector.shape_cast %get3A_1143 : vector<128x1x1x250xf32> to vector<128x250xf32>
      %get3A_1145 = arith.constant 0 : index
      %get3A_1146 = arith.constant 0 : index
      %get3A_1147 = vector.load %arg11[%get3A_1145, %get3A_1146] : memref<250x250xf32, #tpu.memory_space<vmem>>, vector<250x250xf32>
      %dot_general3A_1148 = arith.constant dense<0.000000e+00> : vector<128x250xf32>
      %dot_general3A_1149 = tpu.matmul %get3A_1144, %get3A_1147, %dot_general3A_1148 {dimension_numbers = #tpu.dot_dimension_numbers<[1], [0], [0], [1], [0, 0, 1, 1], [], []>, transpose_lhs_hint = false} : vector<128x250xf32>, vector<250x250xf32>, vector<128x250xf32> -> vector<128x250xf32>
      %slice3A_1150 = vector.extract_strided_slice %dot_general3A_37 {offsets = [1920, 200], sizes = [128, 50], strides = [1, 1]} : vector<3200x250xf32> to vector<128x50xf32>
      %slice3A_1151 = vector.extract_strided_slice %dot_general3A_37 {offsets = [2048, 200], sizes = [128, 50], strides = [1, 1]} : vector<3200x250xf32> to vector<128x50xf32>
      %slice3A_1152 = vector.extract_strided_slice %dot_general3A_37 {offsets = [2176, 200], sizes = [128, 50], strides = [1, 1]} : vector<3200x250xf32> to vector<128x50xf32>
      %slice3A_1153 = vector.extract_strided_slice %dot_general3A_37 {offsets = [2304, 200], sizes = [128, 50], strides = [1, 1]} : vector<3200x250xf32> to vector<128x50xf32>
      %slice3A_1154 = vector.extract_strided_slice %dot_general3A_37 {offsets = [2432, 200], sizes = [128, 50], strides = [1, 1]} : vector<3200x250xf32> to vector<128x50xf32>
      %concatenate3A_1155 = tpu.concatenate %slice3A_1150, %slice3A_1151, %slice3A_1152, %slice3A_1153, %slice3A_1154 in 1 : vector<128x50xf32>, vector<128x50xf32>, vector<128x50xf32>, vector<128x50xf32>, vector<128x50xf32> -> vector<128x250xf32>
      %add3A_1156 = arith.addf %dot_general3A_1149, %concatenate3A_1155 : vector<128x250xf32>
      %get3A_1157 = arith.constant 0 : index
      %get3A_1158 = arith.constant 0 : index
      %get3A_1159 = vector.load %arg8[%get3A_1157, %get3A_1158] : memref<128x1xf32, #tpu.memory_space<vmem>>, vector<128x1xf32>
      %add3A_1160 = vector.broadcast %get3A_1159 : vector<128x1xf32> to vector<128x250xf32>
      %add3A_1161 = arith.addf %add3A_1156, %add3A_1160 : vector<128x250xf32>
      %max3A_1162 = arith.constant 0.000000e+00 : f32
      %max3A_1163 = vector.broadcast %max3A_1162 : f32 to vector<128x250xf32>
      %max3A_1164 = arith.maximumf %add3A_1161, %max3A_1163 : vector<128x250xf32>
      %get3A_1165 = arith.constant 0 : index
      %get3A_1166 = arith.constant 0 : index
      %get3A_1167 = vector.load %arg9[%get3A_1165, %get3A_1166] : memref<64x128xf32, #tpu.memory_space<vmem>>, vector<64x128xf32>
      %dot_general3A_1168 = arith.constant dense<0.000000e+00> : vector<64x250xf32>
      %dot_general3A_1169 = tpu.matmul %get3A_1167, %max3A_1164, %dot_general3A_1168 {dimension_numbers = #tpu.dot_dimension_numbers<[1], [0], [0], [1], [0, 0, 1, 1], [], []>, transpose_lhs_hint = false} : vector<64x128xf32>, vector<128x250xf32>, vector<64x250xf32> -> vector<64x250xf32>
      %get3A_1170 = arith.constant 0 : index
      %get3A_1171 = arith.constant 0 : index
      %get3A_1172 = vector.load %arg10[%get3A_1170, %get3A_1171] : memref<64x1xf32, #tpu.memory_space<vmem>>, vector<64x1xf32>
      %add3A_1173 = vector.broadcast %get3A_1172 : vector<64x1xf32> to vector<64x250xf32>
      %add3A_1174 = arith.addf %dot_general3A_1169, %add3A_1173 : vector<64x250xf32>
      %get3A_1175 = arith.constant 0 : index
      %get3A_1176 = arith.constant 0 : index
      %get3A_1177 = vector.load %arg12[%get3A_1175, %get3A_1176] : memref<250x256xf32, #tpu.memory_space<vmem>>, vector<250x256xf32>
      %dot_general3A_1178 = arith.constant dense<0.000000e+00> : vector<64x256xf32>
      %dot_general3A_1179 = tpu.matmul %add3A_1174, %get3A_1177, %dot_general3A_1178 {dimension_numbers = #tpu.dot_dimension_numbers<[1], [0], [0], [1], [0, 0, 1, 1], [], []>, transpose_lhs_hint = false} : vector<64x250xf32>, vector<250x256xf32>, vector<64x256xf32> -> vector<64x256xf32>
      %swap3A_1180 = arith.constant 0 : index
      %swap3A_1181 = arith.constant 0 : index
      %swap3A_1182 = arith.constant 23 : index
      %swap3A_1183 = arith.constant 0 : index
      %swap3A_1184 = vector.load %arg13[%swap3A_1180, %swap3A_1181, %swap3A_1182, %swap3A_1183] : memref<64x1x25x256xf32, #tpu.memory_space<vmem>>, vector<64x1x1x256xf32>
      %swap3A_1185 = vector.shape_cast %swap3A_1184 : vector<64x1x1x256xf32> to vector<64x256xf32>
      %swap3A_1186 = vector.shape_cast %dot_general3A_1179 : vector<64x256xf32> to vector<64x1x1x256xf32>
      tpu.vector_store %arg13[%swap3A_1180, %swap3A_1181, %swap3A_1182, %swap3A_1183], %swap3A_1186 {strides = array<i32>} : memref<64x1x25x256xf32, #tpu.memory_space<vmem>>, vector<64x1x1x256xf32>,
      %get3A_1187 = arith.constant 0 : index
      %get3A_1188 = arith.constant 0 : index
      %get3A_1189 = arith.constant 24 : index
      %get3A_1190 = arith.constant 0 : index
      %get3A_1191 = vector.load %arg6[%get3A_1187, %get3A_1188, %get3A_1189, %get3A_1190] : memref<128x1x25x250xf32, #tpu.memory_space<vmem>>, vector<128x1x1x250xf32>
      %get3A_1192 = vector.shape_cast %get3A_1191 : vector<128x1x1x250xf32> to vector<128x250xf32>
      %get3A_1193 = arith.constant 0 : index
      %get3A_1194 = arith.constant 0 : index
      %get3A_1195 = vector.load %arg11[%get3A_1193, %get3A_1194] : memref<250x250xf32, #tpu.memory_space<vmem>>, vector<250x250xf32>
      %dot_general3A_1196 = arith.constant dense<0.000000e+00> : vector<128x250xf32>
      %dot_general3A_1197 = tpu.matmul %get3A_1192, %get3A_1195, %dot_general3A_1196 {dimension_numbers = #tpu.dot_dimension_numbers<[1], [0], [0], [1], [0, 0, 1, 1], [], []>, transpose_lhs_hint = false} : vector<128x250xf32>, vector<250x250xf32>, vector<128x250xf32> -> vector<128x250xf32>
      %slice3A_1198 = vector.extract_strided_slice %dot_general3A_37 {offsets = [2560, 200], sizes = [128, 50], strides = [1, 1]} : vector<3200x250xf32> to vector<128x50xf32>
      %slice3A_1199 = vector.extract_strided_slice %dot_general3A_37 {offsets = [2688, 200], sizes = [128, 50], strides = [1, 1]} : vector<3200x250xf32> to vector<128x50xf32>
      %slice3A_1200 = vector.extract_strided_slice %dot_general3A_37 {offsets = [2816, 200], sizes = [128, 50], strides = [1, 1]} : vector<3200x250xf32> to vector<128x50xf32>
      %slice3A_1201 = vector.extract_strided_slice %dot_general3A_37 {offsets = [2944, 200], sizes = [128, 50], strides = [1, 1]} : vector<3200x250xf32> to vector<128x50xf32>
      %slice3A_1202 = vector.extract_strided_slice %dot_general3A_37 {offsets = [3072, 200], sizes = [128, 50], strides = [1, 1]} : vector<3200x250xf32> to vector<128x50xf32>
      %concatenate3A_1203 = tpu.concatenate %slice3A_1198, %slice3A_1199, %slice3A_1200, %slice3A_1201, %slice3A_1202 in 1 : vector<128x50xf32>, vector<128x50xf32>, vector<128x50xf32>, vector<128x50xf32>, vector<128x50xf32> -> vector<128x250xf32>
      %add3A_1204 = arith.addf %dot_general3A_1197, %concatenate3A_1203 : vector<128x250xf32>
      %get3A_1205 = arith.constant 0 : index
      %get3A_1206 = arith.constant 0 : index
      %get3A_1207 = vector.load %arg8[%get3A_1205, %get3A_1206] : memref<128x1xf32, #tpu.memory_space<vmem>>, vector<128x1xf32>
      %add3A_1208 = vector.broadcast %get3A_1207 : vector<128x1xf32> to vector<128x250xf32>
      %add3A_1209 = arith.addf %add3A_1204, %add3A_1208 : vector<128x250xf32>
      %max3A_1210 = arith.constant 0.000000e+00 : f32
      %max3A_1211 = vector.broadcast %max3A_1210 : f32 to vector<128x250xf32>
      %max3A_1212 = arith.maximumf %add3A_1209, %max3A_1211 : vector<128x250xf32>
      %get3A_1213 = arith.constant 0 : index
      %get3A_1214 = arith.constant 0 : index
      %get3A_1215 = vector.load %arg9[%get3A_1213, %get3A_1214] : memref<64x128xf32, #tpu.memory_space<vmem>>, vector<64x128xf32>
      %dot_general3A_1216 = arith.constant dense<0.000000e+00> : vector<64x250xf32>
      %dot_general3A_1217 = tpu.matmul %get3A_1215, %max3A_1212, %dot_general3A_1216 {dimension_numbers = #tpu.dot_dimension_numbers<[1], [0], [0], [1], [0, 0, 1, 1], [], []>, transpose_lhs_hint = false} : vector<64x128xf32>, vector<128x250xf32>, vector<64x250xf32> -> vector<64x250xf32>
      %get3A_1218 = arith.constant 0 : index
      %get3A_1219 = arith.constant 0 : index
      %get3A_1220 = vector.load %arg10[%get3A_1218, %get3A_1219] : memref<64x1xf32, #tpu.memory_space<vmem>>, vector<64x1xf32>
      %add3A_1221 = vector.broadcast %get3A_1220 : vector<64x1xf32> to vector<64x250xf32>
      %add3A_1222 = arith.addf %dot_general3A_1217, %add3A_1221 : vector<64x250xf32>
      %get3A_1223 = arith.constant 0 : index
      %get3A_1224 = arith.constant 0 : index
      %get3A_1225 = vector.load %arg12[%get3A_1223, %get3A_1224] : memref<250x256xf32, #tpu.memory_space<vmem>>, vector<250x256xf32>
      %dot_general3A_1226 = arith.constant dense<0.000000e+00> : vector<64x256xf32>
      %dot_general3A_1227 = tpu.matmul %add3A_1222, %get3A_1225, %dot_general3A_1226 {dimension_numbers = #tpu.dot_dimension_numbers<[1], [0], [0], [1], [0, 0, 1, 1], [], []>, transpose_lhs_hint = false} : vector<64x250xf32>, vector<250x256xf32>, vector<64x256xf32> -> vector<64x256xf32>
      %swap3A_1228 = arith.constant 0 : index
      %swap3A_1229 = arith.constant 0 : index
      %swap3A_1230 = arith.constant 24 : index
      %swap3A_1231 = arith.constant 0 : index
      %swap3A_1232 = vector.load %arg13[%swap3A_1228, %swap3A_1229, %swap3A_1230, %swap3A_1231] : memref<64x1x25x256xf32, #tpu.memory_space<vmem>>, vector<64x1x1x256xf32>
      %swap3A_1233 = vector.shape_cast %swap3A_1232 : vector<64x1x1x256xf32> to vector<64x256xf32>
      %swap3A_1234 = vector.shape_cast %dot_general3A_1227 : vector<64x256xf32> to vector<64x1x1x256xf32>
      tpu.vector_store %arg13[%swap3A_1228, %swap3A_1229, %swap3A_1230, %swap3A_1231], %swap3A_1234 {strides = array<i32>} : memref<64x1x25x256xf32, #tpu.memory_space<vmem>>, vector<64x1x1x256xf32>,
    } else {
    }
    %not3A = arith.constant true
    %not3A_3 = arith.xori %and3A, %not3A : i1
    %convert_element_type3A_4 = arith.extui %not3A_3 : i1 to i32
    %cond3A_5 = arith.constant 0 : i32
    %cond3A_6 = arith.cmpi ne, %convert_element_type3A_4, %cond3A_5 : i32
    scf.if %cond3A_6 {
      %broadcast_in_dim3A = arith.constant 0.000000e+00 : f32
      %broadcast_in_dim3A_7 = vector.broadcast %broadcast_in_dim3A : f32 to vector<64x1x25x256xf32>
      %swap3A = arith.constant 0 : index
      %swap3A_8 = arith.constant 0 : index
      %swap3A_9 = arith.constant 0 : index
      %swap3A_10 = arith.constant 0 : index
      %swap3A_11 = vector.load %arg13[%swap3A, %swap3A_8, %swap3A_9, %swap3A_10] : memref<64x1x25x256xf32, #tpu.memory_space<vmem>>, vector<64x1x25x256xf32>
      tpu.vector_store %arg13[%swap3A, %swap3A_8, %swap3A_9, %swap3A_10], %broadcast_in_dim3A_7 {strides = array<i32>} : memref<64x1x25x256xf32, #tpu.memory_space<vmem>>, vector<64x1x25x256xf32>,
    } else {
    }
    return
  }
  func.func @transform_0(%arg0: i32) -> (i32, i32, i32) {
    %sub3A = arith.constant 1 : i32
    %sub3A_0 = arith.subi %arg0, %sub3A : i32
    %max3A = arith.constant 0 : i32
    %max3A_1 = arith.maxsi %sub3A_0, %max3A : i32
    %min3A = arith.constant 9 : i32
    %min3A_2 = arith.minsi %max3A_1, %min3A : i32
    %c0_i32 = arith.constant 0 : i32
    %c0_i32_3 = arith.constant 0 : i32
    %c0_i32_4 = arith.constant 0 : i32
    return %min3A_2, %c0_i32, %c0_i32_3 : i32, i32, i32
  }
  func.func @transform_1(%arg0: i32) -> (i32, i32, i32) {
    %sub3A = arith.constant 1 : i32
    %sub3A_0 = arith.subi %arg0, %sub3A : i32
    %max3A = arith.constant 0 : i32
    %max3A_1 = arith.maxsi %sub3A_0, %max3A : i32
    %min3A = arith.constant 9 : i32
    %min3A_2 = arith.minsi %max3A_1, %min3A : i32
    %c0_i32 = arith.constant 0 : i32
    %c0_i32_3 = arith.constant 0 : i32
    %c0_i32_4 = arith.constant 0 : i32
    return %min3A_2, %c0_i32, %c0_i32_3 : i32, i32, i32
  }
  func.func @transform_2(%arg0: i32) -> (i32, i32) {
    %c0_i32 = arith.constant 0 : i32
    %c0_i32_0 = arith.constant 0 : i32
    %c0_i32_1 = arith.constant 0 : i32
    return %c0_i32, %c0_i32_0 : i32, i32
  }
  func.func @transform_3(%arg0: i32) -> (i32, i32) {
    %c0_i32 = arith.constant 0 : i32
    %c0_i32_0 = arith.constant 0 : i32
    %c0_i32_1 = arith.constant 0 : i32
    return %c0_i32, %c0_i32_0 : i32, i32
  }
  func.func @transform_4(%arg0: i32) -> (i32, i32) {
    %c0_i32 = arith.constant 0 : i32
    %c0_i32_0 = arith.constant 0 : i32
    %c0_i32_1 = arith.constant 0 : i32
    return %c0_i32, %c0_i32_0 : i32, i32
  }
  func.func @transform_5(%arg0: i32) -> (i32, i32, i32, i32) {
    %sub3A = arith.constant 1 : i32
    %sub3A_0 = arith.subi %arg0, %sub3A : i32
    %max3A = arith.constant 0 : i32
    %max3A_1 = arith.maxsi %sub3A_0, %max3A : i32
    %min3A = arith.constant 9 : i32
    %min3A_2 = arith.minsi %max3A_1, %min3A : i32
    %c0_i32 = arith.constant 0 : i32
    %c0_i32_3 = arith.constant 0 : i32
    %c0_i32_4 = arith.constant 0 : i32
    %c0_i32_5 = arith.constant 0 : i32
    return %c0_i32, %min3A_2, %c0_i32_3, %c0_i32_4 : i32, i32, i32, i32
  }
  func.func @transform_6(%arg0: i32) -> (i32, i32) {
    %c0_i32 = arith.constant 0 : i32
    %c0_i32_0 = arith.constant 0 : i32
    %c0_i32_1 = arith.constant 0 : i32
    return %c0_i32, %c0_i32_0 : i32, i32
  }
  func.func @transform_7(%arg0: i32) -> (i32, i32) {
    %c0_i32 = arith.constant 0 : i32
    %c0_i32_0 = arith.constant 0 : i32
    %c0_i32_1 = arith.constant 0 : i32
    return %c0_i32, %c0_i32_0 : i32, i32
  }
  func.func @transform_8(%arg0: i32) -> (i32, i32) {
    %c0_i32 = arith.constant 0 : i32
    %c0_i32_0 = arith.constant 0 : i32
    %c0_i32_1 = arith.constant 0 : i32
    return %c0_i32, %c0_i32_0 : i32, i32
  }
  func.func @transform_9(%arg0: i32) -> (i32, i32) {
    %c0_i32 = arith.constant 0 : i32
    %c0_i32_0 = arith.constant 0 : i32
    %c0_i32_1 = arith.constant 0 : i32
    return %c0_i32, %c0_i32_0 : i32, i32
  }
  func.func @transform_10(%arg0: i32) -> (i32, i32) {
    %c0_i32 = arith.constant 0 : i32
    %c0_i32_0 = arith.constant 0 : i32
    %c0_i32_1 = arith.constant 0 : i32
    return %c0_i32, %c0_i32_0 : i32, i32
  }
  func.func @transform_11(%arg0: i32) -> (i32, i32) {
    %c0_i32 = arith.constant 0 : i32
    %c0_i32_0 = arith.constant 0 : i32
    %c0_i32_1 = arith.constant 0 : i32
    return %c0_i32, %c0_i32_0 : i32, i32
  }
  func.func @transform_12(%arg0: i32) -> (i32, i32, i32, i32) {
    %c0_i32 = arith.constant 0 : i32
    %c0_i32_0 = arith.constant 0 : i32
    %c0_i32_1 = arith.constant 0 : i32
    %c0_i32_2 = arith.constant 0 : i32
    return %c0_i32, %arg0, %c0_i32_0, %c0_i32_1 : i32, i32, i32, i32
  }
}

module attributes {stable_mosaic.version = 14 : i64} {
  func.func @_conv3_body(%arg0: i32, %arg1: memref<64x76800xf32, #tpu.memory_space<vmem>>, %arg2: memref<576x64xf32, #tpu.memory_space<vmem>>, %arg3: memref<64x1xf32, #tpu.memory_space<vmem>>, %arg4: memref<64x6400xf32, #tpu.memory_space<vmem>>) attributes {dimension_semantics = [#tpu.dimension_semantics<arbitrary>], iteration_bounds = array<i64: 10>, scalar_prefetch = 0 : i64, scratch_operands = 0 : i64, tpu.core_type = #tpu.core_type<tc>, window_params = [{pipeline_mode = #tpu.pipeline_mode<synchronous>, transform_indices = @transform_0, window_bounds = array<i64: 64, 76800>}, {pipeline_mode = #tpu.pipeline_mode<synchronous>, transform_indices = @transform_1, window_bounds = array<i64: 576, 64>}, {pipeline_mode = #tpu.pipeline_mode<synchronous>, transform_indices = @transform_2, window_bounds = array<i64: 64, 1>}, {transform_indices = @transform_3, window_bounds = array<i64: 64, 6400>}]} {
    %mul3A = arith.constant 25 : i32
    %mul3A_0 = arith.muli %mul3A, %arg0 : i32
    %add3A = arith.constant 25 : i32
    %add3A_1 = arith.addi %mul3A_0, %add3A : i32
    %sub3A = arith.constant 1 : i32
    %sub3A_2 = arith.subi %add3A_1, %sub3A : i32
    %add3A_3 = arith.constant 0 : i32
    %add3A_4 = arith.addi %sub3A_2, %add3A_3 : i32
    %mul3A_5 = arith.constant 256 : i32
    %mul3A_6 = arith.muli %add3A_4, %mul3A_5 : i32
    %get3A = arith.constant 0 : index
    %get3A_7 = arith.index_cast %mul3A_6 : i32 to index
    %get3A_8 = vector.load %arg1[%get3A, %get3A_7] : memref<64x76800xf32, #tpu.memory_space<vmem>>, vector<64x6528xf32>
    %mul3A_9 = arith.constant 25 : i32
    %mul3A_10 = arith.muli %mul3A_9, %arg0 : i32
    %add3A_11 = arith.constant 25 : i32
    %add3A_12 = arith.addi %mul3A_10, %add3A_11 : i32
    %sub3A_13 = arith.constant 1 : i32
    %sub3A_14 = arith.subi %add3A_12, %sub3A_13 : i32
    %add3A_15 = arith.constant 1 : i32
    %add3A_16 = arith.addi %sub3A_14, %add3A_15 : i32
    %mul3A_17 = arith.constant 256 : i32
    %mul3A_18 = arith.muli %add3A_16, %mul3A_17 : i32
    %get3A_19 = arith.constant 0 : index
    %get3A_20 = arith.index_cast %mul3A_18 : i32 to index
    %get3A_21 = vector.load %arg1[%get3A_19, %get3A_20] : memref<64x76800xf32, #tpu.memory_space<vmem>>, vector<64x6528xf32>
    %mul3A_22 = arith.constant 25 : i32
    %mul3A_23 = arith.muli %mul3A_22, %arg0 : i32
    %add3A_24 = arith.constant 25 : i32
    %add3A_25 = arith.addi %mul3A_23, %add3A_24 : i32
    %sub3A_26 = arith.constant 1 : i32
    %sub3A_27 = arith.subi %add3A_25, %sub3A_26 : i32
    %add3A_28 = arith.constant 2 : i32
    %add3A_29 = arith.addi %sub3A_27, %add3A_28 : i32
    %mul3A_30 = arith.constant 256 : i32
    %mul3A_31 = arith.muli %add3A_29, %mul3A_30 : i32
    %get3A_32 = arith.constant 0 : index
    %get3A_33 = arith.index_cast %mul3A_31 : i32 to index
    %get3A_34 = vector.load %arg1[%get3A_32, %get3A_33] : memref<64x76800xf32, #tpu.memory_space<vmem>>, vector<64x6528xf32>
    %get3A_35 = arith.constant 0 : index
    %get3A_36 = arith.constant 0 : index
    %get3A_37 = vector.load %arg2[%get3A_35, %get3A_36] : memref<576x64xf32, #tpu.memory_space<vmem>>, vector<64x64xf32>
    %dot_general3A = arith.constant dense<0.000000e+00> : vector<64x6528xf32>
    %dot_general3A_38 = tpu.matmul %get3A_37, %get3A_8, %dot_general3A {dimension_numbers = #tpu.dot_dimension_numbers<[1], [0], [0], [1], [0, 0, 1, 1], [], []>, transpose_lhs_hint = false} : vector<64x64xf32>, vector<64x6528xf32>, vector<64x6528xf32> -> vector<64x6528xf32>
    %get3A_39 = arith.constant 192 : index
    %get3A_40 = arith.constant 0 : index
    %get3A_41 = vector.load %arg2[%get3A_39, %get3A_40] : memref<576x64xf32, #tpu.memory_space<vmem>>, vector<64x64xf32>
    %dot_general3A_42 = arith.constant dense<0.000000e+00> : vector<64x6528xf32>
    %dot_general3A_43 = tpu.matmul %get3A_41, %get3A_21, %dot_general3A_42 {dimension_numbers = #tpu.dot_dimension_numbers<[1], [0], [0], [1], [0, 0, 1, 1], [], []>, transpose_lhs_hint = false} : vector<64x64xf32>, vector<64x6528xf32>, vector<64x6528xf32> -> vector<64x6528xf32>
    %add3A_44 = arith.addf %dot_general3A_38, %dot_general3A_43 : vector<64x6528xf32>
    %get3A_45 = arith.constant 384 : index
    %get3A_46 = arith.constant 0 : index
    %get3A_47 = vector.load %arg2[%get3A_45, %get3A_46] : memref<576x64xf32, #tpu.memory_space<vmem>>, vector<64x64xf32>
    %dot_general3A_48 = arith.constant dense<0.000000e+00> : vector<64x6528xf32>
    %dot_general3A_49 = tpu.matmul %get3A_47, %get3A_34, %dot_general3A_48 {dimension_numbers = #tpu.dot_dimension_numbers<[1], [0], [0], [1], [0, 0, 1, 1], [], []>, transpose_lhs_hint = false} : vector<64x64xf32>, vector<64x6528xf32>, vector<64x6528xf32> -> vector<64x6528xf32>
    %add3A_50 = arith.addf %add3A_44, %dot_general3A_49 : vector<64x6528xf32>
    %slice3A = vector.extract_strided_slice %add3A_50 {offsets = [0, 0], sizes = [64, 6400], strides = [1, 1]} : vector<64x6528xf32> to vector<64x6400xf32>
    %get3A_51 = arith.constant 64 : index
    %get3A_52 = arith.constant 0 : index
    %get3A_53 = vector.load %arg2[%get3A_51, %get3A_52] : memref<576x64xf32, #tpu.memory_space<vmem>>, vector<64x64xf32>
    %dot_general3A_54 = arith.constant dense<0.000000e+00> : vector<64x6528xf32>
    %dot_general3A_55 = tpu.matmul %get3A_53, %get3A_8, %dot_general3A_54 {dimension_numbers = #tpu.dot_dimension_numbers<[1], [0], [0], [1], [0, 0, 1, 1], [], []>, transpose_lhs_hint = false} : vector<64x64xf32>, vector<64x6528xf32>, vector<64x6528xf32> -> vector<64x6528xf32>
    %get3A_56 = arith.constant 256 : index
    %get3A_57 = arith.constant 0 : index
    %get3A_58 = vector.load %arg2[%get3A_56, %get3A_57] : memref<576x64xf32, #tpu.memory_space<vmem>>, vector<64x64xf32>
    %dot_general3A_59 = arith.constant dense<0.000000e+00> : vector<64x6528xf32>
    %dot_general3A_60 = tpu.matmul %get3A_58, %get3A_21, %dot_general3A_59 {dimension_numbers = #tpu.dot_dimension_numbers<[1], [0], [0], [1], [0, 0, 1, 1], [], []>, transpose_lhs_hint = false} : vector<64x64xf32>, vector<64x6528xf32>, vector<64x6528xf32> -> vector<64x6528xf32>
    %add3A_61 = arith.addf %dot_general3A_55, %dot_general3A_60 : vector<64x6528xf32>
    %get3A_62 = arith.constant 448 : index
    %get3A_63 = arith.constant 0 : index
    %get3A_64 = vector.load %arg2[%get3A_62, %get3A_63] : memref<576x64xf32, #tpu.memory_space<vmem>>, vector<64x64xf32>
    %dot_general3A_65 = arith.constant dense<0.000000e+00> : vector<64x6528xf32>
    %dot_general3A_66 = tpu.matmul %get3A_64, %get3A_34, %dot_general3A_65 {dimension_numbers = #tpu.dot_dimension_numbers<[1], [0], [0], [1], [0, 0, 1, 1], [], []>, transpose_lhs_hint = false} : vector<64x64xf32>, vector<64x6528xf32>, vector<64x6528xf32> -> vector<64x6528xf32>
    %add3A_67 = arith.addf %add3A_61, %dot_general3A_66 : vector<64x6528xf32>
    %roll3A = arith.constant 6527 : i32
    %roll3A_68 = tpu.dynamic_rotate %add3A_67 by %roll3A dim 1 : vector<64x6528xf32>, i32 -> vector<64x6528xf32>
    %slice3A_69 = vector.extract_strided_slice %roll3A_68 {offsets = [0, 0], sizes = [64, 6400], strides = [1, 1]} : vector<64x6528xf32> to vector<64x6400xf32>
    %add3A_70 = arith.addf %slice3A, %slice3A_69 : vector<64x6400xf32>
    %get3A_71 = arith.constant 128 : index
    %get3A_72 = arith.constant 0 : index
    %get3A_73 = vector.load %arg2[%get3A_71, %get3A_72] : memref<576x64xf32, #tpu.memory_space<vmem>>, vector<64x64xf32>
    %dot_general3A_74 = arith.constant dense<0.000000e+00> : vector<64x6528xf32>
    %dot_general3A_75 = tpu.matmul %get3A_73, %get3A_8, %dot_general3A_74 {dimension_numbers = #tpu.dot_dimension_numbers<[1], [0], [0], [1], [0, 0, 1, 1], [], []>, transpose_lhs_hint = false} : vector<64x64xf32>, vector<64x6528xf32>, vector<64x6528xf32> -> vector<64x6528xf32>
    %get3A_76 = arith.constant 320 : index
    %get3A_77 = arith.constant 0 : index
    %get3A_78 = vector.load %arg2[%get3A_76, %get3A_77] : memref<576x64xf32, #tpu.memory_space<vmem>>, vector<64x64xf32>
    %dot_general3A_79 = arith.constant dense<0.000000e+00> : vector<64x6528xf32>
    %dot_general3A_80 = tpu.matmul %get3A_78, %get3A_21, %dot_general3A_79 {dimension_numbers = #tpu.dot_dimension_numbers<[1], [0], [0], [1], [0, 0, 1, 1], [], []>, transpose_lhs_hint = false} : vector<64x64xf32>, vector<64x6528xf32>, vector<64x6528xf32> -> vector<64x6528xf32>
    %add3A_81 = arith.addf %dot_general3A_75, %dot_general3A_80 : vector<64x6528xf32>
    %get3A_82 = arith.constant 512 : index
    %get3A_83 = arith.constant 0 : index
    %get3A_84 = vector.load %arg2[%get3A_82, %get3A_83] : memref<576x64xf32, #tpu.memory_space<vmem>>, vector<64x64xf32>
    %dot_general3A_85 = arith.constant dense<0.000000e+00> : vector<64x6528xf32>
    %dot_general3A_86 = tpu.matmul %get3A_84, %get3A_34, %dot_general3A_85 {dimension_numbers = #tpu.dot_dimension_numbers<[1], [0], [0], [1], [0, 0, 1, 1], [], []>, transpose_lhs_hint = false} : vector<64x64xf32>, vector<64x6528xf32>, vector<64x6528xf32> -> vector<64x6528xf32>
    %add3A_87 = arith.addf %add3A_81, %dot_general3A_86 : vector<64x6528xf32>
    %roll3A_88 = arith.constant 6526 : i32
    %roll3A_89 = tpu.dynamic_rotate %add3A_87 by %roll3A_88 dim 1 : vector<64x6528xf32>, i32 -> vector<64x6528xf32>
    %slice3A_90 = vector.extract_strided_slice %roll3A_89 {offsets = [0, 0], sizes = [64, 6400], strides = [1, 1]} : vector<64x6528xf32> to vector<64x6400xf32>
    %add3A_91 = arith.addf %add3A_70, %slice3A_90 : vector<64x6400xf32>
    %get3A_92 = arith.constant 0 : index
    %get3A_93 = arith.constant 0 : index
    %get3A_94 = vector.load %arg3[%get3A_92, %get3A_93] : memref<64x1xf32, #tpu.memory_space<vmem>>, vector<64x1xf32>
    %add3A_95 = vector.broadcast %get3A_94 : vector<64x1xf32> to vector<64x6400xf32>
    %add3A_96 = arith.addf %add3A_91, %add3A_95 : vector<64x6400xf32>
    %swap3A = arith.constant 0 : index
    %swap3A_97 = arith.constant 0 : index
    %swap3A_98 = vector.load %arg4[%swap3A, %swap3A_97] : memref<64x6400xf32, #tpu.memory_space<vmem>>, vector<64x6400xf32>
    tpu.vector_store %arg4[%swap3A, %swap3A_97], %add3A_96 {strides = array<i32>} : memref<64x6400xf32, #tpu.memory_space<vmem>>, vector<64x6400xf32>,
    return
  }
  func.func @transform_0(%arg0: i32) -> (i32, i32) {
    %c0_i32 = arith.constant 0 : i32
    %c0_i32_0 = arith.constant 0 : i32
    %c0_i32_1 = arith.constant 0 : i32
    return %c0_i32, %c0_i32_0 : i32, i32
  }
  func.func @transform_1(%arg0: i32) -> (i32, i32) {
    %c0_i32 = arith.constant 0 : i32
    %c0_i32_0 = arith.constant 0 : i32
    %c0_i32_1 = arith.constant 0 : i32
    return %c0_i32, %c0_i32_0 : i32, i32
  }
  func.func @transform_2(%arg0: i32) -> (i32, i32) {
    %c0_i32 = arith.constant 0 : i32
    %c0_i32_0 = arith.constant 0 : i32
    %c0_i32_1 = arith.constant 0 : i32
    return %c0_i32, %c0_i32_0 : i32, i32
  }
  func.func @transform_3(%arg0: i32) -> (i32, i32) {
    %c0_i32 = arith.constant 0 : i32
    %c0_i32_0 = arith.constant 0 : i32
    return %c0_i32, %arg0 : i32, i32
  }
}

</mosaic_0001>

<sc_bundles>
// kernel: kernel.16.cloned.1.call-start
scs
__scs_entry_jumppad:
0x0: {  	(pc) =	sbr.rel $0x88, $3  }
0x1: {  	(tag) =	ssettag $0x0;
	lr =	simm.s32 $0x1  }
0x2: {  	[smem:$0x3F7C] =	sst lr;
	_ =	strace $0xD0000000  }
0x3: {  	_ = 	snop  }
0x4: {  	_ = 	snop  }
0x5: {  	_ = 	snop  }
0x6: {  	_ = 	snop  }
0x7: {  	_ = 	snop  }
__scs_overlays_trampoline_lowered:
0x8: {  	[smem:$0x3F8B] =	sst s0  }
0x9: {  	[smem:$0x3F8C] =	sst s1  }
0xa: {  	[smem:$0x3F8D] =	sst s2  }
0xb: {  	[smem:$0x3F8E] =	sst s3  }
0xc: {  	[smem:$0x3F8F] =	sst s4  }
0xd: {  	[smem:$0x3F90] =	sst s5  }
0xe: {  	[smem:$0x3F91] =	sst s6  }
0xf: {  	[smem:$0x3F92] =	sst s7  }
0x10: {  	[smem:$0x3F93] =	sst s8  }
0x11: {  	[smem:$0x3F94] =	sst s9;
	s0 =	simm.s32 @!p0 $0x0  }
0x12: {  	s1 =	sld [smem:$0x3F7A];
	s0 =	simm.s32 @p0 $0x1  }
0x13: {  	[smem:$0x3F95] =	sst s0;
	s0 =	simm.s32 @!p1 $0x0  }
0x14: {  	s2 =	sld [smem:$0x3F79];
	s0 =	simm.s32 @p1 $0x1  }
0x15: {  	[smem:$0x3F96] =	sst s0;
	s0 =	simm.s32 @!p2 $0x0  }
0x16: {  	s3 =	sld [smem:$0x3FDB];
	s0 =	simm.s32 @p2 $0x1  }
0x17: {  	s4 =	simm.s32 $0x1BF5;
	[smem:$0x3F98] =	sst s0  }
0x18: {  	s0 =	sld [smem:$0x3F7B];
	_ =	swait.ge [sflag:s4], $0x0  }
0x19: {  	s7 =	sld [smem:$0x3F7C]  }
0x1a: {  	s8 =	sadd.s32 $0xFFFFE003, lr  }
0x1b: {  	s9 =	sadd.s32 $0xFFFFFEF7, lr;
	s5 =	simm.s32 $0xFFFFFFFF;
	p2 =	slt.u32 s8, $0xFFFFF086  }
0x1c: {  	p1 =	slt.u32 s9, $0xF7A;
	s5 =	simm.s32 @!p2 $0x0  }
0x1d: {  	s5 =	simm.s32 @p1 $0x1;
	p0 =	seq.s32 s7, s2  }
0x1e: {  	s7 =	smul.u32 @!p0 $0xF7A, s2;
	p2 =	seq.s32 @!p0 s5, $0x0  }
0x1f: {  	s9 =	smul.u32 $0xF7A, s1;
	s8 =	simm.s32 @!p0 $0x1BF5;
	p2 =	por !p2, p0  }
0x20: {  	[sflag:s8] =	ssyncset.s32 @!p0 $0xFFFFF086;
	s6 =	sadd.s32 @!p0 s3, s7;
	s7 =	simm.s32 @!p0 $0x108  }
0x21: {  	s3 =	sadd.s32 s3, s9;
	s6 =	sadd.s32 @!p0 $0x88, s6;
	s7 =	simm.s32 @p2 $0x1082  }
0x22: {  	[simem:s7], [sflag:s8] =	dma.local @!p0 [hbm:s6], $0xF7A  }
0x23: {  	s9 =	sor.u32 $0xD0000000, s2;
	s6 =	simm.s32 $0x108;
	_ =	swait.ge @!p0 [sflag:s8], $0x0  }
0x24: {  	s3 =	sadd.s32 $0x88, s3;
	s6 =	simm.s32 @!p1 $0x1082;
	[sflag:s4] =	ssyncset.s32 $0xFFFFF086  }
0x25: {  	[simem:s6], [sflag:s4] =	dma.local [hbm:s3], $0xF7A  }
0x26: {  	[smem:$0x3F7C] =	sst s1;
	(tag) =	ssettag s2;
	_ =	strace s9  }
0x27: {  	s1 =	sld [smem:$0x3F8C]  }
0x28: {  	s2 =	sld [smem:$0x3F8D]  }
0x29: {  	s4 =	sld [smem:$0x3F8F]  }
0x2a: {  	p0 =	seq.s32 s5, $0x0;
	s5 =	sld [smem:$0x3F90]  }
0x2b: {  	s6 =	sld [smem:$0x3F91]  }
0x2c: {  	s7 =	sld [smem:$0x3F92]  }
0x2d: {  	s3 =	simm.s32 $0x108;
	s8 =	sld [smem:$0x3F93]  }
0x2e: {  	s3 =	simm.s32 @!p0 $0x1082;
	s9 =	sld [smem:$0x3F94]  }
0x2f: {  	lr =	sadd.s32 s0, s3;
	s0 =	sld [smem:$0x3F8B]  }
0x30: {  	s3 =	sld [smem:$0x3F8E]  }
0x31: {  	[smem:$0x3F97] =	sst s10  }
0x32: {  	s10 =	sld [smem:$0x3F95];
	_ =	sdelay $0x3  }
0x33: {  	p0 =	seq.s32 s10, $0x1;
	s10 =	sld [smem:$0x3F97];
	_ =	sdelay $0x3  }
0x34: {  	[smem:$0x3F97] =	sst s10  }
0x35: {  	s10 =	sld [smem:$0x3F96];
	_ =	sdelay $0x3  }
0x36: {  	p1 =	seq.s32 s10, $0x1;
	s10 =	sld [smem:$0x3F97];
	_ =	sdelay $0x3  }
0x37: {  	[smem:$0x3F97] =	sst s10  }
0x38: {  	s10 =	sld [smem:$0x3F98]  }
0x39: {  	_ = 	snop;
	(pc) =	sbr.ind lr, $3  }
0x3a: {  	_ = 	snop  }
0x3b: {  	_ = 	snop  }
0x3c: {  	p2 =	seq.s32 s10, $0x1;
	s10 =	sld [smem:$0x3F97]  }
0x3d: {  	_ =	shalt  }
0x3e: {  	_ =	shalt  }
0x3f: {  	_ =	shalt  }
0x40: {  	_ =	shalt  }
0x41: {  	_ =	shalt  }
0x42: {  	_ =	shalt  }
0x43: {  	_ =	shalt  }
0x44: {  	_ =	shalt  }
0x45: {  	_ =	shalt  }
0x46: {  	_ =	shalt  }
0x47: {  	_ =	shalt  }
0x48: {  	_ =	shalt  }
0x49: {  	_ =	shalt  }
0x4a: {  	_ =	shalt  }
0x4b: {  	_ =	shalt  }
0x4c: {  	_ =	shalt  }
0x4d: {  	_ =	shalt  }
0x4e: {  	_ =	shalt  }
0x4f: {  	_ =	shalt  }
0x50: {  	_ =	shalt  }
0x51: {  	_ =	shalt  }
0x52: {  	_ =	shalt  }
0x53: {  	_ =	shalt  }
0x54: {  	_ =	shalt  }
0x55: {  	_ =	shalt  }
0x56: {  	_ =	shalt  }
0x57: {  	_ =	shalt  }
0x58: {  	_ =	shalt  }
0x59: {  	_ =	shalt  }
0x5a: {  	_ =	shalt  }
0x5b: {  	_ =	shalt  }
0x5c: {  	_ =	shalt  }
0x5d: {  	_ =	shalt  }
0x5e: {  	_ =	shalt  }
0x5f: {  	_ =	shalt  }
0x60: {  	_ =	shalt  }
0x61: {  	_ =	shalt  }
0x62: {  	_ =	shalt  }
0x63: {  	_ =	shalt  }
0x64: {  	_ =	shalt  }
0x65: {  	_ =	shalt  }
0x66: {  	_ =	shalt  }
0x67: {  	_ =	shalt  }
0x68: {  	_ =	shalt  }
0x69: {  	_ =	shalt  }
0x6a: {  	_ =	shalt  }
0x6b: {  	_ =	shalt  }
0x6c: {  	_ =	shalt  }
0x6d: {  	_ =	shalt  }
0x6e: {  	_ =	shalt  }
0x6f: {  	_ =	shalt  }
0x70: {  	_ =	shalt  }
0x71: {  	_ =	shalt  }
0x72: {  	_ =	shalt  }
0x73: {  	_ =	shalt  }
0x74: {  	_ =	shalt  }
0x75: {  	_ =	shalt  }
0x76: {  	_ =	shalt  }
0x77: {  	_ =	shalt  }
0x78: {  	_ =	shalt  }
0x79: {  	_ =	shalt  }
0x7a: {  	_ =	shalt  }
0x7b: {  	_ =	shalt  }
0x7c: {  	_ =	shalt  }
0x7d: {  	_ =	shalt  }
0x7e: {  	_ =	shalt  }
0x7f: {  	_ =	shalt  }
0x80: {  	_ =	shalt  }
0x81: {  	_ =	shalt  }
0x82: {  	_ =	shalt  }
0x83: {  	_ =	shalt  }
0x84: {  	_ =	shalt  }
0x85: {  	_ =	shalt  }
0x86: {  	_ =	shalt  }
0x87: {  	_ =	shalt  }
.Lfunc_end0:
.L_simem_size_0:
called_computation_lowered:
.L_overlay_start_0:
0x88: {  	s2 =	sld [smem:$0x3FD9]  }
0x89: {  	s3 =	sld [smem:$0x3FFE];
	_ =	sdelay $0x1  }
0x8a: {  	s1 =	srdreg.scid  }
0x8b: {  	s0 =	sand.u32 $0x1, s1  }
0x8c: {  	s16 =	sshll.u32 s0, $0xA;
	s2 =	sadd.s32 s3, s2  }
0x8d: {  	s2 =	sadd.s32 s2, s16  }
0x8e: {  	[smem:$0x3FA3] =	sst s2  }
0x8f: {  	_ = 	snop  }
0x90: {  	(tm) =	ssettm $0x1  }
0x91: {  	s17 =	sld [smem:$0x3FFB];
	_ =	sdelay $0x3  }
0x92: {  	_ =	strace s17  }
0x93: {  	s2 =	sld [smem:$0x3FFC];
	_ =	sdelay $0x3  }
0x94: {  	_ =	strace s2  }
0x95: {  	s2 =	sld [smem:$0x3FFD];
	_ =	sdelay $0x3  }
0x96: {  	_ =	strace s2  }
0x97: {  	_ =	strace $0x8FFFFFFF  }
0x98: {  	s18 =	sld [smem:$0x3FDB];
	_ =	sdelay $0x1  }
0x99: {  	s19 =	simm.s32 $_scs_section_size  }
0x9a: {  	s4 =	simm.s32 $_size__tile_overlayer_lowered;
	s5 =	simm.s32 $_tile_overlayer_lowered  }
0x9b: {  	s22 =	simm.s32 $0x1BFF;
	s21 =	sshll.u32 s5, $0x1;
	s2 =	sadd.s32 s19, s18  }
0x9c: {  	s6 =	simm.s32 $0x0;
	s20 =	sshll.u32 s4, $0x1;
	s4 =	sadd.s32 s21, s2  }
0x9d: {  	[timem:s6], [sflag:s22] =	dma.local [hbm:s4], s20  }
0x9e: {  	_ =	swait.ge [sflag:s22], s20  }
0x9f: {  	s3 =	ssub.s32 $0x0, s20;
	[sflag:s22] =	ssyncset.done $0x0  }
0xa0: {  	[sflag:s22] =	ssyncadd.s32 s3;
	_ =	sdelay $0x1  }
0xa1: {  	s23 =	simm.s32 $0x1B8B  }
0xa2: {  	_ =	swait.ge [sflag:s23], $0x1  }
0xa3: {  	[sflag:s23] =	ssyncset.done $0x0  }
0xa4: {  	s25 =	simm.s32 $0x1B8E;
	s24 =	sld [smem:$0x3FFE];
	[sflag:s23] =	ssyncadd.s32 $0xFFFFFFFF  }
0xa5: {  	s26 =	simm.s32 $execute0_lowered;
	[smem:$0x3FD2] =	sst s25  }
0xa6: {  	s4 =	sshll.u32 s26, $0x1;
	_ =	strace $0x80000046;
	[dreg:$0x1] =	wrdreg $0xFFFFFFFF  }
0xa7: {  	s28 =	simm.s32 $_size_execute0_lowered;
	s2 =	sadd.s32 s2, s4;
	[dreg:$0x0] =	wrdreg $0x0  }
0xa8: {  	s4 =	sshll.u32 s28, $0x1;
	[dreg:$0x2] =	wrdreg s2  }
0xa9: {  	[dreg:$0x3] =	wrdreg s4  }
0xaa: {  	[dreg:$0x4] =	wrdreg $0xC0  }
0xab: {  	_ =	task [dreg:s6], $0x5FFFF  }
0xac: {  	[dreg:$0x1] =	wrdreg $0xFFFFFFFF  }
0xad: {  	[dreg:$0x0] =	wrdreg $0x60  }
0xae: {  	[dreg:$0x2] =	wrdreg s24  }
0xaf: {  	[dreg:$0x3] =	wrdreg $0xA  }
0xb0: {  	_ =	task.clear_ibuf [dreg:s6], $0x4FFFF;
	_ =	strace $0x90000046  }
0xb1: {  	s29 =	simm.s32 $0xA;
	_ =	strace $0x80000048  }
0xb2: {  	_ =	swait.ge [sflag:s29], $0x1  }
0xb3: {  	[sflag:s29] =	ssyncadd.s32 $0xFFFFFFFF  }
0xb4: {  	_ =	strace $0x90000048  }
0xb5: {  	_ =	sfence  }
0xb6: {  	s30 =	sld [smem:$0x0];
	_ =	sdelay $0x2  }
0xb7: {  	s31 =	sshll.u32 s1, $0xD;
	s1 =	sshrl.u32 s1, $0x2  }
0xb8: {  	s3 =	sand.u32 $0x4000, s31;
	s1 =	sadd.s32 s1, s30  }
0xb9: {  	s0 =	sor.u32 s3, s0;
	s1 =	sshll.u32 s1, $0x11  }
0xba: {  	s0 =	sor.u32 s1, s0  }
0xbb: {  	s0 =	sadd.s32 $0x8F2B, s0  }
0xbc: {  	[sflag:s0] =	ssyncadd.remote.s32 $0x1  }
0xbd: {  	_ =	sfence.sel $0xFFFF  }
0xbe: {  	[dreg:$0x0] =	wrdreg $0xFFFFFFFF;
	(pc) =	sbr.abs _section_cstart, $3  }
0xbf: {  	[dreg:$0x1] =	wrdreg $0xFFFFFFFF  }
0xc0: {  	_ =	task.clear_ibuf [dreg:s6], $0x2FFFF;
	_ =	strace $0x9FFFFFFF  }
0xc1: {  	(tm) =	ssettm $0x7FFFFFFF  }
tec
execute0_lowered:
.L_overlay_start_1:
0x0: {  	(tag) =	ssettag $0x1  }
0x1: {  	s1 =	srdreg.scid;
	s0 =	stileid.u32  }
0x2: {  	s6 =	sand.u32 $0x1, s1;
	s30 =	sshll.u32 s0, $0x1  }
0x3: {  	s8 =	rddreg [dreg:$0x0];
	s7 =	sor.u32 s6, s30  }
0x4: {  	s2 =	simm.s32 $0x0;
	s1 =	rddreg [dreg:$0x1];
	s3 =	smul.u32 $0x50, s7  }
0x5: {  	[smem:$0x7FF] =	sst s2;
	s5 =	sadd.s32 $0x6400, s8  }
0x6: {  	_ =	strace $0x80000047;
	s10 =	ssub.s32 $0x2, s6;
	s3 =	sadd.s32 s3, s8  }
0x7: {  	s6 =	simm.s32 $0x280;
	s4 =	sadd.s32 $0x10400, s3;
	s3 =	simm.s32 $0x2  }
0x8: {  	[tilespmem:s2], [sflag:$0x2] =	stream.linear.gather [hbm4b:s4+s2], $0x280, $0x38;
	[tilespmem:$0x14280] =	vst v63  }
0x9: {  	s9 =	smul.u32 $0x2800, s7;
	s11 =	sshrl.u32 s10, $0x1;
	_ =	swait.ge [sflag:s3], $0x280  }
0xa: {  	s7 =	simm.s32 $0x1;
	s31 =	ssub.s32 s10, s11;
	[sflag:s3] =	ssyncset.done $0x0  }
0xb: {  	s8 =	sadd.s32 s9, s8;
	s9 =	smax.u32 s31, $0x1;
	[sflag:s3] =	ssyncadd.s32 $0xFFFFFD80  }
0xc: {  	[tilespmem:s6], [sflag:$0x1] =	stream.indirect.gather [hbm4b:s5+s6], $0x80, s2, s6, $0xb8;
	[tilespmem:$0x14280] =	vst v63  }
0xd: {  	p0 =	sne.s32 s9, $0x1;
	_ =	swait.ge [sflag:s7], $0x14000  }
.Ltmp0:
0xe: {  	[sflag:s7] =	ssyncset.done $0x0;
	(pc) =	sbr.rel @!p0 .LBB2_2-.Ltmp0, $4  }
0xf: {  	s8 =	sadd.s32 $0x10E00, s8;
	[sflag:s7] =	ssyncadd.s32 $0xFFFEC000  }
0x10: {  	[hbm4b:s8+s2] =	stream.linear.scatter [tilespmem:s6], [sflag:$0x2], $0x14000, $0x38;
	[tilespmem:$0x14280] =	vst v63  }
0x11: {  	_ =	swait.ge [sflag:s3], $0x14000  }
0x12: {  	s9 =	sadd.s32 $0xFFFFFFFF, s9;
	[sflag:s3] =	ssyncset.done $0x0  }
.LBB2_1:
0x13: {  	p0 =	sne.s32 s9, $0x1;
	s9 =	sadd.s32 $0xFFFFFFFF, s9;
	[sflag:s3] =	ssyncadd.s32 $0xFFFEC000  }
0x14: {  	[tilespmem:s2], [sflag:$0x2] =	stream.linear.gather [hbm4b:s4+s2], $0x280, $0x38;
	[tilespmem:$0x14280] =	vst v63  }
0x15: {  	_ =	swait.ge [sflag:s3], $0x280  }
0x16: {  	[sflag:s3] =	ssyncset.done $0x0  }
0x17: {  	[sflag:s3] =	ssyncadd.s32 $0xFFFFFD80  }
0x18: {  	[tilespmem:s6], [sflag:$0x1] =	stream.indirect.gather [hbm4b:s5+s6], $0x80, s2, s6, $0xb8;
	[tilespmem:$0x14280] =	vst v63  }
0x19: {  	_ =	swait.ge [sflag:s7], $0x14000  }
.Ltmp1:
0x1a: {  	[sflag:s7] =	ssyncset.done $0x0;
	(pc) =	sbr.rel @p0 .LBB2_1-.Ltmp1, $4  }
0x1b: {  	[sflag:s7] =	ssyncadd.s32 $0xFFFEC000  }
0x1c: {  	[hbm4b:s8+s2] =	stream.linear.scatter [tilespmem:s6], [sflag:$0x2], $0x14000, $0x38;
	[tilespmem:$0x14280] =	vst v63  }
0x1d: {  	_ =	swait.ge [sflag:s3], $0x14000  }
0x1e: {  	[sflag:s3] =	ssyncset.done $0x0  }
.LBB2_2:
0x1f: {  	[sflag:s3] =	ssyncadd.s32 $0xFFFEC000  }
0x20: {  	_ =	sfence.sel $0x180000  }
0x21: {  	[bflag:$0x0] =	sbarrier.arrive $0xFFFF  }
0x22: {  	p0 =	sne.s32 s0, $0x0;
	_ =	strace $0x90000047  }
0x23: {  	s0 =	sadd.s32 @!p0 $0x100000, s1;
	[bflag:$0x2] =	sbarrier.arrive $0xFFFF  }
0x24: {  	[sflag:s0] =	ssyncadd.tile.s32 @!p0 $0x1;
	_ =	shalt  }
.Lfunc_end2:
_tile_overlayer_lowered:
.L_overlay_start_2:
0x25: {  	(tag) =	ssettag $0x2  }
0x26: {  	s0 =	rddreg [dreg:$0x0];
	s2 =	stileid.u32  }
0x27: {  	s1 =	rddreg [dreg:$0x1];
	p0 =	sne.s32 s2, $0x0  }
0x28: {  	s3 =	rddreg [dreg:$0x2];
	[bflag:$0x3] =	sbarrier.arrive $0xFFFF;
	s2 =	simm.s32 @!p0 $0x1C02  }
0x29: {  	[timem:s3], [sflag:s2] =	dma.local @!p0 [hbm:s0], s1  }
0x2a: {  	s0 =	simm.s32 @!p0 $0x2  }
0x2b: {  	_ =	swait.ge @!p0 [sflag:s0], s1  }
0x2c: {  	s1 =	ssub.s32 @!p0 $0x0, s1;
	[sflag:s0] =	ssyncset.done @!p0 $0x0  }
0x2d: {  	[sflag:s0] =	ssyncadd.s32 @!p0 s1  }
0x2e: {  	[bflag:$0x3] =	sbarrier.arrive $0xFFFF  }
0x2f: {  	_ =	shalt  }

// kernel: kernel.19.cloned.1.call-start
scs
__scs_entry_jumppad:
0x0: {  	(pc) =	sbr.rel $0x88, $3  }
0x1: {  	(tag) =	ssettag $0x0;
	lr =	simm.s32 $0x1  }
0x2: {  	[smem:$0x3F7C] =	sst lr;
	_ =	strace $0xD0000000  }
0x3: {  	_ = 	snop  }
0x4: {  	_ = 	snop  }
0x5: {  	_ = 	snop  }
0x6: {  	_ = 	snop  }
0x7: {  	_ = 	snop  }
__scs_overlays_trampoline_lowered:
0x8: {  	[smem:$0x3F8B] =	sst s0  }
0x9: {  	[smem:$0x3F8C] =	sst s1  }
0xa: {  	[smem:$0x3F8D] =	sst s2  }
0xb: {  	[smem:$0x3F8E] =	sst s3  }
0xc: {  	[smem:$0x3F8F] =	sst s4  }
0xd: {  	[smem:$0x3F90] =	sst s5  }
0xe: {  	[smem:$0x3F91] =	sst s6  }
0xf: {  	[smem:$0x3F92] =	sst s7  }
0x10: {  	[smem:$0x3F93] =	sst s8  }
0x11: {  	[smem:$0x3F94] =	sst s9;
	s0 =	simm.s32 @!p0 $0x0  }
0x12: {  	s1 =	sld [smem:$0x3F7A];
	s0 =	simm.s32 @p0 $0x1  }
0x13: {  	[smem:$0x3F95] =	sst s0;
	s0 =	simm.s32 @!p1 $0x0  }
0x14: {  	s2 =	sld [smem:$0x3F79];
	s0 =	simm.s32 @p1 $0x1  }
0x15: {  	[smem:$0x3F96] =	sst s0;
	s0 =	simm.s32 @!p2 $0x0  }
0x16: {  	s3 =	sld [smem:$0x3FDB];
	s0 =	simm.s32 @p2 $0x1  }
0x17: {  	s4 =	simm.s32 $0x1BF5;
	[smem:$0x3F98] =	sst s0  }
0x18: {  	s0 =	sld [smem:$0x3F7B];
	_ =	swait.ge [sflag:s4], $0x0  }
0x19: {  	s7 =	sld [smem:$0x3F7C]  }
0x1a: {  	s8 =	sadd.s32 $0xFFFFE003, lr  }
0x1b: {  	s9 =	sadd.s32 $0xFFFFFEF7, lr;
	s5 =	simm.s32 $0xFFFFFFFF;
	p2 =	slt.u32 s8, $0xFFFFF086  }
0x1c: {  	p1 =	slt.u32 s9, $0xF7A;
	s5 =	simm.s32 @!p2 $0x0  }
0x1d: {  	s5 =	simm.s32 @p1 $0x1;
	p0 =	seq.s32 s7, s2  }
0x1e: {  	s7 =	smul.u32 @!p0 $0xF7A, s2;
	p2 =	seq.s32 @!p0 s5, $0x0  }
0x1f: {  	s9 =	smul.u32 $0xF7A, s1;
	s8 =	simm.s32 @!p0 $0x1BF5;
	p2 =	por !p2, p0  }
0x20: {  	[sflag:s8] =	ssyncset.s32 @!p0 $0xFFFFF086;
	s6 =	sadd.s32 @!p0 s3, s7;
	s7 =	simm.s32 @!p0 $0x108  }
0x21: {  	s3 =	sadd.s32 s3, s9;
	s6 =	sadd.s32 @!p0 $0x88, s6;
	s7 =	simm.s32 @p2 $0x1082  }
0x22: {  	[simem:s7], [sflag:s8] =	dma.local @!p0 [hbm:s6], $0xF7A  }
0x23: {  	s9 =	sor.u32 $0xD0000000, s2;
	s6 =	simm.s32 $0x108;
	_ =	swait.ge @!p0 [sflag:s8], $0x0  }
0x24: {  	s3 =	sadd.s32 $0x88, s3;
	s6 =	simm.s32 @!p1 $0x1082;
	[sflag:s4] =	ssyncset.s32 $0xFFFFF086  }
0x25: {  	[simem:s6], [sflag:s4] =	dma.local [hbm:s3], $0xF7A  }
0x26: {  	[smem:$0x3F7C] =	sst s1;
	(tag) =	ssettag s2;
	_ =	strace s9  }
0x27: {  	s1 =	sld [smem:$0x3F8C]  }
0x28: {  	s2 =	sld [smem:$0x3F8D]  }
0x29: {  	s4 =	sld [smem:$0x3F8F]  }
0x2a: {  	p0 =	seq.s32 s5, $0x0;
	s5 =	sld [smem:$0x3F90]  }
0x2b: {  	s6 =	sld [smem:$0x3F91]  }
0x2c: {  	s7 =	sld [smem:$0x3F92]  }
0x2d: {  	s3 =	simm.s32 $0x108;
	s8 =	sld [smem:$0x3F93]  }
0x2e: {  	s3 =	simm.s32 @!p0 $0x1082;
	s9 =	sld [smem:$0x3F94]  }
0x2f: {  	lr =	sadd.s32 s0, s3;
	s0 =	sld [smem:$0x3F8B]  }
0x30: {  	s3 =	sld [smem:$0x3F8E]  }
0x31: {  	[smem:$0x3F97] =	sst s10  }
0x32: {  	s10 =	sld [smem:$0x3F95];
	_ =	sdelay $0x3  }
0x33: {  	p0 =	seq.s32 s10, $0x1;
	s10 =	sld [smem:$0x3F97];
	_ =	sdelay $0x3  }
0x34: {  	[smem:$0x3F97] =	sst s10  }
0x35: {  	s10 =	sld [smem:$0x3F96];
	_ =	sdelay $0x3  }
0x36: {  	p1 =	seq.s32 s10, $0x1;
	s10 =	sld [smem:$0x3F97];
	_ =	sdelay $0x3  }
0x37: {  	[smem:$0x3F97] =	sst s10  }
0x38: {  	s10 =	sld [smem:$0x3F98]  }
0x39: {  	_ = 	snop;
	(pc) =	sbr.ind lr, $3  }
0x3a: {  	_ = 	snop  }
0x3b: {  	_ = 	snop  }
0x3c: {  	p2 =	seq.s32 s10, $0x1;
	s10 =	sld [smem:$0x3F97]  }
0x3d: {  	_ =	shalt  }
0x3e: {  	_ =	shalt  }
0x3f: {  	_ =	shalt  }
0x40: {  	_ =	shalt  }
0x41: {  	_ =	shalt  }
0x42: {  	_ =	shalt  }
0x43: {  	_ =	shalt  }
0x44: {  	_ =	shalt  }
0x45: {  	_ =	shalt  }
0x46: {  	_ =	shalt  }
0x47: {  	_ =	shalt  }
0x48: {  	_ =	shalt  }
0x49: {  	_ =	shalt  }
0x4a: {  	_ =	shalt  }
0x4b: {  	_ =	shalt  }
0x4c: {  	_ =	shalt  }
0x4d: {  	_ =	shalt  }
0x4e: {  	_ =	shalt  }
0x4f: {  	_ =	shalt  }
0x50: {  	_ =	shalt  }
0x51: {  	_ =	shalt  }
0x52: {  	_ =	shalt  }
0x53: {  	_ =	shalt  }
0x54: {  	_ =	shalt  }
0x55: {  	_ =	shalt  }
0x56: {  	_ =	shalt  }
0x57: {  	_ =	shalt  }
0x58: {  	_ =	shalt  }
0x59: {  	_ =	shalt  }
0x5a: {  	_ =	shalt  }
0x5b: {  	_ =	shalt  }
0x5c: {  	_ =	shalt  }
0x5d: {  	_ =	shalt  }
0x5e: {  	_ =	shalt  }
0x5f: {  	_ =	shalt  }
0x60: {  	_ =	shalt  }
0x61: {  	_ =	shalt  }
0x62: {  	_ =	shalt  }
0x63: {  	_ =	shalt  }
0x64: {  	_ =	shalt  }
0x65: {  	_ =	shalt  }
0x66: {  	_ =	shalt  }
0x67: {  	_ =	shalt  }
0x68: {  	_ =	shalt  }
0x69: {  	_ =	shalt  }
0x6a: {  	_ =	shalt  }
0x6b: {  	_ =	shalt  }
0x6c: {  	_ =	shalt  }
0x6d: {  	_ =	shalt  }
0x6e: {  	_ =	shalt  }
0x6f: {  	_ =	shalt  }
0x70: {  	_ =	shalt  }
0x71: {  	_ =	shalt  }
0x72: {  	_ =	shalt  }
0x73: {  	_ =	shalt  }
0x74: {  	_ =	shalt  }
0x75: {  	_ =	shalt  }
0x76: {  	_ =	shalt  }
0x77: {  	_ =	shalt  }
0x78: {  	_ =	shalt  }
0x79: {  	_ =	shalt  }
0x7a: {  	_ =	shalt  }
0x7b: {  	_ =	shalt  }
0x7c: {  	_ =	shalt  }
0x7d: {  	_ =	shalt  }
0x7e: {  	_ =	shalt  }
0x7f: {  	_ =	shalt  }
0x80: {  	_ =	shalt  }
0x81: {  	_ =	shalt  }
0x82: {  	_ =	shalt  }
0x83: {  	_ =	shalt  }
0x84: {  	_ =	shalt  }
0x85: {  	_ =	shalt  }
0x86: {  	_ =	shalt  }
0x87: {  	_ =	shalt  }
.Lfunc_end0:
.L_simem_size_0:
called_computation.1_lowered:
.L_overlay_start_0:
0x88: {  	s2 =	sld [smem:$0x3FD9]  }
0x89: {  	s3 =	sld [smem:$0x3FFE];
	_ =	sdelay $0x1  }
0x8a: {  	s1 =	srdreg.scid  }
0x8b: {  	s0 =	sand.u32 $0x1, s1  }
0x8c: {  	s17 =	sshll.u32 s0, $0xA;
	s2 =	sadd.s32 s3, s2  }
0x8d: {  	s2 =	sadd.s32 s2, s17  }
0x8e: {  	[smem:$0x3FA3] =	sst s2  }
0x8f: {  	_ = 	snop  }
0x90: {  	s18 =	sld [smem:$0x3FD0];
	(tm) =	ssettm $0x1  }
0x91: {  	s19 =	sld [smem:$0x3FFB];
	_ =	sdelay $0x3  }
0x92: {  	_ =	strace s19  }
0x93: {  	s2 =	sld [smem:$0x3FFC];
	_ =	sdelay $0x3  }
0x94: {  	_ =	strace s2  }
0x95: {  	s2 =	sld [smem:$0x3FFD];
	_ =	sdelay $0x3  }
0x96: {  	_ =	strace s2  }
0x97: {  	_ =	strace $0x8FFFFFFF  }
0x98: {  	s20 =	sld [smem:$0x3FDB];
	_ =	sdelay $0x1  }
0x99: {  	s4 =	simm.s32 $_scs_section_size  }
0x9a: {  	s5 =	simm.s32 $_size__tile_overlayer_lowered;
	s6 =	simm.s32 $_tile_overlayer_lowered  }
0x9b: {  	s7 =	simm.s32 $0x1BFF;
	s21 =	sshll.u32 s6, $0x1;
	s4 =	sadd.s32 s4, s20  }
0x9c: {  	s22 =	simm.s32 $0x0;
	s5 =	sshll.u32 s5, $0x1;
	s6 =	sadd.s32 s21, s4  }
0x9d: {  	[timem:s22], [sflag:s7] =	dma.local [hbm:s6], s5  }
0x9e: {  	_ =	swait.ge [sflag:s7], s5  }
0x9f: {  	s5 =	ssub.s32 $0x0, s5;
	[sflag:s7] =	ssyncset.done $0x0  }
0xa0: {  	[sflag:s7] =	ssyncadd.s32 s5;
	_ =	sdelay $0x1  }
0xa1: {  	s23 =	simm.s32 $0x1B8B  }
0xa2: {  	_ =	swait.ge [sflag:s23], $0x1  }
0xa3: {  	[sflag:s23] =	ssyncset.done $0x0  }
0xa4: {  	[sflag:s23] =	ssyncadd.s32 $0xFFFFFFFF  }
0xa5: {  	s5 =	sld [smem:$0x0]  }
0xa6: {  	s6 =	sand.u32 $0xFFFFFFFE, s1  }
0xa7: {  	p0 =	sne.s32 s1, s6  }
0xa8: {  	s6 =	sshll.u32 @p0 s6, $0xE  }
0xa9: {  	s6 =	sadd.s32 @p0 $0x11B8D, s6;
	s7 =	sshll.u32 @p0 s5, $0x11  }
0xaa: {  	s6 =	sor.u32 @p0 s7, s6  }
0xab: {  	[sflag:s6] =	ssyncadd.remote.s32 @p0 $0x1;
	_ =	sdelay $0x1  }
0xac: {  	s6 =	simm.s32 @p0 $0x1B8D  }
0xad: {  	_ =	swait.eq @p0 [sflag:s6], $0x1  }
0xae: {  	[sflag:s6] =	ssyncadd.s32 @p0 $0xFFFFFFFF  }
0xaf: {  	s7 =	sshll.u32 @!p0 s1, $0xE  }
0xb0: {  	s7 =	sor.u32 @!p0 $0x4000, s7;
	s6 =	simm.s32 @!p0 $0x1B8D  }
0xb1: {  	s5 =	sshll.u32 @!p0 s5, $0x11;
	s7 =	sadd.s32 @!p0 $0x11B8D, s7;
	_ =	swait.eq @!p0 [sflag:s6], $0x1  }
0xb2: {  	s5 =	sor.u32 @!p0 s5, s7;
	[sflag:s6] =	ssyncadd.s32 @!p0 $0xFFFFFFFF  }
0xb3: {  	s25 =	simm.s32 $0x1B8E;
	s24 =	sld [smem:$0x3FFE];
	[sflag:s5] =	ssyncadd.remote.s32 @!p0 $0x1  }
0xb4: {  	s26 =	simm.s32 $execute0_lowered;
	[smem:$0x3FD2] =	sst s25  }
0xb5: {  	s6 =	sshll.u32 s26, $0x1;
	_ =	strace $0x80000049;
	[dreg:$0x1] =	wrdreg $0xFFFFFFFF  }
0xb6: {  	s28 =	simm.s32 $_size_execute0_lowered;
	s4 =	sadd.s32 s4, s6;
	[dreg:$0x0] =	wrdreg $0x0  }
0xb7: {  	s6 =	sshll.u32 s28, $0x1;
	[dreg:$0x2] =	wrdreg s4  }
0xb8: {  	[dreg:$0x3] =	wrdreg s6  }
0xb9: {  	[dreg:$0x4] =	wrdreg $0xC0  }
0xba: {  	_ =	task [dreg:s22], $0x5FFFF  }
0xbb: {  	[dreg:$0x1] =	wrdreg $0xFFFFFFFF  }
0xbc: {  	[dreg:$0x0] =	wrdreg $0x60  }
0xbd: {  	[dreg:$0x2] =	wrdreg s24  }
0xbe: {  	[dreg:$0x3] =	wrdreg s18  }
0xbf: {  	[dreg:$0x4] =	wrdreg $0x9  }
0xc0: {  	_ =	task.clear_ibuf [dreg:s22], $0x5FFFF;
	_ =	strace $0x90000049  }
0xc1: {  	s29 =	simm.s32 $0x9;
	_ =	strace $0x8000004B  }
0xc2: {  	_ =	swait.ge [sflag:s29], $0x1  }
0xc3: {  	[sflag:s29] =	ssyncadd.s32 $0xFFFFFFFF  }
0xc4: {  	_ =	strace $0x9000004B  }
0xc5: {  	_ =	sfence  }
0xc6: {  	s30 =	sld [smem:$0x0];
	_ =	sdelay $0x2  }
0xc7: {  	s31 =	sshll.u32 s1, $0xD;
	s1 =	sshrl.u32 s1, $0x2  }
0xc8: {  	s4 =	sand.u32 $0x4000, s31;
	s1 =	sadd.s32 s1, s30  }
0xc9: {  	s0 =	sor.u32 s4, s0;
	s1 =	sshll.u32 s1, $0x11  }
0xca: {  	s0 =	sor.u32 s1, s0  }
0xcb: {  	s0 =	sadd.s32 $0x8F2B, s0  }
0xcc: {  	[sflag:s0] =	ssyncadd.remote.s32 $0x1  }
0xcd: {  	_ =	sfence.sel $0xFFFF  }
0xce: {  	[dreg:$0x0] =	wrdreg $0xFFFFFFFF;
	(pc) =	sbr.abs _section_cstart, $3  }
0xcf: {  	[dreg:$0x1] =	wrdreg $0xFFFFFFFF  }
0xd0: {  	_ =	task.clear_ibuf [dreg:s22], $0x2FFFF;
	_ =	strace $0x9FFFFFFF  }
0xd1: {  	(tm) =	ssettm $0x7FFFFFFF  }
tec
execute0_lowered:
.L_overlay_start_1:
0x0: {  	(tag) =	ssettag $0x1  }
0x1: {  	s1 =	srdreg.scid;
	s0 =	stileid.u32  }
0x2: {  	s6 =	sand.u32 $0x1, s1;
	s30 =	sshll.u32 s0, $0x1  }
0x3: {  	s5 =	rddreg [dreg:$0x0];
	s8 =	sor.u32 s6, s30  }
0x4: {  	s9 =	rddreg [dreg:$0x1];
	s2 =	simm.s32 $0x0;
	s3 =	smul.u32 $0x50, s8  }
0x5: {  	[smem:$0x7FF] =	sst s2  }
0x6: {  	s1 =	rddreg [dreg:$0x2];
	_ =	strace $0x8000004A;
	s3 =	sadd.s32 s3, s5  }
0x7: {  	s10 =	ssub.s32 $0x2, s6;
	s4 =	sadd.s32 $0x60E00, s3;
	s3 =	simm.s32 $0x2  }
0x8: {  	[tilespmem:s2], [sflag:$0x2] =	stream.linear.gather [hbm4b:s4+s2], $0x280, $0x38;
	[tilespmem:$0x14280] =	vst v63  }
0x9: {  	s7 =	simm.s32 $0x1;
	s11 =	sshrl.u32 s10, $0x1;
	_ =	swait.ge [sflag:s3], $0x280  }
0xa: {  	s6 =	simm.s32 $0x280;
	s10 =	ssub.s32 s10, s11;
	[sflag:s3] =	ssyncset.done $0x0  }
0xb: {  	s5 =	sadd.s32 $0x6400, s5;
	s31 =	smax.u32 s10, $0x1;
	[sflag:s3] =	ssyncadd.s32 $0xFFFFFD80  }
0xc: {  	[tilespmem:s6], [sflag:$0x1] =	stream.indirect.gather [hbm4b:s5+s6], $0x80, s2, s6, $0xb8;
	[tilespmem:$0x14280] =	vst v63  }
0xd: {  	s8 =	smul.u32 $0x2800, s8;
	p0 =	sne.s32 s31, $0x1;
	_ =	swait.ge [sflag:s7], $0x14000  }
.Ltmp0:
0xe: {  	[sflag:s7] =	ssyncset.done $0x0;
	(pc) =	sbr.rel @!p0 .LBB2_2-.Ltmp0, $4  }
0xf: {  	s8 =	sadd.s32 s9, s8;
	[sflag:s7] =	ssyncadd.s32 $0xFFFEC000  }
0x10: {  	[hbm4b:s8+s2] =	stream.linear.scatter [tilespmem:s6], [sflag:$0x2], $0x14000, $0x38;
	[tilespmem:$0x14280] =	vst v63  }
0x11: {  	_ =	swait.ge [sflag:s3], $0x14000  }
0x12: {  	s9 =	sadd.s32 $0xFFFFFFFF, s31;
	[sflag:s3] =	ssyncset.done $0x0  }
.LBB2_1:
0x13: {  	p0 =	sne.s32 s9, $0x1;
	s9 =	sadd.s32 $0xFFFFFFFF, s9;
	[sflag:s3] =	ssyncadd.s32 $0xFFFEC000  }
0x14: {  	[tilespmem:s2], [sflag:$0x2] =	stream.linear.gather [hbm4b:s4+s2], $0x280, $0x38;
	[tilespmem:$0x14280] =	vst v63  }
0x15: {  	_ =	swait.ge [sflag:s3], $0x280  }
0x16: {  	[sflag:s3] =	ssyncset.done $0x0  }
0x17: {  	[sflag:s3] =	ssyncadd.s32 $0xFFFFFD80  }
0x18: {  	[tilespmem:s6], [sflag:$0x1] =	stream.indirect.gather [hbm4b:s5+s6], $0x80, s2, s6, $0xb8;
	[tilespmem:$0x14280] =	vst v63  }
0x19: {  	_ =	swait.ge [sflag:s7], $0x14000  }
.Ltmp1:
0x1a: {  	[sflag:s7] =	ssyncset.done $0x0;
	(pc) =	sbr.rel @p0 .LBB2_1-.Ltmp1, $4  }
0x1b: {  	[sflag:s7] =	ssyncadd.s32 $0xFFFEC000  }
0x1c: {  	[hbm4b:s8+s2] =	stream.linear.scatter [tilespmem:s6], [sflag:$0x2], $0x14000, $0x38;
	[tilespmem:$0x14280] =	vst v63  }
0x1d: {  	_ =	swait.ge [sflag:s3], $0x14000  }
0x1e: {  	[sflag:s3] =	ssyncset.done $0x0  }
.LBB2_2:
0x1f: {  	[sflag:s3] =	ssyncadd.s32 $0xFFFEC000  }
0x20: {  	_ =	sfence.sel $0x180000  }
0x21: {  	[bflag:$0x0] =	sbarrier.arrive $0xFFFF  }
0x22: {  	p0 =	sne.s32 s0, $0x0;
	_ =	strace $0x9000004A  }
0x23: {  	s0 =	sadd.s32 @!p0 $0x100000, s1;
	[bflag:$0x2] =	sbarrier.arrive $0xFFFF  }
0x24: {  	[sflag:s0] =	ssyncadd.tile.s32 @!p0 $0x1;
	_ =	shalt  }
.Lfunc_end2:
_tile_overlayer_lowered:
.L_overlay_start_2:
0x25: {  	(tag) =	ssettag $0x2  }
0x26: {  	s0 =	rddreg [dreg:$0x0];
	s2 =	stileid.u32  }
0x27: {  	s1 =	rddreg [dreg:$0x1];
	p0 =	sne.s32 s2, $0x0  }
0x28: {  	s3 =	rddreg [dreg:$0x2];
	[bflag:$0x3] =	sbarrier.arrive $0xFFFF;
	s2 =	simm.s32 @!p0 $0x1C02  }
0x29: {  	[timem:s3], [sflag:s2] =	dma.local @!p0 [hbm:s0], s1  }
0x2a: {  	s0 =	simm.s32 @!p0 $0x2  }
0x2b: {  	_ =	swait.ge @!p0 [sflag:s0], s1  }
0x2c: {  	s1 =	ssub.s32 @!p0 $0x0, s1;
	[sflag:s0] =	ssyncset.done @!p0 $0x0  }
0x2d: {  	[sflag:s0] =	ssyncadd.s32 @!p0 s1  }
0x2e: {  	[bflag:$0x3] =	sbarrier.arrive $0xFFFF  }
0x2f: {  	_ =	shalt  }

// kernel: kernel.22.cloned.1.call-start
scs
__scs_entry_jumppad:
0x0: {  	(pc) =	sbr.rel $0x88, $3  }
0x1: {  	(tag) =	ssettag $0x0;
	lr =	simm.s32 $0x1  }
0x2: {  	[smem:$0x3F7C] =	sst lr;
	_ =	strace $0xD0000000  }
0x3: {  	_ = 	snop  }
0x4: {  	_ = 	snop  }
0x5: {  	_ = 	snop  }
0x6: {  	_ = 	snop  }
0x7: {  	_ = 	snop  }
__scs_overlays_trampoline_lowered:
0x8: {  	[smem:$0x3F8B] =	sst s0  }
0x9: {  	[smem:$0x3F8C] =	sst s1  }
0xa: {  	[smem:$0x3F8D] =	sst s2  }
0xb: {  	[smem:$0x3F8E] =	sst s3  }
0xc: {  	[smem:$0x3F8F] =	sst s4  }
0xd: {  	[smem:$0x3F90] =	sst s5  }
0xe: {  	[smem:$0x3F91] =	sst s6  }
0xf: {  	[smem:$0x3F92] =	sst s7  }
0x10: {  	[smem:$0x3F93] =	sst s8  }
0x11: {  	[smem:$0x3F94] =	sst s9;
	s0 =	simm.s32 @!p0 $0x0  }
0x12: {  	s1 =	sld [smem:$0x3F7A];
	s0 =	simm.s32 @p0 $0x1  }
0x13: {  	[smem:$0x3F95] =	sst s0;
	s0 =	simm.s32 @!p1 $0x0  }
0x14: {  	s2 =	sld [smem:$0x3F79];
	s0 =	simm.s32 @p1 $0x1  }
0x15: {  	[smem:$0x3F96] =	sst s0;
	s0 =	simm.s32 @!p2 $0x0  }
0x16: {  	s3 =	sld [smem:$0x3FDB];
	s0 =	simm.s32 @p2 $0x1  }
0x17: {  	s4 =	simm.s32 $0x1BF5;
	[smem:$0x3F98] =	sst s0  }
0x18: {  	s0 =	sld [smem:$0x3F7B];
	_ =	swait.ge [sflag:s4], $0x0  }
0x19: {  	s7 =	sld [smem:$0x3F7C]  }
0x1a: {  	s8 =	sadd.s32 $0xFFFFE003, lr  }
0x1b: {  	s9 =	sadd.s32 $0xFFFFFEF7, lr;
	s5 =	simm.s32 $0xFFFFFFFF;
	p2 =	slt.u32 s8, $0xFFFFF086  }
0x1c: {  	p1 =	slt.u32 s9, $0xF7A;
	s5 =	simm.s32 @!p2 $0x0  }
0x1d: {  	s5 =	simm.s32 @p1 $0x1;
	p0 =	seq.s32 s7, s2  }
0x1e: {  	s7 =	smul.u32 @!p0 $0xF7A, s2;
	p2 =	seq.s32 @!p0 s5, $0x0  }
0x1f: {  	s9 =	smul.u32 $0xF7A, s1;
	s8 =	simm.s32 @!p0 $0x1BF5;
	p2 =	por !p2, p0  }
0x20: {  	[sflag:s8] =	ssyncset.s32 @!p0 $0xFFFFF086;
	s6 =	sadd.s32 @!p0 s3, s7;
	s7 =	simm.s32 @!p0 $0x108  }
0x21: {  	s3 =	sadd.s32 s3, s9;
	s6 =	sadd.s32 @!p0 $0x88, s6;
	s7 =	simm.s32 @p2 $0x1082  }
0x22: {  	[simem:s7], [sflag:s8] =	dma.local @!p0 [hbm:s6], $0xF7A  }
0x23: {  	s9 =	sor.u32 $0xD0000000, s2;
	s6 =	simm.s32 $0x108;
	_ =	swait.ge @!p0 [sflag:s8], $0x0  }
0x24: {  	s3 =	sadd.s32 $0x88, s3;
	s6 =	simm.s32 @!p1 $0x1082;
	[sflag:s4] =	ssyncset.s32 $0xFFFFF086  }
0x25: {  	[simem:s6], [sflag:s4] =	dma.local [hbm:s3], $0xF7A  }
0x26: {  	[smem:$0x3F7C] =	sst s1;
	(tag) =	ssettag s2;
	_ =	strace s9  }
0x27: {  	s1 =	sld [smem:$0x3F8C]  }
0x28: {  	s2 =	sld [smem:$0x3F8D]  }
0x29: {  	s4 =	sld [smem:$0x3F8F]  }
0x2a: {  	p0 =	seq.s32 s5, $0x0;
	s5 =	sld [smem:$0x3F90]  }
0x2b: {  	s6 =	sld [smem:$0x3F91]  }
0x2c: {  	s7 =	sld [smem:$0x3F92]  }
0x2d: {  	s3 =	simm.s32 $0x108;
	s8 =	sld [smem:$0x3F93]  }
0x2e: {  	s3 =	simm.s32 @!p0 $0x1082;
	s9 =	sld [smem:$0x3F94]  }
0x2f: {  	lr =	sadd.s32 s0, s3;
	s0 =	sld [smem:$0x3F8B]  }
0x30: {  	s3 =	sld [smem:$0x3F8E]  }
0x31: {  	[smem:$0x3F97] =	sst s10  }
0x32: {  	s10 =	sld [smem:$0x3F95];
	_ =	sdelay $0x3  }
0x33: {  	p0 =	seq.s32 s10, $0x1;
	s10 =	sld [smem:$0x3F97];
	_ =	sdelay $0x3  }
0x34: {  	[smem:$0x3F97] =	sst s10  }
0x35: {  	s10 =	sld [smem:$0x3F96];
	_ =	sdelay $0x3  }
0x36: {  	p1 =	seq.s32 s10, $0x1;
	s10 =	sld [smem:$0x3F97];
	_ =	sdelay $0x3  }
0x37: {  	[smem:$0x3F97] =	sst s10  }
0x38: {  	s10 =	sld [smem:$0x3F98]  }
0x39: {  	_ = 	snop;
	(pc) =	sbr.ind lr, $3  }
0x3a: {  	_ = 	snop  }
0x3b: {  	_ = 	snop  }
0x3c: {  	p2 =	seq.s32 s10, $0x1;
	s10 =	sld [smem:$0x3F97]  }
0x3d: {  	_ =	shalt  }
0x3e: {  	_ =	shalt  }
0x3f: {  	_ =	shalt  }
0x40: {  	_ =	shalt  }
0x41: {  	_ =	shalt  }
0x42: {  	_ =	shalt  }
0x43: {  	_ =	shalt  }
0x44: {  	_ =	shalt  }
0x45: {  	_ =	shalt  }
0x46: {  	_ =	shalt  }
0x47: {  	_ =	shalt  }
0x48: {  	_ =	shalt  }
0x49: {  	_ =	shalt  }
0x4a: {  	_ =	shalt  }
0x4b: {  	_ =	shalt  }
0x4c: {  	_ =	shalt  }
0x4d: {  	_ =	shalt  }
0x4e: {  	_ =	shalt  }
0x4f: {  	_ =	shalt  }
0x50: {  	_ =	shalt  }
0x51: {  	_ =	shalt  }
0x52: {  	_ =	shalt  }
0x53: {  	_ =	shalt  }
0x54: {  	_ =	shalt  }
0x55: {  	_ =	shalt  }
0x56: {  	_ =	shalt  }
0x57: {  	_ =	shalt  }
0x58: {  	_ =	shalt  }
0x59: {  	_ =	shalt  }
0x5a: {  	_ =	shalt  }
0x5b: {  	_ =	shalt  }
0x5c: {  	_ =	shalt  }
0x5d: {  	_ =	shalt  }
0x5e: {  	_ =	shalt  }
0x5f: {  	_ =	shalt  }
0x60: {  	_ =	shalt  }
0x61: {  	_ =	shalt  }
0x62: {  	_ =	shalt  }
0x63: {  	_ =	shalt  }
0x64: {  	_ =	shalt  }
0x65: {  	_ =	shalt  }
0x66: {  	_ =	shalt  }
0x67: {  	_ =	shalt  }
0x68: {  	_ =	shalt  }
0x69: {  	_ =	shalt  }
0x6a: {  	_ =	shalt  }
0x6b: {  	_ =	shalt  }
0x6c: {  	_ =	shalt  }
0x6d: {  	_ =	shalt  }
0x6e: {  	_ =	shalt  }
0x6f: {  	_ =	shalt  }
0x70: {  	_ =	shalt  }
0x71: {  	_ =	shalt  }
0x72: {  	_ =	shalt  }
0x73: {  	_ =	shalt  }
0x74: {  	_ =	shalt  }
0x75: {  	_ =	shalt  }
0x76: {  	_ =	shalt  }
0x77: {  	_ =	shalt  }
0x78: {  	_ =	shalt  }
0x79: {  	_ =	shalt  }
0x7a: {  	_ =	shalt  }
0x7b: {  	_ =	shalt  }
0x7c: {  	_ =	shalt  }
0x7d: {  	_ =	shalt  }
0x7e: {  	_ =	shalt  }
0x7f: {  	_ =	shalt  }
0x80: {  	_ =	shalt  }
0x81: {  	_ =	shalt  }
0x82: {  	_ =	shalt  }
0x83: {  	_ =	shalt  }
0x84: {  	_ =	shalt  }
0x85: {  	_ =	shalt  }
0x86: {  	_ =	shalt  }
0x87: {  	_ =	shalt  }
.Lfunc_end0:
.L_simem_size_0:
called_computation.2_lowered:
.L_overlay_start_0:
0x88: {  	s2 =	sld [smem:$0x3FD9]  }
0x89: {  	s3 =	sld [smem:$0x3FFE];
	_ =	sdelay $0x1  }
0x8a: {  	s1 =	srdreg.scid  }
0x8b: {  	s0 =	sand.u32 $0x1, s1  }
0x8c: {  	s17 =	sshll.u32 s0, $0xA;
	s2 =	sadd.s32 s3, s2  }
0x8d: {  	s2 =	sadd.s32 s2, s17  }
0x8e: {  	[smem:$0x3FA3] =	sst s2  }
0x8f: {  	_ = 	snop  }
0x90: {  	(tm) =	ssettm $0x1  }
0x91: {  	s18 =	sld [smem:$0x3FFB];
	_ =	sdelay $0x3  }
0x92: {  	_ =	strace s18  }
0x93: {  	s2 =	sld [smem:$0x3FFC];
	_ =	sdelay $0x3  }
0x94: {  	_ =	strace s2  }
0x95: {  	s2 =	sld [smem:$0x3FFD];
	_ =	sdelay $0x3  }
0x96: {  	_ =	strace s2  }
0x97: {  	_ =	strace $0x8FFFFFFF  }
0x98: {  	s19 =	sld [smem:$0x3FDB];
	_ =	sdelay $0x1  }
0x99: {  	s20 =	simm.s32 $_scs_section_size  }
0x9a: {  	s4 =	simm.s32 $_size__tile_overlayer_lowered;
	s5 =	simm.s32 $_tile_overlayer_lowered  }
0x9b: {  	s6 =	simm.s32 $0x1BFF;
	s21 =	sshll.u32 s5, $0x1;
	s3 =	sadd.s32 s20, s19  }
0x9c: {  	s22 =	simm.s32 $0x0;
	s4 =	sshll.u32 s4, $0x1;
	s5 =	sadd.s32 s21, s3  }
0x9d: {  	[timem:s22], [sflag:s6] =	dma.local [hbm:s5], s4  }
0x9e: {  	_ =	swait.ge [sflag:s6], s4  }
0x9f: {  	s4 =	ssub.s32 $0x0, s4;
	[sflag:s6] =	ssyncset.done $0x0  }
0xa0: {  	[sflag:s6] =	ssyncadd.s32 s4;
	_ =	sdelay $0x1  }
0xa1: {  	s23 =	simm.s32 $0x1B8B  }
0xa2: {  	_ =	swait.ge [sflag:s23], $0x1  }
0xa3: {  	[sflag:s23] =	ssyncset.done $0x0  }
0xa4: {  	[sflag:s23] =	ssyncadd.s32 $0xFFFFFFFF  }
0xa5: {  	s4 =	sld [smem:$0x0]  }
0xa6: {  	s5 =	sand.u32 $0xFFFFFFFE, s1  }
0xa7: {  	p0 =	sne.s32 s1, s5  }
0xa8: {  	s5 =	sshll.u32 @p0 s5, $0xE  }
0xa9: {  	s5 =	sadd.s32 @p0 $0x11B8D, s5;
	s6 =	sshll.u32 @p0 s4, $0x11  }
0xaa: {  	s5 =	sor.u32 @p0 s6, s5  }
0xab: {  	[sflag:s5] =	ssyncadd.remote.s32 @p0 $0x1;
	_ =	sdelay $0x1  }
0xac: {  	s5 =	simm.s32 @p0 $0x1B8D  }
0xad: {  	_ =	swait.eq @p0 [sflag:s5], $0x1  }
0xae: {  	[sflag:s5] =	ssyncadd.s32 @p0 $0xFFFFFFFF  }
0xaf: {  	s6 =	sshll.u32 @!p0 s1, $0xE  }
0xb0: {  	s6 =	sor.u32 @!p0 $0x4000, s6;
	s5 =	simm.s32 @!p0 $0x1B8D  }
0xb1: {  	s4 =	sshll.u32 @!p0 s4, $0x11;
	s6 =	sadd.s32 @!p0 $0x11B8D, s6;
	_ =	swait.eq @!p0 [sflag:s5], $0x1  }
0xb2: {  	s4 =	sor.u32 @!p0 s4, s6;
	[sflag:s5] =	ssyncadd.s32 @!p0 $0xFFFFFFFF  }
0xb3: {  	s25 =	simm.s32 $0x1B8E;
	s24 =	sld [smem:$0x3FFE];
	[sflag:s4] =	ssyncadd.remote.s32 @!p0 $0x1  }
0xb4: {  	s26 =	simm.s32 $execute0_lowered;
	[smem:$0x3FD2] =	sst s25  }
0xb5: {  	s5 =	sshll.u32 s26, $0x1;
	_ =	strace $0x8000004C;
	[dreg:$0x1] =	wrdreg $0xFFFFFFFF  }
0xb6: {  	s28 =	simm.s32 $_size_execute0_lowered;
	s3 =	sadd.s32 s3, s5;
	[dreg:$0x0] =	wrdreg $0x0  }
0xb7: {  	s5 =	sshll.u32 s28, $0x1;
	[dreg:$0x2] =	wrdreg s3  }
0xb8: {  	[dreg:$0x3] =	wrdreg s5  }
0xb9: {  	[dreg:$0x4] =	wrdreg $0xC0  }
0xba: {  	_ =	task [dreg:s22], $0x5FFFF  }
0xbb: {  	[dreg:$0x1] =	wrdreg $0xFFFFFFFF  }
0xbc: {  	[dreg:$0x0] =	wrdreg $0x60  }
0xbd: {  	[dreg:$0x2] =	wrdreg s24  }
0xbe: {  	[dreg:$0x3] =	wrdreg $0xA  }
0xbf: {  	_ =	task.clear_ibuf [dreg:s22], $0x4FFFF;
	_ =	strace $0x9000004C  }
0xc0: {  	s29 =	simm.s32 $0xA;
	_ =	strace $0x8000004E  }
0xc1: {  	_ =	swait.ge [sflag:s29], $0x1  }
0xc2: {  	[sflag:s29] =	ssyncadd.s32 $0xFFFFFFFF  }
0xc3: {  	_ =	strace $0x9000004E  }
0xc4: {  	_ =	sfence  }
0xc5: {  	s30 =	sld [smem:$0x0];
	_ =	sdelay $0x2  }
0xc6: {  	s31 =	sshll.u32 s1, $0xD;
	s1 =	sshrl.u32 s1, $0x2  }
0xc7: {  	s4 =	sand.u32 $0x4000, s31;
	s1 =	sadd.s32 s1, s30  }
0xc8: {  	s0 =	sor.u32 s4, s0;
	s1 =	sshll.u32 s1, $0x11  }
0xc9: {  	s0 =	sor.u32 s1, s0  }
0xca: {  	s0 =	sadd.s32 $0x8F2B, s0  }
0xcb: {  	[sflag:s0] =	ssyncadd.remote.s32 $0x1  }
0xcc: {  	_ =	sfence.sel $0xFFFF  }
0xcd: {  	[dreg:$0x0] =	wrdreg $0xFFFFFFFF;
	(pc) =	sbr.abs _section_cstart, $3  }
0xce: {  	[dreg:$0x1] =	wrdreg $0xFFFFFFFF  }
0xcf: {  	_ =	task.clear_ibuf [dreg:s22], $0x2FFFF;
	_ =	strace $0x9FFFFFFF  }
0xd0: {  	(tm) =	ssettm $0x7FFFFFFF  }
0xd1: {  	_ =	shalt  }
tec
execute0_lowered:
.L_overlay_start_1:
0x0: {  	(tag) =	ssettag $0x1  }
0x1: {  	s1 =	srdreg.scid;
	s0 =	stileid.u32  }
0x2: {  	s6 =	sand.u32 $0x1, s1;
	s30 =	sshll.u32 s0, $0x1  }
0x3: {  	s8 =	rddreg [dreg:$0x0];
	s7 =	sor.u32 s6, s30  }
0x4: {  	s2 =	simm.s32 $0x0;
	s1 =	rddreg [dreg:$0x1];
	s3 =	smul.u32 $0x50, s7  }
0x5: {  	[smem:$0x7FF] =	sst s2;
	s5 =	sadd.s32 $0x10E00, s8  }
0x6: {  	_ =	strace $0x8000004D;
	s10 =	ssub.s32 $0x2, s6;
	s3 =	sadd.s32 s3, s8  }
0x7: {  	s6 =	simm.s32 $0x280;
	s4 =	sadd.s32 $0x10400, s3;
	s3 =	simm.s32 $0x2  }
0x8: {  	[tilespmem:s2], [sflag:$0x2] =	stream.linear.gather [hbm4b:s4+s2], $0x280, $0x38;
	[tilespmem:$0x14280] =	vst v63  }
0x9: {  	s9 =	smul.u32 $0x2800, s7;
	s11 =	sshrl.u32 s10, $0x1;
	_ =	swait.ge [sflag:s3], $0x280  }
0xa: {  	s7 =	simm.s32 $0x1;
	s31 =	ssub.s32 s10, s11;
	[sflag:s3] =	ssyncset.done $0x0  }
0xb: {  	s8 =	sadd.s32 s9, s8;
	s9 =	smax.u32 s31, $0x1;
	[sflag:s3] =	ssyncadd.s32 $0xFFFFFD80  }
0xc: {  	[tilespmem:s6], [sflag:$0x1] =	stream.indirect.gather [hbm4b:s5+s6], $0x80, s2, s6, $0xb8;
	[tilespmem:$0x14280] =	vst v63  }
0xd: {  	p0 =	sne.s32 s9, $0x1;
	_ =	swait.ge [sflag:s7], $0x14000  }
.Ltmp0:
0xe: {  	[sflag:s7] =	ssyncset.done $0x0;
	(pc) =	sbr.rel @!p0 .LBB2_2-.Ltmp0, $4  }
0xf: {  	s8 =	sadd.s32 $0x62200, s8;
	[sflag:s7] =	ssyncadd.s32 $0xFFFEC000  }
0x10: {  	[hbm4b:s8+s2] =	stream.linear.scatter [tilespmem:s6], [sflag:$0x2], $0x14000, $0x38;
	[tilespmem:$0x14280] =	vst v63  }
0x11: {  	_ =	swait.ge [sflag:s3], $0x14000  }
0x12: {  	s9 =	sadd.s32 $0xFFFFFFFF, s9;
	[sflag:s3] =	ssyncset.done $0x0  }
.LBB2_1:
0x13: {  	p0 =	sne.s32 s9, $0x1;
	s9 =	sadd.s32 $0xFFFFFFFF, s9;
	[sflag:s3] =	ssyncadd.s32 $0xFFFEC000  }
0x14: {  	[tilespmem:s2], [sflag:$0x2] =	stream.linear.gather [hbm4b:s4+s2], $0x280, $0x38;
	[tilespmem:$0x14280] =	vst v63  }
0x15: {  	_ =	swait.ge [sflag:s3], $0x280  }
0x16: {  	[sflag:s3] =	ssyncset.done $0x0  }
0x17: {  	[sflag:s3] =	ssyncadd.s32 $0xFFFFFD80  }
0x18: {  	[tilespmem:s6], [sflag:$0x1] =	stream.indirect.gather [hbm4b:s5+s6], $0x80, s2, s6, $0xb8;
	[tilespmem:$0x14280] =	vst v63  }
0x19: {  	_ =	swait.ge [sflag:s7], $0x14000  }
.Ltmp1:
0x1a: {  	[sflag:s7] =	ssyncset.done $0x0;
	(pc) =	sbr.rel @p0 .LBB2_1-.Ltmp1, $4  }
0x1b: {  	[sflag:s7] =	ssyncadd.s32 $0xFFFEC000  }
0x1c: {  	[hbm4b:s8+s2] =	stream.linear.scatter [tilespmem:s6], [sflag:$0x2], $0x14000, $0x38;
	[tilespmem:$0x14280] =	vst v63  }
0x1d: {  	_ =	swait.ge [sflag:s3], $0x14000  }
0x1e: {  	[sflag:s3] =	ssyncset.done $0x0  }
.LBB2_2:
0x1f: {  	[sflag:s3] =	ssyncadd.s32 $0xFFFEC000  }
0x20: {  	_ =	sfence.sel $0x180000  }
0x21: {  	[bflag:$0x0] =	sbarrier.arrive $0xFFFF  }
0x22: {  	p0 =	sne.s32 s0, $0x0;
	_ =	strace $0x9000004D  }
0x23: {  	s0 =	sadd.s32 @!p0 $0x100000, s1;
	[bflag:$0x2] =	sbarrier.arrive $0xFFFF  }
0x24: {  	[sflag:s0] =	ssyncadd.tile.s32 @!p0 $0x1;
	_ =	shalt  }
.Lfunc_end2:
_tile_overlayer_lowered:
.L_overlay_start_2:
0x25: {  	(tag) =	ssettag $0x2  }
0x26: {  	s0 =	rddreg [dreg:$0x0];
	s2 =	stileid.u32  }
0x27: {  	s1 =	rddreg [dreg:$0x1];
	p0 =	sne.s32 s2, $0x0  }
0x28: {  	s3 =	rddreg [dreg:$0x2];
	[bflag:$0x3] =	sbarrier.arrive $0xFFFF;
	s2 =	simm.s32 @!p0 $0x1C02  }
0x29: {  	[timem:s3], [sflag:s2] =	dma.local @!p0 [hbm:s0], s1  }
0x2a: {  	s0 =	simm.s32 @!p0 $0x2  }
0x2b: {  	_ =	swait.ge @!p0 [sflag:s0], s1  }
0x2c: {  	s1 =	ssub.s32 @!p0 $0x0, s1;
	[sflag:s0] =	ssyncset.done @!p0 $0x0  }
0x2d: {  	[sflag:s0] =	ssyncadd.s32 @!p0 s1  }
0x2e: {  	[bflag:$0x3] =	sbarrier.arrive $0xFFFF  }
0x2f: {  	_ =	shalt  }

// kernel: kernel.25.cloned.1.call-start
scs
__scs_entry_jumppad:
0x0: {  	(pc) =	sbr.rel $0x88, $3  }
0x1: {  	(tag) =	ssettag $0x0;
	lr =	simm.s32 $0x1  }
0x2: {  	[smem:$0x3F7C] =	sst lr;
	_ =	strace $0xD0000000  }
0x3: {  	_ = 	snop  }
0x4: {  	_ = 	snop  }
0x5: {  	_ = 	snop  }
0x6: {  	_ = 	snop  }
0x7: {  	_ = 	snop  }
__scs_overlays_trampoline_lowered:
0x8: {  	[smem:$0x3F8B] =	sst s0  }
0x9: {  	[smem:$0x3F8C] =	sst s1  }
0xa: {  	[smem:$0x3F8D] =	sst s2  }
0xb: {  	[smem:$0x3F8E] =	sst s3  }
0xc: {  	[smem:$0x3F8F] =	sst s4  }
0xd: {  	[smem:$0x3F90] =	sst s5  }
0xe: {  	[smem:$0x3F91] =	sst s6  }
0xf: {  	[smem:$0x3F92] =	sst s7  }
0x10: {  	[smem:$0x3F93] =	sst s8  }
0x11: {  	[smem:$0x3F94] =	sst s9;
	s0 =	simm.s32 @!p0 $0x0  }
0x12: {  	s1 =	sld [smem:$0x3F7A];
	s0 =	simm.s32 @p0 $0x1  }
0x13: {  	[smem:$0x3F95] =	sst s0;
	s0 =	simm.s32 @!p1 $0x0  }
0x14: {  	s2 =	sld [smem:$0x3F79];
	s0 =	simm.s32 @p1 $0x1  }
0x15: {  	[smem:$0x3F96] =	sst s0;
	s0 =	simm.s32 @!p2 $0x0  }
0x16: {  	s3 =	sld [smem:$0x3FDB];
	s0 =	simm.s32 @p2 $0x1  }
0x17: {  	s4 =	simm.s32 $0x1BF5;
	[smem:$0x3F98] =	sst s0  }
0x18: {  	s0 =	sld [smem:$0x3F7B];
	_ =	swait.ge [sflag:s4], $0x0  }
0x19: {  	s7 =	sld [smem:$0x3F7C]  }
0x1a: {  	s8 =	sadd.s32 $0xFFFFE003, lr  }
0x1b: {  	s9 =	sadd.s32 $0xFFFFFEF7, lr;
	s5 =	simm.s32 $0xFFFFFFFF;
	p2 =	slt.u32 s8, $0xFFFFF086  }
0x1c: {  	p1 =	slt.u32 s9, $0xF7A;
	s5 =	simm.s32 @!p2 $0x0  }
0x1d: {  	s5 =	simm.s32 @p1 $0x1;
	p0 =	seq.s32 s7, s2  }
0x1e: {  	s7 =	smul.u32 @!p0 $0xF7A, s2;
	p2 =	seq.s32 @!p0 s5, $0x0  }
0x1f: {  	s9 =	smul.u32 $0xF7A, s1;
	s8 =	simm.s32 @!p0 $0x1BF5;
	p2 =	por !p2, p0  }
0x20: {  	[sflag:s8] =	ssyncset.s32 @!p0 $0xFFFFF086;
	s6 =	sadd.s32 @!p0 s3, s7;
	s7 =	simm.s32 @!p0 $0x108  }
0x21: {  	s3 =	sadd.s32 s3, s9;
	s6 =	sadd.s32 @!p0 $0x88, s6;
	s7 =	simm.s32 @p2 $0x1082  }
0x22: {  	[simem:s7], [sflag:s8] =	dma.local @!p0 [hbm:s6], $0xF7A  }
0x23: {  	s9 =	sor.u32 $0xD0000000, s2;
	s6 =	simm.s32 $0x108;
	_ =	swait.ge @!p0 [sflag:s8], $0x0  }
0x24: {  	s3 =	sadd.s32 $0x88, s3;
	s6 =	simm.s32 @!p1 $0x1082;
	[sflag:s4] =	ssyncset.s32 $0xFFFFF086  }
0x25: {  	[simem:s6], [sflag:s4] =	dma.local [hbm:s3], $0xF7A  }
0x26: {  	[smem:$0x3F7C] =	sst s1;
	(tag) =	ssettag s2;
	_ =	strace s9  }
0x27: {  	s1 =	sld [smem:$0x3F8C]  }
0x28: {  	s2 =	sld [smem:$0x3F8D]  }
0x29: {  	s4 =	sld [smem:$0x3F8F]  }
0x2a: {  	p0 =	seq.s32 s5, $0x0;
	s5 =	sld [smem:$0x3F90]  }
0x2b: {  	s6 =	sld [smem:$0x3F91]  }
0x2c: {  	s7 =	sld [smem:$0x3F92]  }
0x2d: {  	s3 =	simm.s32 $0x108;
	s8 =	sld [smem:$0x3F93]  }
0x2e: {  	s3 =	simm.s32 @!p0 $0x1082;
	s9 =	sld [smem:$0x3F94]  }
0x2f: {  	lr =	sadd.s32 s0, s3;
	s0 =	sld [smem:$0x3F8B]  }
0x30: {  	s3 =	sld [smem:$0x3F8E]  }
0x31: {  	[smem:$0x3F97] =	sst s10  }
0x32: {  	s10 =	sld [smem:$0x3F95];
	_ =	sdelay $0x3  }
0x33: {  	p0 =	seq.s32 s10, $0x1;
	s10 =	sld [smem:$0x3F97];
	_ =	sdelay $0x3  }
0x34: {  	[smem:$0x3F97] =	sst s10  }
0x35: {  	s10 =	sld [smem:$0x3F96];
	_ =	sdelay $0x3  }
0x36: {  	p1 =	seq.s32 s10, $0x1;
	s10 =	sld [smem:$0x3F97];
	_ =	sdelay $0x3  }
0x37: {  	[smem:$0x3F97] =	sst s10  }
0x38: {  	s10 =	sld [smem:$0x3F98]  }
0x39: {  	_ = 	snop;
	(pc) =	sbr.ind lr, $3  }
0x3a: {  	_ = 	snop  }
0x3b: {  	_ = 	snop  }
0x3c: {  	p2 =	seq.s32 s10, $0x1;
	s10 =	sld [smem:$0x3F97]  }
0x3d: {  	_ =	shalt  }
0x3e: {  	_ =	shalt  }
0x3f: {  	_ =	shalt  }
0x40: {  	_ =	shalt  }
0x41: {  	_ =	shalt  }
0x42: {  	_ =	shalt  }
0x43: {  	_ =	shalt  }
0x44: {  	_ =	shalt  }
0x45: {  	_ =	shalt  }
0x46: {  	_ =	shalt  }
0x47: {  	_ =	shalt  }
0x48: {  	_ =	shalt  }
0x49: {  	_ =	shalt  }
0x4a: {  	_ =	shalt  }
0x4b: {  	_ =	shalt  }
0x4c: {  	_ =	shalt  }
0x4d: {  	_ =	shalt  }
0x4e: {  	_ =	shalt  }
0x4f: {  	_ =	shalt  }
0x50: {  	_ =	shalt  }
0x51: {  	_ =	shalt  }
0x52: {  	_ =	shalt  }
0x53: {  	_ =	shalt  }
0x54: {  	_ =	shalt  }
0x55: {  	_ =	shalt  }
0x56: {  	_ =	shalt  }
0x57: {  	_ =	shalt  }
0x58: {  	_ =	shalt  }
0x59: {  	_ =	shalt  }
0x5a: {  	_ =	shalt  }
0x5b: {  	_ =	shalt  }
0x5c: {  	_ =	shalt  }
0x5d: {  	_ =	shalt  }
0x5e: {  	_ =	shalt  }
0x5f: {  	_ =	shalt  }
0x60: {  	_ =	shalt  }
0x61: {  	_ =	shalt  }
0x62: {  	_ =	shalt  }
0x63: {  	_ =	shalt  }
0x64: {  	_ =	shalt  }
0x65: {  	_ =	shalt  }
0x66: {  	_ =	shalt  }
0x67: {  	_ =	shalt  }
0x68: {  	_ =	shalt  }
0x69: {  	_ =	shalt  }
0x6a: {  	_ =	shalt  }
0x6b: {  	_ =	shalt  }
0x6c: {  	_ =	shalt  }
0x6d: {  	_ =	shalt  }
0x6e: {  	_ =	shalt  }
0x6f: {  	_ =	shalt  }
0x70: {  	_ =	shalt  }
0x71: {  	_ =	shalt  }
0x72: {  	_ =	shalt  }
0x73: {  	_ =	shalt  }
0x74: {  	_ =	shalt  }
0x75: {  	_ =	shalt  }
0x76: {  	_ =	shalt  }
0x77: {  	_ =	shalt  }
0x78: {  	_ =	shalt  }
0x79: {  	_ =	shalt  }
0x7a: {  	_ =	shalt  }
0x7b: {  	_ =	shalt  }
0x7c: {  	_ =	shalt  }
0x7d: {  	_ =	shalt  }
0x7e: {  	_ =	shalt  }
0x7f: {  	_ =	shalt  }
0x80: {  	_ =	shalt  }
0x81: {  	_ =	shalt  }
0x82: {  	_ =	shalt  }
0x83: {  	_ =	shalt  }
0x84: {  	_ =	shalt  }
0x85: {  	_ =	shalt  }
0x86: {  	_ =	shalt  }
0x87: {  	_ =	shalt  }
.Lfunc_end0:
.L_simem_size_0:
called_computation.3_lowered:
.L_overlay_start_0:
0x88: {  	s2 =	sld [smem:$0x3FD9]  }
0x89: {  	s3 =	sld [smem:$0x3FFE];
	_ =	sdelay $0x1  }
0x8a: {  	s1 =	srdreg.scid  }
0x8b: {  	s0 =	sand.u32 $0x1, s1  }
0x8c: {  	s17 =	sshll.u32 s0, $0xA;
	s2 =	sadd.s32 s3, s2  }
0x8d: {  	s2 =	sadd.s32 s2, s17  }
0x8e: {  	[smem:$0x3FA3] =	sst s2  }
0x8f: {  	_ = 	snop  }
0x90: {  	s18 =	sld [smem:$0x3FD0];
	(tm) =	ssettm $0x1  }
0x91: {  	s19 =	sld [smem:$0x3FFB];
	_ =	sdelay $0x3  }
0x92: {  	_ =	strace s19  }
0x93: {  	s2 =	sld [smem:$0x3FFC];
	_ =	sdelay $0x3  }
0x94: {  	_ =	strace s2  }
0x95: {  	s2 =	sld [smem:$0x3FFD];
	_ =	sdelay $0x3  }
0x96: {  	_ =	strace s2  }
0x97: {  	_ =	strace $0x8FFFFFFF  }
0x98: {  	s20 =	sld [smem:$0x3FDB];
	_ =	sdelay $0x1  }
0x99: {  	s4 =	simm.s32 $_scs_section_size  }
0x9a: {  	s5 =	simm.s32 $_size__tile_overlayer_lowered;
	s6 =	simm.s32 $_tile_overlayer_lowered  }
0x9b: {  	s7 =	simm.s32 $0x1BFF;
	s21 =	sshll.u32 s6, $0x1;
	s4 =	sadd.s32 s4, s20  }
0x9c: {  	s22 =	simm.s32 $0x0;
	s5 =	sshll.u32 s5, $0x1;
	s6 =	sadd.s32 s21, s4  }
0x9d: {  	[timem:s22], [sflag:s7] =	dma.local [hbm:s6], s5  }
0x9e: {  	_ =	swait.ge [sflag:s7], s5  }
0x9f: {  	s5 =	ssub.s32 $0x0, s5;
	[sflag:s7] =	ssyncset.done $0x0  }
0xa0: {  	[sflag:s7] =	ssyncadd.s32 s5;
	_ =	sdelay $0x1  }
0xa1: {  	s23 =	simm.s32 $0x1B8B  }
0xa2: {  	_ =	swait.ge [sflag:s23], $0x1  }
0xa3: {  	[sflag:s23] =	ssyncset.done $0x0  }
0xa4: {  	[sflag:s23] =	ssyncadd.s32 $0xFFFFFFFF  }
0xa5: {  	s5 =	sld [smem:$0x0]  }
0xa6: {  	s6 =	sand.u32 $0xFFFFFFFE, s1  }
0xa7: {  	p0 =	sne.s32 s1, s6  }
0xa8: {  	s6 =	sshll.u32 @p0 s6, $0xE  }
0xa9: {  	s6 =	sadd.s32 @p0 $0x11B8D, s6;
	s7 =	sshll.u32 @p0 s5, $0x11  }
0xaa: {  	s6 =	sor.u32 @p0 s7, s6  }
0xab: {  	[sflag:s6] =	ssyncadd.remote.s32 @p0 $0x1;
	_ =	sdelay $0x1  }
0xac: {  	s6 =	simm.s32 @p0 $0x1B8D  }
0xad: {  	_ =	swait.eq @p0 [sflag:s6], $0x1  }
0xae: {  	[sflag:s6] =	ssyncadd.s32 @p0 $0xFFFFFFFF  }
0xaf: {  	s7 =	sshll.u32 @!p0 s1, $0xE  }
0xb0: {  	s7 =	sor.u32 @!p0 $0x4000, s7;
	s6 =	simm.s32 @!p0 $0x1B8D  }
0xb1: {  	s5 =	sshll.u32 @!p0 s5, $0x11;
	s7 =	sadd.s32 @!p0 $0x11B8D, s7;
	_ =	swait.eq @!p0 [sflag:s6], $0x1  }
0xb2: {  	s5 =	sor.u32 @!p0 s5, s7;
	[sflag:s6] =	ssyncadd.s32 @!p0 $0xFFFFFFFF  }
0xb3: {  	s25 =	simm.s32 $0x1B8E;
	s24 =	sld [smem:$0x3FFE];
	[sflag:s5] =	ssyncadd.remote.s32 @!p0 $0x1  }
0xb4: {  	s26 =	simm.s32 $execute0_lowered;
	[smem:$0x3FD2] =	sst s25  }
0xb5: {  	s6 =	sshll.u32 s26, $0x1;
	_ =	strace $0x8000004F;
	[dreg:$0x1] =	wrdreg $0xFFFFFFFF  }
0xb6: {  	s28 =	simm.s32 $_size_execute0_lowered;
	s4 =	sadd.s32 s4, s6;
	[dreg:$0x0] =	wrdreg $0x0  }
0xb7: {  	s6 =	sshll.u32 s28, $0x1;
	[dreg:$0x2] =	wrdreg s4  }
0xb8: {  	[dreg:$0x3] =	wrdreg s6  }
0xb9: {  	[dreg:$0x4] =	wrdreg $0xC0  }
0xba: {  	_ =	task [dreg:s22], $0x5FFFF  }
0xbb: {  	[dreg:$0x1] =	wrdreg $0xFFFFFFFF  }
0xbc: {  	[dreg:$0x0] =	wrdreg $0x60  }
0xbd: {  	[dreg:$0x2] =	wrdreg s24  }
0xbe: {  	[dreg:$0x3] =	wrdreg s18  }
0xbf: {  	[dreg:$0x4] =	wrdreg $0x9  }
0xc0: {  	_ =	task.clear_ibuf [dreg:s22], $0x5FFFF;
	_ =	strace $0x9000004F  }
0xc1: {  	s29 =	simm.s32 $0x9;
	_ =	strace $0x80000051  }
0xc2: {  	_ =	swait.ge [sflag:s29], $0x1  }
0xc3: {  	[sflag:s29] =	ssyncadd.s32 $0xFFFFFFFF  }
0xc4: {  	_ =	strace $0x90000051  }
0xc5: {  	_ =	sfence  }
0xc6: {  	s30 =	sld [smem:$0x0];
	_ =	sdelay $0x2  }
0xc7: {  	s31 =	sshll.u32 s1, $0xD;
	s1 =	sshrl.u32 s1, $0x2  }
0xc8: {  	s4 =	sand.u32 $0x4000, s31;
	s1 =	sadd.s32 s1, s30  }
0xc9: {  	s0 =	sor.u32 s4, s0;
	s1 =	sshll.u32 s1, $0x11  }
0xca: {  	s0 =	sor.u32 s1, s0  }
0xcb: {  	s0 =	sadd.s32 $0x8F2B, s0  }
0xcc: {  	[sflag:s0] =	ssyncadd.remote.s32 $0x1  }
0xcd: {  	_ =	sfence.sel $0xFFFF  }
0xce: {  	[dreg:$0x0] =	wrdreg $0xFFFFFFFF;
	(pc) =	sbr.abs _section_cstart, $3  }
0xcf: {  	[dreg:$0x1] =	wrdreg $0xFFFFFFFF  }
0xd0: {  	_ =	task.clear_ibuf [dreg:s22], $0x2FFFF;
	_ =	strace $0x9FFFFFFF  }
0xd1: {  	(tm) =	ssettm $0x7FFFFFFF  }
tec
execute0_lowered:
.L_overlay_start_1:
0x0: {  	(tag) =	ssettag $0x1  }
0x1: {  	s1 =	srdreg.scid;
	s0 =	stileid.u32  }
0x2: {  	s6 =	sand.u32 $0x1, s1;
	s30 =	sshll.u32 s0, $0x1  }
0x3: {  	s5 =	rddreg [dreg:$0x0];
	s8 =	sor.u32 s6, s30  }
0x4: {  	s9 =	rddreg [dreg:$0x1];
	s2 =	simm.s32 $0x0;
	s3 =	smul.u32 $0x50, s8  }
0x5: {  	[smem:$0x7FF] =	sst s2  }
0x6: {  	s1 =	rddreg [dreg:$0x2];
	_ =	strace $0x80000050;
	s3 =	sadd.s32 s3, s5  }
0x7: {  	s10 =	ssub.s32 $0x2, s6;
	s4 =	sadd.s32 $0x61800, s3;
	s3 =	simm.s32 $0x2  }
0x8: {  	[tilespmem:s2], [sflag:$0x2] =	stream.linear.gather [hbm4b:s4+s2], $0x280, $0x38;
	[tilespmem:$0x14280] =	vst v63  }
0x9: {  	s7 =	simm.s32 $0x1;
	s11 =	sshrl.u32 s10, $0x1;
	_ =	swait.ge [sflag:s3], $0x280  }
0xa: {  	s6 =	simm.s32 $0x280;
	s10 =	ssub.s32 s10, s11;
	[sflag:s3] =	ssyncset.done $0x0  }
0xb: {  	s5 =	sadd.s32 $0x6400, s5;
	s31 =	smax.u32 s10, $0x1;
	[sflag:s3] =	ssyncadd.s32 $0xFFFFFD80  }
0xc: {  	[tilespmem:s6], [sflag:$0x1] =	stream.indirect.gather [hbm4b:s5+s6], $0x80, s2, s6, $0xb8;
	[tilespmem:$0x14280] =	vst v63  }
0xd: {  	s8 =	smul.u32 $0x2800, s8;
	p0 =	sne.s32 s31, $0x1;
	_ =	swait.ge [sflag:s7], $0x14000  }
.Ltmp0:
0xe: {  	[sflag:s7] =	ssyncset.done $0x0;
	(pc) =	sbr.rel @!p0 .LBB2_2-.Ltmp0, $4  }
0xf: {  	s8 =	sadd.s32 s9, s8;
	[sflag:s7] =	ssyncadd.s32 $0xFFFEC000  }
0x10: {  	[hbm4b:s8+s2] =	stream.linear.scatter [tilespmem:s6], [sflag:$0x2], $0x14000, $0x38;
	[tilespmem:$0x14280] =	vst v63  }
0x11: {  	_ =	swait.ge [sflag:s3], $0x14000  }
0x12: {  	s9 =	sadd.s32 $0xFFFFFFFF, s31;
	[sflag:s3] =	ssyncset.done $0x0  }
.LBB2_1:
0x13: {  	p0 =	sne.s32 s9, $0x1;
	s9 =	sadd.s32 $0xFFFFFFFF, s9;
	[sflag:s3] =	ssyncadd.s32 $0xFFFEC000  }
0x14: {  	[tilespmem:s2], [sflag:$0x2] =	stream.linear.gather [hbm4b:s4+s2], $0x280, $0x38;
	[tilespmem:$0x14280] =	vst v63  }
0x15: {  	_ =	swait.ge [sflag:s3], $0x280  }
0x16: {  	[sflag:s3] =	ssyncset.done $0x0  }
0x17: {  	[sflag:s3] =	ssyncadd.s32 $0xFFFFFD80  }
0x18: {  	[tilespmem:s6], [sflag:$0x1] =	stream.indirect.gather [hbm4b:s5+s6], $0x80, s2, s6, $0xb8;
	[tilespmem:$0x14280] =	vst v63  }
0x19: {  	_ =	swait.ge [sflag:s7], $0x14000  }
.Ltmp1:
0x1a: {  	[sflag:s7] =	ssyncset.done $0x0;
	(pc) =	sbr.rel @p0 .LBB2_1-.Ltmp1, $4  }
0x1b: {  	[sflag:s7] =	ssyncadd.s32 $0xFFFEC000  }
0x1c: {  	[hbm4b:s8+s2] =	stream.linear.scatter [tilespmem:s6], [sflag:$0x2], $0x14000, $0x38;
	[tilespmem:$0x14280] =	vst v63  }
0x1d: {  	_ =	swait.ge [sflag:s3], $0x14000  }
0x1e: {  	[sflag:s3] =	ssyncset.done $0x0  }
.LBB2_2:
0x1f: {  	[sflag:s3] =	ssyncadd.s32 $0xFFFEC000  }
0x20: {  	_ =	sfence.sel $0x180000  }
0x21: {  	[bflag:$0x0] =	sbarrier.arrive $0xFFFF  }
0x22: {  	p0 =	sne.s32 s0, $0x0;
	_ =	strace $0x90000050  }
0x23: {  	s0 =	sadd.s32 @!p0 $0x100000, s1;
	[bflag:$0x2] =	sbarrier.arrive $0xFFFF  }
0x24: {  	[sflag:s0] =	ssyncadd.tile.s32 @!p0 $0x1;
	_ =	shalt  }
.Lfunc_end2:
_tile_overlayer_lowered:
.L_overlay_start_2:
0x25: {  	(tag) =	ssettag $0x2  }
0x26: {  	s0 =	rddreg [dreg:$0x0];
	s2 =	stileid.u32  }
0x27: {  	s1 =	rddreg [dreg:$0x1];
	p0 =	sne.s32 s2, $0x0  }
0x28: {  	s3 =	rddreg [dreg:$0x2];
	[bflag:$0x3] =	sbarrier.arrive $0xFFFF;
	s2 =	simm.s32 @!p0 $0x1C02  }
0x29: {  	[timem:s3], [sflag:s2] =	dma.local @!p0 [hbm:s0], s1  }
0x2a: {  	s0 =	simm.s32 @!p0 $0x2  }
0x2b: {  	_ =	swait.ge @!p0 [sflag:s0], s1  }
0x2c: {  	s1 =	ssub.s32 @!p0 $0x0, s1;
	[sflag:s0] =	ssyncset.done @!p0 $0x0  }
0x2d: {  	[sflag:s0] =	ssyncadd.s32 @!p0 s1  }
0x2e: {  	[bflag:$0x3] =	sbarrier.arrive $0xFFFF  }
0x2f: {  	_ =	shalt  }

</sc_bundles>
